<compile_context>
chip_gen: v7x
topology: tpu7x:2x2x1
jax: 0.10.2.dev20260603
libtpu: 0.0.44.dev20260713+nightly
codegen_flags: <defaults>
</compile_context>

<pallas_src>
import functools
import math

import jax
import jax.numpy as jnp
from jax import lax
from jax.experimental import pallas as pl
from jax.experimental.pallas import tpu as pltpu
from jax.experimental.pallas import tpu_sc as plsc

N = 10000
E = 160000
D = 128
NF = 256
CUTOFF = 10.0
LOG2 = math.log(2.0)

NC = 2
NS = 16
NW = NC * NS
CH = 128
NCHUNK = E // CH
DCH = 640
NDCHUNK = E // DCH
SCH = 64
NSCHUNK = E // SCH
LANES = 16
ZCH = 128
NZCHUNKS = N // ZCH
ZREM = N - NZCHUNKS * ZCH

NB = 2000
EB = 2000
FB = 3200


def _ssp(v):
    return jax.nn.softplus(v) - LOG2


def _mesh():
    return plsc.VectorSubcoreMesh(core_axis_name="c", subcore_axis_name="s",
                                  num_cores=NC, num_subcores=NS)


def _dist2_body(xs_hbm, ys_hbm, zs_hbm, row_hbm, col_hbm, d2_hbm,
                xs, ys, zs, idxr, idxc, obuf):
    wid = lax.axis_index("s") * NC + lax.axis_index("c")
    pltpu.sync_copy(xs_hbm, xs)
    pltpu.sync_copy(ys_hbm, ys)
    pltpu.sync_copy(zs_hbm, zs)
    nchunks = (NDCHUNK - 1 - wid) // NW + 1

    def body(i, carry):
        c = wid + i * NW
        base = c * DCH
        pltpu.sync_copy(row_hbm.at[pl.ds(base, DCH)], idxr)
        pltpu.sync_copy(col_hbm.at[pl.ds(base, DCH)], idxc)

        @plsc.parallel_loop(0, DCH // LANES, step=1, unroll=4)
        def _(g):
            sl = pl.ds(g * LANES, LANES)
            ir = idxr[sl]
            ic = idxc[sl]
            dx = plsc.load_gather(xs, [ir]) - plsc.load_gather(xs, [ic])
            dy = plsc.load_gather(ys, [ir]) - plsc.load_gather(ys, [ic])
            dz = plsc.load_gather(zs, [ir]) - plsc.load_gather(zs, [ic])
            obuf[sl] = (dx * dx + dy * dy) + dz * dz

        pltpu.sync_copy(obuf, d2_hbm.at[pl.ds(base, DCH)])
        return carry

    lax.fori_loop(0, nchunks, body, 0)


@functools.lru_cache(maxsize=None)
def _dist2_kernel():
    return pl.kernel(
        _dist2_body,
        out_type=jax.ShapeDtypeStruct((E,), jnp.float32),
        mesh=_mesh(),
        compiler_params=pltpu.CompilerParams(needs_layout_passes=False),
        scratch_types=[
            pltpu.VMEM((N,), jnp.float32),
            pltpu.VMEM((N,), jnp.float32),
            pltpu.VMEM((N,), jnp.float32),
            pltpu.VMEM((DCH,), jnp.int32),
            pltpu.VMEM((DCH,), jnp.int32),
            pltpu.VMEM((DCH,), jnp.float32),
        ],
    )


def _scatter_body(hcat, wcat, row_hbm, col_hbm, zeros_hbm, agg_hbm,
                  idxr, idxa, idxs, hbuf, wbuf, acc,
                  sg0, sg1, sg2, sw0, sw1, sw2, ss0, ss1, ss2,
                  sir0, sir1, sir2, sic0, sic1, sic2):
    cid = lax.axis_index("c")
    sid = lax.axis_index("s")
    coff_h = cid * N
    sems_g = [sg0, sg1, sg2]
    sems_w = [sw0, sw1, sw2]
    sems_s = [ss0, ss1, ss2]
    sems_ir = [sir0, sir1, sir2]
    sems_ic = [sic0, sic1, sic2]
    nz = (NZCHUNKS - 1 - sid) // NS + 1
    pltpu.sync_copy(zeros_hbm, hbuf.at[0, pl.ds(0, ZCH)])

    def zbody(i, carry):
        r = (sid + i * NS) * ZCH
        pltpu.sync_copy(hbuf.at[0, pl.ds(0, ZCH)], acc.at[pl.ds(r, ZCH)])
        return carry

    lax.fori_loop(0, nz, zbody, 0)

    @pl.when(sid == 0)
    def _():
        pltpu.sync_copy(hbuf.at[0, pl.ds(0, ZREM)],
                        acc.at[pl.ds(NZCHUNKS * ZCH, ZREM)])

    plsc.subcore_barrier()

    nchunks = (NSCHUNK - 1 - sid) // NS + 1

    def start_idx(i, s):
        c = sid + i * NS
        base = c * SCH
        pltpu.async_copy(row_hbm.at[pl.ds(base, SCH)], idxr.at[s],
                         sems_ir[s])
        pltpu.async_copy(col_hbm.at[pl.ds(base, SCH)], idxa.at[s],
                         sems_ic[s])

    def start_fetch(i, s):
        c = sid + i * NS
        base = c * SCH
        pltpu.make_async_copy(row_hbm.at[pl.ds(base, SCH)], idxr.at[s],
                              sems_ir[s]).wait()
        pltpu.make_async_copy(col_hbm.at[pl.ds(base, SCH)], idxa.at[s],
                              sems_ic[s]).wait()
        for g in range(SCH // LANES):
            sl = pl.ds(g * LANES, LANES)
            idxa[s, sl] = idxa[s, sl] + coff_h
            idxs[s, sl] = idxr[s, sl]
        pltpu.async_copy(hcat.at[idxa.at[s]], hbuf.at[s], sems_g[s])
        pltpu.async_copy(wcat.at[pl.ds(cid * E + base, SCH)], wbuf.at[s],
                         sems_w[s])

    def wait_fetch(s):
        pltpu.make_async_copy(hcat.at[idxa.at[s]], hbuf.at[s],
                              sems_g[s]).wait()
        pltpu.make_async_copy(wcat.at[pl.ds(0, SCH)], wbuf.at[s],
                              sems_w[s]).wait()

    def wait_scatter(s):
        pltpu.make_async_copy(hbuf.at[s], acc.at[idxs.at[s]],
                              sems_s[s]).wait()

    def process(i, s):
        wait_fetch(s)

        @plsc.parallel_loop(0, SCH, step=1, unroll=4)
        def _(e):
            for g in range(D // LANES):
                sl = pl.ds(g * LANES, LANES)
                hbuf[s, e, sl] = hbuf[s, e, sl] * wbuf[s, e, sl]

        pltpu.async_copy(hbuf.at[s], acc.at[idxs.at[s]], sems_s[s],
                         add=True)

    start_idx(0, 0)
    start_fetch(0, 0)

    @pl.when(1 < nchunks)
    def _():
        start_idx(1, 1)

    def pipe_body(p, carry):
        for b in range(3):
            i = 3 * p + b
            s = b
            sf = (b + 1) % 3
            sp = (b + 2) % 3

            @pl.when(i < nchunks)
            def _():
                @pl.when(i + 2 < nchunks)
                def _():
                    start_idx(i + 2, sp)

                @pl.when(i + 1 < nchunks)
                def _():
                    @pl.when(i >= 2)
                    def _():
                        wait_scatter(sf)
                    start_fetch(i + 1, sf)

                process(i, s)
        return carry

    lax.fori_loop(0, (NSCHUNK // NS + 3) // 3, pipe_body, 0)
    wait_scatter(0)
    wait_scatter(1)
    wait_scatter(2)
    plsc.subcore_barrier()

    def obody(i, carry):
        r = (sid + i * NS) * ZCH
        pltpu.sync_copy(acc.at[pl.ds(r, ZCH)],
                        agg_hbm.at[pl.ds(coff_h + r, ZCH)])
        return carry

    lax.fori_loop(0, nz, obody, 0)

    @pl.when(sid == 0)
    def _():
        r = NZCHUNKS * ZCH
        pltpu.sync_copy(acc.at[pl.ds(r, ZREM)],
                        agg_hbm.at[pl.ds(coff_h + r, ZREM)])


@functools.lru_cache(maxsize=None)
def _scatter_kernel():
    return pl.kernel(
        _scatter_body,
        out_type=jax.ShapeDtypeStruct((2 * N, D), jnp.float32),
        mesh=_mesh(),
        compiler_params=pltpu.CompilerParams(needs_layout_passes=False),
        scratch_types=(
            [
                pltpu.VMEM((3, SCH), jnp.int32),
                pltpu.VMEM((3, SCH), jnp.int32),
                pltpu.VMEM((3, SCH), jnp.int32),
                pltpu.VMEM((3, SCH, D), jnp.float32),
                pltpu.VMEM((3, SCH, D), jnp.float32),
                pltpu.VMEM_SHARED((N, D), jnp.float32),
            ]
            + [pltpu.SemaphoreType.DMA] * 15
        ),
    )


def _edge_gather_body(xnew, row_hbm, col_hbm, g_hbm,
                      idxr, idxc, rbuf, cbuf,
                      sr0, sr1, sr2, sc0, sc1, sc2, so0, so1, so2,
                      sir0, sir1, sir2, sic0, sic1, sic2):
    wid = lax.axis_index("s") * NC + lax.axis_index("c")
    nchunks = (NCHUNK - 1 - wid) // NW + 1
    sems_r = [sr0, sr1, sr2]
    sems_c = [sc0, sc1, sc2]
    sems_o = [so0, so1, so2]
    sems_ir = [sir0, sir1, sir2]
    sems_ic = [sic0, sic1, sic2]

    def start_idx(i, s):
        c = wid + i * NW
        base = c * CH
        pltpu.async_copy(row_hbm.at[pl.ds(base, CH)], idxr.at[s],
                         sems_ir[s])
        pltpu.async_copy(col_hbm.at[pl.ds(base, CH)], idxc.at[s],
                         sems_ic[s])

    def start_fetch(i, s):
        c = wid + i * NW
        base = c * CH
        pltpu.make_async_copy(row_hbm.at[pl.ds(base, CH)], idxr.at[s],
                              sems_ir[s]).wait()
        pltpu.make_async_copy(col_hbm.at[pl.ds(base, CH)], idxc.at[s],
                              sems_ic[s]).wait()
        pltpu.async_copy(xnew.at[idxr.at[s]], rbuf.at[s], sems_r[s])
        pltpu.async_copy(xnew.at[idxc.at[s]], cbuf.at[s], sems_c[s])

    def wait_out(s):
        pltpu.make_async_copy(rbuf.at[s], g_hbm.at[pl.ds(0, CH)],
                              sems_o[s]).wait()

    def process(i, s):
        c = wid + i * NW
        base = c * CH
        pltpu.make_async_copy(xnew.at[idxr.at[s]], rbuf.at[s],
                              sems_r[s]).wait()
        pltpu.make_async_copy(xnew.at[idxc.at[s]], cbuf.at[s],
                              sems_c[s]).wait()

        @plsc.parallel_loop(0, CH, step=1, unroll=4)
        def _(e):
            for g in range(D // LANES):
                sl = pl.ds(g * LANES, LANES)
                rbuf[s, e, sl] = rbuf[s, e, sl] + cbuf[s, e, sl]

        pltpu.async_copy(rbuf.at[s], g_hbm.at[pl.ds(base, CH)], sems_o[s])

    start_idx(0, 0)
    start_fetch(0, 0)

    @pl.when(1 < nchunks)
    def _():
        start_idx(1, 1)

    def pipe_body(p, carry):
        for b in range(3):
            i = 3 * p + b
            s = b
            sf = (b + 1) % 3
            sp = (b + 2) % 3

            @pl.when(i < nchunks)
            def _():
                @pl.when(i + 2 < nchunks)
                def _():
                    start_idx(i + 2, sp)

                @pl.when(i + 1 < nchunks)
                def _():
                    @pl.when(i >= 2)
                    def _():
                        wait_out(sf)
                    start_fetch(i + 1, sf)

                process(i, s)
        return carry

    lax.fori_loop(0, (NCHUNK // NW + 3) // 3, pipe_body, 0)
    wait_out(0)
    wait_out(1)
    wait_out(2)


@functools.lru_cache(maxsize=None)
def _edge_gather_kernel():
    return pl.kernel(
        _edge_gather_body,
        out_type=jax.ShapeDtypeStruct((E, D), jnp.float32),
        mesh=_mesh(),
        compiler_params=pltpu.CompilerParams(needs_layout_passes=False),
        scratch_types=(
            [
                pltpu.VMEM((3, CH), jnp.int32),
                pltpu.VMEM((3, CH), jnp.int32),
                pltpu.VMEM((3, CH, D), jnp.float32),
                pltpu.VMEM((3, CH, D), jnp.float32),
            ]
            + [pltpu.SemaphoreType.DMA] * 15
        ),
    )


def _h_body(x_ref, w_ref, o_ref):
    x = x_ref[...]
    w = w_ref[...]
    o_ref[0] = jnp.dot(x, w[:, :D], preferred_element_type=jnp.float32)
    o_ref[1] = jnp.dot(x, w[:, D:], preferred_element_type=jnp.float32)


def _h_call(x, lin1_w):
    return pl.pallas_call(
        _h_body,
        grid=(N // NB,),
        in_specs=[
            pl.BlockSpec((NB, D), lambda i: (i, 0)),
            pl.BlockSpec((D, NF), lambda i: (0, 0)),
        ],
        out_specs=pl.BlockSpec((2, NB, D), lambda i: (0, i, 0)),
        out_shape=jax.ShapeDtypeStruct((2, N, D), jnp.float32),
    )(x, lin1_w)


def _filt_body(ea_ref, d2_ref, w1_ref, b1_ref, w2_ref, b2_ref, o_ref):
    ea = ea_ref[...]
    hid = _ssp(jnp.dot(ea, w1_ref[...], preferred_element_type=jnp.float32)
               + b1_ref[...])
    d2l = d2_ref[pl.ds(pl.program_id(0) * (FB // D), FB // D), :]
    dist = jnp.sqrt(d2l + 1e-12)
    env = 0.5 * (jnp.cos(dist * (math.pi / CUTOFF)) + 1.0)
    env = env * (dist < CUTOFF).astype(jnp.float32)
    env3 = env[:, :, None]
    w2 = w2_ref[...]
    b2 = b2_ref[...]
    for f in range(2):
        wv = (jnp.dot(hid, w2[:, f * D:(f + 1) * D],
                      preferred_element_type=jnp.float32)
              + b2[:, f * D:(f + 1) * D])
        o_ref[f] = (wv.reshape(FB // D, D, D) * env3).reshape(FB, D)


def _filt_call(edge_attr, d2, filt_w1, filt_b1, filt_w2, filt_b2):
    return pl.pallas_call(
        _filt_body,
        grid=(E // FB,),
        in_specs=[
            pl.BlockSpec((FB, D), lambda i: (i, 0)),
            pl.BlockSpec((E // D, D), lambda i: (0, 0)),
            pl.BlockSpec((D, NF), lambda i: (0, 0)),
            pl.BlockSpec((1, NF), lambda i: (0, 0)),
            pl.BlockSpec((NF, NF), lambda i: (0, 0)),
            pl.BlockSpec((1, NF), lambda i: (0, 0)),
        ],
        out_specs=pl.BlockSpec((2, FB, D), lambda i: (0, i, 0)),
        out_shape=jax.ShapeDtypeStruct((2, E, D), jnp.float32),
    )(edge_attr, d2, filt_w1, filt_b1, filt_w2, filt_b2)


def _node_body(a_ref, x_ref, w2_ref, b2_ref, w3_ref, b3_ref, o_ref):
    w2 = w2_ref[...]
    t = (jnp.dot(a_ref[0], w2[:NF // 2], preferred_element_type=jnp.float32)
         + jnp.dot(a_ref[1], w2[NF // 2:], preferred_element_type=jnp.float32)
         + b2_ref[...])
    t = _ssp(t)
    o = jnp.dot(t, w3_ref[...], preferred_element_type=jnp.float32) + b3_ref[...]
    o_ref[...] = jnp.maximum(o, 0.0) + x_ref[...]


def _node_call(agg2, x, lin2_w, lin2_b, lin3_w, lin3_b):
    return pl.pallas_call(
        _node_body,
        grid=(N // NB,),
        in_specs=[
            pl.BlockSpec((2, NB, D), lambda i: (0, i, 0)),
            pl.BlockSpec((NB, D), lambda i: (i, 0)),
            pl.BlockSpec((NF, D), lambda i: (0, 0)),
            pl.BlockSpec((1, D), lambda i: (0, 0)),
            pl.BlockSpec((D, D), lambda i: (0, 0)),
            pl.BlockSpec((1, D), lambda i: (0, 0)),
        ],
        out_specs=pl.BlockSpec((NB, D), lambda i: (i, 0)),
        out_shape=jax.ShapeDtypeStruct((N, D), jnp.float32),
    )(agg2, x, lin2_w, lin2_b, lin3_w, lin3_b)


def _emlp_body(ea_ref, g_ref, w_ref, b_ref, o_ref):
    ea = ea_ref[...]
    a = jnp.maximum(ea, 0.0)
    b = jnp.maximum(g_ref[...], 0.0)
    w = w_ref[...]
    z = (jnp.dot(a, w[:D], preferred_element_type=jnp.float32)
         + jnp.dot(b, w[D:], preferred_element_type=jnp.float32)
         + b_ref[...])
    o_ref[...] = jnp.tanh(z) + ea


def _emlp_call(edge_attr, g, emlp_w, emlp_b):
    return pl.pallas_call(
        _emlp_body,
        grid=(E // EB,),
        in_specs=[
            pl.BlockSpec((EB, D), lambda i: (i, 0)),
            pl.BlockSpec((EB, D), lambda i: (i, 0)),
            pl.BlockSpec((2 * D, D), lambda i: (0, 0)),
            pl.BlockSpec((1, D), lambda i: (0, 0)),
        ],
        out_specs=pl.BlockSpec((EB, D), lambda i: (i, 0)),
        out_shape=jax.ShapeDtypeStruct((E, D), jnp.float32),
    )(edge_attr, g, emlp_w, emlp_b)


def kernel(x, edge_index, edge_attr, x_pos,
           filt_w1, filt_b1, filt_w2, filt_b2,
           lin1_w, lin2_w, lin2_b, lin3_w, lin3_b,
           emlp_w, emlp_b):
    row = edge_index[0]
    col = edge_index[1]
    xs = x_pos[:, 0]
    ys = x_pos[:, 1]
    zs = x_pos[:, 2]

    d2 = _dist2_kernel()(xs, ys, zs, row, col)
    h2 = _h_call(x, lin1_w)
    wc2 = _filt_call(edge_attr, d2.reshape(E // D, D),
                     filt_w1, filt_b1.reshape(1, NF),
                     filt_w2, filt_b2.reshape(1, NF))
    zeros = jnp.zeros((ZCH, D), jnp.float32)
    agg2 = _scatter_kernel()(h2.reshape(2 * N, D), wc2.reshape(2 * E, D),
                             row, col, zeros)
    x_new = _node_call(agg2.reshape(2, N, D), x,
                       lin2_w, lin2_b.reshape(1, D),
                       lin3_w, lin3_b.reshape(1, D))
    g = _edge_gather_kernel()(x_new, row, col)
    e_new = _emlp_call(edge_attr, g, emlp_w, emlp_b.reshape(1, D))
    return (x_new, e_new)

# --- scband reference (transcript-rebuilt; emitter-appended) ---
"""Pipeline reference for scband-res-graph-module-15650860827292 (READ-ONLY COPY).

The authoritative reference and input builder live on the scoring server;
editing this copy changes nothing except your own understanding.
"""

import jax, jax.numpy as jnp
import numpy as np
import math

N = 10000
E = 160000
D = 128      # in_channels == out_channels (required by residual x + x_)
DE = 128     # edge_channels (must equal in_channels for edge residual add)
NF = 256     # num_filters (hard-coded in module)
CUTOFF = 10.0
LOG2 = math.log(2.0)

def ssp(v):
    # shifted softplus used by SchNet
    return jax.nn.softplus(v) - LOG2

def _w(key, shape, fan_in):
    return (jax.random.normal(key, shape, dtype=jnp.float32) / np.sqrt(fan_in)).astype(jnp.float32)

def setup_inputs(seed: int = 0):
    key = jax.random.key(seed)
    ks = jax.random.split(key, 16)
    x = jax.random.normal(ks[0], (N, D), dtype=jnp.float32)
    edge_index = jax.random.randint(ks[1], (2, E), 0, N, dtype=jnp.int32)
    edge_attr = jax.random.normal(ks[2], (E, DE), dtype=jnp.float32)
    x_pos = jax.random.normal(ks[3], (N, 3), dtype=jnp.float32)
    params = {
        'filt_w1': _w(ks[4], (DE, NF), DE), 'filt_b1': jnp.zeros((NF,), jnp.float32),
        'filt_w2': _w(ks[5], (NF, NF), NF), 'filt_b2': jnp.zeros((NF,), jnp.float32),
        'lin1_w': _w(ks[6], (D, NF), D),
        'lin2_w': _w(ks[7], (NF, D), NF), 'lin2_b': jnp.zeros((D,), jnp.float32),
        'lin3_w': _w(ks[8], (D, D), D), 'lin3_b': jnp.zeros((D,), jnp.float32),
        'emlp_w': _w(ks[9], (DE + D, D), DE + D), 'emlp_b': jnp.zeros((D,), jnp.float32),
    }
    return {'x': x, 'edge_index': edge_index, 'edge_attr': edge_attr, 'x_pos': x_pos, **params}

def reference(x, edge_index, edge_attr, x_pos,
              filt_w1, filt_b1, filt_w2, filt_b2,
              lin1_w, lin2_w, lin2_b, lin3_w, lin3_b,
              emlp_w, emlp_b):
    row = edge_index[0]
    col = edge_index[1]
    # ---- SchNetInteraction (PyG-style CFConv) ----
    diff = x_pos[row] - x_pos[col]
    dist = jnp.sqrt(jnp.sum(diff * diff, axis=-1) + 1e-12)
    C = 0.5 * (jnp.cos(dist * jnp.pi / CUTOFF) + 1.0) * (dist < CUTOFF).astype(jnp.float32)
    W = ssp(edge_attr @ filt_w1 + filt_b1) @ filt_w2 + filt_b2   # filter network on edge features
    W = W * C[:, None]
    h = x @ lin1_w                       # lin1 (no bias)
    msg = h[col] * W                     # gather + modulate
    agg = jax.ops.segment_sum(msg, row, num_segments=N)  # scatter-add to dst nodes
    out = ssp(agg @ lin2_w + lin2_b)     # lin2 then shifted-softplus act
    out = out @ lin3_w + lin3_b          # final linear of interaction block
    # ---- ResGraphModule ----
    x_new = jax.nn.relu(out)
    x_new = x_new + x                    # residual (dense_layer=False)
    # edge_mlp branch is ALWAYS taken (self.edge_mlp overwritten by nn.Sequential, truthy)
    e_in = jnp.concatenate([edge_attr, x_new[row] + x_new[col]], axis=-1)
    e_new = jnp.tanh(jax.nn.relu(e_in) @ emlp_w + emlp_b) + edge_attr
    return (x_new, e_new)

if __name__ == "__main__":
    import jax
    _d = setup_inputs()
    print(jax.jit(kernel)(*tuple(_d.values())))

</pallas_src>

<mosaic_0001>
#map = affine_map<(d0, d1) -> (0, 0)>
#map1 = affine_map<(d0, d1) -> (0)>
module attributes {stable_mosaic.version = 14 : i64} {
  func.func @_scatter_body(%arg0: i32, %arg1: i32, %arg2: memref<20000x128xf32, #tpu.memory_space<hbm>>, %arg3: memref<320000x128xf32, #tpu.memory_space<hbm>>, %arg4: memref<160000xi32, #tpu.memory_space<hbm>>, %arg5: memref<160000xi32, #tpu.memory_space<hbm>>, %arg6: memref<128x128xf32, #tpu.memory_space<hbm>>, %arg7: memref<20000x128xf32, #tpu.memory_space<hbm>>, %arg8: memref<3x64xi32, #tpu.memory_space<vmem>>, %arg9: memref<3x64xi32, #tpu.memory_space<vmem>>, %arg10: memref<3x64xi32, #tpu.memory_space<vmem>>, %arg11: memref<3x64x128xf32, #tpu.memory_space<vmem>>, %arg12: memref<3x64x128xf32, #tpu.memory_space<vmem>>, %arg13: memref<10000x128xf32, #tpu.memory_space<vmem_shared>>, %arg14: memref<!tpu.dma_semaphore, #tpu.memory_space<semaphore_mem>>, %arg15: memref<!tpu.dma_semaphore, #tpu.memory_space<semaphore_mem>>, %arg16: memref<!tpu.dma_semaphore, #tpu.memory_space<semaphore_mem>>, %arg17: memref<!tpu.dma_semaphore, #tpu.memory_space<semaphore_mem>>, %arg18: memref<!tpu.dma_semaphore, #tpu.memory_space<semaphore_mem>>, %arg19: memref<!tpu.dma_semaphore, #tpu.memory_space<semaphore_mem>>, %arg20: memref<!tpu.dma_semaphore, #tpu.memory_space<semaphore_mem>>, %arg21: memref<!tpu.dma_semaphore, #tpu.memory_space<semaphore_mem>>, %arg22: memref<!tpu.dma_semaphore, #tpu.memory_space<semaphore_mem>>, %arg23: memref<!tpu.dma_semaphore, #tpu.memory_space<semaphore_mem>>, %arg24: memref<!tpu.dma_semaphore, #tpu.memory_space<semaphore_mem>>, %arg25: memref<!tpu.dma_semaphore, #tpu.memory_space<semaphore_mem>>, %arg26: memref<!tpu.dma_semaphore, #tpu.memory_space<semaphore_mem>>, %arg27: memref<!tpu.dma_semaphore, #tpu.memory_space<semaphore_mem>>, %arg28: memref<!tpu.dma_semaphore, #tpu.memory_space<semaphore_mem>>) attributes {dimension_semantics = [#tpu.dimension_semantics<core_parallel>, #tpu.dimension_semantics<subcore_parallel>], iteration_bounds = array<i64: 2, 16>, scalar_prefetch = 0 : i64, scratch_operands = 21 : i64, tpu.core_type = #tpu.core_type<sc_vector_subcore>, window_params = [{transform_indices = #map}, {transform_indices = #map}, {transform_indices = #map1}, {transform_indices = #map1}, {transform_indices = #map}, {transform_indices = #map}]} {
    %mul3A = arith.constant 10000 : i32
    %mul3A_0 = arith.muli %arg0, %mul3A : i32
    %sub3A = arith.constant 77 : i32
    %sub3A_1 = arith.subi %sub3A, %arg1 : i32
    %jit3A = arith.constant 16 : i32
    %div3A = arith.divsi %sub3A_1, %jit3A : i32
    %sign3A = arith.constant 0 : i32
    %sign3A_2 = arith.cmpi sgt, %sub3A_1, %sign3A : i32
    %sign3A_3 = arith.extui %sign3A_2 : i1 to i32
    %sign3A_4 = arith.constant 0 : i32
    %sign3A_5 = arith.cmpi slt, %sub3A_1, %sign3A_4 : i32
    %sign3A_6 = arith.extui %sign3A_5 : i1 to i32
    %sign3A_7 = arith.subi %sign3A_3, %sign3A_6 : i32
    %sign3A_8 = arith.constant 0 : i32
    %sign3A_9 = arith.cmpi sgt, %jit3A, %sign3A_8 : i32
    %sign3A_10 = arith.extui %sign3A_9 : i1 to i32
    %sign3A_11 = arith.constant 0 : i32
    %sign3A_12 = arith.cmpi slt, %jit3A, %sign3A_11 : i32
    %sign3A_13 = arith.extui %sign3A_12 : i1 to i32
    %sign3A_14 = arith.subi %sign3A_10, %sign3A_13 : i32
    %ne3A = arith.cmpi ne, %sign3A_7, %sign3A_14 : i32
    %rem3A = arith.remsi %sub3A_1, %jit3A : i32
    %ne3A_15 = arith.constant 0 : i32
    %ne3A_16 = arith.cmpi ne, %rem3A, %ne3A_15 : i32
    %and3A = arith.andi %ne3A, %ne3A_16 : i1
    %sub3A_17 = arith.constant 1 : i32
    %sub3A_18 = arith.subi %div3A, %sub3A_17 : i32
    %select_n3A = arith.select %and3A, %sub3A_18, %div3A : i32
    %add3A = arith.constant 1 : i32
    %add3A_19 = arith.addi %select_n3A, %add3A : i32
    %run_scoped3A = arith.constant 0 : i32
    "tpu.region"() ({
      %run_scoped3A_260 = tpu.sem_alloc : memref<!tpu.dma_semaphore, #tpu.memory_space<semaphore_mem>>
      %dma_start3A_261 = arith.constant 0 : i32
      %dma_start3A_262 = arith.constant 0 : i32
      %dma_start3A_263 = tpu.memref_slice %arg11[%run_scoped3A, %dma_start3A_261, %dma_start3A_262] : memref<3x64x128xf32, #tpu.memory_space<vmem>> -> memref<1x128x128xf32, #tpu.memory_space<vmem>>
      %dma_start3A_264 = tpu.memref_squeeze %dma_start3A_263 : memref<1x128x128xf32, #tpu.memory_space<vmem>> -> memref<128x128xf32, #tpu.memory_space<vmem>>
      %dma_start3A_265 = arith.constant 0 : i32
      %dma_start3A_266 = arith.constant 0 : i32
      %dma_start3A_267 = tpu.memref_slice %arg11[%run_scoped3A, %dma_start3A_265, %dma_start3A_266] : memref<3x64x128xf32, #tpu.memory_space<vmem>> -> memref<1x128x128xf32, #tpu.memory_space<vmem>>
      %dma_start3A_268 = tpu.memref_squeeze %dma_start3A_267 : memref<1x128x128xf32, #tpu.memory_space<vmem>> -> memref<128x128xf32, #tpu.memory_space<vmem>>
      tpu.enqueue_dma source(%arg6 : memref<128x128xf32, #tpu.memory_space<hbm>>) target(%dma_start3A_268 : memref<128x128xf32, #tpu.memory_space<vmem>>) target_semaphore(%run_scoped3A_260 : memref<!tpu.dma_semaphore, #tpu.memory_space<semaphore_mem>>)
      %dma_wait3A_269 = arith.constant 0 : i32
      %dma_wait3A_270 = arith.constant 0 : i32
      %dma_wait3A_271 = tpu.memref_slice %arg11[%run_scoped3A, %dma_wait3A_269, %dma_wait3A_270] : memref<3x64x128xf32, #tpu.memory_space<vmem>> -> memref<1x128x128xf32, #tpu.memory_space<vmem>>
      %dma_wait3A_272 = tpu.memref_squeeze %dma_wait3A_271 : memref<1x128x128xf32, #tpu.memory_space<vmem>> -> memref<128x128xf32, #tpu.memory_space<vmem>>
      %dma_wait3A_273 = arith.constant 0 : i32
      %dma_wait3A_274 = arith.constant 0 : i32
      %dma_wait3A_275 = tpu.memref_slice %arg11[%run_scoped3A, %dma_wait3A_273, %dma_wait3A_274] : memref<3x64x128xf32, #tpu.memory_space<vmem>> -> memref<1x128x128xf32, #tpu.memory_space<vmem>>
      %dma_wait3A_276 = tpu.memref_squeeze %dma_wait3A_275 : memref<1x128x128xf32, #tpu.memory_space<vmem>> -> memref<128x128xf32, #tpu.memory_space<vmem>>
      tpu.wait_dma2 semaphore(%run_scoped3A_260 : memref<!tpu.dma_semaphore, #tpu.memory_space<semaphore_mem>>) src(%arg6 : memref<128x128xf32, #tpu.memory_space<hbm>>) dst(%dma_wait3A_276 : memref<128x128xf32, #tpu.memory_space<vmem>>)
      tpu.yield
    }) : () -> ()
    %while3A = arith.constant 0 : i32
    %while3A_20 = arith.constant 0 : i32
    %while3A_21 = arith.subi %add3A_19, %while3A_20 : i32
    %while3A_22 = arith.addi %while3A_20, %while3A_21 : i32
    %while3A_23 = arith.constant 1 : i32
    %while3A_24 = arith.divsi %while3A_21, %while3A_23 : i32
    %while3A_25 = arith.muli %while3A_24, %while3A_23 : i32
    %while3A_26 = arith.addi %while3A_20, %while3A_25 : i32
    %while3A_27 = arith.constant 1 : i32
    scf.for %while3A_260 = %while3A_20 to %while3A_26 step %while3A_27  : i32 {
      %mul3A_261 = arith.constant 16 : i32
      %mul3A_262 = arith.muli %while3A_260, %mul3A_261 : i32
      %add3A_263 = arith.addi %arg1, %mul3A_262 : i32
      %mul3A_264 = arith.constant 128 : i32
      %mul3A_265 = arith.muli %add3A_263, %mul3A_264 : i32
      %run_scoped3A_266 = arith.constant 0 : i32
      "tpu.region"() ({
        %run_scoped3A_267 = tpu.sem_alloc : memref<!tpu.dma_semaphore, #tpu.memory_space<semaphore_mem>>
        %dma_start3A_268 = arith.constant 0 : i32
        %dma_start3A_269 = arith.constant 0 : i32
        %dma_start3A_270 = tpu.memref_slice %arg11[%run_scoped3A_266, %dma_start3A_268, %dma_start3A_269] : memref<3x64x128xf32, #tpu.memory_space<vmem>> -> memref<1x128x128xf32, #tpu.memory_space<vmem>>
        %dma_start3A_271 = tpu.memref_squeeze %dma_start3A_270 : memref<1x128x128xf32, #tpu.memory_space<vmem>> -> memref<128x128xf32, #tpu.memory_space<vmem>>
        %dma_start3A_272 = arith.constant 0 : i32
        %dma_start3A_273 = tpu.memref_slice %arg13[%mul3A_265, %dma_start3A_272] : memref<10000x128xf32, #tpu.memory_space<vmem_shared>> -> memref<128x128xf32, #tpu.memory_space<vmem_shared>>
        %dma_start3A_274 = arith.constant 0 : i32
        %dma_start3A_275 = tpu.memref_slice %arg13[%mul3A_265, %dma_start3A_274] : memref<10000x128xf32, #tpu.memory_space<vmem_shared>> -> memref<128x128xf32, #tpu.memory_space<vmem_shared>>
        %dma_start3A_276 = arith.constant 0 : i32
        %dma_start3A_277 = arith.constant 0 : i32
        %dma_start3A_278 = tpu.memref_slice %arg11[%run_scoped3A_266, %dma_start3A_276, %dma_start3A_277] : memref<3x64x128xf32, #tpu.memory_space<vmem>> -> memref<1x128x128xf32, #tpu.memory_space<vmem>>
        %dma_start3A_279 = tpu.memref_squeeze %dma_start3A_278 : memref<1x128x128xf32, #tpu.memory_space<vmem>> -> memref<128x128xf32, #tpu.memory_space<vmem>>
        tpu.enqueue_dma source(%dma_start3A_279 : memref<128x128xf32, #tpu.memory_space<vmem>>) target(%dma_start3A_275 : memref<128x128xf32, #tpu.memory_space<vmem_shared>>) target_semaphore(%run_scoped3A_267 : memref<!tpu.dma_semaphore, #tpu.memory_space<semaphore_mem>>)
        %dma_wait3A_280 = arith.constant 0 : i32
        %dma_wait3A_281 = arith.constant 0 : i32
        %dma_wait3A_282 = tpu.memref_slice %arg11[%run_scoped3A_266, %dma_wait3A_280, %dma_wait3A_281] : memref<3x64x128xf32, #tpu.memory_space<vmem>> -> memref<1x128x128xf32, #tpu.memory_space<vmem>>
        %dma_wait3A_283 = tpu.memref_squeeze %dma_wait3A_282 : memref<1x128x128xf32, #tpu.memory_space<vmem>> -> memref<128x128xf32, #tpu.memory_space<vmem>>
        %dma_wait3A_284 = arith.constant 0 : i32
        %dma_wait3A_285 = tpu.memref_slice %arg13[%mul3A_265, %dma_wait3A_284] : memref<10000x128xf32, #tpu.memory_space<vmem_shared>> -> memref<128x128xf32, #tpu.memory_space<vmem_shared>>
        %dma_wait3A_286 = arith.constant 0 : i32
        %dma_wait3A_287 = tpu.memref_slice %arg13[%mul3A_265, %dma_wait3A_286] : memref<10000x128xf32, #tpu.memory_space<vmem_shared>> -> memref<128x128xf32, #tpu.memory_space<vmem_shared>>
        %dma_wait3A_288 = arith.constant 0 : i32
        %dma_wait3A_289 = arith.constant 0 : i32
        %dma_wait3A_290 = tpu.memref_slice %arg11[%run_scoped3A_266, %dma_wait3A_288, %dma_wait3A_289] : memref<3x64x128xf32, #tpu.memory_space<vmem>> -> memref<1x128x128xf32, #tpu.memory_space<vmem>>
        %dma_wait3A_291 = tpu.memref_squeeze %dma_wait3A_290 : memref<1x128x128xf32, #tpu.memory_space<vmem>> -> memref<128x128xf32, #tpu.memory_space<vmem>>
        tpu.wait_dma2 semaphore(%run_scoped3A_267 : memref<!tpu.dma_semaphore, #tpu.memory_space<semaphore_mem>>) src(%dma_wait3A_291 : memref<128x128xf32, #tpu.memory_space<vmem>>) dst(%dma_wait3A_287 : memref<128x128xf32, #tpu.memory_space<vmem_shared>>)
        tpu.yield
      }) : () -> ()
    }
    %while3A_28 = arith.constant 1 : i32
    scf.for %while3A_260 = %while3A_26 to %while3A_22 step %while3A_28  : i32 {
      %mul3A_261 = arith.constant 16 : i32
      %mul3A_262 = arith.muli %while3A_260, %mul3A_261 : i32
      %add3A_263 = arith.addi %arg1, %mul3A_262 : i32
      %mul3A_264 = arith.constant 128 : i32
      %mul3A_265 = arith.muli %add3A_263, %mul3A_264 : i32
      %run_scoped3A_266 = arith.constant 0 : i32
      "tpu.region"() ({
        %run_scoped3A_267 = tpu.sem_alloc : memref<!tpu.dma_semaphore, #tpu.memory_space<semaphore_mem>>
        %dma_start3A_268 = arith.constant 0 : i32
        %dma_start3A_269 = arith.constant 0 : i32
        %dma_start3A_270 = tpu.memref_slice %arg11[%run_scoped3A_266, %dma_start3A_268, %dma_start3A_269] : memref<3x64x128xf32, #tpu.memory_space<vmem>> -> memref<1x128x128xf32, #tpu.memory_space<vmem>>
        %dma_start3A_271 = tpu.memref_squeeze %dma_start3A_270 : memref<1x128x128xf32, #tpu.memory_space<vmem>> -> memref<128x128xf32, #tpu.memory_space<vmem>>
        %dma_start3A_272 = arith.constant 0 : i32
        %dma_start3A_273 = tpu.memref_slice %arg13[%mul3A_265, %dma_start3A_272] : memref<10000x128xf32, #tpu.memory_space<vmem_shared>> -> memref<128x128xf32, #tpu.memory_space<vmem_shared>>
        %dma_start3A_274 = arith.constant 0 : i32
        %dma_start3A_275 = tpu.memref_slice %arg13[%mul3A_265, %dma_start3A_274] : memref<10000x128xf32, #tpu.memory_space<vmem_shared>> -> memref<128x128xf32, #tpu.memory_space<vmem_shared>>
        %dma_start3A_276 = arith.constant 0 : i32
        %dma_start3A_277 = arith.constant 0 : i32
        %dma_start3A_278 = tpu.memref_slice %arg11[%run_scoped3A_266, %dma_start3A_276, %dma_start3A_277] : memref<3x64x128xf32, #tpu.memory_space<vmem>> -> memref<1x128x128xf32, #tpu.memory_space<vmem>>
        %dma_start3A_279 = tpu.memref_squeeze %dma_start3A_278 : memref<1x128x128xf32, #tpu.memory_space<vmem>> -> memref<128x128xf32, #tpu.memory_space<vmem>>
        tpu.enqueue_dma source(%dma_start3A_279 : memref<128x128xf32, #tpu.memory_space<vmem>>) target(%dma_start3A_275 : memref<128x128xf32, #tpu.memory_space<vmem_shared>>) target_semaphore(%run_scoped3A_267 : memref<!tpu.dma_semaphore, #tpu.memory_space<semaphore_mem>>)
        %dma_wait3A_280 = arith.constant 0 : i32
        %dma_wait3A_281 = arith.constant 0 : i32
        %dma_wait3A_282 = tpu.memref_slice %arg11[%run_scoped3A_266, %dma_wait3A_280, %dma_wait3A_281] : memref<3x64x128xf32, #tpu.memory_space<vmem>> -> memref<1x128x128xf32, #tpu.memory_space<vmem>>
        %dma_wait3A_283 = tpu.memref_squeeze %dma_wait3A_282 : memref<1x128x128xf32, #tpu.memory_space<vmem>> -> memref<128x128xf32, #tpu.memory_space<vmem>>
        %dma_wait3A_284 = arith.constant 0 : i32
        %dma_wait3A_285 = tpu.memref_slice %arg13[%mul3A_265, %dma_wait3A_284] : memref<10000x128xf32, #tpu.memory_space<vmem_shared>> -> memref<128x128xf32, #tpu.memory_space<vmem_shared>>
        %dma_wait3A_286 = arith.constant 0 : i32
        %dma_wait3A_287 = tpu.memref_slice %arg13[%mul3A_265, %dma_wait3A_286] : memref<10000x128xf32, #tpu.memory_space<vmem_shared>> -> memref<128x128xf32, #tpu.memory_space<vmem_shared>>
        %dma_wait3A_288 = arith.constant 0 : i32
        %dma_wait3A_289 = arith.constant 0 : i32
        %dma_wait3A_290 = tpu.memref_slice %arg11[%run_scoped3A_266, %dma_wait3A_288, %dma_wait3A_289] : memref<3x64x128xf32, #tpu.memory_space<vmem>> -> memref<1x128x128xf32, #tpu.memory_space<vmem>>
        %dma_wait3A_291 = tpu.memref_squeeze %dma_wait3A_290 : memref<1x128x128xf32, #tpu.memory_space<vmem>> -> memref<128x128xf32, #tpu.memory_space<vmem>>
        tpu.wait_dma2 semaphore(%run_scoped3A_267 : memref<!tpu.dma_semaphore, #tpu.memory_space<semaphore_mem>>) src(%dma_wait3A_291 : memref<128x128xf32, #tpu.memory_space<vmem>>) dst(%dma_wait3A_287 : memref<128x128xf32, #tpu.memory_space<vmem_shared>>)
        tpu.yield
      }) : () -> ()
    }
    %eq3A = arith.constant 0 : i32
    %eq3A_29 = arith.cmpi eq, %arg1, %eq3A : i32
    %convert_element_type3A = arith.extui %eq3A_29 : i1 to i32
    %cond3A = arith.constant 0 : i32
    %cond3A_30 = arith.cmpi ne, %convert_element_type3A, %cond3A : i32
    scf.if %cond3A_30 {
      %run_scoped3A_260 = arith.constant 0 : i32
      "tpu.region"() ({
        %run_scoped3A_261 = tpu.sem_alloc : memref<!tpu.dma_semaphore, #tpu.memory_space<semaphore_mem>>
        %dma_start3A_262 = arith.constant 0 : i32
        %dma_start3A_263 = arith.constant 0 : i32
        %dma_start3A_264 = tpu.memref_slice %arg11[%run_scoped3A_260, %dma_start3A_262, %dma_start3A_263] : memref<3x64x128xf32, #tpu.memory_space<vmem>> -> memref<1x16x128xf32, #tpu.memory_space<vmem>>
        %dma_start3A_265 = tpu.memref_squeeze %dma_start3A_264 : memref<1x16x128xf32, #tpu.memory_space<vmem>> -> memref<16x128xf32, #tpu.memory_space<vmem>>
        %dma_start3A_266 = arith.constant 9984 : i32
        %dma_start3A_267 = arith.constant 0 : i32
        %dma_start3A_268 = tpu.memref_slice %arg13[%dma_start3A_266, %dma_start3A_267] : memref<10000x128xf32, #tpu.memory_space<vmem_shared>> -> memref<16x128xf32, #tpu.memory_space<vmem_shared>>
        %dma_start3A_269 = arith.constant 9984 : i32
        %dma_start3A_270 = arith.constant 0 : i32
        %dma_start3A_271 = tpu.memref_slice %arg13[%dma_start3A_269, %dma_start3A_270] : memref<10000x128xf32, #tpu.memory_space<vmem_shared>> -> memref<16x128xf32, #tpu.memory_space<vmem_shared>>
        %dma_start3A_272 = arith.constant 0 : i32
        %dma_start3A_273 = arith.constant 0 : i32
        %dma_start3A_274 = tpu.memref_slice %arg11[%run_scoped3A_260, %dma_start3A_272, %dma_start3A_273] : memref<3x64x128xf32, #tpu.memory_space<vmem>> -> memref<1x16x128xf32, #tpu.memory_space<vmem>>
        %dma_start3A_275 = tpu.memref_squeeze %dma_start3A_274 : memref<1x16x128xf32, #tpu.memory_space<vmem>> -> memref<16x128xf32, #tpu.memory_space<vmem>>
        tpu.enqueue_dma source(%dma_start3A_275 : memref<16x128xf32, #tpu.memory_space<vmem>>) target(%dma_start3A_271 : memref<16x128xf32, #tpu.memory_space<vmem_shared>>) target_semaphore(%run_scoped3A_261 : memref<!tpu.dma_semaphore, #tpu.memory_space<semaphore_mem>>)
        %dma_wait3A_276 = arith.constant 0 : i32
        %dma_wait3A_277 = arith.constant 0 : i32
        %dma_wait3A_278 = tpu.memref_slice %arg11[%run_scoped3A_260, %dma_wait3A_276, %dma_wait3A_277] : memref<3x64x128xf32, #tpu.memory_space<vmem>> -> memref<1x16x128xf32, #tpu.memory_space<vmem>>
        %dma_wait3A_279 = tpu.memref_squeeze %dma_wait3A_278 : memref<1x16x128xf32, #tpu.memory_space<vmem>> -> memref<16x128xf32, #tpu.memory_space<vmem>>
        %dma_wait3A_280 = arith.constant 9984 : i32
        %dma_wait3A_281 = arith.constant 0 : i32
        %dma_wait3A_282 = tpu.memref_slice %arg13[%dma_wait3A_280, %dma_wait3A_281] : memref<10000x128xf32, #tpu.memory_space<vmem_shared>> -> memref<16x128xf32, #tpu.memory_space<vmem_shared>>
        %dma_wait3A_283 = arith.constant 9984 : i32
        %dma_wait3A_284 = arith.constant 0 : i32
        %dma_wait3A_285 = tpu.memref_slice %arg13[%dma_wait3A_283, %dma_wait3A_284] : memref<10000x128xf32, #tpu.memory_space<vmem_shared>> -> memref<16x128xf32, #tpu.memory_space<vmem_shared>>
        %dma_wait3A_286 = arith.constant 0 : i32
        %dma_wait3A_287 = arith.constant 0 : i32
        %dma_wait3A_288 = tpu.memref_slice %arg11[%run_scoped3A_260, %dma_wait3A_286, %dma_wait3A_287] : memref<3x64x128xf32, #tpu.memory_space<vmem>> -> memref<1x16x128xf32, #tpu.memory_space<vmem>>
        %dma_wait3A_289 = tpu.memref_squeeze %dma_wait3A_288 : memref<1x16x128xf32, #tpu.memory_space<vmem>> -> memref<16x128xf32, #tpu.memory_space<vmem>>
        tpu.wait_dma2 semaphore(%run_scoped3A_261 : memref<!tpu.dma_semaphore, #tpu.memory_space<semaphore_mem>>) src(%dma_wait3A_289 : memref<16x128xf32, #tpu.memory_space<vmem>>) dst(%dma_wait3A_285 : memref<16x128xf32, #tpu.memory_space<vmem_shared>>)
        tpu.yield
      }) : () -> ()
    } else {
    }
    %barrier3A = arith.constant 0 : index
    tpu.barrier barrier_id(%barrier3A)
    %sub3A_31 = arith.constant 2499 : i32
    %sub3A_32 = arith.subi %sub3A_31, %arg1 : i32
    %jit3A_33 = arith.constant 16 : i32
    %div3A_34 = arith.divsi %sub3A_32, %jit3A_33 : i32
    %sign3A_35 = arith.constant 0 : i32
    %sign3A_36 = arith.cmpi sgt, %sub3A_32, %sign3A_35 : i32
    %sign3A_37 = arith.extui %sign3A_36 : i1 to i32
    %sign3A_38 = arith.constant 0 : i32
    %sign3A_39 = arith.cmpi slt, %sub3A_32, %sign3A_38 : i32
    %sign3A_40 = arith.extui %sign3A_39 : i1 to i32
    %sign3A_41 = arith.subi %sign3A_37, %sign3A_40 : i32
    %sign3A_42 = arith.constant 0 : i32
    %sign3A_43 = arith.cmpi sgt, %jit3A_33, %sign3A_42 : i32
    %sign3A_44 = arith.extui %sign3A_43 : i1 to i32
    %sign3A_45 = arith.constant 0 : i32
    %sign3A_46 = arith.cmpi slt, %jit3A_33, %sign3A_45 : i32
    %sign3A_47 = arith.extui %sign3A_46 : i1 to i32
    %sign3A_48 = arith.subi %sign3A_44, %sign3A_47 : i32
    %ne3A_49 = arith.cmpi ne, %sign3A_41, %sign3A_48 : i32
    %rem3A_50 = arith.remsi %sub3A_32, %jit3A_33 : i32
    %ne3A_51 = arith.constant 0 : i32
    %ne3A_52 = arith.cmpi ne, %rem3A_50, %ne3A_51 : i32
    %and3A_53 = arith.andi %ne3A_49, %ne3A_52 : i1
    %sub3A_54 = arith.constant 1 : i32
    %sub3A_55 = arith.subi %div3A_34, %sub3A_54 : i32
    %select_n3A_56 = arith.select %and3A_53, %sub3A_55, %div3A_34 : i32
    %add3A_57 = arith.constant 1 : i32
    %add3A_58 = arith.addi %select_n3A_56, %add3A_57 : i32
    %add3A_59 = arith.constant 0 : i32
    %add3A_60 = arith.addi %arg1, %add3A_59 : i32
    %mul3A_61 = arith.constant 64 : i32
    %mul3A_62 = arith.muli %add3A_60, %mul3A_61 : i32
    %dma_start3A = arith.constant 0 : i32
    %dma_start3A_63 = arith.constant 0 : i32
    %dma_start3A_64 = tpu.memref_slice %arg8[%dma_start3A, %dma_start3A_63] : memref<3x64xi32, #tpu.memory_space<vmem>> -> memref<1x64xi32, #tpu.memory_space<vmem>>
    %dma_start3A_65 = tpu.memref_squeeze %dma_start3A_64 : memref<1x64xi32, #tpu.memory_space<vmem>> -> memref<64xi32, #tpu.memory_space<vmem>>
    %dma_start3A_66 = tpu.memref_slice %arg4[%mul3A_62] : memref<160000xi32, #tpu.memory_space<hbm>> -> memref<64xi32, #tpu.memory_space<hbm>>
    %dma_start3A_67 = arith.constant 0 : i32
    %dma_start3A_68 = tpu.memref_slice %arg8[%dma_start3A, %dma_start3A_67] : memref<3x64xi32, #tpu.memory_space<vmem>> -> memref<1x64xi32, #tpu.memory_space<vmem>>
    %dma_start3A_69 = tpu.memref_squeeze %dma_start3A_68 : memref<1x64xi32, #tpu.memory_space<vmem>> -> memref<64xi32, #tpu.memory_space<vmem>>
    %dma_start3A_70 = tpu.memref_slice %arg4[%mul3A_62] : memref<160000xi32, #tpu.memory_space<hbm>> -> memref<64xi32, #tpu.memory_space<hbm>>
    tpu.enqueue_dma source(%dma_start3A_70 : memref<64xi32, #tpu.memory_space<hbm>>) target(%dma_start3A_69 : memref<64xi32, #tpu.memory_space<vmem>>) target_semaphore(%arg23 : memref<!tpu.dma_semaphore, #tpu.memory_space<semaphore_mem>>)
    %dma_start3A_71 = arith.constant 0 : i32
    %dma_start3A_72 = arith.constant 0 : i32
    %dma_start3A_73 = tpu.memref_slice %arg9[%dma_start3A_71, %dma_start3A_72] : memref<3x64xi32, #tpu.memory_space<vmem>> -> memref<1x64xi32, #tpu.memory_space<vmem>>
    %dma_start3A_74 = tpu.memref_squeeze %dma_start3A_73 : memref<1x64xi32, #tpu.memory_space<vmem>> -> memref<64xi32, #tpu.memory_space<vmem>>
    %dma_start3A_75 = tpu.memref_slice %arg5[%mul3A_62] : memref<160000xi32, #tpu.memory_space<hbm>> -> memref<64xi32, #tpu.memory_space<hbm>>
    %dma_start3A_76 = arith.constant 0 : i32
    %dma_start3A_77 = tpu.memref_slice %arg9[%dma_start3A_71, %dma_start3A_76] : memref<3x64xi32, #tpu.memory_space<vmem>> -> memref<1x64xi32, #tpu.memory_space<vmem>>
    %dma_start3A_78 = tpu.memref_squeeze %dma_start3A_77 : memref<1x64xi32, #tpu.memory_space<vmem>> -> memref<64xi32, #tpu.memory_space<vmem>>
    %dma_start3A_79 = tpu.memref_slice %arg5[%mul3A_62] : memref<160000xi32, #tpu.memory_space<hbm>> -> memref<64xi32, #tpu.memory_space<hbm>>
    tpu.enqueue_dma source(%dma_start3A_79 : memref<64xi32, #tpu.memory_space<hbm>>) target(%dma_start3A_78 : memref<64xi32, #tpu.memory_space<vmem>>) target_semaphore(%arg26 : memref<!tpu.dma_semaphore, #tpu.memory_space<semaphore_mem>>)
    %add3A_80 = arith.constant 0 : i32
    %add3A_81 = arith.addi %arg1, %add3A_80 : i32
    %mul3A_82 = arith.constant 64 : i32
    %mul3A_83 = arith.muli %add3A_81, %mul3A_82 : i32
    %dma_wait3A = arith.constant 0 : i32
    %dma_wait3A_84 = arith.constant 0 : i32
    %dma_wait3A_85 = tpu.memref_slice %arg8[%dma_wait3A, %dma_wait3A_84] : memref<3x64xi32, #tpu.memory_space<vmem>> -> memref<1x64xi32, #tpu.memory_space<vmem>>
    %dma_wait3A_86 = tpu.memref_squeeze %dma_wait3A_85 : memref<1x64xi32, #tpu.memory_space<vmem>> -> memref<64xi32, #tpu.memory_space<vmem>>
    %dma_wait3A_87 = tpu.memref_slice %arg4[%mul3A_83] : memref<160000xi32, #tpu.memory_space<hbm>> -> memref<64xi32, #tpu.memory_space<hbm>>
    %dma_wait3A_88 = arith.constant 0 : i32
    %dma_wait3A_89 = tpu.memref_slice %arg8[%dma_wait3A, %dma_wait3A_88] : memref<3x64xi32, #tpu.memory_space<vmem>> -> memref<1x64xi32, #tpu.memory_space<vmem>>
    %dma_wait3A_90 = tpu.memref_squeeze %dma_wait3A_89 : memref<1x64xi32, #tpu.memory_space<vmem>> -> memref<64xi32, #tpu.memory_space<vmem>>
    %dma_wait3A_91 = tpu.memref_slice %arg4[%mul3A_83] : memref<160000xi32, #tpu.memory_space<hbm>> -> memref<64xi32, #tpu.memory_space<hbm>>
    tpu.wait_dma2 semaphore(%arg23 : memref<!tpu.dma_semaphore, #tpu.memory_space<semaphore_mem>>) src(%dma_wait3A_91 : memref<64xi32, #tpu.memory_space<hbm>>) dst(%dma_wait3A_90 : memref<64xi32, #tpu.memory_space<vmem>>)
    %dma_wait3A_92 = arith.constant 0 : i32
    %dma_wait3A_93 = arith.constant 0 : i32
    %dma_wait3A_94 = tpu.memref_slice %arg9[%dma_wait3A_92, %dma_wait3A_93] : memref<3x64xi32, #tpu.memory_space<vmem>> -> memref<1x64xi32, #tpu.memory_space<vmem>>
    %dma_wait3A_95 = tpu.memref_squeeze %dma_wait3A_94 : memref<1x64xi32, #tpu.memory_space<vmem>> -> memref<64xi32, #tpu.memory_space<vmem>>
    %dma_wait3A_96 = tpu.memref_slice %arg5[%mul3A_83] : memref<160000xi32, #tpu.memory_space<hbm>> -> memref<64xi32, #tpu.memory_space<hbm>>
    %dma_wait3A_97 = arith.constant 0 : i32
    %dma_wait3A_98 = tpu.memref_slice %arg9[%dma_wait3A_92, %dma_wait3A_97] : memref<3x64xi32, #tpu.memory_space<vmem>> -> memref<1x64xi32, #tpu.memory_space<vmem>>
    %dma_wait3A_99 = tpu.memref_squeeze %dma_wait3A_98 : memref<1x64xi32, #tpu.memory_space<vmem>> -> memref<64xi32, #tpu.memory_space<vmem>>
    %dma_wait3A_100 = tpu.memref_slice %arg5[%mul3A_83] : memref<160000xi32, #tpu.memory_space<hbm>> -> memref<64xi32, #tpu.memory_space<hbm>>
    tpu.wait_dma2 semaphore(%arg26 : memref<!tpu.dma_semaphore, #tpu.memory_space<semaphore_mem>>) src(%dma_wait3A_100 : memref<64xi32, #tpu.memory_space<hbm>>) dst(%dma_wait3A_99 : memref<64xi32, #tpu.memory_space<vmem>>)
    %get3A = arith.constant 0 : i32
    %get3A_101 = arith.index_cast %get3A : i32 to index
    %get3A_102 = arith.constant 0 : index
    %get3A_103 = tpu.vector_load %arg9[%get3A_101, %get3A_102] {strides = array<i32>} : memref<3x64xi32, #tpu.memory_space<vmem>>, vector<16xi32>,
    %add3A_104 = vector.broadcast %mul3A_0 : i32 to vector<16xi32>
    %add3A_105 = arith.addi %get3A_103, %add3A_104 : vector<16xi32>
    %swap3A = arith.constant 0 : i32
    %swap3A_106 = arith.index_cast %swap3A : i32 to index
    %swap3A_107 = arith.constant 0 : index
    %swap3A_108 = tpu.vector_load %arg9[%swap3A_106, %swap3A_107] {strides = array<i32>} : memref<3x64xi32, #tpu.memory_space<vmem>>, vector<16xi32>,
    tpu.vector_store %arg9[%swap3A_106, %swap3A_107], %add3A_105 {strides = array<i32>} : memref<3x64xi32, #tpu.memory_space<vmem>>, vector<16xi32>,
    %get3A_109 = arith.constant 0 : i32
    %get3A_110 = arith.index_cast %get3A_109 : i32 to index
    %get3A_111 = arith.constant 0 : index
    %get3A_112 = tpu.vector_load %arg8[%get3A_110, %get3A_111] {strides = array<i32>} : memref<3x64xi32, #tpu.memory_space<vmem>>, vector<16xi32>,
    %swap3A_113 = arith.constant 0 : i32
    %swap3A_114 = arith.index_cast %swap3A_113 : i32 to index
    %swap3A_115 = arith.constant 0 : index
    %swap3A_116 = tpu.vector_load %arg10[%swap3A_114, %swap3A_115] {strides = array<i32>} : memref<3x64xi32, #tpu.memory_space<vmem>>, vector<16xi32>,
    tpu.vector_store %arg10[%swap3A_114, %swap3A_115], %get3A_112 {strides = array<i32>} : memref<3x64xi32, #tpu.memory_space<vmem>>, vector<16xi32>,
    %get3A_117 = arith.constant 0 : i32
    %get3A_118 = arith.index_cast %get3A_117 : i32 to index
    %get3A_119 = arith.constant 16 : index
    %get3A_120 = tpu.vector_load %arg9[%get3A_118, %get3A_119] {strides = array<i32>} : memref<3x64xi32, #tpu.memory_space<vmem>>, vector<16xi32>,
    %add3A_121 = vector.broadcast %mul3A_0 : i32 to vector<16xi32>
    %add3A_122 = arith.addi %get3A_120, %add3A_121 : vector<16xi32>
    %swap3A_123 = arith.constant 0 : i32
    %swap3A_124 = arith.index_cast %swap3A_123 : i32 to index
    %swap3A_125 = arith.constant 16 : index
    %swap3A_126 = tpu.vector_load %arg9[%swap3A_124, %swap3A_125] {strides = array<i32>} : memref<3x64xi32, #tpu.memory_space<vmem>>, vector<16xi32>,
    tpu.vector_store %arg9[%swap3A_124, %swap3A_125], %add3A_122 {strides = array<i32>} : memref<3x64xi32, #tpu.memory_space<vmem>>, vector<16xi32>,
    %get3A_127 = arith.constant 0 : i32
    %get3A_128 = arith.index_cast %get3A_127 : i32 to index
    %get3A_129 = arith.constant 16 : index
    %get3A_130 = tpu.vector_load %arg8[%get3A_128, %get3A_129] {strides = array<i32>} : memref<3x64xi32, #tpu.memory_space<vmem>>, vector<16xi32>,
    %swap3A_131 = arith.constant 0 : i32
    %swap3A_132 = arith.index_cast %swap3A_131 : i32 to index
    %swap3A_133 = arith.constant 16 : index
    %swap3A_134 = tpu.vector_load %arg10[%swap3A_132, %swap3A_133] {strides = array<i32>} : memref<3x64xi32, #tpu.memory_space<vmem>>, vector<16xi32>,
    tpu.vector_store %arg10[%swap3A_132, %swap3A_133], %get3A_130 {strides = array<i32>} : memref<3x64xi32, #tpu.memory_space<vmem>>, vector<16xi32>,
    %get3A_135 = arith.constant 0 : i32
    %get3A_136 = arith.index_cast %get3A_135 : i32 to index
    %get3A_137 = arith.constant 32 : index
    %get3A_138 = tpu.vector_load %arg9[%get3A_136, %get3A_137] {strides = array<i32>} : memref<3x64xi32, #tpu.memory_space<vmem>>, vector<16xi32>,
    %add3A_139 = vector.broadcast %mul3A_0 : i32 to vector<16xi32>
    %add3A_140 = arith.addi %get3A_138, %add3A_139 : vector<16xi32>
    %swap3A_141 = arith.constant 0 : i32
    %swap3A_142 = arith.index_cast %swap3A_141 : i32 to index
    %swap3A_143 = arith.constant 32 : index
    %swap3A_144 = tpu.vector_load %arg9[%swap3A_142, %swap3A_143] {strides = array<i32>} : memref<3x64xi32, #tpu.memory_space<vmem>>, vector<16xi32>,
    tpu.vector_store %arg9[%swap3A_142, %swap3A_143], %add3A_140 {strides = array<i32>} : memref<3x64xi32, #tpu.memory_space<vmem>>, vector<16xi32>,
    %get3A_145 = arith.constant 0 : i32
    %get3A_146 = arith.index_cast %get3A_145 : i32 to index
    %get3A_147 = arith.constant 32 : index
    %get3A_148 = tpu.vector_load %arg8[%get3A_146, %get3A_147] {strides = array<i32>} : memref<3x64xi32, #tpu.memory_space<vmem>>, vector<16xi32>,
    %swap3A_149 = arith.constant 0 : i32
    %swap3A_150 = arith.index_cast %swap3A_149 : i32 to index
    %swap3A_151 = arith.constant 32 : index
    %swap3A_152 = tpu.vector_load %arg10[%swap3A_150, %swap3A_151] {strides = array<i32>} : memref<3x64xi32, #tpu.memory_space<vmem>>, vector<16xi32>,
    tpu.vector_store %arg10[%swap3A_150, %swap3A_151], %get3A_148 {strides = array<i32>} : memref<3x64xi32, #tpu.memory_space<vmem>>, vector<16xi32>,
    %get3A_153 = arith.constant 0 : i32
    %get3A_154 = arith.index_cast %get3A_153 : i32 to index
    %get3A_155 = arith.constant 48 : index
    %get3A_156 = tpu.vector_load %arg9[%get3A_154, %get3A_155] {strides = array<i32>} : memref<3x64xi32, #tpu.memory_space<vmem>>, vector<16xi32>,
    %add3A_157 = vector.broadcast %mul3A_0 : i32 to vector<16xi32>
    %add3A_158 = arith.addi %get3A_156, %add3A_157 : vector<16xi32>
    %swap3A_159 = arith.constant 0 : i32
    %swap3A_160 = arith.index_cast %swap3A_159 : i32 to index
    %swap3A_161 = arith.constant 48 : index
    %swap3A_162 = tpu.vector_load %arg9[%swap3A_160, %swap3A_161] {strides = array<i32>} : memref<3x64xi32, #tpu.memory_space<vmem>>, vector<16xi32>,
    tpu.vector_store %arg9[%swap3A_160, %swap3A_161], %add3A_158 {strides = array<i32>} : memref<3x64xi32, #tpu.memory_space<vmem>>, vector<16xi32>,
    %get3A_163 = arith.constant 0 : i32
    %get3A_164 = arith.index_cast %get3A_163 : i32 to index
    %get3A_165 = arith.constant 48 : index
    %get3A_166 = tpu.vector_load %arg8[%get3A_164, %get3A_165] {strides = array<i32>} : memref<3x64xi32, #tpu.memory_space<vmem>>, vector<16xi32>,
    %swap3A_167 = arith.constant 0 : i32
    %swap3A_168 = arith.index_cast %swap3A_167 : i32 to index
    %swap3A_169 = arith.constant 48 : index
    %swap3A_170 = tpu.vector_load %arg10[%swap3A_168, %swap3A_169] {strides = array<i32>} : memref<3x64xi32, #tpu.memory_space<vmem>>, vector<16xi32>,
    tpu.vector_store %arg10[%swap3A_168, %swap3A_169], %get3A_166 {strides = array<i32>} : memref<3x64xi32, #tpu.memory_space<vmem>>, vector<16xi32>,
    %dma_start3A_171 = arith.constant 0 : i32
    %dma_start3A_172 = arith.constant 0 : i32
    %dma_start3A_173 = arith.constant 0 : i32
    %dma_start3A_174 = arith.constant 0 : i32
    %dma_start3A_175 = tpu.memref_slice %arg11[%dma_start3A_172, %dma_start3A_173, %dma_start3A_174] : memref<3x64x128xf32, #tpu.memory_space<vmem>> -> memref<1x64x128xf32, #tpu.memory_space<vmem>>
    %dma_start3A_176 = tpu.memref_squeeze %dma_start3A_175 : memref<1x64x128xf32, #tpu.memory_space<vmem>> -> memref<64x128xf32, #tpu.memory_space<vmem>>
    %dma_start3A_177 = arith.constant 0 : i32
    %dma_start3A_178 = tpu.memref_slice %arg9[%dma_start3A_171, %dma_start3A_177] : memref<3x64xi32, #tpu.memory_space<vmem>> -> memref<1x64xi32, #tpu.memory_space<vmem>>
    %dma_start3A_179 = tpu.memref_squeeze %dma_start3A_178 : memref<1x64xi32, #tpu.memory_space<vmem>> -> memref<64xi32, #tpu.memory_space<vmem>>
    %dma_start3A_180 = arith.constant 0 : i32
    %dma_start3A_181 = arith.constant 0 : i32
    %dma_start3A_182 = tpu.memref_slice %arg2[%dma_start3A_180, %dma_start3A_181] : memref<20000x128xf32, #tpu.memory_space<hbm>> -> memref<20000x128xf32, #tpu.memory_space<hbm>>
    tpu.enqueue_indirect_dma source(%dma_start3A_182 : memref<20000x128xf32, #tpu.memory_space<hbm>>) target(%dma_start3A_176 : memref<64x128xf32, #tpu.memory_space<vmem>>) offsets(%dma_start3A_179 : memref<64xi32, #tpu.memory_space<vmem>>) semaphore(%arg14 : memref<!tpu.dma_semaphore, #tpu.memory_space<semaphore_mem>>)
    %mul3A_183 = arith.constant 160000 : i32
    %mul3A_184 = arith.muli %arg0, %mul3A_183 : i32
    %add3A_185 = arith.addi %mul3A_184, %mul3A_83 : i32
    %dma_start3A_186 = arith.constant 0 : i32
    %dma_start3A_187 = arith.constant 0 : i32
    %dma_start3A_188 = arith.constant 0 : i32
    %dma_start3A_189 = tpu.memref_slice %arg12[%dma_start3A_186, %dma_start3A_187, %dma_start3A_188] : memref<3x64x128xf32, #tpu.memory_space<vmem>> -> memref<1x64x128xf32, #tpu.memory_space<vmem>>
    %dma_start3A_190 = tpu.memref_squeeze %dma_start3A_189 : memref<1x64x128xf32, #tpu.memory_space<vmem>> -> memref<64x128xf32, #tpu.memory_space<vmem>>
    %dma_start3A_191 = arith.constant 0 : i32
    %dma_start3A_192 = tpu.memref_slice %arg3[%add3A_185, %dma_start3A_191] : memref<320000x128xf32, #tpu.memory_space<hbm>> -> memref<64x128xf32, #tpu.memory_space<hbm>>
    %dma_start3A_193 = arith.constant 0 : i32
    %dma_start3A_194 = arith.constant 0 : i32
    %dma_start3A_195 = tpu.memref_slice %arg12[%dma_start3A_186, %dma_start3A_193, %dma_start3A_194] : memref<3x64x128xf32, #tpu.memory_space<vmem>> -> memref<1x64x128xf32, #tpu.memory_space<vmem>>
    %dma_start3A_196 = tpu.memref_squeeze %dma_start3A_195 : memref<1x64x128xf32, #tpu.memory_space<vmem>> -> memref<64x128xf32, #tpu.memory_space<vmem>>
    %dma_start3A_197 = arith.constant 0 : i32
    %dma_start3A_198 = tpu.memref_slice %arg3[%add3A_185, %dma_start3A_197] : memref<320000x128xf32, #tpu.memory_space<hbm>> -> memref<64x128xf32, #tpu.memory_space<hbm>>
    tpu.enqueue_dma source(%dma_start3A_198 : memref<64x128xf32, #tpu.memory_space<hbm>>) target(%dma_start3A_196 : memref<64x128xf32, #tpu.memory_space<vmem>>) target_semaphore(%arg17 : memref<!tpu.dma_semaphore, #tpu.memory_space<semaphore_mem>>)
    %gt3A = arith.constant 1 : i32
    %gt3A_199 = arith.cmpi sgt, %add3A_58, %gt3A : i32
    %convert_element_type3A_200 = arith.extui %gt3A_199 : i1 to i32
    %cond3A_201 = arith.constant 0 : i32
    %cond3A_202 = arith.cmpi ne, %convert_element_type3A_200, %cond3A_201 : i32
    scf.if %cond3A_202 {
      %add3A_260 = arith.constant 16 : i32
      %add3A_261 = arith.addi %arg1, %add3A_260 : i32
      %mul3A_262 = arith.constant 64 : i32
      %mul3A_263 = arith.muli %add3A_261, %mul3A_262 : i32
      %dma_start3A_264 = arith.constant 1 : i32
      %dma_start3A_265 = arith.constant 0 : i32
      %dma_start3A_266 = tpu.memref_slice %arg8[%dma_start3A_264, %dma_start3A_265] : memref<3x64xi32, #tpu.memory_space<vmem>> -> memref<1x64xi32, #tpu.memory_space<vmem>>
      %dma_start3A_267 = tpu.memref_squeeze %dma_start3A_266 : memref<1x64xi32, #tpu.memory_space<vmem>> -> memref<64xi32, #tpu.memory_space<vmem>>
      %dma_start3A_268 = tpu.memref_slice %arg4[%mul3A_263] : memref<160000xi32, #tpu.memory_space<hbm>> -> memref<64xi32, #tpu.memory_space<hbm>>
      %dma_start3A_269 = arith.constant 0 : i32
      %dma_start3A_270 = tpu.memref_slice %arg8[%dma_start3A_264, %dma_start3A_269] : memref<3x64xi32, #tpu.memory_space<vmem>> -> memref<1x64xi32, #tpu.memory_space<vmem>>
      %dma_start3A_271 = tpu.memref_squeeze %dma_start3A_270 : memref<1x64xi32, #tpu.memory_space<vmem>> -> memref<64xi32, #tpu.memory_space<vmem>>
      %dma_start3A_272 = tpu.memref_slice %arg4[%mul3A_263] : memref<160000xi32, #tpu.memory_space<hbm>> -> memref<64xi32, #tpu.memory_space<hbm>>
      tpu.enqueue_dma source(%dma_start3A_272 : memref<64xi32, #tpu.memory_space<hbm>>) target(%dma_start3A_271 : memref<64xi32, #tpu.memory_space<vmem>>) target_semaphore(%arg24 : memref<!tpu.dma_semaphore, #tpu.memory_space<semaphore_mem>>)
      %dma_start3A_273 = arith.constant 1 : i32
      %dma_start3A_274 = arith.constant 0 : i32
      %dma_start3A_275 = tpu.memref_slice %arg9[%dma_start3A_273, %dma_start3A_274] : memref<3x64xi32, #tpu.memory_space<vmem>> -> memref<1x64xi32, #tpu.memory_space<vmem>>
      %dma_start3A_276 = tpu.memref_squeeze %dma_start3A_275 : memref<1x64xi32, #tpu.memory_space<vmem>> -> memref<64xi32, #tpu.memory_space<vmem>>
      %dma_start3A_277 = tpu.memref_slice %arg5[%mul3A_263] : memref<160000xi32, #tpu.memory_space<hbm>> -> memref<64xi32, #tpu.memory_space<hbm>>
      %dma_start3A_278 = arith.constant 0 : i32
      %dma_start3A_279 = tpu.memref_slice %arg9[%dma_start3A_273, %dma_start3A_278] : memref<3x64xi32, #tpu.memory_space<vmem>> -> memref<1x64xi32, #tpu.memory_space<vmem>>
      %dma_start3A_280 = tpu.memref_squeeze %dma_start3A_279 : memref<1x64xi32, #tpu.memory_space<vmem>> -> memref<64xi32, #tpu.memory_space<vmem>>
      %dma_start3A_281 = tpu.memref_slice %arg5[%mul3A_263] : memref<160000xi32, #tpu.memory_space<hbm>> -> memref<64xi32, #tpu.memory_space<hbm>>
      tpu.enqueue_dma source(%dma_start3A_281 : memref<64xi32, #tpu.memory_space<hbm>>) target(%dma_start3A_280 : memref<64xi32, #tpu.memory_space<vmem>>) target_semaphore(%arg27 : memref<!tpu.dma_semaphore, #tpu.memory_space<semaphore_mem>>)
    } else {
    }
    %scan3A = arith.constant 0 : i32
    %scan3A_203 = arith.constant 0 : i32
    %scan3A_204 = arith.constant 53 : i32
    %scan3A_205 = arith.addi %scan3A_203, %scan3A_204 : i32
    %scan3A_206 = arith.constant 1 : i32
    scf.for %scan3A_260 = %scan3A_203 to %scan3A_205 step %scan3A_206  : i32 {
      %mul3A_261 = arith.constant 3 : i32
      %mul3A_262 = arith.muli %mul3A_261, %scan3A_260 : i32
      %add3A_263 = arith.constant 0 : i32
      %add3A_264 = arith.addi %mul3A_262, %add3A_263 : i32
      %lt3A = arith.cmpi slt, %add3A_264, %add3A_58 : i32
      %convert_element_type3A_265 = arith.extui %lt3A : i1 to i32
      %cond3A_266 = arith.constant 0 : i32
      %cond3A_267 = arith.cmpi ne, %convert_element_type3A_265, %cond3A_266 : i32
      scf.if %cond3A_267 {
        %add3A_284 = arith.constant 2 : i32
        %add3A_285 = arith.addi %add3A_264, %add3A_284 : i32
        %lt3A_286 = arith.cmpi slt, %add3A_285, %add3A_58 : i32
        %convert_element_type3A_287 = arith.extui %lt3A_286 : i1 to i32
        %cond3A_288 = arith.constant 0 : i32
        %cond3A_289 = arith.cmpi ne, %convert_element_type3A_287, %cond3A_288 : i32
        scf.if %cond3A_289 {
          %add3A_337 = arith.constant 2 : i32
          %add3A_338 = arith.addi %add3A_264, %add3A_337 : i32
          %mul3A_339 = arith.constant 16 : i32
          %mul3A_340 = arith.muli %add3A_338, %mul3A_339 : i32
          %add3A_341 = arith.addi %arg1, %mul3A_340 : i32
          %mul3A_342 = arith.constant 64 : i32
          %mul3A_343 = arith.muli %add3A_341, %mul3A_342 : i32
          %dma_start3A_344 = arith.constant 2 : i32
          %dma_start3A_345 = arith.constant 0 : i32
          %dma_start3A_346 = tpu.memref_slice %arg8[%dma_start3A_344, %dma_start3A_345] : memref<3x64xi32, #tpu.memory_space<vmem>> -> memref<1x64xi32, #tpu.memory_space<vmem>>
          %dma_start3A_347 = tpu.memref_squeeze %dma_start3A_346 : memref<1x64xi32, #tpu.memory_space<vmem>> -> memref<64xi32, #tpu.memory_space<vmem>>
          %dma_start3A_348 = tpu.memref_slice %arg4[%mul3A_343] : memref<160000xi32, #tpu.memory_space<hbm>> -> memref<64xi32, #tpu.memory_space<hbm>>
          %dma_start3A_349 = arith.constant 0 : i32
          %dma_start3A_350 = tpu.memref_slice %arg8[%dma_start3A_344, %dma_start3A_349] : memref<3x64xi32, #tpu.memory_space<vmem>> -> memref<1x64xi32, #tpu.memory_space<vmem>>
          %dma_start3A_351 = tpu.memref_squeeze %dma_start3A_350 : memref<1x64xi32, #tpu.memory_space<vmem>> -> memref<64xi32, #tpu.memory_space<vmem>>
          %dma_start3A_352 = tpu.memref_slice %arg4[%mul3A_343] : memref<160000xi32, #tpu.memory_space<hbm>> -> memref<64xi32, #tpu.memory_space<hbm>>
          tpu.enqueue_dma source(%dma_start3A_352 : memref<64xi32, #tpu.memory_space<hbm>>) target(%dma_start3A_351 : memref<64xi32, #tpu.memory_space<vmem>>) target_semaphore(%arg25 : memref<!tpu.dma_semaphore, #tpu.memory_space<semaphore_mem>>)
          %dma_start3A_353 = arith.constant 2 : i32
          %dma_start3A_354 = arith.constant 0 : i32
          %dma_start3A_355 = tpu.memref_slice %arg9[%dma_start3A_353, %dma_start3A_354] : memref<3x64xi32, #tpu.memory_space<vmem>> -> memref<1x64xi32, #tpu.memory_space<vmem>>
          %dma_start3A_356 = tpu.memref_squeeze %dma_start3A_355 : memref<1x64xi32, #tpu.memory_space<vmem>> -> memref<64xi32, #tpu.memory_space<vmem>>
          %dma_start3A_357 = tpu.memref_slice %arg5[%mul3A_343] : memref<160000xi32, #tpu.memory_space<hbm>> -> memref<64xi32, #tpu.memory_space<hbm>>
          %dma_start3A_358 = arith.constant 0 : i32
          %dma_start3A_359 = tpu.memref_slice %arg9[%dma_start3A_353, %dma_start3A_358] : memref<3x64xi32, #tpu.memory_space<vmem>> -> memref<1x64xi32, #tpu.memory_space<vmem>>
          %dma_start3A_360 = tpu.memref_squeeze %dma_start3A_359 : memref<1x64xi32, #tpu.memory_space<vmem>> -> memref<64xi32, #tpu.memory_space<vmem>>
          %dma_start3A_361 = tpu.memref_slice %arg5[%mul3A_343] : memref<160000xi32, #tpu.memory_space<hbm>> -> memref<64xi32, #tpu.memory_space<hbm>>
          tpu.enqueue_dma source(%dma_start3A_361 : memref<64xi32, #tpu.memory_space<hbm>>) target(%dma_start3A_360 : memref<64xi32, #tpu.memory_space<vmem>>) target_semaphore(%arg28 : memref<!tpu.dma_semaphore, #tpu.memory_space<semaphore_mem>>)
        } else {
        }
        %add3A_290 = arith.constant 1 : i32
        %add3A_291 = arith.addi %add3A_264, %add3A_290 : i32
        %lt3A_292 = arith.cmpi slt, %add3A_291, %add3A_58 : i32
        %convert_element_type3A_293 = arith.extui %lt3A_292 : i1 to i32
        %cond3A_294 = arith.constant 0 : i32
        %cond3A_295 = arith.cmpi ne, %convert_element_type3A_293, %cond3A_294 : i32
        scf.if %cond3A_295 {
          %ge3A = arith.constant 2 : i32
          %ge3A_337 = arith.cmpi sge, %add3A_264, %ge3A : i32
          %convert_element_type3A_338 = arith.extui %ge3A_337 : i1 to i32
          %cond3A_339 = arith.constant 0 : i32
          %cond3A_340 = arith.cmpi ne, %convert_element_type3A_338, %cond3A_339 : i32
          scf.if %cond3A_340 {
            %dma_wait3A_466 = arith.constant 1 : i32
            %dma_wait3A_467 = arith.constant 1 : i32
            %dma_wait3A_468 = arith.constant 0 : i32
            %dma_wait3A_469 = arith.constant 0 : i32
            %dma_wait3A_470 = tpu.memref_slice %arg11[%dma_wait3A_466, %dma_wait3A_468, %dma_wait3A_469] : memref<3x64x128xf32, #tpu.memory_space<vmem>> -> memref<1x64x128xf32, #tpu.memory_space<vmem>>
            %dma_wait3A_471 = tpu.memref_squeeze %dma_wait3A_470 : memref<1x64x128xf32, #tpu.memory_space<vmem>> -> memref<64x128xf32, #tpu.memory_space<vmem>>
            %dma_wait3A_472 = arith.constant 0 : i32
            %dma_wait3A_473 = tpu.memref_slice %arg10[%dma_wait3A_467, %dma_wait3A_472] : memref<3x64xi32, #tpu.memory_space<vmem>> -> memref<1x64xi32, #tpu.memory_space<vmem>>
            %dma_wait3A_474 = tpu.memref_squeeze %dma_wait3A_473 : memref<1x64xi32, #tpu.memory_space<vmem>> -> memref<64xi32, #tpu.memory_space<vmem>>
            %dma_wait3A_475 = arith.constant 0 : i32
            %dma_wait3A_476 = arith.constant 0 : i32
            %dma_wait3A_477 = tpu.memref_slice %arg13[%dma_wait3A_475, %dma_wait3A_476] : memref<10000x128xf32, #tpu.memory_space<vmem_shared>> -> memref<10000x128xf32, #tpu.memory_space<vmem_shared>>
            tpu.wait_indirect_dma semaphore(%arg21 : memref<!tpu.dma_semaphore, #tpu.memory_space<semaphore_mem>>) src(%dma_wait3A_471 : memref<64x128xf32, #tpu.memory_space<vmem>>) dst(%dma_wait3A_477 : memref<10000x128xf32, #tpu.memory_space<vmem_shared>>)
          } else {
          }
          %add3A_341 = arith.constant 1 : i32
          %add3A_342 = arith.addi %add3A_264, %add3A_341 : i32
          %mul3A_343 = arith.constant 16 : i32
          %mul3A_344 = arith.muli %add3A_342, %mul3A_343 : i32
          %add3A_345 = arith.addi %arg1, %mul3A_344 : i32
          %mul3A_346 = arith.constant 64 : i32
          %mul3A_347 = arith.muli %add3A_345, %mul3A_346 : i32
          %dma_wait3A_348 = arith.constant 1 : i32
          %dma_wait3A_349 = arith.constant 0 : i32
          %dma_wait3A_350 = tpu.memref_slice %arg8[%dma_wait3A_348, %dma_wait3A_349] : memref<3x64xi32, #tpu.memory_space<vmem>> -> memref<1x64xi32, #tpu.memory_space<vmem>>
          %dma_wait3A_351 = tpu.memref_squeeze %dma_wait3A_350 : memref<1x64xi32, #tpu.memory_space<vmem>> -> memref<64xi32, #tpu.memory_space<vmem>>
          %dma_wait3A_352 = tpu.memref_slice %arg4[%mul3A_347] : memref<160000xi32, #tpu.memory_space<hbm>> -> memref<64xi32, #tpu.memory_space<hbm>>
          %dma_wait3A_353 = arith.constant 0 : i32
          %dma_wait3A_354 = tpu.memref_slice %arg8[%dma_wait3A_348, %dma_wait3A_353] : memref<3x64xi32, #tpu.memory_space<vmem>> -> memref<1x64xi32, #tpu.memory_space<vmem>>
          %dma_wait3A_355 = tpu.memref_squeeze %dma_wait3A_354 : memref<1x64xi32, #tpu.memory_space<vmem>> -> memref<64xi32, #tpu.memory_space<vmem>>
          %dma_wait3A_356 = tpu.memref_slice %arg4[%mul3A_347] : memref<160000xi32, #tpu.memory_space<hbm>> -> memref<64xi32, #tpu.memory_space<hbm>>
          tpu.wait_dma2 semaphore(%arg24 : memref<!tpu.dma_semaphore, #tpu.memory_space<semaphore_mem>>) src(%dma_wait3A_356 : memref<64xi32, #tpu.memory_space<hbm>>) dst(%dma_wait3A_355 : memref<64xi32, #tpu.memory_space<vmem>>)
          %dma_wait3A_357 = arith.constant 1 : i32
          %dma_wait3A_358 = arith.constant 0 : i32
          %dma_wait3A_359 = tpu.memref_slice %arg9[%dma_wait3A_357, %dma_wait3A_358] : memref<3x64xi32, #tpu.memory_space<vmem>> -> memref<1x64xi32, #tpu.memory_space<vmem>>
          %dma_wait3A_360 = tpu.memref_squeeze %dma_wait3A_359 : memref<1x64xi32, #tpu.memory_space<vmem>> -> memref<64xi32, #tpu.memory_space<vmem>>
          %dma_wait3A_361 = tpu.memref_slice %arg5[%mul3A_347] : memref<160000xi32, #tpu.memory_space<hbm>> -> memref<64xi32, #tpu.memory_space<hbm>>
          %dma_wait3A_362 = arith.constant 0 : i32
          %dma_wait3A_363 = tpu.memref_slice %arg9[%dma_wait3A_357, %dma_wait3A_362] : memref<3x64xi32, #tpu.memory_space<vmem>> -> memref<1x64xi32, #tpu.memory_space<vmem>>
          %dma_wait3A_364 = tpu.memref_squeeze %dma_wait3A_363 : memref<1x64xi32, #tpu.memory_space<vmem>> -> memref<64xi32, #tpu.memory_space<vmem>>
          %dma_wait3A_365 = tpu.memref_slice %arg5[%mul3A_347] : memref<160000xi32, #tpu.memory_space<hbm>> -> memref<64xi32, #tpu.memory_space<hbm>>
          tpu.wait_dma2 semaphore(%arg27 : memref<!tpu.dma_semaphore, #tpu.memory_space<semaphore_mem>>) src(%dma_wait3A_365 : memref<64xi32, #tpu.memory_space<hbm>>) dst(%dma_wait3A_364 : memref<64xi32, #tpu.memory_space<vmem>>)
          %get3A_366 = arith.constant 1 : i32
          %get3A_367 = arith.index_cast %get3A_366 : i32 to index
          %get3A_368 = arith.constant 0 : index
          %get3A_369 = tpu.vector_load %arg9[%get3A_367, %get3A_368] {strides = array<i32>} : memref<3x64xi32, #tpu.memory_space<vmem>>, vector<16xi32>,
          %add3A_370 = vector.broadcast %mul3A_0 : i32 to vector<16xi32>
          %add3A_371 = arith.addi %get3A_369, %add3A_370 : vector<16xi32>
          %swap3A_372 = arith.constant 1 : i32
          %swap3A_373 = arith.index_cast %swap3A_372 : i32 to index
          %swap3A_374 = arith.constant 0 : index
          %swap3A_375 = tpu.vector_load %arg9[%swap3A_373, %swap3A_374] {strides = array<i32>} : memref<3x64xi32, #tpu.memory_space<vmem>>, vector<16xi32>,
          tpu.vector_store %arg9[%swap3A_373, %swap3A_374], %add3A_371 {strides = array<i32>} : memref<3x64xi32, #tpu.memory_space<vmem>>, vector<16xi32>,
          %get3A_376 = arith.constant 1 : i32
          %get3A_377 = arith.index_cast %get3A_376 : i32 to index
          %get3A_378 = arith.constant 0 : index
          %get3A_379 = tpu.vector_load %arg8[%get3A_377, %get3A_378] {strides = array<i32>} : memref<3x64xi32, #tpu.memory_space<vmem>>, vector<16xi32>,
          %swap3A_380 = arith.constant 1 : i32
          %swap3A_381 = arith.index_cast %swap3A_380 : i32 to index
          %swap3A_382 = arith.constant 0 : index
          %swap3A_383 = tpu.vector_load %arg10[%swap3A_381, %swap3A_382] {strides = array<i32>} : memref<3x64xi32, #tpu.memory_space<vmem>>, vector<16xi32>,
          tpu.vector_store %arg10[%swap3A_381, %swap3A_382], %get3A_379 {strides = array<i32>} : memref<3x64xi32, #tpu.memory_space<vmem>>, vector<16xi32>,
          %get3A_384 = arith.constant 1 : i32
          %get3A_385 = arith.index_cast %get3A_384 : i32 to index
          %get3A_386 = arith.constant 16 : index
          %get3A_387 = tpu.vector_load %arg9[%get3A_385, %get3A_386] {strides = array<i32>} : memref<3x64xi32, #tpu.memory_space<vmem>>, vector<16xi32>,
          %add3A_388 = vector.broadcast %mul3A_0 : i32 to vector<16xi32>
          %add3A_389 = arith.addi %get3A_387, %add3A_388 : vector<16xi32>
          %swap3A_390 = arith.constant 1 : i32
          %swap3A_391 = arith.index_cast %swap3A_390 : i32 to index
          %swap3A_392 = arith.constant 16 : index
          %swap3A_393 = tpu.vector_load %arg9[%swap3A_391, %swap3A_392] {strides = array<i32>} : memref<3x64xi32, #tpu.memory_space<vmem>>, vector<16xi32>,
          tpu.vector_store %arg9[%swap3A_391, %swap3A_392], %add3A_389 {strides = array<i32>} : memref<3x64xi32, #tpu.memory_space<vmem>>, vector<16xi32>,
          %get3A_394 = arith.constant 1 : i32
          %get3A_395 = arith.index_cast %get3A_394 : i32 to index
          %get3A_396 = arith.constant 16 : index
          %get3A_397 = tpu.vector_load %arg8[%get3A_395, %get3A_396] {strides = array<i32>} : memref<3x64xi32, #tpu.memory_space<vmem>>, vector<16xi32>,
          %swap3A_398 = arith.constant 1 : i32
          %swap3A_399 = arith.index_cast %swap3A_398 : i32 to index
          %swap3A_400 = arith.constant 16 : index
          %swap3A_401 = tpu.vector_load %arg10[%swap3A_399, %swap3A_400] {strides = array<i32>} : memref<3x64xi32, #tpu.memory_space<vmem>>, vector<16xi32>,
          tpu.vector_store %arg10[%swap3A_399, %swap3A_400], %get3A_397 {strides = array<i32>} : memref<3x64xi32, #tpu.memory_space<vmem>>, vector<16xi32>,
          %get3A_402 = arith.constant 1 : i32
          %get3A_403 = arith.index_cast %get3A_402 : i32 to index
          %get3A_404 = arith.constant 32 : index
          %get3A_405 = tpu.vector_load %arg9[%get3A_403, %get3A_404] {strides = array<i32>} : memref<3x64xi32, #tpu.memory_space<vmem>>, vector<16xi32>,
          %add3A_406 = vector.broadcast %mul3A_0 : i32 to vector<16xi32>
          %add3A_407 = arith.addi %get3A_405, %add3A_406 : vector<16xi32>
          %swap3A_408 = arith.constant 1 : i32
          %swap3A_409 = arith.index_cast %swap3A_408 : i32 to index
          %swap3A_410 = arith.constant 32 : index
          %swap3A_411 = tpu.vector_load %arg9[%swap3A_409, %swap3A_410] {strides = array<i32>} : memref<3x64xi32, #tpu.memory_space<vmem>>, vector<16xi32>,
          tpu.vector_store %arg9[%swap3A_409, %swap3A_410], %add3A_407 {strides = array<i32>} : memref<3x64xi32, #tpu.memory_space<vmem>>, vector<16xi32>,
          %get3A_412 = arith.constant 1 : i32
          %get3A_413 = arith.index_cast %get3A_412 : i32 to index
          %get3A_414 = arith.constant 32 : index
          %get3A_415 = tpu.vector_load %arg8[%get3A_413, %get3A_414] {strides = array<i32>} : memref<3x64xi32, #tpu.memory_space<vmem>>, vector<16xi32>,
          %swap3A_416 = arith.constant 1 : i32
          %swap3A_417 = arith.index_cast %swap3A_416 : i32 to index
          %swap3A_418 = arith.constant 32 : index
          %swap3A_419 = tpu.vector_load %arg10[%swap3A_417, %swap3A_418] {strides = array<i32>} : memref<3x64xi32, #tpu.memory_space<vmem>>, vector<16xi32>,
          tpu.vector_store %arg10[%swap3A_417, %swap3A_418], %get3A_415 {strides = array<i32>} : memref<3x64xi32, #tpu.memory_space<vmem>>, vector<16xi32>,
          %get3A_420 = arith.constant 1 : i32
          %get3A_421 = arith.index_cast %get3A_420 : i32 to index
          %get3A_422 = arith.constant 48 : index
          %get3A_423 = tpu.vector_load %arg9[%get3A_421, %get3A_422] {strides = array<i32>} : memref<3x64xi32, #tpu.memory_space<vmem>>, vector<16xi32>,
          %add3A_424 = vector.broadcast %mul3A_0 : i32 to vector<16xi32>
          %add3A_425 = arith.addi %get3A_423, %add3A_424 : vector<16xi32>
          %swap3A_426 = arith.constant 1 : i32
          %swap3A_427 = arith.index_cast %swap3A_426 : i32 to index
          %swap3A_428 = arith.constant 48 : index
          %swap3A_429 = tpu.vector_load %arg9[%swap3A_427, %swap3A_428] {strides = array<i32>} : memref<3x64xi32, #tpu.memory_space<vmem>>, vector<16xi32>,
          tpu.vector_store %arg9[%swap3A_427, %swap3A_428], %add3A_425 {strides = array<i32>} : memref<3x64xi32, #tpu.memory_space<vmem>>, vector<16xi32>,
          %get3A_430 = arith.constant 1 : i32
          %get3A_431 = arith.index_cast %get3A_430 : i32 to index
          %get3A_432 = arith.constant 48 : index
          %get3A_433 = tpu.vector_load %arg8[%get3A_431, %get3A_432] {strides = array<i32>} : memref<3x64xi32, #tpu.memory_space<vmem>>, vector<16xi32>,
          %swap3A_434 = arith.constant 1 : i32
          %swap3A_435 = arith.index_cast %swap3A_434 : i32 to index
          %swap3A_436 = arith.constant 48 : index
          %swap3A_437 = tpu.vector_load %arg10[%swap3A_435, %swap3A_436] {strides = array<i32>} : memref<3x64xi32, #tpu.memory_space<vmem>>, vector<16xi32>,
          tpu.vector_store %arg10[%swap3A_435, %swap3A_436], %get3A_433 {strides = array<i32>} : memref<3x64xi32, #tpu.memory_space<vmem>>, vector<16xi32>,
          %dma_start3A_438 = arith.constant 1 : i32
          %dma_start3A_439 = arith.constant 1 : i32
          %dma_start3A_440 = arith.constant 0 : i32
          %dma_start3A_441 = arith.constant 0 : i32
          %dma_start3A_442 = tpu.memref_slice %arg11[%dma_start3A_439, %dma_start3A_440, %dma_start3A_441] : memref<3x64x128xf32, #tpu.memory_space<vmem>> -> memref<1x64x128xf32, #tpu.memory_space<vmem>>
          %dma_start3A_443 = tpu.memref_squeeze %dma_start3A_442 : memref<1x64x128xf32, #tpu.memory_space<vmem>> -> memref<64x128xf32, #tpu.memory_space<vmem>>
          %dma_start3A_444 = arith.constant 0 : i32
          %dma_start3A_445 = tpu.memref_slice %arg9[%dma_start3A_438, %dma_start3A_444] : memref<3x64xi32, #tpu.memory_space<vmem>> -> memref<1x64xi32, #tpu.memory_space<vmem>>
          %dma_start3A_446 = tpu.memref_squeeze %dma_start3A_445 : memref<1x64xi32, #tpu.memory_space<vmem>> -> memref<64xi32, #tpu.memory_space<vmem>>
          %dma_start3A_447 = arith.constant 0 : i32
          %dma_start3A_448 = arith.constant 0 : i32
          %dma_start3A_449 = tpu.memref_slice %arg2[%dma_start3A_447, %dma_start3A_448] : memref<20000x128xf32, #tpu.memory_space<hbm>> -> memref<20000x128xf32, #tpu.memory_space<hbm>>
          tpu.enqueue_indirect_dma source(%dma_start3A_449 : memref<20000x128xf32, #tpu.memory_space<hbm>>) target(%dma_start3A_443 : memref<64x128xf32, #tpu.memory_space<vmem>>) offsets(%dma_start3A_446 : memref<64xi32, #tpu.memory_space<vmem>>) semaphore(%arg15 : memref<!tpu.dma_semaphore, #tpu.memory_space<semaphore_mem>>)
          %mul3A_450 = arith.constant 160000 : i32
          %mul3A_451 = arith.muli %arg0, %mul3A_450 : i32
          %add3A_452 = arith.addi %mul3A_451, %mul3A_347 : i32
          %dma_start3A_453 = arith.constant 1 : i32
          %dma_start3A_454 = arith.constant 0 : i32
          %dma_start3A_455 = arith.constant 0 : i32
          %dma_start3A_456 = tpu.memref_slice %arg12[%dma_start3A_453, %dma_start3A_454, %dma_start3A_455] : memref<3x64x128xf32, #tpu.memory_space<vmem>> -> memref<1x64x128xf32, #tpu.memory_space<vmem>>
          %dma_start3A_457 = tpu.memref_squeeze %dma_start3A_456 : memref<1x64x128xf32, #tpu.memory_space<vmem>> -> memref<64x128xf32, #tpu.memory_space<vmem>>
          %dma_start3A_458 = arith.constant 0 : i32
          %dma_start3A_459 = tpu.memref_slice %arg3[%add3A_452, %dma_start3A_458] : memref<320000x128xf32, #tpu.memory_space<hbm>> -> memref<64x128xf32, #tpu.memory_space<hbm>>
          %dma_start3A_460 = arith.constant 0 : i32
          %dma_start3A_461 = arith.constant 0 : i32
          %dma_start3A_462 = tpu.memref_slice %arg12[%dma_start3A_453, %dma_start3A_460, %dma_start3A_461] : memref<3x64x128xf32, #tpu.memory_space<vmem>> -> memref<1x64x128xf32, #tpu.memory_space<vmem>>
          %dma_start3A_463 = tpu.memref_squeeze %dma_start3A_462 : memref<1x64x128xf32, #tpu.memory_space<vmem>> -> memref<64x128xf32, #tpu.memory_space<vmem>>
          %dma_start3A_464 = arith.constant 0 : i32
          %dma_start3A_465 = tpu.memref_slice %arg3[%add3A_452, %dma_start3A_464] : memref<320000x128xf32, #tpu.memory_space<hbm>> -> memref<64x128xf32, #tpu.memory_space<hbm>>
          tpu.enqueue_dma source(%dma_start3A_465 : memref<64x128xf32, #tpu.memory_space<hbm>>) target(%dma_start3A_463 : memref<64x128xf32, #tpu.memory_space<vmem>>) target_semaphore(%arg18 : memref<!tpu.dma_semaphore, #tpu.memory_space<semaphore_mem>>)
        } else {
        }
        %dma_wait3A_296 = arith.constant 0 : i32
        %dma_wait3A_297 = arith.constant 0 : i32
        %dma_wait3A_298 = arith.constant 0 : i32
        %dma_wait3A_299 = arith.constant 0 : i32
        %dma_wait3A_300 = tpu.memref_slice %arg11[%dma_wait3A_297, %dma_wait3A_298, %dma_wait3A_299] : memref<3x64x128xf32, #tpu.memory_space<vmem>> -> memref<1x64x128xf32, #tpu.memory_space<vmem>>
        %dma_wait3A_301 = tpu.memref_squeeze %dma_wait3A_300 : memref<1x64x128xf32, #tpu.memory_space<vmem>> -> memref<64x128xf32, #tpu.memory_space<vmem>>
        %dma_wait3A_302 = arith.constant 0 : i32
        %dma_wait3A_303 = tpu.memref_slice %arg9[%dma_wait3A_296, %dma_wait3A_302] : memref<3x64xi32, #tpu.memory_space<vmem>> -> memref<1x64xi32, #tpu.memory_space<vmem>>
        %dma_wait3A_304 = tpu.memref_squeeze %dma_wait3A_303 : memref<1x64xi32, #tpu.memory_space<vmem>> -> memref<64xi32, #tpu.memory_space<vmem>>
        %dma_wait3A_305 = arith.constant 0 : i32
        %dma_wait3A_306 = arith.constant 0 : i32
        %dma_wait3A_307 = tpu.memref_slice %arg2[%dma_wait3A_305, %dma_wait3A_306] : memref<20000x128xf32, #tpu.memory_space<hbm>> -> memref<20000x128xf32, #tpu.memory_space<hbm>>
        tpu.wait_indirect_dma semaphore(%arg14 : memref<!tpu.dma_semaphore, #tpu.memory_space<semaphore_mem>>) src(%dma_wait3A_307 : memref<20000x128xf32, #tpu.memory_space<hbm>>) dst(%dma_wait3A_301 : memref<64x128xf32, #tpu.memory_space<vmem>>)
        %dma_wait3A_308 = arith.constant 0 : i32
        %dma_wait3A_309 = arith.constant 0 : i32
        %dma_wait3A_310 = arith.constant 0 : i32
        %dma_wait3A_311 = tpu.memref_slice %arg12[%dma_wait3A_308, %dma_wait3A_309, %dma_wait3A_310] : memref<3x64x128xf32, #tpu.memory_space<vmem>> -> memref<1x64x128xf32, #tpu.memory_space<vmem>>
        %dma_wait3A_312 = tpu.memref_squeeze %dma_wait3A_311 : memref<1x64x128xf32, #tpu.memory_space<vmem>> -> memref<64x128xf32, #tpu.memory_space<vmem>>
        %dma_wait3A_313 = arith.constant 0 : i32
        %dma_wait3A_314 = arith.constant 0 : i32
        %dma_wait3A_315 = tpu.memref_slice %arg3[%dma_wait3A_313, %dma_wait3A_314] : memref<320000x128xf32, #tpu.memory_space<hbm>> -> memref<64x128xf32, #tpu.memory_space<hbm>>
        %dma_wait3A_316 = arith.constant 0 : i32
        %dma_wait3A_317 = arith.constant 0 : i32
        %dma_wait3A_318 = tpu.memref_slice %arg12[%dma_wait3A_308, %dma_wait3A_316, %dma_wait3A_317] : memref<3x64x128xf32, #tpu.memory_space<vmem>> -> memref<1x64x128xf32, #tpu.memory_space<vmem>>
        %dma_wait3A_319 = tpu.memref_squeeze %dma_wait3A_318 : memref<1x64x128xf32, #tpu.memory_space<vmem>> -> memref<64x128xf32, #tpu.memory_space<vmem>>
        %dma_wait3A_320 = arith.constant 0 : i32
        %dma_wait3A_321 = arith.constant 0 : i32
        %dma_wait3A_322 = tpu.memref_slice %arg3[%dma_wait3A_320, %dma_wait3A_321] : memref<320000x128xf32, #tpu.memory_space<hbm>> -> memref<64x128xf32, #tpu.memory_space<hbm>>
        tpu.wait_dma2 semaphore(%arg17 : memref<!tpu.dma_semaphore, #tpu.memory_space<semaphore_mem>>) src(%dma_wait3A_322 : memref<64x128xf32, #tpu.memory_space<hbm>>) dst(%dma_wait3A_319 : memref<64x128xf32, #tpu.memory_space<vmem>>)
        %parallel_loop3A = arith.constant 0 : i32
        %parallel_loop3A_323 = arith.constant 64 : i32
        %parallel_loop3A_324 = arith.constant 1 : i32
        scf.for %parallel_loop3A_337 = %parallel_loop3A to %parallel_loop3A_323 step %parallel_loop3A_324  : i32 {
          %parallel_loop3A_338 = arith.constant 0 : i32
          %parallel_loop3A_339 = arith.index_cast %parallel_loop3A_338 : i32 to index
          %parallel_loop3A_340 = arith.index_cast %parallel_loop3A_337 : i32 to index
          %parallel_loop3A_341 = arith.constant 0 : index
          %parallel_loop3A_342 = tpu.vector_load %arg11[%parallel_loop3A_339, %parallel_loop3A_340, %parallel_loop3A_341] {strides = array<i32>} : memref<3x64x128xf32, #tpu.memory_space<vmem>>, vector<16xf32>,
          %parallel_loop3A_343 = arith.constant 0 : i32
          %parallel_loop3A_344 = arith.index_cast %parallel_loop3A_343 : i32 to index
          %parallel_loop3A_345 = arith.index_cast %parallel_loop3A_337 : i32 to index
          %parallel_loop3A_346 = arith.constant 0 : index
          %parallel_loop3A_347 = tpu.vector_load %arg12[%parallel_loop3A_344, %parallel_loop3A_345, %parallel_loop3A_346] {strides = array<i32>} : memref<3x64x128xf32, #tpu.memory_space<vmem>>, vector<16xf32>,
          %parallel_loop3A_348 = arith.mulf %parallel_loop3A_342, %parallel_loop3A_347 : vector<16xf32>
          %parallel_loop3A_349 = arith.constant 0 : i32
          %parallel_loop3A_350 = arith.index_cast %parallel_loop3A_349 : i32 to index
          %parallel_loop3A_351 = arith.index_cast %parallel_loop3A_337 : i32 to index
          %parallel_loop3A_352 = arith.constant 0 : index
          %parallel_loop3A_353 = tpu.vector_load %arg11[%parallel_loop3A_350, %parallel_loop3A_351, %parallel_loop3A_352] {strides = array<i32>} : memref<3x64x128xf32, #tpu.memory_space<vmem>>, vector<16xf32>,
          tpu.vector_store %arg11[%parallel_loop3A_350, %parallel_loop3A_351, %parallel_loop3A_352], %parallel_loop3A_348 {strides = array<i32>} : memref<3x64x128xf32, #tpu.memory_space<vmem>>, vector<16xf32>,
          %parallel_loop3A_354 = arith.constant 0 : i32
          %parallel_loop3A_355 = arith.index_cast %parallel_loop3A_354 : i32 to index
          %parallel_loop3A_356 = arith.index_cast %parallel_loop3A_337 : i32 to index
          %parallel_loop3A_357 = arith.constant 16 : index
          %parallel_loop3A_358 = tpu.vector_load %arg11[%parallel_loop3A_355, %parallel_loop3A_356, %parallel_loop3A_357] {strides = array<i32>} : memref<3x64x128xf32, #tpu.memory_space<vmem>>, vector<16xf32>,
          %parallel_loop3A_359 = arith.constant 0 : i32
          %parallel_loop3A_360 = arith.index_cast %parallel_loop3A_359 : i32 to index
          %parallel_loop3A_361 = arith.index_cast %parallel_loop3A_337 : i32 to index
          %parallel_loop3A_362 = arith.constant 16 : index
          %parallel_loop3A_363 = tpu.vector_load %arg12[%parallel_loop3A_360, %parallel_loop3A_361, %parallel_loop3A_362] {strides = array<i32>} : memref<3x64x128xf32, #tpu.memory_space<vmem>>, vector<16xf32>,
          %parallel_loop3A_364 = arith.mulf %parallel_loop3A_358, %parallel_loop3A_363 : vector<16xf32>
          %parallel_loop3A_365 = arith.constant 0 : i32
          %parallel_loop3A_366 = arith.index_cast %parallel_loop3A_365 : i32 to index
          %parallel_loop3A_367 = arith.index_cast %parallel_loop3A_337 : i32 to index
          %parallel_loop3A_368 = arith.constant 16 : index
          %parallel_loop3A_369 = tpu.vector_load %arg11[%parallel_loop3A_366, %parallel_loop3A_367, %parallel_loop3A_368] {strides = array<i32>} : memref<3x64x128xf32, #tpu.memory_space<vmem>>, vector<16xf32>,
          tpu.vector_store %arg11[%parallel_loop3A_366, %parallel_loop3A_367, %parallel_loop3A_368], %parallel_loop3A_364 {strides = array<i32>} : memref<3x64x128xf32, #tpu.memory_space<vmem>>, vector<16xf32>,
          %parallel_loop3A_370 = arith.constant 0 : i32
          %parallel_loop3A_371 = arith.index_cast %parallel_loop3A_370 : i32 to index
          %parallel_loop3A_372 = arith.index_cast %parallel_loop3A_337 : i32 to index
          %parallel_loop3A_373 = arith.constant 32 : index
          %parallel_loop3A_374 = tpu.vector_load %arg11[%parallel_loop3A_371, %parallel_loop3A_372, %parallel_loop3A_373] {strides = array<i32>} : memref<3x64x128xf32, #tpu.memory_space<vmem>>, vector<16xf32>,
          %parallel_loop3A_375 = arith.constant 0 : i32
          %parallel_loop3A_376 = arith.index_cast %parallel_loop3A_375 : i32 to index
          %parallel_loop3A_377 = arith.index_cast %parallel_loop3A_337 : i32 to index
          %parallel_loop3A_378 = arith.constant 32 : index
          %parallel_loop3A_379 = tpu.vector_load %arg12[%parallel_loop3A_376, %parallel_loop3A_377, %parallel_loop3A_378] {strides = array<i32>} : memref<3x64x128xf32, #tpu.memory_space<vmem>>, vector<16xf32>,
          %parallel_loop3A_380 = arith.mulf %parallel_loop3A_374, %parallel_loop3A_379 : vector<16xf32>
          %parallel_loop3A_381 = arith.constant 0 : i32
          %parallel_loop3A_382 = arith.index_cast %parallel_loop3A_381 : i32 to index
          %parallel_loop3A_383 = arith.index_cast %parallel_loop3A_337 : i32 to index
          %parallel_loop3A_384 = arith.constant 32 : index
          %parallel_loop3A_385 = tpu.vector_load %arg11[%parallel_loop3A_382, %parallel_loop3A_383, %parallel_loop3A_384] {strides = array<i32>} : memref<3x64x128xf32, #tpu.memory_space<vmem>>, vector<16xf32>,
          tpu.vector_store %arg11[%parallel_loop3A_382, %parallel_loop3A_383, %parallel_loop3A_384], %parallel_loop3A_380 {strides = array<i32>} : memref<3x64x128xf32, #tpu.memory_space<vmem>>, vector<16xf32>,
          %parallel_loop3A_386 = arith.constant 0 : i32
          %parallel_loop3A_387 = arith.index_cast %parallel_loop3A_386 : i32 to index
          %parallel_loop3A_388 = arith.index_cast %parallel_loop3A_337 : i32 to index
          %parallel_loop3A_389 = arith.constant 48 : index
          %parallel_loop3A_390 = tpu.vector_load %arg11[%parallel_loop3A_387, %parallel_loop3A_388, %parallel_loop3A_389] {strides = array<i32>} : memref<3x64x128xf32, #tpu.memory_space<vmem>>, vector<16xf32>,
          %parallel_loop3A_391 = arith.constant 0 : i32
          %parallel_loop3A_392 = arith.index_cast %parallel_loop3A_391 : i32 to index
          %parallel_loop3A_393 = arith.index_cast %parallel_loop3A_337 : i32 to index
          %parallel_loop3A_394 = arith.constant 48 : index
          %parallel_loop3A_395 = tpu.vector_load %arg12[%parallel_loop3A_392, %parallel_loop3A_393, %parallel_loop3A_394] {strides = array<i32>} : memref<3x64x128xf32, #tpu.memory_space<vmem>>, vector<16xf32>,
          %parallel_loop3A_396 = arith.mulf %parallel_loop3A_390, %parallel_loop3A_395 : vector<16xf32>
          %parallel_loop3A_397 = arith.constant 0 : i32
          %parallel_loop3A_398 = arith.index_cast %parallel_loop3A_397 : i32 to index
          %parallel_loop3A_399 = arith.index_cast %parallel_loop3A_337 : i32 to index
          %parallel_loop3A_400 = arith.constant 48 : index
          %parallel_loop3A_401 = tpu.vector_load %arg11[%parallel_loop3A_398, %parallel_loop3A_399, %parallel_loop3A_400] {strides = array<i32>} : memref<3x64x128xf32, #tpu.memory_space<vmem>>, vector<16xf32>,
          tpu.vector_store %arg11[%parallel_loop3A_398, %parallel_loop3A_399, %parallel_loop3A_400], %parallel_loop3A_396 {strides = array<i32>} : memref<3x64x128xf32, #tpu.memory_space<vmem>>, vector<16xf32>,
          %parallel_loop3A_402 = arith.constant 0 : i32
          %parallel_loop3A_403 = arith.index_cast %parallel_loop3A_402 : i32 to index
          %parallel_loop3A_404 = arith.index_cast %parallel_loop3A_337 : i32 to index
          %parallel_loop3A_405 = arith.constant 64 : index
          %parallel_loop3A_406 = tpu.vector_load %arg11[%parallel_loop3A_403, %parallel_loop3A_404, %parallel_loop3A_405] {strides = array<i32>} : memref<3x64x128xf32, #tpu.memory_space<vmem>>, vector<16xf32>,
          %parallel_loop3A_407 = arith.constant 0 : i32
          %parallel_loop3A_408 = arith.index_cast %parallel_loop3A_407 : i32 to index
          %parallel_loop3A_409 = arith.index_cast %parallel_loop3A_337 : i32 to index
          %parallel_loop3A_410 = arith.constant 64 : index
          %parallel_loop3A_411 = tpu.vector_load %arg12[%parallel_loop3A_408, %parallel_loop3A_409, %parallel_loop3A_410] {strides = array<i32>} : memref<3x64x128xf32, #tpu.memory_space<vmem>>, vector<16xf32>,
          %parallel_loop3A_412 = arith.mulf %parallel_loop3A_406, %parallel_loop3A_411 : vector<16xf32>
          %parallel_loop3A_413 = arith.constant 0 : i32
          %parallel_loop3A_414 = arith.index_cast %parallel_loop3A_413 : i32 to index
          %parallel_loop3A_415 = arith.index_cast %parallel_loop3A_337 : i32 to index
          %parallel_loop3A_416 = arith.constant 64 : index
          %parallel_loop3A_417 = tpu.vector_load %arg11[%parallel_loop3A_414, %parallel_loop3A_415, %parallel_loop3A_416] {strides = array<i32>} : memref<3x64x128xf32, #tpu.memory_space<vmem>>, vector<16xf32>,
          tpu.vector_store %arg11[%parallel_loop3A_414, %parallel_loop3A_415, %parallel_loop3A_416], %parallel_loop3A_412 {strides = array<i32>} : memref<3x64x128xf32, #tpu.memory_space<vmem>>, vector<16xf32>,
          %parallel_loop3A_418 = arith.constant 0 : i32
          %parallel_loop3A_419 = arith.index_cast %parallel_loop3A_418 : i32 to index
          %parallel_loop3A_420 = arith.index_cast %parallel_loop3A_337 : i32 to index
          %parallel_loop3A_421 = arith.constant 80 : index
          %parallel_loop3A_422 = tpu.vector_load %arg11[%parallel_loop3A_419, %parallel_loop3A_420, %parallel_loop3A_421] {strides = array<i32>} : memref<3x64x128xf32, #tpu.memory_space<vmem>>, vector<16xf32>,
          %parallel_loop3A_423 = arith.constant 0 : i32
          %parallel_loop3A_424 = arith.index_cast %parallel_loop3A_423 : i32 to index
          %parallel_loop3A_425 = arith.index_cast %parallel_loop3A_337 : i32 to index
          %parallel_loop3A_426 = arith.constant 80 : index
          %parallel_loop3A_427 = tpu.vector_load %arg12[%parallel_loop3A_424, %parallel_loop3A_425, %parallel_loop3A_426] {strides = array<i32>} : memref<3x64x128xf32, #tpu.memory_space<vmem>>, vector<16xf32>,
          %parallel_loop3A_428 = arith.mulf %parallel_loop3A_422, %parallel_loop3A_427 : vector<16xf32>
          %parallel_loop3A_429 = arith.constant 0 : i32
          %parallel_loop3A_430 = arith.index_cast %parallel_loop3A_429 : i32 to index
          %parallel_loop3A_431 = arith.index_cast %parallel_loop3A_337 : i32 to index
          %parallel_loop3A_432 = arith.constant 80 : index
          %parallel_loop3A_433 = tpu.vector_load %arg11[%parallel_loop3A_430, %parallel_loop3A_431, %parallel_loop3A_432] {strides = array<i32>} : memref<3x64x128xf32, #tpu.memory_space<vmem>>, vector<16xf32>,
          tpu.vector_store %arg11[%parallel_loop3A_430, %parallel_loop3A_431, %parallel_loop3A_432], %parallel_loop3A_428 {strides = array<i32>} : memref<3x64x128xf32, #tpu.memory_space<vmem>>, vector<16xf32>,
          %parallel_loop3A_434 = arith.constant 0 : i32
          %parallel_loop3A_435 = arith.index_cast %parallel_loop3A_434 : i32 to index
          %parallel_loop3A_436 = arith.index_cast %parallel_loop3A_337 : i32 to index
          %parallel_loop3A_437 = arith.constant 96 : index
          %parallel_loop3A_438 = tpu.vector_load %arg11[%parallel_loop3A_435, %parallel_loop3A_436, %parallel_loop3A_437] {strides = array<i32>} : memref<3x64x128xf32, #tpu.memory_space<vmem>>, vector<16xf32>,
          %parallel_loop3A_439 = arith.constant 0 : i32
          %parallel_loop3A_440 = arith.index_cast %parallel_loop3A_439 : i32 to index
          %parallel_loop3A_441 = arith.index_cast %parallel_loop3A_337 : i32 to index
          %parallel_loop3A_442 = arith.constant 96 : index
          %parallel_loop3A_443 = tpu.vector_load %arg12[%parallel_loop3A_440, %parallel_loop3A_441, %parallel_loop3A_442] {strides = array<i32>} : memref<3x64x128xf32, #tpu.memory_space<vmem>>, vector<16xf32>,
          %parallel_loop3A_444 = arith.mulf %parallel_loop3A_438, %parallel_loop3A_443 : vector<16xf32>
          %parallel_loop3A_445 = arith.constant 0 : i32
          %parallel_loop3A_446 = arith.index_cast %parallel_loop3A_445 : i32 to index
          %parallel_loop3A_447 = arith.index_cast %parallel_loop3A_337 : i32 to index
          %parallel_loop3A_448 = arith.constant 96 : index
          %parallel_loop3A_449 = tpu.vector_load %arg11[%parallel_loop3A_446, %parallel_loop3A_447, %parallel_loop3A_448] {strides = array<i32>} : memref<3x64x128xf32, #tpu.memory_space<vmem>>, vector<16xf32>,
          tpu.vector_store %arg11[%parallel_loop3A_446, %parallel_loop3A_447, %parallel_loop3A_448], %parallel_loop3A_444 {strides = array<i32>} : memref<3x64x128xf32, #tpu.memory_space<vmem>>, vector<16xf32>,
          %parallel_loop3A_450 = arith.constant 0 : i32
          %parallel_loop3A_451 = arith.index_cast %parallel_loop3A_450 : i32 to index
          %parallel_loop3A_452 = arith.index_cast %parallel_loop3A_337 : i32 to index
          %parallel_loop3A_453 = arith.constant 112 : index
          %parallel_loop3A_454 = tpu.vector_load %arg11[%parallel_loop3A_451, %parallel_loop3A_452, %parallel_loop3A_453] {strides = array<i32>} : memref<3x64x128xf32, #tpu.memory_space<vmem>>, vector<16xf32>,
          %parallel_loop3A_455 = arith.constant 0 : i32
          %parallel_loop3A_456 = arith.index_cast %parallel_loop3A_455 : i32 to index
          %parallel_loop3A_457 = arith.index_cast %parallel_loop3A_337 : i32 to index
          %parallel_loop3A_458 = arith.constant 112 : index
          %parallel_loop3A_459 = tpu.vector_load %arg12[%parallel_loop3A_456, %parallel_loop3A_457, %parallel_loop3A_458] {strides = array<i32>} : memref<3x64x128xf32, #tpu.memory_space<vmem>>, vector<16xf32>,
          %parallel_loop3A_460 = arith.mulf %parallel_loop3A_454, %parallel_loop3A_459 : vector<16xf32>
          %parallel_loop3A_461 = arith.constant 0 : i32
          %parallel_loop3A_462 = arith.index_cast %parallel_loop3A_461 : i32 to index
          %parallel_loop3A_463 = arith.index_cast %parallel_loop3A_337 : i32 to index
          %parallel_loop3A_464 = arith.constant 112 : index
          %parallel_loop3A_465 = tpu.vector_load %arg11[%parallel_loop3A_462, %parallel_loop3A_463, %parallel_loop3A_464] {strides = array<i32>} : memref<3x64x128xf32, #tpu.memory_space<vmem>>, vector<16xf32>,
          tpu.vector_store %arg11[%parallel_loop3A_462, %parallel_loop3A_463, %parallel_loop3A_464], %parallel_loop3A_460 {strides = array<i32>} : memref<3x64x128xf32, #tpu.memory_space<vmem>>, vector<16xf32>,
        } {sc.loop_unroll_factor = 4 : i64, sc.parallel_access}
        %dma_start3A_325 = arith.constant 0 : i32
        %dma_start3A_326 = arith.constant 0 : i32
        %dma_start3A_327 = arith.constant 0 : i32
        %dma_start3A_328 = arith.constant 0 : i32
        %dma_start3A_329 = tpu.memref_slice %arg11[%dma_start3A_325, %dma_start3A_327, %dma_start3A_328] : memref<3x64x128xf32, #tpu.memory_space<vmem>> -> memref<1x64x128xf32, #tpu.memory_space<vmem>>
        %dma_start3A_330 = tpu.memref_squeeze %dma_start3A_329 : memref<1x64x128xf32, #tpu.memory_space<vmem>> -> memref<64x128xf32, #tpu.memory_space<vmem>>
        %dma_start3A_331 = arith.constant 0 : i32
        %dma_start3A_332 = tpu.memref_slice %arg10[%dma_start3A_326, %dma_start3A_331] : memref<3x64xi32, #tpu.memory_space<vmem>> -> memref<1x64xi32, #tpu.memory_space<vmem>>
        %dma_start3A_333 = tpu.memref_squeeze %dma_start3A_332 : memref<1x64xi32, #tpu.memory_space<vmem>> -> memref<64xi32, #tpu.memory_space<vmem>>
        %dma_start3A_334 = arith.constant 0 : i32
        %dma_start3A_335 = arith.constant 0 : i32
        %dma_start3A_336 = tpu.memref_slice %arg13[%dma_start3A_334, %dma_start3A_335] : memref<10000x128xf32, #tpu.memory_space<vmem_shared>> -> memref<10000x128xf32, #tpu.memory_space<vmem_shared>>
        tpu.enqueue_indirect_dma source(%dma_start3A_330 : memref<64x128xf32, #tpu.memory_space<vmem>>) target(%dma_start3A_336 : memref<10000x128xf32, #tpu.memory_space<vmem_shared>>) offsets(%dma_start3A_333 : memref<64xi32, #tpu.memory_space<vmem>>) semaphore(%arg20 : memref<!tpu.dma_semaphore, #tpu.memory_space<semaphore_mem>>) {add = true}
      } else {
      }
      %mul3A_268 = arith.constant 3 : i32
      %mul3A_269 = arith.muli %mul3A_268, %scan3A_260 : i32
      %add3A_270 = arith.constant 1 : i32
      %add3A_271 = arith.addi %mul3A_269, %add3A_270 : i32
      %lt3A_272 = arith.cmpi slt, %add3A_271, %add3A_58 : i32
      %convert_element_type3A_273 = arith.extui %lt3A_272 : i1 to i32
      %cond3A_274 = arith.constant 0 : i32
      %cond3A_275 = arith.cmpi ne, %convert_element_type3A_273, %cond3A_274 : i32
      scf.if %cond3A_275 {
        %add3A_284 = arith.constant 2 : i32
        %add3A_285 = arith.addi %add3A_271, %add3A_284 : i32
        %lt3A_286 = arith.cmpi slt, %add3A_285, %add3A_58 : i32
        %convert_element_type3A_287 = arith.extui %lt3A_286 : i1 to i32
        %cond3A_288 = arith.constant 0 : i32
        %cond3A_289 = arith.cmpi ne, %convert_element_type3A_287, %cond3A_288 : i32
        scf.if %cond3A_289 {
          %add3A_337 = arith.constant 2 : i32
          %add3A_338 = arith.addi %add3A_271, %add3A_337 : i32
          %mul3A_339 = arith.constant 16 : i32
          %mul3A_340 = arith.muli %add3A_338, %mul3A_339 : i32
          %add3A_341 = arith.addi %arg1, %mul3A_340 : i32
          %mul3A_342 = arith.constant 64 : i32
          %mul3A_343 = arith.muli %add3A_341, %mul3A_342 : i32
          %dma_start3A_344 = arith.constant 0 : i32
          %dma_start3A_345 = arith.constant 0 : i32
          %dma_start3A_346 = tpu.memref_slice %arg8[%dma_start3A_344, %dma_start3A_345] : memref<3x64xi32, #tpu.memory_space<vmem>> -> memref<1x64xi32, #tpu.memory_space<vmem>>
          %dma_start3A_347 = tpu.memref_squeeze %dma_start3A_346 : memref<1x64xi32, #tpu.memory_space<vmem>> -> memref<64xi32, #tpu.memory_space<vmem>>
          %dma_start3A_348 = tpu.memref_slice %arg4[%mul3A_343] : memref<160000xi32, #tpu.memory_space<hbm>> -> memref<64xi32, #tpu.memory_space<hbm>>
          %dma_start3A_349 = arith.constant 0 : i32
          %dma_start3A_350 = tpu.memref_slice %arg8[%dma_start3A_344, %dma_start3A_349] : memref<3x64xi32, #tpu.memory_space<vmem>> -> memref<1x64xi32, #tpu.memory_space<vmem>>
          %dma_start3A_351 = tpu.memref_squeeze %dma_start3A_350 : memref<1x64xi32, #tpu.memory_space<vmem>> -> memref<64xi32, #tpu.memory_space<vmem>>
          %dma_start3A_352 = tpu.memref_slice %arg4[%mul3A_343] : memref<160000xi32, #tpu.memory_space<hbm>> -> memref<64xi32, #tpu.memory_space<hbm>>
          tpu.enqueue_dma source(%dma_start3A_352 : memref<64xi32, #tpu.memory_space<hbm>>) target(%dma_start3A_351 : memref<64xi32, #tpu.memory_space<vmem>>) target_semaphore(%arg23 : memref<!tpu.dma_semaphore, #tpu.memory_space<semaphore_mem>>)
          %dma_start3A_353 = arith.constant 0 : i32
          %dma_start3A_354 = arith.constant 0 : i32
          %dma_start3A_355 = tpu.memref_slice %arg9[%dma_start3A_353, %dma_start3A_354] : memref<3x64xi32, #tpu.memory_space<vmem>> -> memref<1x64xi32, #tpu.memory_space<vmem>>
          %dma_start3A_356 = tpu.memref_squeeze %dma_start3A_355 : memref<1x64xi32, #tpu.memory_space<vmem>> -> memref<64xi32, #tpu.memory_space<vmem>>
          %dma_start3A_357 = tpu.memref_slice %arg5[%mul3A_343] : memref<160000xi32, #tpu.memory_space<hbm>> -> memref<64xi32, #tpu.memory_space<hbm>>
          %dma_start3A_358 = arith.constant 0 : i32
          %dma_start3A_359 = tpu.memref_slice %arg9[%dma_start3A_353, %dma_start3A_358] : memref<3x64xi32, #tpu.memory_space<vmem>> -> memref<1x64xi32, #tpu.memory_space<vmem>>
          %dma_start3A_360 = tpu.memref_squeeze %dma_start3A_359 : memref<1x64xi32, #tpu.memory_space<vmem>> -> memref<64xi32, #tpu.memory_space<vmem>>
          %dma_start3A_361 = tpu.memref_slice %arg5[%mul3A_343] : memref<160000xi32, #tpu.memory_space<hbm>> -> memref<64xi32, #tpu.memory_space<hbm>>
          tpu.enqueue_dma source(%dma_start3A_361 : memref<64xi32, #tpu.memory_space<hbm>>) target(%dma_start3A_360 : memref<64xi32, #tpu.memory_space<vmem>>) target_semaphore(%arg26 : memref<!tpu.dma_semaphore, #tpu.memory_space<semaphore_mem>>)
        } else {
        }
        %add3A_290 = arith.constant 1 : i32
        %add3A_291 = arith.addi %add3A_271, %add3A_290 : i32
        %lt3A_292 = arith.cmpi slt, %add3A_291, %add3A_58 : i32
        %convert_element_type3A_293 = arith.extui %lt3A_292 : i1 to i32
        %cond3A_294 = arith.constant 0 : i32
        %cond3A_295 = arith.cmpi ne, %convert_element_type3A_293, %cond3A_294 : i32
        scf.if %cond3A_295 {
          %ge3A = arith.constant 2 : i32
          %ge3A_337 = arith.cmpi sge, %add3A_271, %ge3A : i32
          %convert_element_type3A_338 = arith.extui %ge3A_337 : i1 to i32
          %cond3A_339 = arith.constant 0 : i32
          %cond3A_340 = arith.cmpi ne, %convert_element_type3A_338, %cond3A_339 : i32
          scf.if %cond3A_340 {
            %dma_wait3A_466 = arith.constant 2 : i32
            %dma_wait3A_467 = arith.constant 2 : i32
            %dma_wait3A_468 = arith.constant 0 : i32
            %dma_wait3A_469 = arith.constant 0 : i32
            %dma_wait3A_470 = tpu.memref_slice %arg11[%dma_wait3A_466, %dma_wait3A_468, %dma_wait3A_469] : memref<3x64x128xf32, #tpu.memory_space<vmem>> -> memref<1x64x128xf32, #tpu.memory_space<vmem>>
            %dma_wait3A_471 = tpu.memref_squeeze %dma_wait3A_470 : memref<1x64x128xf32, #tpu.memory_space<vmem>> -> memref<64x128xf32, #tpu.memory_space<vmem>>
            %dma_wait3A_472 = arith.constant 0 : i32
            %dma_wait3A_473 = tpu.memref_slice %arg10[%dma_wait3A_467, %dma_wait3A_472] : memref<3x64xi32, #tpu.memory_space<vmem>> -> memref<1x64xi32, #tpu.memory_space<vmem>>
            %dma_wait3A_474 = tpu.memref_squeeze %dma_wait3A_473 : memref<1x64xi32, #tpu.memory_space<vmem>> -> memref<64xi32, #tpu.memory_space<vmem>>
            %dma_wait3A_475 = arith.constant 0 : i32
            %dma_wait3A_476 = arith.constant 0 : i32
            %dma_wait3A_477 = tpu.memref_slice %arg13[%dma_wait3A_475, %dma_wait3A_476] : memref<10000x128xf32, #tpu.memory_space<vmem_shared>> -> memref<10000x128xf32, #tpu.memory_space<vmem_shared>>
            tpu.wait_indirect_dma semaphore(%arg22 : memref<!tpu.dma_semaphore, #tpu.memory_space<semaphore_mem>>) src(%dma_wait3A_471 : memref<64x128xf32, #tpu.memory_space<vmem>>) dst(%dma_wait3A_477 : memref<10000x128xf32, #tpu.memory_space<vmem_shared>>)
          } else {
          }
          %add3A_341 = arith.constant 1 : i32
          %add3A_342 = arith.addi %add3A_271, %add3A_341 : i32
          %mul3A_343 = arith.constant 16 : i32
          %mul3A_344 = arith.muli %add3A_342, %mul3A_343 : i32
          %add3A_345 = arith.addi %arg1, %mul3A_344 : i32
          %mul3A_346 = arith.constant 64 : i32
          %mul3A_347 = arith.muli %add3A_345, %mul3A_346 : i32
          %dma_wait3A_348 = arith.constant 2 : i32
          %dma_wait3A_349 = arith.constant 0 : i32
          %dma_wait3A_350 = tpu.memref_slice %arg8[%dma_wait3A_348, %dma_wait3A_349] : memref<3x64xi32, #tpu.memory_space<vmem>> -> memref<1x64xi32, #tpu.memory_space<vmem>>
          %dma_wait3A_351 = tpu.memref_squeeze %dma_wait3A_350 : memref<1x64xi32, #tpu.memory_space<vmem>> -> memref<64xi32, #tpu.memory_space<vmem>>
          %dma_wait3A_352 = tpu.memref_slice %arg4[%mul3A_347] : memref<160000xi32, #tpu.memory_space<hbm>> -> memref<64xi32, #tpu.memory_space<hbm>>
          %dma_wait3A_353 = arith.constant 0 : i32
          %dma_wait3A_354 = tpu.memref_slice %arg8[%dma_wait3A_348, %dma_wait3A_353] : memref<3x64xi32, #tpu.memory_space<vmem>> -> memref<1x64xi32, #tpu.memory_space<vmem>>
          %dma_wait3A_355 = tpu.memref_squeeze %dma_wait3A_354 : memref<1x64xi32, #tpu.memory_space<vmem>> -> memref<64xi32, #tpu.memory_space<vmem>>
          %dma_wait3A_356 = tpu.memref_slice %arg4[%mul3A_347] : memref<160000xi32, #tpu.memory_space<hbm>> -> memref<64xi32, #tpu.memory_space<hbm>>
          tpu.wait_dma2 semaphore(%arg25 : memref<!tpu.dma_semaphore, #tpu.memory_space<semaphore_mem>>) src(%dma_wait3A_356 : memref<64xi32, #tpu.memory_space<hbm>>) dst(%dma_wait3A_355 : memref<64xi32, #tpu.memory_space<vmem>>)
          %dma_wait3A_357 = arith.constant 2 : i32
          %dma_wait3A_358 = arith.constant 0 : i32
          %dma_wait3A_359 = tpu.memref_slice %arg9[%dma_wait3A_357, %dma_wait3A_358] : memref<3x64xi32, #tpu.memory_space<vmem>> -> memref<1x64xi32, #tpu.memory_space<vmem>>
          %dma_wait3A_360 = tpu.memref_squeeze %dma_wait3A_359 : memref<1x64xi32, #tpu.memory_space<vmem>> -> memref<64xi32, #tpu.memory_space<vmem>>
          %dma_wait3A_361 = tpu.memref_slice %arg5[%mul3A_347] : memref<160000xi32, #tpu.memory_space<hbm>> -> memref<64xi32, #tpu.memory_space<hbm>>
          %dma_wait3A_362 = arith.constant 0 : i32
          %dma_wait3A_363 = tpu.memref_slice %arg9[%dma_wait3A_357, %dma_wait3A_362] : memref<3x64xi32, #tpu.memory_space<vmem>> -> memref<1x64xi32, #tpu.memory_space<vmem>>
          %dma_wait3A_364 = tpu.memref_squeeze %dma_wait3A_363 : memref<1x64xi32, #tpu.memory_space<vmem>> -> memref<64xi32, #tpu.memory_space<vmem>>
          %dma_wait3A_365 = tpu.memref_slice %arg5[%mul3A_347] : memref<160000xi32, #tpu.memory_space<hbm>> -> memref<64xi32, #tpu.memory_space<hbm>>
          tpu.wait_dma2 semaphore(%arg28 : memref<!tpu.dma_semaphore, #tpu.memory_space<semaphore_mem>>) src(%dma_wait3A_365 : memref<64xi32, #tpu.memory_space<hbm>>) dst(%dma_wait3A_364 : memref<64xi32, #tpu.memory_space<vmem>>)
          %get3A_366 = arith.constant 2 : i32
          %get3A_367 = arith.index_cast %get3A_366 : i32 to index
          %get3A_368 = arith.constant 0 : index
          %get3A_369 = tpu.vector_load %arg9[%get3A_367, %get3A_368] {strides = array<i32>} : memref<3x64xi32, #tpu.memory_space<vmem>>, vector<16xi32>,
          %add3A_370 = vector.broadcast %mul3A_0 : i32 to vector<16xi32>
          %add3A_371 = arith.addi %get3A_369, %add3A_370 : vector<16xi32>
          %swap3A_372 = arith.constant 2 : i32
          %swap3A_373 = arith.index_cast %swap3A_372 : i32 to index
          %swap3A_374 = arith.constant 0 : index
          %swap3A_375 = tpu.vector_load %arg9[%swap3A_373, %swap3A_374] {strides = array<i32>} : memref<3x64xi32, #tpu.memory_space<vmem>>, vector<16xi32>,
          tpu.vector_store %arg9[%swap3A_373, %swap3A_374], %add3A_371 {strides = array<i32>} : memref<3x64xi32, #tpu.memory_space<vmem>>, vector<16xi32>,
          %get3A_376 = arith.constant 2 : i32
          %get3A_377 = arith.index_cast %get3A_376 : i32 to index
          %get3A_378 = arith.constant 0 : index
          %get3A_379 = tpu.vector_load %arg8[%get3A_377, %get3A_378] {strides = array<i32>} : memref<3x64xi32, #tpu.memory_space<vmem>>, vector<16xi32>,
          %swap3A_380 = arith.constant 2 : i32
          %swap3A_381 = arith.index_cast %swap3A_380 : i32 to index
          %swap3A_382 = arith.constant 0 : index
          %swap3A_383 = tpu.vector_load %arg10[%swap3A_381, %swap3A_382] {strides = array<i32>} : memref<3x64xi32, #tpu.memory_space<vmem>>, vector<16xi32>,
          tpu.vector_store %arg10[%swap3A_381, %swap3A_382], %get3A_379 {strides = array<i32>} : memref<3x64xi32, #tpu.memory_space<vmem>>, vector<16xi32>,
          %get3A_384 = arith.constant 2 : i32
          %get3A_385 = arith.index_cast %get3A_384 : i32 to index
          %get3A_386 = arith.constant 16 : index
          %get3A_387 = tpu.vector_load %arg9[%get3A_385, %get3A_386] {strides = array<i32>} : memref<3x64xi32, #tpu.memory_space<vmem>>, vector<16xi32>,
          %add3A_388 = vector.broadcast %mul3A_0 : i32 to vector<16xi32>
          %add3A_389 = arith.addi %get3A_387, %add3A_388 : vector<16xi32>
          %swap3A_390 = arith.constant 2 : i32
          %swap3A_391 = arith.index_cast %swap3A_390 : i32 to index
          %swap3A_392 = arith.constant 16 : index
          %swap3A_393 = tpu.vector_load %arg9[%swap3A_391, %swap3A_392] {strides = array<i32>} : memref<3x64xi32, #tpu.memory_space<vmem>>, vector<16xi32>,
          tpu.vector_store %arg9[%swap3A_391, %swap3A_392], %add3A_389 {strides = array<i32>} : memref<3x64xi32, #tpu.memory_space<vmem>>, vector<16xi32>,
          %get3A_394 = arith.constant 2 : i32
          %get3A_395 = arith.index_cast %get3A_394 : i32 to index
          %get3A_396 = arith.constant 16 : index
          %get3A_397 = tpu.vector_load %arg8[%get3A_395, %get3A_396] {strides = array<i32>} : memref<3x64xi32, #tpu.memory_space<vmem>>, vector<16xi32>,
          %swap3A_398 = arith.constant 2 : i32
          %swap3A_399 = arith.index_cast %swap3A_398 : i32 to index
          %swap3A_400 = arith.constant 16 : index
          %swap3A_401 = tpu.vector_load %arg10[%swap3A_399, %swap3A_400] {strides = array<i32>} : memref<3x64xi32, #tpu.memory_space<vmem>>, vector<16xi32>,
          tpu.vector_store %arg10[%swap3A_399, %swap3A_400], %get3A_397 {strides = array<i32>} : memref<3x64xi32, #tpu.memory_space<vmem>>, vector<16xi32>,
          %get3A_402 = arith.constant 2 : i32
          %get3A_403 = arith.index_cast %get3A_402 : i32 to index
          %get3A_404 = arith.constant 32 : index
          %get3A_405 = tpu.vector_load %arg9[%get3A_403, %get3A_404] {strides = array<i32>} : memref<3x64xi32, #tpu.memory_space<vmem>>, vector<16xi32>,
          %add3A_406 = vector.broadcast %mul3A_0 : i32 to vector<16xi32>
          %add3A_407 = arith.addi %get3A_405, %add3A_406 : vector<16xi32>
          %swap3A_408 = arith.constant 2 : i32
          %swap3A_409 = arith.index_cast %swap3A_408 : i32 to index
          %swap3A_410 = arith.constant 32 : index
          %swap3A_411 = tpu.vector_load %arg9[%swap3A_409, %swap3A_410] {strides = array<i32>} : memref<3x64xi32, #tpu.memory_space<vmem>>, vector<16xi32>,
          tpu.vector_store %arg9[%swap3A_409, %swap3A_410], %add3A_407 {strides = array<i32>} : memref<3x64xi32, #tpu.memory_space<vmem>>, vector<16xi32>,
          %get3A_412 = arith.constant 2 : i32
          %get3A_413 = arith.index_cast %get3A_412 : i32 to index
          %get3A_414 = arith.constant 32 : index
          %get3A_415 = tpu.vector_load %arg8[%get3A_413, %get3A_414] {strides = array<i32>} : memref<3x64xi32, #tpu.memory_space<vmem>>, vector<16xi32>,
          %swap3A_416 = arith.constant 2 : i32
          %swap3A_417 = arith.index_cast %swap3A_416 : i32 to index
          %swap3A_418 = arith.constant 32 : index
          %swap3A_419 = tpu.vector_load %arg10[%swap3A_417, %swap3A_418] {strides = array<i32>} : memref<3x64xi32, #tpu.memory_space<vmem>>, vector<16xi32>,
          tpu.vector_store %arg10[%swap3A_417, %swap3A_418], %get3A_415 {strides = array<i32>} : memref<3x64xi32, #tpu.memory_space<vmem>>, vector<16xi32>,
          %get3A_420 = arith.constant 2 : i32
          %get3A_421 = arith.index_cast %get3A_420 : i32 to index
          %get3A_422 = arith.constant 48 : index
          %get3A_423 = tpu.vector_load %arg9[%get3A_421, %get3A_422] {strides = array<i32>} : memref<3x64xi32, #tpu.memory_space<vmem>>, vector<16xi32>,
          %add3A_424 = vector.broadcast %mul3A_0 : i32 to vector<16xi32>
          %add3A_425 = arith.addi %get3A_423, %add3A_424 : vector<16xi32>
          %swap3A_426 = arith.constant 2 : i32
          %swap3A_427 = arith.index_cast %swap3A_426 : i32 to index
          %swap3A_428 = arith.constant 48 : index
          %swap3A_429 = tpu.vector_load %arg9[%swap3A_427, %swap3A_428] {strides = array<i32>} : memref<3x64xi32, #tpu.memory_space<vmem>>, vector<16xi32>,
          tpu.vector_store %arg9[%swap3A_427, %swap3A_428], %add3A_425 {strides = array<i32>} : memref<3x64xi32, #tpu.memory_space<vmem>>, vector<16xi32>,
          %get3A_430 = arith.constant 2 : i32
          %get3A_431 = arith.index_cast %get3A_430 : i32 to index
          %get3A_432 = arith.constant 48 : index
          %get3A_433 = tpu.vector_load %arg8[%get3A_431, %get3A_432] {strides = array<i32>} : memref<3x64xi32, #tpu.memory_space<vmem>>, vector<16xi32>,
          %swap3A_434 = arith.constant 2 : i32
          %swap3A_435 = arith.index_cast %swap3A_434 : i32 to index
          %swap3A_436 = arith.constant 48 : index
          %swap3A_437 = tpu.vector_load %arg10[%swap3A_435, %swap3A_436] {strides = array<i32>} : memref<3x64xi32, #tpu.memory_space<vmem>>, vector<16xi32>,
          tpu.vector_store %arg10[%swap3A_435, %swap3A_436], %get3A_433 {strides = array<i32>} : memref<3x64xi32, #tpu.memory_space<vmem>>, vector<16xi32>,
          %dma_start3A_438 = arith.constant 2 : i32
          %dma_start3A_439 = arith.constant 2 : i32
          %dma_start3A_440 = arith.constant 0 : i32
          %dma_start3A_441 = arith.constant 0 : i32
          %dma_start3A_442 = tpu.memref_slice %arg11[%dma_start3A_439, %dma_start3A_440, %dma_start3A_441] : memref<3x64x128xf32, #tpu.memory_space<vmem>> -> memref<1x64x128xf32, #tpu.memory_space<vmem>>
          %dma_start3A_443 = tpu.memref_squeeze %dma_start3A_442 : memref<1x64x128xf32, #tpu.memory_space<vmem>> -> memref<64x128xf32, #tpu.memory_space<vmem>>
          %dma_start3A_444 = arith.constant 0 : i32
          %dma_start3A_445 = tpu.memref_slice %arg9[%dma_start3A_438, %dma_start3A_444] : memref<3x64xi32, #tpu.memory_space<vmem>> -> memref<1x64xi32, #tpu.memory_space<vmem>>
          %dma_start3A_446 = tpu.memref_squeeze %dma_start3A_445 : memref<1x64xi32, #tpu.memory_space<vmem>> -> memref<64xi32, #tpu.memory_space<vmem>>
          %dma_start3A_447 = arith.constant 0 : i32
          %dma_start3A_448 = arith.constant 0 : i32
          %dma_start3A_449 = tpu.memref_slice %arg2[%dma_start3A_447, %dma_start3A_448] : memref<20000x128xf32, #tpu.memory_space<hbm>> -> memref<20000x128xf32, #tpu.memory_space<hbm>>
          tpu.enqueue_indirect_dma source(%dma_start3A_449 : memref<20000x128xf32, #tpu.memory_space<hbm>>) target(%dma_start3A_443 : memref<64x128xf32, #tpu.memory_space<vmem>>) offsets(%dma_start3A_446 : memref<64xi32, #tpu.memory_space<vmem>>) semaphore(%arg16 : memref<!tpu.dma_semaphore, #tpu.memory_space<semaphore_mem>>)
          %mul3A_450 = arith.constant 160000 : i32
          %mul3A_451 = arith.muli %arg0, %mul3A_450 : i32
          %add3A_452 = arith.addi %mul3A_451, %mul3A_347 : i32
          %dma_start3A_453 = arith.constant 2 : i32
          %dma_start3A_454 = arith.constant 0 : i32
          %dma_start3A_455 = arith.constant 0 : i32
          %dma_start3A_456 = tpu.memref_slice %arg12[%dma_start3A_453, %dma_start3A_454, %dma_start3A_455] : memref<3x64x128xf32, #tpu.memory_space<vmem>> -> memref<1x64x128xf32, #tpu.memory_space<vmem>>
          %dma_start3A_457 = tpu.memref_squeeze %dma_start3A_456 : memref<1x64x128xf32, #tpu.memory_space<vmem>> -> memref<64x128xf32, #tpu.memory_space<vmem>>
          %dma_start3A_458 = arith.constant 0 : i32
          %dma_start3A_459 = tpu.memref_slice %arg3[%add3A_452, %dma_start3A_458] : memref<320000x128xf32, #tpu.memory_space<hbm>> -> memref<64x128xf32, #tpu.memory_space<hbm>>
          %dma_start3A_460 = arith.constant 0 : i32
          %dma_start3A_461 = arith.constant 0 : i32
          %dma_start3A_462 = tpu.memref_slice %arg12[%dma_start3A_453, %dma_start3A_460, %dma_start3A_461] : memref<3x64x128xf32, #tpu.memory_space<vmem>> -> memref<1x64x128xf32, #tpu.memory_space<vmem>>
          %dma_start3A_463 = tpu.memref_squeeze %dma_start3A_462 : memref<1x64x128xf32, #tpu.memory_space<vmem>> -> memref<64x128xf32, #tpu.memory_space<vmem>>
          %dma_start3A_464 = arith.constant 0 : i32
          %dma_start3A_465 = tpu.memref_slice %arg3[%add3A_452, %dma_start3A_464] : memref<320000x128xf32, #tpu.memory_space<hbm>> -> memref<64x128xf32, #tpu.memory_space<hbm>>
          tpu.enqueue_dma source(%dma_start3A_465 : memref<64x128xf32, #tpu.memory_space<hbm>>) target(%dma_start3A_463 : memref<64x128xf32, #tpu.memory_space<vmem>>) target_semaphore(%arg19 : memref<!tpu.dma_semaphore, #tpu.memory_space<semaphore_mem>>)
        } else {
        }
        %dma_wait3A_296 = arith.constant 1 : i32
        %dma_wait3A_297 = arith.constant 1 : i32
        %dma_wait3A_298 = arith.constant 0 : i32
        %dma_wait3A_299 = arith.constant 0 : i32
        %dma_wait3A_300 = tpu.memref_slice %arg11[%dma_wait3A_297, %dma_wait3A_298, %dma_wait3A_299] : memref<3x64x128xf32, #tpu.memory_space<vmem>> -> memref<1x64x128xf32, #tpu.memory_space<vmem>>
        %dma_wait3A_301 = tpu.memref_squeeze %dma_wait3A_300 : memref<1x64x128xf32, #tpu.memory_space<vmem>> -> memref<64x128xf32, #tpu.memory_space<vmem>>
        %dma_wait3A_302 = arith.constant 0 : i32
        %dma_wait3A_303 = tpu.memref_slice %arg9[%dma_wait3A_296, %dma_wait3A_302] : memref<3x64xi32, #tpu.memory_space<vmem>> -> memref<1x64xi32, #tpu.memory_space<vmem>>
        %dma_wait3A_304 = tpu.memref_squeeze %dma_wait3A_303 : memref<1x64xi32, #tpu.memory_space<vmem>> -> memref<64xi32, #tpu.memory_space<vmem>>
        %dma_wait3A_305 = arith.constant 0 : i32
        %dma_wait3A_306 = arith.constant 0 : i32
        %dma_wait3A_307 = tpu.memref_slice %arg2[%dma_wait3A_305, %dma_wait3A_306] : memref<20000x128xf32, #tpu.memory_space<hbm>> -> memref<20000x128xf32, #tpu.memory_space<hbm>>
        tpu.wait_indirect_dma semaphore(%arg15 : memref<!tpu.dma_semaphore, #tpu.memory_space<semaphore_mem>>) src(%dma_wait3A_307 : memref<20000x128xf32, #tpu.memory_space<hbm>>) dst(%dma_wait3A_301 : memref<64x128xf32, #tpu.memory_space<vmem>>)
        %dma_wait3A_308 = arith.constant 1 : i32
        %dma_wait3A_309 = arith.constant 0 : i32
        %dma_wait3A_310 = arith.constant 0 : i32
        %dma_wait3A_311 = tpu.memref_slice %arg12[%dma_wait3A_308, %dma_wait3A_309, %dma_wait3A_310] : memref<3x64x128xf32, #tpu.memory_space<vmem>> -> memref<1x64x128xf32, #tpu.memory_space<vmem>>
        %dma_wait3A_312 = tpu.memref_squeeze %dma_wait3A_311 : memref<1x64x128xf32, #tpu.memory_space<vmem>> -> memref<64x128xf32, #tpu.memory_space<vmem>>
        %dma_wait3A_313 = arith.constant 0 : i32
        %dma_wait3A_314 = arith.constant 0 : i32
        %dma_wait3A_315 = tpu.memref_slice %arg3[%dma_wait3A_313, %dma_wait3A_314] : memref<320000x128xf32, #tpu.memory_space<hbm>> -> memref<64x128xf32, #tpu.memory_space<hbm>>
        %dma_wait3A_316 = arith.constant 0 : i32
        %dma_wait3A_317 = arith.constant 0 : i32
        %dma_wait3A_318 = tpu.memref_slice %arg12[%dma_wait3A_308, %dma_wait3A_316, %dma_wait3A_317] : memref<3x64x128xf32, #tpu.memory_space<vmem>> -> memref<1x64x128xf32, #tpu.memory_space<vmem>>
        %dma_wait3A_319 = tpu.memref_squeeze %dma_wait3A_318 : memref<1x64x128xf32, #tpu.memory_space<vmem>> -> memref<64x128xf32, #tpu.memory_space<vmem>>
        %dma_wait3A_320 = arith.constant 0 : i32
        %dma_wait3A_321 = arith.constant 0 : i32
        %dma_wait3A_322 = tpu.memref_slice %arg3[%dma_wait3A_320, %dma_wait3A_321] : memref<320000x128xf32, #tpu.memory_space<hbm>> -> memref<64x128xf32, #tpu.memory_space<hbm>>
        tpu.wait_dma2 semaphore(%arg18 : memref<!tpu.dma_semaphore, #tpu.memory_space<semaphore_mem>>) src(%dma_wait3A_322 : memref<64x128xf32, #tpu.memory_space<hbm>>) dst(%dma_wait3A_319 : memref<64x128xf32, #tpu.memory_space<vmem>>)
        %parallel_loop3A = arith.constant 0 : i32
        %parallel_loop3A_323 = arith.constant 64 : i32
        %parallel_loop3A_324 = arith.constant 1 : i32
        scf.for %parallel_loop3A_337 = %parallel_loop3A to %parallel_loop3A_323 step %parallel_loop3A_324  : i32 {
          %parallel_loop3A_338 = arith.constant 1 : i32
          %parallel_loop3A_339 = arith.index_cast %parallel_loop3A_338 : i32 to index
          %parallel_loop3A_340 = arith.index_cast %parallel_loop3A_337 : i32 to index
          %parallel_loop3A_341 = arith.constant 0 : index
          %parallel_loop3A_342 = tpu.vector_load %arg11[%parallel_loop3A_339, %parallel_loop3A_340, %parallel_loop3A_341] {strides = array<i32>} : memref<3x64x128xf32, #tpu.memory_space<vmem>>, vector<16xf32>,
          %parallel_loop3A_343 = arith.constant 1 : i32
          %parallel_loop3A_344 = arith.index_cast %parallel_loop3A_343 : i32 to index
          %parallel_loop3A_345 = arith.index_cast %parallel_loop3A_337 : i32 to index
          %parallel_loop3A_346 = arith.constant 0 : index
          %parallel_loop3A_347 = tpu.vector_load %arg12[%parallel_loop3A_344, %parallel_loop3A_345, %parallel_loop3A_346] {strides = array<i32>} : memref<3x64x128xf32, #tpu.memory_space<vmem>>, vector<16xf32>,
          %parallel_loop3A_348 = arith.mulf %parallel_loop3A_342, %parallel_loop3A_347 : vector<16xf32>
          %parallel_loop3A_349 = arith.constant 1 : i32
          %parallel_loop3A_350 = arith.index_cast %parallel_loop3A_349 : i32 to index
          %parallel_loop3A_351 = arith.index_cast %parallel_loop3A_337 : i32 to index
          %parallel_loop3A_352 = arith.constant 0 : index
          %parallel_loop3A_353 = tpu.vector_load %arg11[%parallel_loop3A_350, %parallel_loop3A_351, %parallel_loop3A_352] {strides = array<i32>} : memref<3x64x128xf32, #tpu.memory_space<vmem>>, vector<16xf32>,
          tpu.vector_store %arg11[%parallel_loop3A_350, %parallel_loop3A_351, %parallel_loop3A_352], %parallel_loop3A_348 {strides = array<i32>} : memref<3x64x128xf32, #tpu.memory_space<vmem>>, vector<16xf32>,
          %parallel_loop3A_354 = arith.constant 1 : i32
          %parallel_loop3A_355 = arith.index_cast %parallel_loop3A_354 : i32 to index
          %parallel_loop3A_356 = arith.index_cast %parallel_loop3A_337 : i32 to index
          %parallel_loop3A_357 = arith.constant 16 : index
          %parallel_loop3A_358 = tpu.vector_load %arg11[%parallel_loop3A_355, %parallel_loop3A_356, %parallel_loop3A_357] {strides = array<i32>} : memref<3x64x128xf32, #tpu.memory_space<vmem>>, vector<16xf32>,
          %parallel_loop3A_359 = arith.constant 1 : i32
          %parallel_loop3A_360 = arith.index_cast %parallel_loop3A_359 : i32 to index
          %parallel_loop3A_361 = arith.index_cast %parallel_loop3A_337 : i32 to index
          %parallel_loop3A_362 = arith.constant 16 : index
          %parallel_loop3A_363 = tpu.vector_load %arg12[%parallel_loop3A_360, %parallel_loop3A_361, %parallel_loop3A_362] {strides = array<i32>} : memref<3x64x128xf32, #tpu.memory_space<vmem>>, vector<16xf32>,
          %parallel_loop3A_364 = arith.mulf %parallel_loop3A_358, %parallel_loop3A_363 : vector<16xf32>
          %parallel_loop3A_365 = arith.constant 1 : i32
          %parallel_loop3A_366 = arith.index_cast %parallel_loop3A_365 : i32 to index
          %parallel_loop3A_367 = arith.index_cast %parallel_loop3A_337 : i32 to index
          %parallel_loop3A_368 = arith.constant 16 : index
          %parallel_loop3A_369 = tpu.vector_load %arg11[%parallel_loop3A_366, %parallel_loop3A_367, %parallel_loop3A_368] {strides = array<i32>} : memref<3x64x128xf32, #tpu.memory_space<vmem>>, vector<16xf32>,
          tpu.vector_store %arg11[%parallel_loop3A_366, %parallel_loop3A_367, %parallel_loop3A_368], %parallel_loop3A_364 {strides = array<i32>} : memref<3x64x128xf32, #tpu.memory_space<vmem>>, vector<16xf32>,
          %parallel_loop3A_370 = arith.constant 1 : i32
          %parallel_loop3A_371 = arith.index_cast %parallel_loop3A_370 : i32 to index
          %parallel_loop3A_372 = arith.index_cast %parallel_loop3A_337 : i32 to index
          %parallel_loop3A_373 = arith.constant 32 : index
          %parallel_loop3A_374 = tpu.vector_load %arg11[%parallel_loop3A_371, %parallel_loop3A_372, %parallel_loop3A_373] {strides = array<i32>} : memref<3x64x128xf32, #tpu.memory_space<vmem>>, vector<16xf32>,
          %parallel_loop3A_375 = arith.constant 1 : i32
          %parallel_loop3A_376 = arith.index_cast %parallel_loop3A_375 : i32 to index
          %parallel_loop3A_377 = arith.index_cast %parallel_loop3A_337 : i32 to index
          %parallel_loop3A_378 = arith.constant 32 : index
          %parallel_loop3A_379 = tpu.vector_load %arg12[%parallel_loop3A_376, %parallel_loop3A_377, %parallel_loop3A_378] {strides = array<i32>} : memref<3x64x128xf32, #tpu.memory_space<vmem>>, vector<16xf32>,
          %parallel_loop3A_380 = arith.mulf %parallel_loop3A_374, %parallel_loop3A_379 : vector<16xf32>
          %parallel_loop3A_381 = arith.constant 1 : i32
          %parallel_loop3A_382 = arith.index_cast %parallel_loop3A_381 : i32 to index
          %parallel_loop3A_383 = arith.index_cast %parallel_loop3A_337 : i32 to index
          %parallel_loop3A_384 = arith.constant 32 : index
          %parallel_loop3A_385 = tpu.vector_load %arg11[%parallel_loop3A_382, %parallel_loop3A_383, %parallel_loop3A_384] {strides = array<i32>} : memref<3x64x128xf32, #tpu.memory_space<vmem>>, vector<16xf32>,
          tpu.vector_store %arg11[%parallel_loop3A_382, %parallel_loop3A_383, %parallel_loop3A_384], %parallel_loop3A_380 {strides = array<i32>} : memref<3x64x128xf32, #tpu.memory_space<vmem>>, vector<16xf32>,
          %parallel_loop3A_386 = arith.constant 1 : i32
          %parallel_loop3A_387 = arith.index_cast %parallel_loop3A_386 : i32 to index
          %parallel_loop3A_388 = arith.index_cast %parallel_loop3A_337 : i32 to index
          %parallel_loop3A_389 = arith.constant 48 : index
          %parallel_loop3A_390 = tpu.vector_load %arg11[%parallel_loop3A_387, %parallel_loop3A_388, %parallel_loop3A_389] {strides = array<i32>} : memref<3x64x128xf32, #tpu.memory_space<vmem>>, vector<16xf32>,
          %parallel_loop3A_391 = arith.constant 1 : i32
          %parallel_loop3A_392 = arith.index_cast %parallel_loop3A_391 : i32 to index
          %parallel_loop3A_393 = arith.index_cast %parallel_loop3A_337 : i32 to index
          %parallel_loop3A_394 = arith.constant 48 : index
          %parallel_loop3A_395 = tpu.vector_load %arg12[%parallel_loop3A_392, %parallel_loop3A_393, %parallel_loop3A_394] {strides = array<i32>} : memref<3x64x128xf32, #tpu.memory_space<vmem>>, vector<16xf32>,
          %parallel_loop3A_396 = arith.mulf %parallel_loop3A_390, %parallel_loop3A_395 : vector<16xf32>
          %parallel_loop3A_397 = arith.constant 1 : i32
          %parallel_loop3A_398 = arith.index_cast %parallel_loop3A_397 : i32 to index
          %parallel_loop3A_399 = arith.index_cast %parallel_loop3A_337 : i32 to index
          %parallel_loop3A_400 = arith.constant 48 : index
          %parallel_loop3A_401 = tpu.vector_load %arg11[%parallel_loop3A_398, %parallel_loop3A_399, %parallel_loop3A_400] {strides = array<i32>} : memref<3x64x128xf32, #tpu.memory_space<vmem>>, vector<16xf32>,
          tpu.vector_store %arg11[%parallel_loop3A_398, %parallel_loop3A_399, %parallel_loop3A_400], %parallel_loop3A_396 {strides = array<i32>} : memref<3x64x128xf32, #tpu.memory_space<vmem>>, vector<16xf32>,
          %parallel_loop3A_402 = arith.constant 1 : i32
          %parallel_loop3A_403 = arith.index_cast %parallel_loop3A_402 : i32 to index
          %parallel_loop3A_404 = arith.index_cast %parallel_loop3A_337 : i32 to index
          %parallel_loop3A_405 = arith.constant 64 : index
          %parallel_loop3A_406 = tpu.vector_load %arg11[%parallel_loop3A_403, %parallel_loop3A_404, %parallel_loop3A_405] {strides = array<i32>} : memref<3x64x128xf32, #tpu.memory_space<vmem>>, vector<16xf32>,
          %parallel_loop3A_407 = arith.constant 1 : i32
          %parallel_loop3A_408 = arith.index_cast %parallel_loop3A_407 : i32 to index
          %parallel_loop3A_409 = arith.index_cast %parallel_loop3A_337 : i32 to index
          %parallel_loop3A_410 = arith.constant 64 : index
          %parallel_loop3A_411 = tpu.vector_load %arg12[%parallel_loop3A_408, %parallel_loop3A_409, %parallel_loop3A_410] {strides = array<i32>} : memref<3x64x128xf32, #tpu.memory_space<vmem>>, vector<16xf32>,
          %parallel_loop3A_412 = arith.mulf %parallel_loop3A_406, %parallel_loop3A_411 : vector<16xf32>
          %parallel_loop3A_413 = arith.constant 1 : i32
          %parallel_loop3A_414 = arith.index_cast %parallel_loop3A_413 : i32 to index
          %parallel_loop3A_415 = arith.index_cast %parallel_loop3A_337 : i32 to index
          %parallel_loop3A_416 = arith.constant 64 : index
          %parallel_loop3A_417 = tpu.vector_load %arg11[%parallel_loop3A_414, %parallel_loop3A_415, %parallel_loop3A_416] {strides = array<i32>} : memref<3x64x128xf32, #tpu.memory_space<vmem>>, vector<16xf32>,
          tpu.vector_store %arg11[%parallel_loop3A_414, %parallel_loop3A_415, %parallel_loop3A_416], %parallel_loop3A_412 {strides = array<i32>} : memref<3x64x128xf32, #tpu.memory_space<vmem>>, vector<16xf32>,
          %parallel_loop3A_418 = arith.constant 1 : i32
          %parallel_loop3A_419 = arith.index_cast %parallel_loop3A_418 : i32 to index
          %parallel_loop3A_420 = arith.index_cast %parallel_loop3A_337 : i32 to index
          %parallel_loop3A_421 = arith.constant 80 : index
          %parallel_loop3A_422 = tpu.vector_load %arg11[%parallel_loop3A_419, %parallel_loop3A_420, %parallel_loop3A_421] {strides = array<i32>} : memref<3x64x128xf32, #tpu.memory_space<vmem>>, vector<16xf32>,
          %parallel_loop3A_423 = arith.constant 1 : i32
          %parallel_loop3A_424 = arith.index_cast %parallel_loop3A_423 : i32 to index
          %parallel_loop3A_425 = arith.index_cast %parallel_loop3A_337 : i32 to index
          %parallel_loop3A_426 = arith.constant 80 : index
          %parallel_loop3A_427 = tpu.vector_load %arg12[%parallel_loop3A_424, %parallel_loop3A_425, %parallel_loop3A_426] {strides = array<i32>} : memref<3x64x128xf32, #tpu.memory_space<vmem>>, vector<16xf32>,
          %parallel_loop3A_428 = arith.mulf %parallel_loop3A_422, %parallel_loop3A_427 : vector<16xf32>
          %parallel_loop3A_429 = arith.constant 1 : i32
          %parallel_loop3A_430 = arith.index_cast %parallel_loop3A_429 : i32 to index
          %parallel_loop3A_431 = arith.index_cast %parallel_loop3A_337 : i32 to index
          %parallel_loop3A_432 = arith.constant 80 : index
          %parallel_loop3A_433 = tpu.vector_load %arg11[%parallel_loop3A_430, %parallel_loop3A_431, %parallel_loop3A_432] {strides = array<i32>} : memref<3x64x128xf32, #tpu.memory_space<vmem>>, vector<16xf32>,
          tpu.vector_store %arg11[%parallel_loop3A_430, %parallel_loop3A_431, %parallel_loop3A_432], %parallel_loop3A_428 {strides = array<i32>} : memref<3x64x128xf32, #tpu.memory_space<vmem>>, vector<16xf32>,
          %parallel_loop3A_434 = arith.constant 1 : i32
          %parallel_loop3A_435 = arith.index_cast %parallel_loop3A_434 : i32 to index
          %parallel_loop3A_436 = arith.index_cast %parallel_loop3A_337 : i32 to index
          %parallel_loop3A_437 = arith.constant 96 : index
          %parallel_loop3A_438 = tpu.vector_load %arg11[%parallel_loop3A_435, %parallel_loop3A_436, %parallel_loop3A_437] {strides = array<i32>} : memref<3x64x128xf32, #tpu.memory_space<vmem>>, vector<16xf32>,
          %parallel_loop3A_439 = arith.constant 1 : i32
          %parallel_loop3A_440 = arith.index_cast %parallel_loop3A_439 : i32 to index
          %parallel_loop3A_441 = arith.index_cast %parallel_loop3A_337 : i32 to index
          %parallel_loop3A_442 = arith.constant 96 : index
          %parallel_loop3A_443 = tpu.vector_load %arg12[%parallel_loop3A_440, %parallel_loop3A_441, %parallel_loop3A_442] {strides = array<i32>} : memref<3x64x128xf32, #tpu.memory_space<vmem>>, vector<16xf32>,
          %parallel_loop3A_444 = arith.mulf %parallel_loop3A_438, %parallel_loop3A_443 : vector<16xf32>
          %parallel_loop3A_445 = arith.constant 1 : i32
          %parallel_loop3A_446 = arith.index_cast %parallel_loop3A_445 : i32 to index
          %parallel_loop3A_447 = arith.index_cast %parallel_loop3A_337 : i32 to index
          %parallel_loop3A_448 = arith.constant 96 : index
          %parallel_loop3A_449 = tpu.vector_load %arg11[%parallel_loop3A_446, %parallel_loop3A_447, %parallel_loop3A_448] {strides = array<i32>} : memref<3x64x128xf32, #tpu.memory_space<vmem>>, vector<16xf32>,
          tpu.vector_store %arg11[%parallel_loop3A_446, %parallel_loop3A_447, %parallel_loop3A_448], %parallel_loop3A_444 {strides = array<i32>} : memref<3x64x128xf32, #tpu.memory_space<vmem>>, vector<16xf32>,
          %parallel_loop3A_450 = arith.constant 1 : i32
          %parallel_loop3A_451 = arith.index_cast %parallel_loop3A_450 : i32 to index
          %parallel_loop3A_452 = arith.index_cast %parallel_loop3A_337 : i32 to index
          %parallel_loop3A_453 = arith.constant 112 : index
          %parallel_loop3A_454 = tpu.vector_load %arg11[%parallel_loop3A_451, %parallel_loop3A_452, %parallel_loop3A_453] {strides = array<i32>} : memref<3x64x128xf32, #tpu.memory_space<vmem>>, vector<16xf32>,
          %parallel_loop3A_455 = arith.constant 1 : i32
          %parallel_loop3A_456 = arith.index_cast %parallel_loop3A_455 : i32 to index
          %parallel_loop3A_457 = arith.index_cast %parallel_loop3A_337 : i32 to index
          %parallel_loop3A_458 = arith.constant 112 : index
          %parallel_loop3A_459 = tpu.vector_load %arg12[%parallel_loop3A_456, %parallel_loop3A_457, %parallel_loop3A_458] {strides = array<i32>} : memref<3x64x128xf32, #tpu.memory_space<vmem>>, vector<16xf32>,
          %parallel_loop3A_460 = arith.mulf %parallel_loop3A_454, %parallel_loop3A_459 : vector<16xf32>
          %parallel_loop3A_461 = arith.constant 1 : i32
          %parallel_loop3A_462 = arith.index_cast %parallel_loop3A_461 : i32 to index
          %parallel_loop3A_463 = arith.index_cast %parallel_loop3A_337 : i32 to index
          %parallel_loop3A_464 = arith.constant 112 : index
          %parallel_loop3A_465 = tpu.vector_load %arg11[%parallel_loop3A_462, %parallel_loop3A_463, %parallel_loop3A_464] {strides = array<i32>} : memref<3x64x128xf32, #tpu.memory_space<vmem>>, vector<16xf32>,
          tpu.vector_store %arg11[%parallel_loop3A_462, %parallel_loop3A_463, %parallel_loop3A_464], %parallel_loop3A_460 {strides = array<i32>} : memref<3x64x128xf32, #tpu.memory_space<vmem>>, vector<16xf32>,
        } {sc.loop_unroll_factor = 4 : i64, sc.parallel_access}
        %dma_start3A_325 = arith.constant 1 : i32
        %dma_start3A_326 = arith.constant 1 : i32
        %dma_start3A_327 = arith.constant 0 : i32
        %dma_start3A_328 = arith.constant 0 : i32
        %dma_start3A_329 = tpu.memref_slice %arg11[%dma_start3A_325, %dma_start3A_327, %dma_start3A_328] : memref<3x64x128xf32, #tpu.memory_space<vmem>> -> memref<1x64x128xf32, #tpu.memory_space<vmem>>
        %dma_start3A_330 = tpu.memref_squeeze %dma_start3A_329 : memref<1x64x128xf32, #tpu.memory_space<vmem>> -> memref<64x128xf32, #tpu.memory_space<vmem>>
        %dma_start3A_331 = arith.constant 0 : i32
        %dma_start3A_332 = tpu.memref_slice %arg10[%dma_start3A_326, %dma_start3A_331] : memref<3x64xi32, #tpu.memory_space<vmem>> -> memref<1x64xi32, #tpu.memory_space<vmem>>
        %dma_start3A_333 = tpu.memref_squeeze %dma_start3A_332 : memref<1x64xi32, #tpu.memory_space<vmem>> -> memref<64xi32, #tpu.memory_space<vmem>>
        %dma_start3A_334 = arith.constant 0 : i32
        %dma_start3A_335 = arith.constant 0 : i32
        %dma_start3A_336 = tpu.memref_slice %arg13[%dma_start3A_334, %dma_start3A_335] : memref<10000x128xf32, #tpu.memory_space<vmem_shared>> -> memref<10000x128xf32, #tpu.memory_space<vmem_shared>>
        tpu.enqueue_indirect_dma source(%dma_start3A_330 : memref<64x128xf32, #tpu.memory_space<vmem>>) target(%dma_start3A_336 : memref<10000x128xf32, #tpu.memory_space<vmem_shared>>) offsets(%dma_start3A_333 : memref<64xi32, #tpu.memory_space<vmem>>) semaphore(%arg21 : memref<!tpu.dma_semaphore, #tpu.memory_space<semaphore_mem>>) {add = true}
      } else {
      }
      %mul3A_276 = arith.constant 3 : i32
      %mul3A_277 = arith.muli %mul3A_276, %scan3A_260 : i32
      %add3A_278 = arith.constant 2 : i32
      %add3A_279 = arith.addi %mul3A_277, %add3A_278 : i32
      %lt3A_280 = arith.cmpi slt, %add3A_279, %add3A_58 : i32
      %convert_element_type3A_281 = arith.extui %lt3A_280 : i1 to i32
      %cond3A_282 = arith.constant 0 : i32
      %cond3A_283 = arith.cmpi ne, %convert_element_type3A_281, %cond3A_282 : i32
      scf.if %cond3A_283 {
        %add3A_284 = arith.constant 2 : i32
        %add3A_285 = arith.addi %add3A_279, %add3A_284 : i32
        %lt3A_286 = arith.cmpi slt, %add3A_285, %add3A_58 : i32
        %convert_element_type3A_287 = arith.extui %lt3A_286 : i1 to i32
        %cond3A_288 = arith.constant 0 : i32
        %cond3A_289 = arith.cmpi ne, %convert_element_type3A_287, %cond3A_288 : i32
        scf.if %cond3A_289 {
          %add3A_337 = arith.constant 2 : i32
          %add3A_338 = arith.addi %add3A_279, %add3A_337 : i32
          %mul3A_339 = arith.constant 16 : i32
          %mul3A_340 = arith.muli %add3A_338, %mul3A_339 : i32
          %add3A_341 = arith.addi %arg1, %mul3A_340 : i32
          %mul3A_342 = arith.constant 64 : i32
          %mul3A_343 = arith.muli %add3A_341, %mul3A_342 : i32
          %dma_start3A_344 = arith.constant 1 : i32
          %dma_start3A_345 = arith.constant 0 : i32
          %dma_start3A_346 = tpu.memref_slice %arg8[%dma_start3A_344, %dma_start3A_345] : memref<3x64xi32, #tpu.memory_space<vmem>> -> memref<1x64xi32, #tpu.memory_space<vmem>>
          %dma_start3A_347 = tpu.memref_squeeze %dma_start3A_346 : memref<1x64xi32, #tpu.memory_space<vmem>> -> memref<64xi32, #tpu.memory_space<vmem>>
          %dma_start3A_348 = tpu.memref_slice %arg4[%mul3A_343] : memref<160000xi32, #tpu.memory_space<hbm>> -> memref<64xi32, #tpu.memory_space<hbm>>
          %dma_start3A_349 = arith.constant 0 : i32
          %dma_start3A_350 = tpu.memref_slice %arg8[%dma_start3A_344, %dma_start3A_349] : memref<3x64xi32, #tpu.memory_space<vmem>> -> memref<1x64xi32, #tpu.memory_space<vmem>>
          %dma_start3A_351 = tpu.memref_squeeze %dma_start3A_350 : memref<1x64xi32, #tpu.memory_space<vmem>> -> memref<64xi32, #tpu.memory_space<vmem>>
          %dma_start3A_352 = tpu.memref_slice %arg4[%mul3A_343] : memref<160000xi32, #tpu.memory_space<hbm>> -> memref<64xi32, #tpu.memory_space<hbm>>
          tpu.enqueue_dma source(%dma_start3A_352 : memref<64xi32, #tpu.memory_space<hbm>>) target(%dma_start3A_351 : memref<64xi32, #tpu.memory_space<vmem>>) target_semaphore(%arg24 : memref<!tpu.dma_semaphore, #tpu.memory_space<semaphore_mem>>)
          %dma_start3A_353 = arith.constant 1 : i32
          %dma_start3A_354 = arith.constant 0 : i32
          %dma_start3A_355 = tpu.memref_slice %arg9[%dma_start3A_353, %dma_start3A_354] : memref<3x64xi32, #tpu.memory_space<vmem>> -> memref<1x64xi32, #tpu.memory_space<vmem>>
          %dma_start3A_356 = tpu.memref_squeeze %dma_start3A_355 : memref<1x64xi32, #tpu.memory_space<vmem>> -> memref<64xi32, #tpu.memory_space<vmem>>
          %dma_start3A_357 = tpu.memref_slice %arg5[%mul3A_343] : memref<160000xi32, #tpu.memory_space<hbm>> -> memref<64xi32, #tpu.memory_space<hbm>>
          %dma_start3A_358 = arith.constant 0 : i32
          %dma_start3A_359 = tpu.memref_slice %arg9[%dma_start3A_353, %dma_start3A_358] : memref<3x64xi32, #tpu.memory_space<vmem>> -> memref<1x64xi32, #tpu.memory_space<vmem>>
          %dma_start3A_360 = tpu.memref_squeeze %dma_start3A_359 : memref<1x64xi32, #tpu.memory_space<vmem>> -> memref<64xi32, #tpu.memory_space<vmem>>
          %dma_start3A_361 = tpu.memref_slice %arg5[%mul3A_343] : memref<160000xi32, #tpu.memory_space<hbm>> -> memref<64xi32, #tpu.memory_space<hbm>>
          tpu.enqueue_dma source(%dma_start3A_361 : memref<64xi32, #tpu.memory_space<hbm>>) target(%dma_start3A_360 : memref<64xi32, #tpu.memory_space<vmem>>) target_semaphore(%arg27 : memref<!tpu.dma_semaphore, #tpu.memory_space<semaphore_mem>>)
        } else {
        }
        %add3A_290 = arith.constant 1 : i32
        %add3A_291 = arith.addi %add3A_279, %add3A_290 : i32
        %lt3A_292 = arith.cmpi slt, %add3A_291, %add3A_58 : i32
        %convert_element_type3A_293 = arith.extui %lt3A_292 : i1 to i32
        %cond3A_294 = arith.constant 0 : i32
        %cond3A_295 = arith.cmpi ne, %convert_element_type3A_293, %cond3A_294 : i32
        scf.if %cond3A_295 {
          %ge3A = arith.constant 2 : i32
          %ge3A_337 = arith.cmpi sge, %add3A_279, %ge3A : i32
          %convert_element_type3A_338 = arith.extui %ge3A_337 : i1 to i32
          %cond3A_339 = arith.constant 0 : i32
          %cond3A_340 = arith.cmpi ne, %convert_element_type3A_338, %cond3A_339 : i32
          scf.if %cond3A_340 {
            %dma_wait3A_466 = arith.constant 0 : i32
            %dma_wait3A_467 = arith.constant 0 : i32
            %dma_wait3A_468 = arith.constant 0 : i32
            %dma_wait3A_469 = arith.constant 0 : i32
            %dma_wait3A_470 = tpu.memref_slice %arg11[%dma_wait3A_466, %dma_wait3A_468, %dma_wait3A_469] : memref<3x64x128xf32, #tpu.memory_space<vmem>> -> memref<1x64x128xf32, #tpu.memory_space<vmem>>
            %dma_wait3A_471 = tpu.memref_squeeze %dma_wait3A_470 : memref<1x64x128xf32, #tpu.memory_space<vmem>> -> memref<64x128xf32, #tpu.memory_space<vmem>>
            %dma_wait3A_472 = arith.constant 0 : i32
            %dma_wait3A_473 = tpu.memref_slice %arg10[%dma_wait3A_467, %dma_wait3A_472] : memref<3x64xi32, #tpu.memory_space<vmem>> -> memref<1x64xi32, #tpu.memory_space<vmem>>
            %dma_wait3A_474 = tpu.memref_squeeze %dma_wait3A_473 : memref<1x64xi32, #tpu.memory_space<vmem>> -> memref<64xi32, #tpu.memory_space<vmem>>
            %dma_wait3A_475 = arith.constant 0 : i32
            %dma_wait3A_476 = arith.constant 0 : i32
            %dma_wait3A_477 = tpu.memref_slice %arg13[%dma_wait3A_475, %dma_wait3A_476] : memref<10000x128xf32, #tpu.memory_space<vmem_shared>> -> memref<10000x128xf32, #tpu.memory_space<vmem_shared>>
            tpu.wait_indirect_dma semaphore(%arg20 : memref<!tpu.dma_semaphore, #tpu.memory_space<semaphore_mem>>) src(%dma_wait3A_471 : memref<64x128xf32, #tpu.memory_space<vmem>>) dst(%dma_wait3A_477 : memref<10000x128xf32, #tpu.memory_space<vmem_shared>>)
          } else {
          }
          %add3A_341 = arith.constant 1 : i32
          %add3A_342 = arith.addi %add3A_279, %add3A_341 : i32
          %mul3A_343 = arith.constant 16 : i32
          %mul3A_344 = arith.muli %add3A_342, %mul3A_343 : i32
          %add3A_345 = arith.addi %arg1, %mul3A_344 : i32
          %mul3A_346 = arith.constant 64 : i32
          %mul3A_347 = arith.muli %add3A_345, %mul3A_346 : i32
          %dma_wait3A_348 = arith.constant 0 : i32
          %dma_wait3A_349 = arith.constant 0 : i32
          %dma_wait3A_350 = tpu.memref_slice %arg8[%dma_wait3A_348, %dma_wait3A_349] : memref<3x64xi32, #tpu.memory_space<vmem>> -> memref<1x64xi32, #tpu.memory_space<vmem>>
          %dma_wait3A_351 = tpu.memref_squeeze %dma_wait3A_350 : memref<1x64xi32, #tpu.memory_space<vmem>> -> memref<64xi32, #tpu.memory_space<vmem>>
          %dma_wait3A_352 = tpu.memref_slice %arg4[%mul3A_347] : memref<160000xi32, #tpu.memory_space<hbm>> -> memref<64xi32, #tpu.memory_space<hbm>>
          %dma_wait3A_353 = arith.constant 0 : i32
          %dma_wait3A_354 = tpu.memref_slice %arg8[%dma_wait3A_348, %dma_wait3A_353] : memref<3x64xi32, #tpu.memory_space<vmem>> -> memref<1x64xi32, #tpu.memory_space<vmem>>
          %dma_wait3A_355 = tpu.memref_squeeze %dma_wait3A_354 : memref<1x64xi32, #tpu.memory_space<vmem>> -> memref<64xi32, #tpu.memory_space<vmem>>
          %dma_wait3A_356 = tpu.memref_slice %arg4[%mul3A_347] : memref<160000xi32, #tpu.memory_space<hbm>> -> memref<64xi32, #tpu.memory_space<hbm>>
          tpu.wait_dma2 semaphore(%arg23 : memref<!tpu.dma_semaphore, #tpu.memory_space<semaphore_mem>>) src(%dma_wait3A_356 : memref<64xi32, #tpu.memory_space<hbm>>) dst(%dma_wait3A_355 : memref<64xi32, #tpu.memory_space<vmem>>)
          %dma_wait3A_357 = arith.constant 0 : i32
          %dma_wait3A_358 = arith.constant 0 : i32
          %dma_wait3A_359 = tpu.memref_slice %arg9[%dma_wait3A_357, %dma_wait3A_358] : memref<3x64xi32, #tpu.memory_space<vmem>> -> memref<1x64xi32, #tpu.memory_space<vmem>>
          %dma_wait3A_360 = tpu.memref_squeeze %dma_wait3A_359 : memref<1x64xi32, #tpu.memory_space<vmem>> -> memref<64xi32, #tpu.memory_space<vmem>>
          %dma_wait3A_361 = tpu.memref_slice %arg5[%mul3A_347] : memref<160000xi32, #tpu.memory_space<hbm>> -> memref<64xi32, #tpu.memory_space<hbm>>
          %dma_wait3A_362 = arith.constant 0 : i32
          %dma_wait3A_363 = tpu.memref_slice %arg9[%dma_wait3A_357, %dma_wait3A_362] : memref<3x64xi32, #tpu.memory_space<vmem>> -> memref<1x64xi32, #tpu.memory_space<vmem>>
          %dma_wait3A_364 = tpu.memref_squeeze %dma_wait3A_363 : memref<1x64xi32, #tpu.memory_space<vmem>> -> memref<64xi32, #tpu.memory_space<vmem>>
          %dma_wait3A_365 = tpu.memref_slice %arg5[%mul3A_347] : memref<160000xi32, #tpu.memory_space<hbm>> -> memref<64xi32, #tpu.memory_space<hbm>>
          tpu.wait_dma2 semaphore(%arg26 : memref<!tpu.dma_semaphore, #tpu.memory_space<semaphore_mem>>) src(%dma_wait3A_365 : memref<64xi32, #tpu.memory_space<hbm>>) dst(%dma_wait3A_364 : memref<64xi32, #tpu.memory_space<vmem>>)
          %get3A_366 = arith.constant 0 : i32
          %get3A_367 = arith.index_cast %get3A_366 : i32 to index
          %get3A_368 = arith.constant 0 : index
          %get3A_369 = tpu.vector_load %arg9[%get3A_367, %get3A_368] {strides = array<i32>} : memref<3x64xi32, #tpu.memory_space<vmem>>, vector<16xi32>,
          %add3A_370 = vector.broadcast %mul3A_0 : i32 to vector<16xi32>
          %add3A_371 = arith.addi %get3A_369, %add3A_370 : vector<16xi32>
          %swap3A_372 = arith.constant 0 : i32
          %swap3A_373 = arith.index_cast %swap3A_372 : i32 to index
          %swap3A_374 = arith.constant 0 : index
          %swap3A_375 = tpu.vector_load %arg9[%swap3A_373, %swap3A_374] {strides = array<i32>} : memref<3x64xi32, #tpu.memory_space<vmem>>, vector<16xi32>,
          tpu.vector_store %arg9[%swap3A_373, %swap3A_374], %add3A_371 {strides = array<i32>} : memref<3x64xi32, #tpu.memory_space<vmem>>, vector<16xi32>,
          %get3A_376 = arith.constant 0 : i32
          %get3A_377 = arith.index_cast %get3A_376 : i32 to index
          %get3A_378 = arith.constant 0 : index
          %get3A_379 = tpu.vector_load %arg8[%get3A_377, %get3A_378] {strides = array<i32>} : memref<3x64xi32, #tpu.memory_space<vmem>>, vector<16xi32>,
          %swap3A_380 = arith.constant 0 : i32
          %swap3A_381 = arith.index_cast %swap3A_380 : i32 to index
          %swap3A_382 = arith.constant 0 : index
          %swap3A_383 = tpu.vector_load %arg10[%swap3A_381, %swap3A_382] {strides = array<i32>} : memref<3x64xi32, #tpu.memory_space<vmem>>, vector<16xi32>,
          tpu.vector_store %arg10[%swap3A_381, %swap3A_382], %get3A_379 {strides = array<i32>} : memref<3x64xi32, #tpu.memory_space<vmem>>, vector<16xi32>,
          %get3A_384 = arith.constant 0 : i32
          %get3A_385 = arith.index_cast %get3A_384 : i32 to index
          %get3A_386 = arith.constant 16 : index
          %get3A_387 = tpu.vector_load %arg9[%get3A_385, %get3A_386] {strides = array<i32>} : memref<3x64xi32, #tpu.memory_space<vmem>>, vector<16xi32>,
          %add3A_388 = vector.broadcast %mul3A_0 : i32 to vector<16xi32>
          %add3A_389 = arith.addi %get3A_387, %add3A_388 : vector<16xi32>
          %swap3A_390 = arith.constant 0 : i32
          %swap3A_391 = arith.index_cast %swap3A_390 : i32 to index
          %swap3A_392 = arith.constant 16 : index
          %swap3A_393 = tpu.vector_load %arg9[%swap3A_391, %swap3A_392] {strides = array<i32>} : memref<3x64xi32, #tpu.memory_space<vmem>>, vector<16xi32>,
          tpu.vector_store %arg9[%swap3A_391, %swap3A_392], %add3A_389 {strides = array<i32>} : memref<3x64xi32, #tpu.memory_space<vmem>>, vector<16xi32>,
          %get3A_394 = arith.constant 0 : i32
          %get3A_395 = arith.index_cast %get3A_394 : i32 to index
          %get3A_396 = arith.constant 16 : index
          %get3A_397 = tpu.vector_load %arg8[%get3A_395, %get3A_396] {strides = array<i32>} : memref<3x64xi32, #tpu.memory_space<vmem>>, vector<16xi32>,
          %swap3A_398 = arith.constant 0 : i32
          %swap3A_399 = arith.index_cast %swap3A_398 : i32 to index
          %swap3A_400 = arith.constant 16 : index
          %swap3A_401 = tpu.vector_load %arg10[%swap3A_399, %swap3A_400] {strides = array<i32>} : memref<3x64xi32, #tpu.memory_space<vmem>>, vector<16xi32>,
          tpu.vector_store %arg10[%swap3A_399, %swap3A_400], %get3A_397 {strides = array<i32>} : memref<3x64xi32, #tpu.memory_space<vmem>>, vector<16xi32>,
          %get3A_402 = arith.constant 0 : i32
          %get3A_403 = arith.index_cast %get3A_402 : i32 to index
          %get3A_404 = arith.constant 32 : index
          %get3A_405 = tpu.vector_load %arg9[%get3A_403, %get3A_404] {strides = array<i32>} : memref<3x64xi32, #tpu.memory_space<vmem>>, vector<16xi32>,
          %add3A_406 = vector.broadcast %mul3A_0 : i32 to vector<16xi32>
          %add3A_407 = arith.addi %get3A_405, %add3A_406 : vector<16xi32>
          %swap3A_408 = arith.constant 0 : i32
          %swap3A_409 = arith.index_cast %swap3A_408 : i32 to index
          %swap3A_410 = arith.constant 32 : index
          %swap3A_411 = tpu.vector_load %arg9[%swap3A_409, %swap3A_410] {strides = array<i32>} : memref<3x64xi32, #tpu.memory_space<vmem>>, vector<16xi32>,
          tpu.vector_store %arg9[%swap3A_409, %swap3A_410], %add3A_407 {strides = array<i32>} : memref<3x64xi32, #tpu.memory_space<vmem>>, vector<16xi32>,
          %get3A_412 = arith.constant 0 : i32
          %get3A_413 = arith.index_cast %get3A_412 : i32 to index
          %get3A_414 = arith.constant 32 : index
          %get3A_415 = tpu.vector_load %arg8[%get3A_413, %get3A_414] {strides = array<i32>} : memref<3x64xi32, #tpu.memory_space<vmem>>, vector<16xi32>,
          %swap3A_416 = arith.constant 0 : i32
          %swap3A_417 = arith.index_cast %swap3A_416 : i32 to index
          %swap3A_418 = arith.constant 32 : index
          %swap3A_419 = tpu.vector_load %arg10[%swap3A_417, %swap3A_418] {strides = array<i32>} : memref<3x64xi32, #tpu.memory_space<vmem>>, vector<16xi32>,
          tpu.vector_store %arg10[%swap3A_417, %swap3A_418], %get3A_415 {strides = array<i32>} : memref<3x64xi32, #tpu.memory_space<vmem>>, vector<16xi32>,
          %get3A_420 = arith.constant 0 : i32
          %get3A_421 = arith.index_cast %get3A_420 : i32 to index
          %get3A_422 = arith.constant 48 : index
          %get3A_423 = tpu.vector_load %arg9[%get3A_421, %get3A_422] {strides = array<i32>} : memref<3x64xi32, #tpu.memory_space<vmem>>, vector<16xi32>,
          %add3A_424 = vector.broadcast %mul3A_0 : i32 to vector<16xi32>
          %add3A_425 = arith.addi %get3A_423, %add3A_424 : vector<16xi32>
          %swap3A_426 = arith.constant 0 : i32
          %swap3A_427 = arith.index_cast %swap3A_426 : i32 to index
          %swap3A_428 = arith.constant 48 : index
          %swap3A_429 = tpu.vector_load %arg9[%swap3A_427, %swap3A_428] {strides = array<i32>} : memref<3x64xi32, #tpu.memory_space<vmem>>, vector<16xi32>,
          tpu.vector_store %arg9[%swap3A_427, %swap3A_428], %add3A_425 {strides = array<i32>} : memref<3x64xi32, #tpu.memory_space<vmem>>, vector<16xi32>,
          %get3A_430 = arith.constant 0 : i32
          %get3A_431 = arith.index_cast %get3A_430 : i32 to index
          %get3A_432 = arith.constant 48 : index
          %get3A_433 = tpu.vector_load %arg8[%get3A_431, %get3A_432] {strides = array<i32>} : memref<3x64xi32, #tpu.memory_space<vmem>>, vector<16xi32>,
          %swap3A_434 = arith.constant 0 : i32
          %swap3A_435 = arith.index_cast %swap3A_434 : i32 to index
          %swap3A_436 = arith.constant 48 : index
          %swap3A_437 = tpu.vector_load %arg10[%swap3A_435, %swap3A_436] {strides = array<i32>} : memref<3x64xi32, #tpu.memory_space<vmem>>, vector<16xi32>,
          tpu.vector_store %arg10[%swap3A_435, %swap3A_436], %get3A_433 {strides = array<i32>} : memref<3x64xi32, #tpu.memory_space<vmem>>, vector<16xi32>,
          %dma_start3A_438 = arith.constant 0 : i32
          %dma_start3A_439 = arith.constant 0 : i32
          %dma_start3A_440 = arith.constant 0 : i32
          %dma_start3A_441 = arith.constant 0 : i32
          %dma_start3A_442 = tpu.memref_slice %arg11[%dma_start3A_439, %dma_start3A_440, %dma_start3A_441] : memref<3x64x128xf32, #tpu.memory_space<vmem>> -> memref<1x64x128xf32, #tpu.memory_space<vmem>>
          %dma_start3A_443 = tpu.memref_squeeze %dma_start3A_442 : memref<1x64x128xf32, #tpu.memory_space<vmem>> -> memref<64x128xf32, #tpu.memory_space<vmem>>
          %dma_start3A_444 = arith.constant 0 : i32
          %dma_start3A_445 = tpu.memref_slice %arg9[%dma_start3A_438, %dma_start3A_444] : memref<3x64xi32, #tpu.memory_space<vmem>> -> memref<1x64xi32, #tpu.memory_space<vmem>>
          %dma_start3A_446 = tpu.memref_squeeze %dma_start3A_445 : memref<1x64xi32, #tpu.memory_space<vmem>> -> memref<64xi32, #tpu.memory_space<vmem>>
          %dma_start3A_447 = arith.constant 0 : i32
          %dma_start3A_448 = arith.constant 0 : i32
          %dma_start3A_449 = tpu.memref_slice %arg2[%dma_start3A_447, %dma_start3A_448] : memref<20000x128xf32, #tpu.memory_space<hbm>> -> memref<20000x128xf32, #tpu.memory_space<hbm>>
          tpu.enqueue_indirect_dma source(%dma_start3A_449 : memref<20000x128xf32, #tpu.memory_space<hbm>>) target(%dma_start3A_443 : memref<64x128xf32, #tpu.memory_space<vmem>>) offsets(%dma_start3A_446 : memref<64xi32, #tpu.memory_space<vmem>>) semaphore(%arg14 : memref<!tpu.dma_semaphore, #tpu.memory_space<semaphore_mem>>)
          %mul3A_450 = arith.constant 160000 : i32
          %mul3A_451 = arith.muli %arg0, %mul3A_450 : i32
          %add3A_452 = arith.addi %mul3A_451, %mul3A_347 : i32
          %dma_start3A_453 = arith.constant 0 : i32
          %dma_start3A_454 = arith.constant 0 : i32
          %dma_start3A_455 = arith.constant 0 : i32
          %dma_start3A_456 = tpu.memref_slice %arg12[%dma_start3A_453, %dma_start3A_454, %dma_start3A_455] : memref<3x64x128xf32, #tpu.memory_space<vmem>> -> memref<1x64x128xf32, #tpu.memory_space<vmem>>
          %dma_start3A_457 = tpu.memref_squeeze %dma_start3A_456 : memref<1x64x128xf32, #tpu.memory_space<vmem>> -> memref<64x128xf32, #tpu.memory_space<vmem>>
          %dma_start3A_458 = arith.constant 0 : i32
          %dma_start3A_459 = tpu.memref_slice %arg3[%add3A_452, %dma_start3A_458] : memref<320000x128xf32, #tpu.memory_space<hbm>> -> memref<64x128xf32, #tpu.memory_space<hbm>>
          %dma_start3A_460 = arith.constant 0 : i32
          %dma_start3A_461 = arith.constant 0 : i32
          %dma_start3A_462 = tpu.memref_slice %arg12[%dma_start3A_453, %dma_start3A_460, %dma_start3A_461] : memref<3x64x128xf32, #tpu.memory_space<vmem>> -> memref<1x64x128xf32, #tpu.memory_space<vmem>>
          %dma_start3A_463 = tpu.memref_squeeze %dma_start3A_462 : memref<1x64x128xf32, #tpu.memory_space<vmem>> -> memref<64x128xf32, #tpu.memory_space<vmem>>
          %dma_start3A_464 = arith.constant 0 : i32
          %dma_start3A_465 = tpu.memref_slice %arg3[%add3A_452, %dma_start3A_464] : memref<320000x128xf32, #tpu.memory_space<hbm>> -> memref<64x128xf32, #tpu.memory_space<hbm>>
          tpu.enqueue_dma source(%dma_start3A_465 : memref<64x128xf32, #tpu.memory_space<hbm>>) target(%dma_start3A_463 : memref<64x128xf32, #tpu.memory_space<vmem>>) target_semaphore(%arg17 : memref<!tpu.dma_semaphore, #tpu.memory_space<semaphore_mem>>)
        } else {
        }
        %dma_wait3A_296 = arith.constant 2 : i32
        %dma_wait3A_297 = arith.constant 2 : i32
        %dma_wait3A_298 = arith.constant 0 : i32
        %dma_wait3A_299 = arith.constant 0 : i32
        %dma_wait3A_300 = tpu.memref_slice %arg11[%dma_wait3A_297, %dma_wait3A_298, %dma_wait3A_299] : memref<3x64x128xf32, #tpu.memory_space<vmem>> -> memref<1x64x128xf32, #tpu.memory_space<vmem>>
        %dma_wait3A_301 = tpu.memref_squeeze %dma_wait3A_300 : memref<1x64x128xf32, #tpu.memory_space<vmem>> -> memref<64x128xf32, #tpu.memory_space<vmem>>
        %dma_wait3A_302 = arith.constant 0 : i32
        %dma_wait3A_303 = tpu.memref_slice %arg9[%dma_wait3A_296, %dma_wait3A_302] : memref<3x64xi32, #tpu.memory_space<vmem>> -> memref<1x64xi32, #tpu.memory_space<vmem>>
        %dma_wait3A_304 = tpu.memref_squeeze %dma_wait3A_303 : memref<1x64xi32, #tpu.memory_space<vmem>> -> memref<64xi32, #tpu.memory_space<vmem>>
        %dma_wait3A_305 = arith.constant 0 : i32
        %dma_wait3A_306 = arith.constant 0 : i32
        %dma_wait3A_307 = tpu.memref_slice %arg2[%dma_wait3A_305, %dma_wait3A_306] : memref<20000x128xf32, #tpu.memory_space<hbm>> -> memref<20000x128xf32, #tpu.memory_space<hbm>>
        tpu.wait_indirect_dma semaphore(%arg16 : memref<!tpu.dma_semaphore, #tpu.memory_space<semaphore_mem>>) src(%dma_wait3A_307 : memref<20000x128xf32, #tpu.memory_space<hbm>>) dst(%dma_wait3A_301 : memref<64x128xf32, #tpu.memory_space<vmem>>)
        %dma_wait3A_308 = arith.constant 2 : i32
        %dma_wait3A_309 = arith.constant 0 : i32
        %dma_wait3A_310 = arith.constant 0 : i32
        %dma_wait3A_311 = tpu.memref_slice %arg12[%dma_wait3A_308, %dma_wait3A_309, %dma_wait3A_310] : memref<3x64x128xf32, #tpu.memory_space<vmem>> -> memref<1x64x128xf32, #tpu.memory_space<vmem>>
        %dma_wait3A_312 = tpu.memref_squeeze %dma_wait3A_311 : memref<1x64x128xf32, #tpu.memory_space<vmem>> -> memref<64x128xf32, #tpu.memory_space<vmem>>
        %dma_wait3A_313 = arith.constant 0 : i32
        %dma_wait3A_314 = arith.constant 0 : i32
        %dma_wait3A_315 = tpu.memref_slice %arg3[%dma_wait3A_313, %dma_wait3A_314] : memref<320000x128xf32, #tpu.memory_space<hbm>> -> memref<64x128xf32, #tpu.memory_space<hbm>>
        %dma_wait3A_316 = arith.constant 0 : i32
        %dma_wait3A_317 = arith.constant 0 : i32
        %dma_wait3A_318 = tpu.memref_slice %arg12[%dma_wait3A_308, %dma_wait3A_316, %dma_wait3A_317] : memref<3x64x128xf32, #tpu.memory_space<vmem>> -> memref<1x64x128xf32, #tpu.memory_space<vmem>>
        %dma_wait3A_319 = tpu.memref_squeeze %dma_wait3A_318 : memref<1x64x128xf32, #tpu.memory_space<vmem>> -> memref<64x128xf32, #tpu.memory_space<vmem>>
        %dma_wait3A_320 = arith.constant 0 : i32
        %dma_wait3A_321 = arith.constant 0 : i32
        %dma_wait3A_322 = tpu.memref_slice %arg3[%dma_wait3A_320, %dma_wait3A_321] : memref<320000x128xf32, #tpu.memory_space<hbm>> -> memref<64x128xf32, #tpu.memory_space<hbm>>
        tpu.wait_dma2 semaphore(%arg19 : memref<!tpu.dma_semaphore, #tpu.memory_space<semaphore_mem>>) src(%dma_wait3A_322 : memref<64x128xf32, #tpu.memory_space<hbm>>) dst(%dma_wait3A_319 : memref<64x128xf32, #tpu.memory_space<vmem>>)
        %parallel_loop3A = arith.constant 0 : i32
        %parallel_loop3A_323 = arith.constant 64 : i32
        %parallel_loop3A_324 = arith.constant 1 : i32
        scf.for %parallel_loop3A_337 = %parallel_loop3A to %parallel_loop3A_323 step %parallel_loop3A_324  : i32 {
          %parallel_loop3A_338 = arith.constant 2 : i32
          %parallel_loop3A_339 = arith.index_cast %parallel_loop3A_338 : i32 to index
          %parallel_loop3A_340 = arith.index_cast %parallel_loop3A_337 : i32 to index
          %parallel_loop3A_341 = arith.constant 0 : index
          %parallel_loop3A_342 = tpu.vector_load %arg11[%parallel_loop3A_339, %parallel_loop3A_340, %parallel_loop3A_341] {strides = array<i32>} : memref<3x64x128xf32, #tpu.memory_space<vmem>>, vector<16xf32>,
          %parallel_loop3A_343 = arith.constant 2 : i32
          %parallel_loop3A_344 = arith.index_cast %parallel_loop3A_343 : i32 to index
          %parallel_loop3A_345 = arith.index_cast %parallel_loop3A_337 : i32 to index
          %parallel_loop3A_346 = arith.constant 0 : index
          %parallel_loop3A_347 = tpu.vector_load %arg12[%parallel_loop3A_344, %parallel_loop3A_345, %parallel_loop3A_346] {strides = array<i32>} : memref<3x64x128xf32, #tpu.memory_space<vmem>>, vector<16xf32>,
          %parallel_loop3A_348 = arith.mulf %parallel_loop3A_342, %parallel_loop3A_347 : vector<16xf32>
          %parallel_loop3A_349 = arith.constant 2 : i32
          %parallel_loop3A_350 = arith.index_cast %parallel_loop3A_349 : i32 to index
          %parallel_loop3A_351 = arith.index_cast %parallel_loop3A_337 : i32 to index
          %parallel_loop3A_352 = arith.constant 0 : index
          %parallel_loop3A_353 = tpu.vector_load %arg11[%parallel_loop3A_350, %parallel_loop3A_351, %parallel_loop3A_352] {strides = array<i32>} : memref<3x64x128xf32, #tpu.memory_space<vmem>>, vector<16xf32>,
          tpu.vector_store %arg11[%parallel_loop3A_350, %parallel_loop3A_351, %parallel_loop3A_352], %parallel_loop3A_348 {strides = array<i32>} : memref<3x64x128xf32, #tpu.memory_space<vmem>>, vector<16xf32>,
          %parallel_loop3A_354 = arith.constant 2 : i32
          %parallel_loop3A_355 = arith.index_cast %parallel_loop3A_354 : i32 to index
          %parallel_loop3A_356 = arith.index_cast %parallel_loop3A_337 : i32 to index
          %parallel_loop3A_357 = arith.constant 16 : index
          %parallel_loop3A_358 = tpu.vector_load %arg11[%parallel_loop3A_355, %parallel_loop3A_356, %parallel_loop3A_357] {strides = array<i32>} : memref<3x64x128xf32, #tpu.memory_space<vmem>>, vector<16xf32>,
          %parallel_loop3A_359 = arith.constant 2 : i32
          %parallel_loop3A_360 = arith.index_cast %parallel_loop3A_359 : i32 to index
          %parallel_loop3A_361 = arith.index_cast %parallel_loop3A_337 : i32 to index
          %parallel_loop3A_362 = arith.constant 16 : index
          %parallel_loop3A_363 = tpu.vector_load %arg12[%parallel_loop3A_360, %parallel_loop3A_361, %parallel_loop3A_362] {strides = array<i32>} : memref<3x64x128xf32, #tpu.memory_space<vmem>>, vector<16xf32>,
          %parallel_loop3A_364 = arith.mulf %parallel_loop3A_358, %parallel_loop3A_363 : vector<16xf32>
          %parallel_loop3A_365 = arith.constant 2 : i32
          %parallel_loop3A_366 = arith.index_cast %parallel_loop3A_365 : i32 to index
          %parallel_loop3A_367 = arith.index_cast %parallel_loop3A_337 : i32 to index
          %parallel_loop3A_368 = arith.constant 16 : index
          %parallel_loop3A_369 = tpu.vector_load %arg11[%parallel_loop3A_366, %parallel_loop3A_367, %parallel_loop3A_368] {strides = array<i32>} : memref<3x64x128xf32, #tpu.memory_space<vmem>>, vector<16xf32>,
          tpu.vector_store %arg11[%parallel_loop3A_366, %parallel_loop3A_367, %parallel_loop3A_368], %parallel_loop3A_364 {strides = array<i32>} : memref<3x64x128xf32, #tpu.memory_space<vmem>>, vector<16xf32>,
          %parallel_loop3A_370 = arith.constant 2 : i32
          %parallel_loop3A_371 = arith.index_cast %parallel_loop3A_370 : i32 to index
          %parallel_loop3A_372 = arith.index_cast %parallel_loop3A_337 : i32 to index
          %parallel_loop3A_373 = arith.constant 32 : index
          %parallel_loop3A_374 = tpu.vector_load %arg11[%parallel_loop3A_371, %parallel_loop3A_372, %parallel_loop3A_373] {strides = array<i32>} : memref<3x64x128xf32, #tpu.memory_space<vmem>>, vector<16xf32>,
          %parallel_loop3A_375 = arith.constant 2 : i32
          %parallel_loop3A_376 = arith.index_cast %parallel_loop3A_375 : i32 to index
          %parallel_loop3A_377 = arith.index_cast %parallel_loop3A_337 : i32 to index
          %parallel_loop3A_378 = arith.constant 32 : index
          %parallel_loop3A_379 = tpu.vector_load %arg12[%parallel_loop3A_376, %parallel_loop3A_377, %parallel_loop3A_378] {strides = array<i32>} : memref<3x64x128xf32, #tpu.memory_space<vmem>>, vector<16xf32>,
          %parallel_loop3A_380 = arith.mulf %parallel_loop3A_374, %parallel_loop3A_379 : vector<16xf32>
          %parallel_loop3A_381 = arith.constant 2 : i32
          %parallel_loop3A_382 = arith.index_cast %parallel_loop3A_381 : i32 to index
          %parallel_loop3A_383 = arith.index_cast %parallel_loop3A_337 : i32 to index
          %parallel_loop3A_384 = arith.constant 32 : index
          %parallel_loop3A_385 = tpu.vector_load %arg11[%parallel_loop3A_382, %parallel_loop3A_383, %parallel_loop3A_384] {strides = array<i32>} : memref<3x64x128xf32, #tpu.memory_space<vmem>>, vector<16xf32>,
          tpu.vector_store %arg11[%parallel_loop3A_382, %parallel_loop3A_383, %parallel_loop3A_384], %parallel_loop3A_380 {strides = array<i32>} : memref<3x64x128xf32, #tpu.memory_space<vmem>>, vector<16xf32>,
          %parallel_loop3A_386 = arith.constant 2 : i32
          %parallel_loop3A_387 = arith.index_cast %parallel_loop3A_386 : i32 to index
          %parallel_loop3A_388 = arith.index_cast %parallel_loop3A_337 : i32 to index
          %parallel_loop3A_389 = arith.constant 48 : index
          %parallel_loop3A_390 = tpu.vector_load %arg11[%parallel_loop3A_387, %parallel_loop3A_388, %parallel_loop3A_389] {strides = array<i32>} : memref<3x64x128xf32, #tpu.memory_space<vmem>>, vector<16xf32>,
          %parallel_loop3A_391 = arith.constant 2 : i32
          %parallel_loop3A_392 = arith.index_cast %parallel_loop3A_391 : i32 to index
          %parallel_loop3A_393 = arith.index_cast %parallel_loop3A_337 : i32 to index
          %parallel_loop3A_394 = arith.constant 48 : index
          %parallel_loop3A_395 = tpu.vector_load %arg12[%parallel_loop3A_392, %parallel_loop3A_393, %parallel_loop3A_394] {strides = array<i32>} : memref<3x64x128xf32, #tpu.memory_space<vmem>>, vector<16xf32>,
          %parallel_loop3A_396 = arith.mulf %parallel_loop3A_390, %parallel_loop3A_395 : vector<16xf32>
          %parallel_loop3A_397 = arith.constant 2 : i32
          %parallel_loop3A_398 = arith.index_cast %parallel_loop3A_397 : i32 to index
          %parallel_loop3A_399 = arith.index_cast %parallel_loop3A_337 : i32 to index
          %parallel_loop3A_400 = arith.constant 48 : index
          %parallel_loop3A_401 = tpu.vector_load %arg11[%parallel_loop3A_398, %parallel_loop3A_399, %parallel_loop3A_400] {strides = array<i32>} : memref<3x64x128xf32, #tpu.memory_space<vmem>>, vector<16xf32>,
          tpu.vector_store %arg11[%parallel_loop3A_398, %parallel_loop3A_399, %parallel_loop3A_400], %parallel_loop3A_396 {strides = array<i32>} : memref<3x64x128xf32, #tpu.memory_space<vmem>>, vector<16xf32>,
          %parallel_loop3A_402 = arith.constant 2 : i32
          %parallel_loop3A_403 = arith.index_cast %parallel_loop3A_402 : i32 to index
          %parallel_loop3A_404 = arith.index_cast %parallel_loop3A_337 : i32 to index
          %parallel_loop3A_405 = arith.constant 64 : index
          %parallel_loop3A_406 = tpu.vector_load %arg11[%parallel_loop3A_403, %parallel_loop3A_404, %parallel_loop3A_405] {strides = array<i32>} : memref<3x64x128xf32, #tpu.memory_space<vmem>>, vector<16xf32>,
          %parallel_loop3A_407 = arith.constant 2 : i32
          %parallel_loop3A_408 = arith.index_cast %parallel_loop3A_407 : i32 to index
          %parallel_loop3A_409 = arith.index_cast %parallel_loop3A_337 : i32 to index
          %parallel_loop3A_410 = arith.constant 64 : index
          %parallel_loop3A_411 = tpu.vector_load %arg12[%parallel_loop3A_408, %parallel_loop3A_409, %parallel_loop3A_410] {strides = array<i32>} : memref<3x64x128xf32, #tpu.memory_space<vmem>>, vector<16xf32>,
          %parallel_loop3A_412 = arith.mulf %parallel_loop3A_406, %parallel_loop3A_411 : vector<16xf32>
          %parallel_loop3A_413 = arith.constant 2 : i32
          %parallel_loop3A_414 = arith.index_cast %parallel_loop3A_413 : i32 to index
          %parallel_loop3A_415 = arith.index_cast %parallel_loop3A_337 : i32 to index
          %parallel_loop3A_416 = arith.constant 64 : index
          %parallel_loop3A_417 = tpu.vector_load %arg11[%parallel_loop3A_414, %parallel_loop3A_415, %parallel_loop3A_416] {strides = array<i32>} : memref<3x64x128xf32, #tpu.memory_space<vmem>>, vector<16xf32>,
          tpu.vector_store %arg11[%parallel_loop3A_414, %parallel_loop3A_415, %parallel_loop3A_416], %parallel_loop3A_412 {strides = array<i32>} : memref<3x64x128xf32, #tpu.memory_space<vmem>>, vector<16xf32>,
          %parallel_loop3A_418 = arith.constant 2 : i32
          %parallel_loop3A_419 = arith.index_cast %parallel_loop3A_418 : i32 to index
          %parallel_loop3A_420 = arith.index_cast %parallel_loop3A_337 : i32 to index
          %parallel_loop3A_421 = arith.constant 80 : index
          %parallel_loop3A_422 = tpu.vector_load %arg11[%parallel_loop3A_419, %parallel_loop3A_420, %parallel_loop3A_421] {strides = array<i32>} : memref<3x64x128xf32, #tpu.memory_space<vmem>>, vector<16xf32>,
          %parallel_loop3A_423 = arith.constant 2 : i32
          %parallel_loop3A_424 = arith.index_cast %parallel_loop3A_423 : i32 to index
          %parallel_loop3A_425 = arith.index_cast %parallel_loop3A_337 : i32 to index
          %parallel_loop3A_426 = arith.constant 80 : index
          %parallel_loop3A_427 = tpu.vector_load %arg12[%parallel_loop3A_424, %parallel_loop3A_425, %parallel_loop3A_426] {strides = array<i32>} : memref<3x64x128xf32, #tpu.memory_space<vmem>>, vector<16xf32>,
          %parallel_loop3A_428 = arith.mulf %parallel_loop3A_422, %parallel_loop3A_427 : vector<16xf32>
          %parallel_loop3A_429 = arith.constant 2 : i32
          %parallel_loop3A_430 = arith.index_cast %parallel_loop3A_429 : i32 to index
          %parallel_loop3A_431 = arith.index_cast %parallel_loop3A_337 : i32 to index
          %parallel_loop3A_432 = arith.constant 80 : index
          %parallel_loop3A_433 = tpu.vector_load %arg11[%parallel_loop3A_430, %parallel_loop3A_431, %parallel_loop3A_432] {strides = array<i32>} : memref<3x64x128xf32, #tpu.memory_space<vmem>>, vector<16xf32>,
          tpu.vector_store %arg11[%parallel_loop3A_430, %parallel_loop3A_431, %parallel_loop3A_432], %parallel_loop3A_428 {strides = array<i32>} : memref<3x64x128xf32, #tpu.memory_space<vmem>>, vector<16xf32>,
          %parallel_loop3A_434 = arith.constant 2 : i32
          %parallel_loop3A_435 = arith.index_cast %parallel_loop3A_434 : i32 to index
          %parallel_loop3A_436 = arith.index_cast %parallel_loop3A_337 : i32 to index
          %parallel_loop3A_437 = arith.constant 96 : index
          %parallel_loop3A_438 = tpu.vector_load %arg11[%parallel_loop3A_435, %parallel_loop3A_436, %parallel_loop3A_437] {strides = array<i32>} : memref<3x64x128xf32, #tpu.memory_space<vmem>>, vector<16xf32>,
          %parallel_loop3A_439 = arith.constant 2 : i32
          %parallel_loop3A_440 = arith.index_cast %parallel_loop3A_439 : i32 to index
          %parallel_loop3A_441 = arith.index_cast %parallel_loop3A_337 : i32 to index
          %parallel_loop3A_442 = arith.constant 96 : index
          %parallel_loop3A_443 = tpu.vector_load %arg12[%parallel_loop3A_440, %parallel_loop3A_441, %parallel_loop3A_442] {strides = array<i32>} : memref<3x64x128xf32, #tpu.memory_space<vmem>>, vector<16xf32>,
          %parallel_loop3A_444 = arith.mulf %parallel_loop3A_438, %parallel_loop3A_443 : vector<16xf32>
          %parallel_loop3A_445 = arith.constant 2 : i32
          %parallel_loop3A_446 = arith.index_cast %parallel_loop3A_445 : i32 to index
          %parallel_loop3A_447 = arith.index_cast %parallel_loop3A_337 : i32 to index
          %parallel_loop3A_448 = arith.constant 96 : index
          %parallel_loop3A_449 = tpu.vector_load %arg11[%parallel_loop3A_446, %parallel_loop3A_447, %parallel_loop3A_448] {strides = array<i32>} : memref<3x64x128xf32, #tpu.memory_space<vmem>>, vector<16xf32>,
          tpu.vector_store %arg11[%parallel_loop3A_446, %parallel_loop3A_447, %parallel_loop3A_448], %parallel_loop3A_444 {strides = array<i32>} : memref<3x64x128xf32, #tpu.memory_space<vmem>>, vector<16xf32>,
          %parallel_loop3A_450 = arith.constant 2 : i32
          %parallel_loop3A_451 = arith.index_cast %parallel_loop3A_450 : i32 to index
          %parallel_loop3A_452 = arith.index_cast %parallel_loop3A_337 : i32 to index
          %parallel_loop3A_453 = arith.constant 112 : index
          %parallel_loop3A_454 = tpu.vector_load %arg11[%parallel_loop3A_451, %parallel_loop3A_452, %parallel_loop3A_453] {strides = array<i32>} : memref<3x64x128xf32, #tpu.memory_space<vmem>>, vector<16xf32>,
          %parallel_loop3A_455 = arith.constant 2 : i32
          %parallel_loop3A_456 = arith.index_cast %parallel_loop3A_455 : i32 to index
          %parallel_loop3A_457 = arith.index_cast %parallel_loop3A_337 : i32 to index
          %parallel_loop3A_458 = arith.constant 112 : index
          %parallel_loop3A_459 = tpu.vector_load %arg12[%parallel_loop3A_456, %parallel_loop3A_457, %parallel_loop3A_458] {strides = array<i32>} : memref<3x64x128xf32, #tpu.memory_space<vmem>>, vector<16xf32>,
          %parallel_loop3A_460 = arith.mulf %parallel_loop3A_454, %parallel_loop3A_459 : vector<16xf32>
          %parallel_loop3A_461 = arith.constant 2 : i32
          %parallel_loop3A_462 = arith.index_cast %parallel_loop3A_461 : i32 to index
          %parallel_loop3A_463 = arith.index_cast %parallel_loop3A_337 : i32 to index
          %parallel_loop3A_464 = arith.constant 112 : index
          %parallel_loop3A_465 = tpu.vector_load %arg11[%parallel_loop3A_462, %parallel_loop3A_463, %parallel_loop3A_464] {strides = array<i32>} : memref<3x64x128xf32, #tpu.memory_space<vmem>>, vector<16xf32>,
          tpu.vector_store %arg11[%parallel_loop3A_462, %parallel_loop3A_463, %parallel_loop3A_464], %parallel_loop3A_460 {strides = array<i32>} : memref<3x64x128xf32, #tpu.memory_space<vmem>>, vector<16xf32>,
        } {sc.loop_unroll_factor = 4 : i64, sc.parallel_access}
        %dma_start3A_325 = arith.constant 2 : i32
        %dma_start3A_326 = arith.constant 2 : i32
        %dma_start3A_327 = arith.constant 0 : i32
        %dma_start3A_328 = arith.constant 0 : i32
        %dma_start3A_329 = tpu.memref_slice %arg11[%dma_start3A_325, %dma_start3A_327, %dma_start3A_328] : memref<3x64x128xf32, #tpu.memory_space<vmem>> -> memref<1x64x128xf32, #tpu.memory_space<vmem>>
        %dma_start3A_330 = tpu.memref_squeeze %dma_start3A_329 : memref<1x64x128xf32, #tpu.memory_space<vmem>> -> memref<64x128xf32, #tpu.memory_space<vmem>>
        %dma_start3A_331 = arith.constant 0 : i32
        %dma_start3A_332 = tpu.memref_slice %arg10[%dma_start3A_326, %dma_start3A_331] : memref<3x64xi32, #tpu.memory_space<vmem>> -> memref<1x64xi32, #tpu.memory_space<vmem>>
        %dma_start3A_333 = tpu.memref_squeeze %dma_start3A_332 : memref<1x64xi32, #tpu.memory_space<vmem>> -> memref<64xi32, #tpu.memory_space<vmem>>
        %dma_start3A_334 = arith.constant 0 : i32
        %dma_start3A_335 = arith.constant 0 : i32
        %dma_start3A_336 = tpu.memref_slice %arg13[%dma_start3A_334, %dma_start3A_335] : memref<10000x128xf32, #tpu.memory_space<vmem_shared>> -> memref<10000x128xf32, #tpu.memory_space<vmem_shared>>
        tpu.enqueue_indirect_dma source(%dma_start3A_330 : memref<64x128xf32, #tpu.memory_space<vmem>>) target(%dma_start3A_336 : memref<10000x128xf32, #tpu.memory_space<vmem_shared>>) offsets(%dma_start3A_333 : memref<64xi32, #tpu.memory_space<vmem>>) semaphore(%arg22 : memref<!tpu.dma_semaphore, #tpu.memory_space<semaphore_mem>>) {add = true}
      } else {
      }
    }
    %scan3A_207 = arith.constant 53 : i32
    %dma_wait3A_208 = arith.constant 0 : i32
    %dma_wait3A_209 = arith.constant 0 : i32
    %dma_wait3A_210 = arith.constant 0 : i32
    %dma_wait3A_211 = arith.constant 0 : i32
    %dma_wait3A_212 = tpu.memref_slice %arg11[%dma_wait3A_208, %dma_wait3A_210, %dma_wait3A_211] : memref<3x64x128xf32, #tpu.memory_space<vmem>> -> memref<1x64x128xf32, #tpu.memory_space<vmem>>
    %dma_wait3A_213 = tpu.memref_squeeze %dma_wait3A_212 : memref<1x64x128xf32, #tpu.memory_space<vmem>> -> memref<64x128xf32, #tpu.memory_space<vmem>>
    %dma_wait3A_214 = arith.constant 0 : i32
    %dma_wait3A_215 = tpu.memref_slice %arg10[%dma_wait3A_209, %dma_wait3A_214] : memref<3x64xi32, #tpu.memory_space<vmem>> -> memref<1x64xi32, #tpu.memory_space<vmem>>
    %dma_wait3A_216 = tpu.memref_squeeze %dma_wait3A_215 : memref<1x64xi32, #tpu.memory_space<vmem>> -> memref<64xi32, #tpu.memory_space<vmem>>
    %dma_wait3A_217 = arith.constant 0 : i32
    %dma_wait3A_218 = arith.constant 0 : i32
    %dma_wait3A_219 = tpu.memref_slice %arg13[%dma_wait3A_217, %dma_wait3A_218] : memref<10000x128xf32, #tpu.memory_space<vmem_shared>> -> memref<10000x128xf32, #tpu.memory_space<vmem_shared>>
    tpu.wait_indirect_dma semaphore(%arg20 : memref<!tpu.dma_semaphore, #tpu.memory_space<semaphore_mem>>) src(%dma_wait3A_213 : memref<64x128xf32, #tpu.memory_space<vmem>>) dst(%dma_wait3A_219 : memref<10000x128xf32, #tpu.memory_space<vmem_shared>>)
    %dma_wait3A_220 = arith.constant 1 : i32
    %dma_wait3A_221 = arith.constant 1 : i32
    %dma_wait3A_222 = arith.constant 0 : i32
    %dma_wait3A_223 = arith.constant 0 : i32
    %dma_wait3A_224 = tpu.memref_slice %arg11[%dma_wait3A_220, %dma_wait3A_222, %dma_wait3A_223] : memref<3x64x128xf32, #tpu.memory_space<vmem>> -> memref<1x64x128xf32, #tpu.memory_space<vmem>>
    %dma_wait3A_225 = tpu.memref_squeeze %dma_wait3A_224 : memref<1x64x128xf32, #tpu.memory_space<vmem>> -> memref<64x128xf32, #tpu.memory_space<vmem>>
    %dma_wait3A_226 = arith.constant 0 : i32
    %dma_wait3A_227 = tpu.memref_slice %arg10[%dma_wait3A_221, %dma_wait3A_226] : memref<3x64xi32, #tpu.memory_space<vmem>> -> memref<1x64xi32, #tpu.memory_space<vmem>>
    %dma_wait3A_228 = tpu.memref_squeeze %dma_wait3A_227 : memref<1x64xi32, #tpu.memory_space<vmem>> -> memref<64xi32, #tpu.memory_space<vmem>>
    %dma_wait3A_229 = arith.constant 0 : i32
    %dma_wait3A_230 = arith.constant 0 : i32
    %dma_wait3A_231 = tpu.memref_slice %arg13[%dma_wait3A_229, %dma_wait3A_230] : memref<10000x128xf32, #tpu.memory_space<vmem_shared>> -> memref<10000x128xf32, #tpu.memory_space<vmem_shared>>
    tpu.wait_indirect_dma semaphore(%arg21 : memref<!tpu.dma_semaphore, #tpu.memory_space<semaphore_mem>>) src(%dma_wait3A_225 : memref<64x128xf32, #tpu.memory_space<vmem>>) dst(%dma_wait3A_231 : memref<10000x128xf32, #tpu.memory_space<vmem_shared>>)
    %dma_wait3A_232 = arith.constant 2 : i32
    %dma_wait3A_233 = arith.constant 2 : i32
    %dma_wait3A_234 = arith.constant 0 : i32
    %dma_wait3A_235 = arith.constant 0 : i32
    %dma_wait3A_236 = tpu.memref_slice %arg11[%dma_wait3A_232, %dma_wait3A_234, %dma_wait3A_235] : memref<3x64x128xf32, #tpu.memory_space<vmem>> -> memref<1x64x128xf32, #tpu.memory_space<vmem>>
    %dma_wait3A_237 = tpu.memref_squeeze %dma_wait3A_236 : memref<1x64x128xf32, #tpu.memory_space<vmem>> -> memref<64x128xf32, #tpu.memory_space<vmem>>
    %dma_wait3A_238 = arith.constant 0 : i32
    %dma_wait3A_239 = tpu.memref_slice %arg10[%dma_wait3A_233, %dma_wait3A_238] : memref<3x64xi32, #tpu.memory_space<vmem>> -> memref<1x64xi32, #tpu.memory_space<vmem>>
    %dma_wait3A_240 = tpu.memref_squeeze %dma_wait3A_239 : memref<1x64xi32, #tpu.memory_space<vmem>> -> memref<64xi32, #tpu.memory_space<vmem>>
    %dma_wait3A_241 = arith.constant 0 : i32
    %dma_wait3A_242 = arith.constant 0 : i32
    %dma_wait3A_243 = tpu.memref_slice %arg13[%dma_wait3A_241, %dma_wait3A_242] : memref<10000x128xf32, #tpu.memory_space<vmem_shared>> -> memref<10000x128xf32, #tpu.memory_space<vmem_shared>>
    tpu.wait_indirect_dma semaphore(%arg22 : memref<!tpu.dma_semaphore, #tpu.memory_space<semaphore_mem>>) src(%dma_wait3A_237 : memref<64x128xf32, #tpu.memory_space<vmem>>) dst(%dma_wait3A_243 : memref<10000x128xf32, #tpu.memory_space<vmem_shared>>)
    %barrier3A_244 = arith.constant 0 : index
    tpu.barrier barrier_id(%barrier3A_244)
    %while3A_245 = arith.constant 0 : i32
    %while3A_246 = arith.constant 0 : i32
    %while3A_247 = arith.subi %add3A_19, %while3A_246 : i32
    %while3A_248 = arith.addi %while3A_246, %while3A_247 : i32
    %while3A_249 = arith.constant 1 : i32
    %while3A_250 = arith.divsi %while3A_247, %while3A_249 : i32
    %while3A_251 = arith.muli %while3A_250, %while3A_249 : i32
    %while3A_252 = arith.addi %while3A_246, %while3A_251 : i32
    %while3A_253 = arith.constant 1 : i32
    scf.for %while3A_260 = %while3A_246 to %while3A_252 step %while3A_253  : i32 {
      %mul3A_261 = arith.constant 16 : i32
      %mul3A_262 = arith.muli %while3A_260, %mul3A_261 : i32
      %add3A_263 = arith.addi %arg1, %mul3A_262 : i32
      %mul3A_264 = arith.constant 128 : i32
      %mul3A_265 = arith.muli %add3A_263, %mul3A_264 : i32
      %add3A_266 = arith.addi %mul3A_0, %mul3A_265 : i32
      "tpu.region"() ({
        %run_scoped3A_267 = tpu.sem_alloc : memref<!tpu.dma_semaphore, #tpu.memory_space<semaphore_mem>>
        %dma_start3A_268 = arith.constant 0 : i32
        %dma_start3A_269 = tpu.memref_slice %arg7[%add3A_266, %dma_start3A_268] : memref<20000x128xf32, #tpu.memory_space<hbm>> -> memref<128x128xf32, #tpu.memory_space<hbm>>
        %dma_start3A_270 = arith.constant 0 : i32
        %dma_start3A_271 = tpu.memref_slice %arg13[%mul3A_265, %dma_start3A_270] : memref<10000x128xf32, #tpu.memory_space<vmem_shared>> -> memref<128x128xf32, #tpu.memory_space<vmem_shared>>
        tpu.enqueue_dma source(%dma_start3A_271 : memref<128x128xf32, #tpu.memory_space<vmem_shared>>) target(%dma_start3A_269 : memref<128x128xf32, #tpu.memory_space<hbm>>) target_semaphore(%run_scoped3A_267 : memref<!tpu.dma_semaphore, #tpu.memory_space<semaphore_mem>>)
        %dma_wait3A_272 = arith.constant 0 : i32
        %dma_wait3A_273 = tpu.memref_slice %arg7[%add3A_266, %dma_wait3A_272] : memref<20000x128xf32, #tpu.memory_space<hbm>> -> memref<128x128xf32, #tpu.memory_space<hbm>>
        %dma_wait3A_274 = arith.constant 0 : i32
        %dma_wait3A_275 = tpu.memref_slice %arg13[%mul3A_265, %dma_wait3A_274] : memref<10000x128xf32, #tpu.memory_space<vmem_shared>> -> memref<128x128xf32, #tpu.memory_space<vmem_shared>>
        tpu.wait_dma2 semaphore(%run_scoped3A_267 : memref<!tpu.dma_semaphore, #tpu.memory_space<semaphore_mem>>) src(%dma_wait3A_275 : memref<128x128xf32, #tpu.memory_space<vmem_shared>>) dst(%dma_wait3A_273 : memref<128x128xf32, #tpu.memory_space<hbm>>)
        tpu.yield
      }) : () -> ()
    }
    %while3A_254 = arith.constant 1 : i32
    scf.for %while3A_260 = %while3A_252 to %while3A_248 step %while3A_254  : i32 {
      %mul3A_261 = arith.constant 16 : i32
      %mul3A_262 = arith.muli %while3A_260, %mul3A_261 : i32
      %add3A_263 = arith.addi %arg1, %mul3A_262 : i32
      %mul3A_264 = arith.constant 128 : i32
      %mul3A_265 = arith.muli %add3A_263, %mul3A_264 : i32
      %add3A_266 = arith.addi %mul3A_0, %mul3A_265 : i32
      "tpu.region"() ({
        %run_scoped3A_267 = tpu.sem_alloc : memref<!tpu.dma_semaphore, #tpu.memory_space<semaphore_mem>>
        %dma_start3A_268 = arith.constant 0 : i32
        %dma_start3A_269 = tpu.memref_slice %arg7[%add3A_266, %dma_start3A_268] : memref<20000x128xf32, #tpu.memory_space<hbm>> -> memref<128x128xf32, #tpu.memory_space<hbm>>
        %dma_start3A_270 = arith.constant 0 : i32
        %dma_start3A_271 = tpu.memref_slice %arg13[%mul3A_265, %dma_start3A_270] : memref<10000x128xf32, #tpu.memory_space<vmem_shared>> -> memref<128x128xf32, #tpu.memory_space<vmem_shared>>
        tpu.enqueue_dma source(%dma_start3A_271 : memref<128x128xf32, #tpu.memory_space<vmem_shared>>) target(%dma_start3A_269 : memref<128x128xf32, #tpu.memory_space<hbm>>) target_semaphore(%run_scoped3A_267 : memref<!tpu.dma_semaphore, #tpu.memory_space<semaphore_mem>>)
        %dma_wait3A_272 = arith.constant 0 : i32
        %dma_wait3A_273 = tpu.memref_slice %arg7[%add3A_266, %dma_wait3A_272] : memref<20000x128xf32, #tpu.memory_space<hbm>> -> memref<128x128xf32, #tpu.memory_space<hbm>>
        %dma_wait3A_274 = arith.constant 0 : i32
        %dma_wait3A_275 = tpu.memref_slice %arg13[%mul3A_265, %dma_wait3A_274] : memref<10000x128xf32, #tpu.memory_space<vmem_shared>> -> memref<128x128xf32, #tpu.memory_space<vmem_shared>>
        tpu.wait_dma2 semaphore(%run_scoped3A_267 : memref<!tpu.dma_semaphore, #tpu.memory_space<semaphore_mem>>) src(%dma_wait3A_275 : memref<128x128xf32, #tpu.memory_space<vmem_shared>>) dst(%dma_wait3A_273 : memref<128x128xf32, #tpu.memory_space<hbm>>)
        tpu.yield
      }) : () -> ()
    }
    %eq3A_255 = arith.constant 0 : i32
    %eq3A_256 = arith.cmpi eq, %arg1, %eq3A_255 : i32
    %convert_element_type3A_257 = arith.extui %eq3A_256 : i1 to i32
    %cond3A_258 = arith.constant 0 : i32
    %cond3A_259 = arith.cmpi ne, %convert_element_type3A_257, %cond3A_258 : i32
    scf.if %cond3A_259 {
      %add3A_260 = arith.constant 9984 : i32
      %add3A_261 = arith.addi %mul3A_0, %add3A_260 : i32
      "tpu.region"() ({
        %run_scoped3A_262 = tpu.sem_alloc : memref<!tpu.dma_semaphore, #tpu.memory_space<semaphore_mem>>
        %dma_start3A_263 = arith.constant 0 : i32
        %dma_start3A_264 = tpu.memref_slice %arg7[%add3A_261, %dma_start3A_263] : memref<20000x128xf32, #tpu.memory_space<hbm>> -> memref<16x128xf32, #tpu.memory_space<hbm>>
        %dma_start3A_265 = arith.constant 9984 : i32
        %dma_start3A_266 = arith.constant 0 : i32
        %dma_start3A_267 = tpu.memref_slice %arg13[%dma_start3A_265, %dma_start3A_266] : memref<10000x128xf32, #tpu.memory_space<vmem_shared>> -> memref<16x128xf32, #tpu.memory_space<vmem_shared>>
        tpu.enqueue_dma source(%dma_start3A_267 : memref<16x128xf32, #tpu.memory_space<vmem_shared>>) target(%dma_start3A_264 : memref<16x128xf32, #tpu.memory_space<hbm>>) target_semaphore(%run_scoped3A_262 : memref<!tpu.dma_semaphore, #tpu.memory_space<semaphore_mem>>)
        %dma_wait3A_268 = arith.constant 0 : i32
        %dma_wait3A_269 = tpu.memref_slice %arg7[%add3A_261, %dma_wait3A_268] : memref<20000x128xf32, #tpu.memory_space<hbm>> -> memref<16x128xf32, #tpu.memory_space<hbm>>
        %dma_wait3A_270 = arith.constant 9984 : i32
        %dma_wait3A_271 = arith.constant 0 : i32
        %dma_wait3A_272 = tpu.memref_slice %arg13[%dma_wait3A_270, %dma_wait3A_271] : memref<10000x128xf32, #tpu.memory_space<vmem_shared>> -> memref<16x128xf32, #tpu.memory_space<vmem_shared>>
        tpu.wait_dma2 semaphore(%run_scoped3A_262 : memref<!tpu.dma_semaphore, #tpu.memory_space<semaphore_mem>>) src(%dma_wait3A_272 : memref<16x128xf32, #tpu.memory_space<vmem_shared>>) dst(%dma_wait3A_269 : memref<16x128xf32, #tpu.memory_space<hbm>>)
        tpu.yield
      }) : () -> ()
    } else {
    }
    return
  }
}

#map = affine_map<(d0, d1) -> (0, 0)>
#map1 = affine_map<(d0, d1) -> (0)>
module attributes {stable_mosaic.version = 14 : i64} {
  func.func @_edge_gather_body(%arg0: i32, %arg1: i32, %arg2: memref<10000x128xf32, #tpu.memory_space<hbm>>, %arg3: memref<160000xi32, #tpu.memory_space<hbm>>, %arg4: memref<160000xi32, #tpu.memory_space<hbm>>, %arg5: memref<160000x128xf32, #tpu.memory_space<hbm>>, %arg6: memref<3x128xi32, #tpu.memory_space<vmem>>, %arg7: memref<3x128xi32, #tpu.memory_space<vmem>>, %arg8: memref<3x128x128xf32, #tpu.memory_space<vmem>>, %arg9: memref<3x128x128xf32, #tpu.memory_space<vmem>>, %arg10: memref<!tpu.dma_semaphore, #tpu.memory_space<semaphore_mem>>, %arg11: memref<!tpu.dma_semaphore, #tpu.memory_space<semaphore_mem>>, %arg12: memref<!tpu.dma_semaphore, #tpu.memory_space<semaphore_mem>>, %arg13: memref<!tpu.dma_semaphore, #tpu.memory_space<semaphore_mem>>, %arg14: memref<!tpu.dma_semaphore, #tpu.memory_space<semaphore_mem>>, %arg15: memref<!tpu.dma_semaphore, #tpu.memory_space<semaphore_mem>>, %arg16: memref<!tpu.dma_semaphore, #tpu.memory_space<semaphore_mem>>, %arg17: memref<!tpu.dma_semaphore, #tpu.memory_space<semaphore_mem>>, %arg18: memref<!tpu.dma_semaphore, #tpu.memory_space<semaphore_mem>>, %arg19: memref<!tpu.dma_semaphore, #tpu.memory_space<semaphore_mem>>, %arg20: memref<!tpu.dma_semaphore, #tpu.memory_space<semaphore_mem>>, %arg21: memref<!tpu.dma_semaphore, #tpu.memory_space<semaphore_mem>>, %arg22: memref<!tpu.dma_semaphore, #tpu.memory_space<semaphore_mem>>, %arg23: memref<!tpu.dma_semaphore, #tpu.memory_space<semaphore_mem>>, %arg24: memref<!tpu.dma_semaphore, #tpu.memory_space<semaphore_mem>>) attributes {dimension_semantics = [#tpu.dimension_semantics<core_parallel>, #tpu.dimension_semantics<subcore_parallel>], iteration_bounds = array<i64: 2, 16>, scalar_prefetch = 0 : i64, scratch_operands = 19 : i64, tpu.core_type = #tpu.core_type<sc_vector_subcore>, window_params = [{transform_indices = #map}, {transform_indices = #map1}, {transform_indices = #map1}, {transform_indices = #map}]} {
    %mul3A = arith.constant 2 : i32
    %mul3A_0 = arith.muli %arg1, %mul3A : i32
    %add3A = arith.addi %mul3A_0, %arg0 : i32
    %sub3A = arith.constant 1249 : i32
    %sub3A_1 = arith.subi %sub3A, %add3A : i32
    %jit3A = arith.constant 32 : i32
    %div3A = arith.divsi %sub3A_1, %jit3A : i32
    %sign3A = arith.constant 0 : i32
    %sign3A_2 = arith.cmpi sgt, %sub3A_1, %sign3A : i32
    %sign3A_3 = arith.extui %sign3A_2 : i1 to i32
    %sign3A_4 = arith.constant 0 : i32
    %sign3A_5 = arith.cmpi slt, %sub3A_1, %sign3A_4 : i32
    %sign3A_6 = arith.extui %sign3A_5 : i1 to i32
    %sign3A_7 = arith.subi %sign3A_3, %sign3A_6 : i32
    %sign3A_8 = arith.constant 0 : i32
    %sign3A_9 = arith.cmpi sgt, %jit3A, %sign3A_8 : i32
    %sign3A_10 = arith.extui %sign3A_9 : i1 to i32
    %sign3A_11 = arith.constant 0 : i32
    %sign3A_12 = arith.cmpi slt, %jit3A, %sign3A_11 : i32
    %sign3A_13 = arith.extui %sign3A_12 : i1 to i32
    %sign3A_14 = arith.subi %sign3A_10, %sign3A_13 : i32
    %ne3A = arith.cmpi ne, %sign3A_7, %sign3A_14 : i32
    %rem3A = arith.remsi %sub3A_1, %jit3A : i32
    %ne3A_15 = arith.constant 0 : i32
    %ne3A_16 = arith.cmpi ne, %rem3A, %ne3A_15 : i32
    %and3A = arith.andi %ne3A, %ne3A_16 : i1
    %sub3A_17 = arith.constant 1 : i32
    %sub3A_18 = arith.subi %div3A, %sub3A_17 : i32
    %select_n3A = arith.select %and3A, %sub3A_18, %div3A : i32
    %add3A_19 = arith.constant 1 : i32
    %add3A_20 = arith.addi %select_n3A, %add3A_19 : i32
    %add3A_21 = arith.constant 0 : i32
    %add3A_22 = arith.addi %add3A, %add3A_21 : i32
    %mul3A_23 = arith.constant 128 : i32
    %mul3A_24 = arith.muli %add3A_22, %mul3A_23 : i32
    %dma_start3A = arith.constant 0 : i32
    %dma_start3A_25 = arith.constant 0 : i32
    %dma_start3A_26 = tpu.memref_slice %arg6[%dma_start3A, %dma_start3A_25] : memref<3x128xi32, #tpu.memory_space<vmem>> -> memref<1x128xi32, #tpu.memory_space<vmem>>
    %dma_start3A_27 = tpu.memref_squeeze %dma_start3A_26 : memref<1x128xi32, #tpu.memory_space<vmem>> -> memref<128xi32, #tpu.memory_space<vmem>>
    %dma_start3A_28 = tpu.memref_slice %arg3[%mul3A_24] : memref<160000xi32, #tpu.memory_space<hbm>> -> memref<128xi32, #tpu.memory_space<hbm>>
    %dma_start3A_29 = arith.constant 0 : i32
    %dma_start3A_30 = tpu.memref_slice %arg6[%dma_start3A, %dma_start3A_29] : memref<3x128xi32, #tpu.memory_space<vmem>> -> memref<1x128xi32, #tpu.memory_space<vmem>>
    %dma_start3A_31 = tpu.memref_squeeze %dma_start3A_30 : memref<1x128xi32, #tpu.memory_space<vmem>> -> memref<128xi32, #tpu.memory_space<vmem>>
    %dma_start3A_32 = tpu.memref_slice %arg3[%mul3A_24] : memref<160000xi32, #tpu.memory_space<hbm>> -> memref<128xi32, #tpu.memory_space<hbm>>
    tpu.enqueue_dma source(%dma_start3A_32 : memref<128xi32, #tpu.memory_space<hbm>>) target(%dma_start3A_31 : memref<128xi32, #tpu.memory_space<vmem>>) target_semaphore(%arg19 : memref<!tpu.dma_semaphore, #tpu.memory_space<semaphore_mem>>)
    %dma_start3A_33 = arith.constant 0 : i32
    %dma_start3A_34 = arith.constant 0 : i32
    %dma_start3A_35 = tpu.memref_slice %arg7[%dma_start3A_33, %dma_start3A_34] : memref<3x128xi32, #tpu.memory_space<vmem>> -> memref<1x128xi32, #tpu.memory_space<vmem>>
    %dma_start3A_36 = tpu.memref_squeeze %dma_start3A_35 : memref<1x128xi32, #tpu.memory_space<vmem>> -> memref<128xi32, #tpu.memory_space<vmem>>
    %dma_start3A_37 = tpu.memref_slice %arg4[%mul3A_24] : memref<160000xi32, #tpu.memory_space<hbm>> -> memref<128xi32, #tpu.memory_space<hbm>>
    %dma_start3A_38 = arith.constant 0 : i32
    %dma_start3A_39 = tpu.memref_slice %arg7[%dma_start3A_33, %dma_start3A_38] : memref<3x128xi32, #tpu.memory_space<vmem>> -> memref<1x128xi32, #tpu.memory_space<vmem>>
    %dma_start3A_40 = tpu.memref_squeeze %dma_start3A_39 : memref<1x128xi32, #tpu.memory_space<vmem>> -> memref<128xi32, #tpu.memory_space<vmem>>
    %dma_start3A_41 = tpu.memref_slice %arg4[%mul3A_24] : memref<160000xi32, #tpu.memory_space<hbm>> -> memref<128xi32, #tpu.memory_space<hbm>>
    tpu.enqueue_dma source(%dma_start3A_41 : memref<128xi32, #tpu.memory_space<hbm>>) target(%dma_start3A_40 : memref<128xi32, #tpu.memory_space<vmem>>) target_semaphore(%arg22 : memref<!tpu.dma_semaphore, #tpu.memory_space<semaphore_mem>>)
    %add3A_42 = arith.constant 0 : i32
    %add3A_43 = arith.addi %add3A, %add3A_42 : i32
    %mul3A_44 = arith.constant 128 : i32
    %mul3A_45 = arith.muli %add3A_43, %mul3A_44 : i32
    %dma_wait3A = arith.constant 0 : i32
    %dma_wait3A_46 = arith.constant 0 : i32
    %dma_wait3A_47 = tpu.memref_slice %arg6[%dma_wait3A, %dma_wait3A_46] : memref<3x128xi32, #tpu.memory_space<vmem>> -> memref<1x128xi32, #tpu.memory_space<vmem>>
    %dma_wait3A_48 = tpu.memref_squeeze %dma_wait3A_47 : memref<1x128xi32, #tpu.memory_space<vmem>> -> memref<128xi32, #tpu.memory_space<vmem>>
    %dma_wait3A_49 = tpu.memref_slice %arg3[%mul3A_45] : memref<160000xi32, #tpu.memory_space<hbm>> -> memref<128xi32, #tpu.memory_space<hbm>>
    %dma_wait3A_50 = arith.constant 0 : i32
    %dma_wait3A_51 = tpu.memref_slice %arg6[%dma_wait3A, %dma_wait3A_50] : memref<3x128xi32, #tpu.memory_space<vmem>> -> memref<1x128xi32, #tpu.memory_space<vmem>>
    %dma_wait3A_52 = tpu.memref_squeeze %dma_wait3A_51 : memref<1x128xi32, #tpu.memory_space<vmem>> -> memref<128xi32, #tpu.memory_space<vmem>>
    %dma_wait3A_53 = tpu.memref_slice %arg3[%mul3A_45] : memref<160000xi32, #tpu.memory_space<hbm>> -> memref<128xi32, #tpu.memory_space<hbm>>
    tpu.wait_dma2 semaphore(%arg19 : memref<!tpu.dma_semaphore, #tpu.memory_space<semaphore_mem>>) src(%dma_wait3A_53 : memref<128xi32, #tpu.memory_space<hbm>>) dst(%dma_wait3A_52 : memref<128xi32, #tpu.memory_space<vmem>>)
    %dma_wait3A_54 = arith.constant 0 : i32
    %dma_wait3A_55 = arith.constant 0 : i32
    %dma_wait3A_56 = tpu.memref_slice %arg7[%dma_wait3A_54, %dma_wait3A_55] : memref<3x128xi32, #tpu.memory_space<vmem>> -> memref<1x128xi32, #tpu.memory_space<vmem>>
    %dma_wait3A_57 = tpu.memref_squeeze %dma_wait3A_56 : memref<1x128xi32, #tpu.memory_space<vmem>> -> memref<128xi32, #tpu.memory_space<vmem>>
    %dma_wait3A_58 = tpu.memref_slice %arg4[%mul3A_45] : memref<160000xi32, #tpu.memory_space<hbm>> -> memref<128xi32, #tpu.memory_space<hbm>>
    %dma_wait3A_59 = arith.constant 0 : i32
    %dma_wait3A_60 = tpu.memref_slice %arg7[%dma_wait3A_54, %dma_wait3A_59] : memref<3x128xi32, #tpu.memory_space<vmem>> -> memref<1x128xi32, #tpu.memory_space<vmem>>
    %dma_wait3A_61 = tpu.memref_squeeze %dma_wait3A_60 : memref<1x128xi32, #tpu.memory_space<vmem>> -> memref<128xi32, #tpu.memory_space<vmem>>
    %dma_wait3A_62 = tpu.memref_slice %arg4[%mul3A_45] : memref<160000xi32, #tpu.memory_space<hbm>> -> memref<128xi32, #tpu.memory_space<hbm>>
    tpu.wait_dma2 semaphore(%arg22 : memref<!tpu.dma_semaphore, #tpu.memory_space<semaphore_mem>>) src(%dma_wait3A_62 : memref<128xi32, #tpu.memory_space<hbm>>) dst(%dma_wait3A_61 : memref<128xi32, #tpu.memory_space<vmem>>)
    %dma_start3A_63 = arith.constant 0 : i32
    %dma_start3A_64 = arith.constant 0 : i32
    %dma_start3A_65 = arith.constant 0 : i32
    %dma_start3A_66 = arith.constant 0 : i32
    %dma_start3A_67 = tpu.memref_slice %arg8[%dma_start3A_64, %dma_start3A_65, %dma_start3A_66] : memref<3x128x128xf32, #tpu.memory_space<vmem>> -> memref<1x128x128xf32, #tpu.memory_space<vmem>>
    %dma_start3A_68 = tpu.memref_squeeze %dma_start3A_67 : memref<1x128x128xf32, #tpu.memory_space<vmem>> -> memref<128x128xf32, #tpu.memory_space<vmem>>
    %dma_start3A_69 = arith.constant 0 : i32
    %dma_start3A_70 = tpu.memref_slice %arg6[%dma_start3A_63, %dma_start3A_69] : memref<3x128xi32, #tpu.memory_space<vmem>> -> memref<1x128xi32, #tpu.memory_space<vmem>>
    %dma_start3A_71 = tpu.memref_squeeze %dma_start3A_70 : memref<1x128xi32, #tpu.memory_space<vmem>> -> memref<128xi32, #tpu.memory_space<vmem>>
    %dma_start3A_72 = arith.constant 0 : i32
    %dma_start3A_73 = arith.constant 0 : i32
    %dma_start3A_74 = tpu.memref_slice %arg2[%dma_start3A_72, %dma_start3A_73] : memref<10000x128xf32, #tpu.memory_space<hbm>> -> memref<10000x128xf32, #tpu.memory_space<hbm>>
    tpu.enqueue_indirect_dma source(%dma_start3A_74 : memref<10000x128xf32, #tpu.memory_space<hbm>>) target(%dma_start3A_68 : memref<128x128xf32, #tpu.memory_space<vmem>>) offsets(%dma_start3A_71 : memref<128xi32, #tpu.memory_space<vmem>>) semaphore(%arg10 : memref<!tpu.dma_semaphore, #tpu.memory_space<semaphore_mem>>)
    %dma_start3A_75 = arith.constant 0 : i32
    %dma_start3A_76 = arith.constant 0 : i32
    %dma_start3A_77 = arith.constant 0 : i32
    %dma_start3A_78 = arith.constant 0 : i32
    %dma_start3A_79 = tpu.memref_slice %arg9[%dma_start3A_76, %dma_start3A_77, %dma_start3A_78] : memref<3x128x128xf32, #tpu.memory_space<vmem>> -> memref<1x128x128xf32, #tpu.memory_space<vmem>>
    %dma_start3A_80 = tpu.memref_squeeze %dma_start3A_79 : memref<1x128x128xf32, #tpu.memory_space<vmem>> -> memref<128x128xf32, #tpu.memory_space<vmem>>
    %dma_start3A_81 = arith.constant 0 : i32
    %dma_start3A_82 = tpu.memref_slice %arg7[%dma_start3A_75, %dma_start3A_81] : memref<3x128xi32, #tpu.memory_space<vmem>> -> memref<1x128xi32, #tpu.memory_space<vmem>>
    %dma_start3A_83 = tpu.memref_squeeze %dma_start3A_82 : memref<1x128xi32, #tpu.memory_space<vmem>> -> memref<128xi32, #tpu.memory_space<vmem>>
    %dma_start3A_84 = arith.constant 0 : i32
    %dma_start3A_85 = arith.constant 0 : i32
    %dma_start3A_86 = tpu.memref_slice %arg2[%dma_start3A_84, %dma_start3A_85] : memref<10000x128xf32, #tpu.memory_space<hbm>> -> memref<10000x128xf32, #tpu.memory_space<hbm>>
    tpu.enqueue_indirect_dma source(%dma_start3A_86 : memref<10000x128xf32, #tpu.memory_space<hbm>>) target(%dma_start3A_80 : memref<128x128xf32, #tpu.memory_space<vmem>>) offsets(%dma_start3A_83 : memref<128xi32, #tpu.memory_space<vmem>>) semaphore(%arg13 : memref<!tpu.dma_semaphore, #tpu.memory_space<semaphore_mem>>)
    %gt3A = arith.constant 1 : i32
    %gt3A_87 = arith.cmpi sgt, %add3A_20, %gt3A : i32
    %convert_element_type3A = arith.extui %gt3A_87 : i1 to i32
    %cond3A = arith.constant 0 : i32
    %cond3A_88 = arith.cmpi ne, %convert_element_type3A, %cond3A : i32
    scf.if %cond3A_88 {
      %add3A_139 = arith.constant 32 : i32
      %add3A_140 = arith.addi %add3A, %add3A_139 : i32
      %mul3A_141 = arith.constant 128 : i32
      %mul3A_142 = arith.muli %add3A_140, %mul3A_141 : i32
      %dma_start3A_143 = arith.constant 1 : i32
      %dma_start3A_144 = arith.constant 0 : i32
      %dma_start3A_145 = tpu.memref_slice %arg6[%dma_start3A_143, %dma_start3A_144] : memref<3x128xi32, #tpu.memory_space<vmem>> -> memref<1x128xi32, #tpu.memory_space<vmem>>
      %dma_start3A_146 = tpu.memref_squeeze %dma_start3A_145 : memref<1x128xi32, #tpu.memory_space<vmem>> -> memref<128xi32, #tpu.memory_space<vmem>>
      %dma_start3A_147 = tpu.memref_slice %arg3[%mul3A_142] : memref<160000xi32, #tpu.memory_space<hbm>> -> memref<128xi32, #tpu.memory_space<hbm>>
      %dma_start3A_148 = arith.constant 0 : i32
      %dma_start3A_149 = tpu.memref_slice %arg6[%dma_start3A_143, %dma_start3A_148] : memref<3x128xi32, #tpu.memory_space<vmem>> -> memref<1x128xi32, #tpu.memory_space<vmem>>
      %dma_start3A_150 = tpu.memref_squeeze %dma_start3A_149 : memref<1x128xi32, #tpu.memory_space<vmem>> -> memref<128xi32, #tpu.memory_space<vmem>>
      %dma_start3A_151 = tpu.memref_slice %arg3[%mul3A_142] : memref<160000xi32, #tpu.memory_space<hbm>> -> memref<128xi32, #tpu.memory_space<hbm>>
      tpu.enqueue_dma source(%dma_start3A_151 : memref<128xi32, #tpu.memory_space<hbm>>) target(%dma_start3A_150 : memref<128xi32, #tpu.memory_space<vmem>>) target_semaphore(%arg20 : memref<!tpu.dma_semaphore, #tpu.memory_space<semaphore_mem>>)
      %dma_start3A_152 = arith.constant 1 : i32
      %dma_start3A_153 = arith.constant 0 : i32
      %dma_start3A_154 = tpu.memref_slice %arg7[%dma_start3A_152, %dma_start3A_153] : memref<3x128xi32, #tpu.memory_space<vmem>> -> memref<1x128xi32, #tpu.memory_space<vmem>>
      %dma_start3A_155 = tpu.memref_squeeze %dma_start3A_154 : memref<1x128xi32, #tpu.memory_space<vmem>> -> memref<128xi32, #tpu.memory_space<vmem>>
      %dma_start3A_156 = tpu.memref_slice %arg4[%mul3A_142] : memref<160000xi32, #tpu.memory_space<hbm>> -> memref<128xi32, #tpu.memory_space<hbm>>
      %dma_start3A_157 = arith.constant 0 : i32
      %dma_start3A_158 = tpu.memref_slice %arg7[%dma_start3A_152, %dma_start3A_157] : memref<3x128xi32, #tpu.memory_space<vmem>> -> memref<1x128xi32, #tpu.memory_space<vmem>>
      %dma_start3A_159 = tpu.memref_squeeze %dma_start3A_158 : memref<1x128xi32, #tpu.memory_space<vmem>> -> memref<128xi32, #tpu.memory_space<vmem>>
      %dma_start3A_160 = tpu.memref_slice %arg4[%mul3A_142] : memref<160000xi32, #tpu.memory_space<hbm>> -> memref<128xi32, #tpu.memory_space<hbm>>
      tpu.enqueue_dma source(%dma_start3A_160 : memref<128xi32, #tpu.memory_space<hbm>>) target(%dma_start3A_159 : memref<128xi32, #tpu.memory_space<vmem>>) target_semaphore(%arg23 : memref<!tpu.dma_semaphore, #tpu.memory_space<semaphore_mem>>)
    } else {
    }
    %scan3A = arith.constant 0 : i32
    %scan3A_89 = arith.constant 0 : i32
    %scan3A_90 = arith.constant 14 : i32
    %scan3A_91 = arith.addi %scan3A_89, %scan3A_90 : i32
    %scan3A_92 = arith.constant 1 : i32
    scf.for %scan3A_139 = %scan3A_89 to %scan3A_91 step %scan3A_92  : i32 {
      %mul3A_140 = arith.constant 3 : i32
      %mul3A_141 = arith.muli %mul3A_140, %scan3A_139 : i32
      %add3A_142 = arith.constant 0 : i32
      %add3A_143 = arith.addi %mul3A_141, %add3A_142 : i32
      %lt3A = arith.cmpi slt, %add3A_143, %add3A_20 : i32
      %convert_element_type3A_144 = arith.extui %lt3A : i1 to i32
      %cond3A_145 = arith.constant 0 : i32
      %cond3A_146 = arith.cmpi ne, %convert_element_type3A_144, %cond3A_145 : i32
      scf.if %cond3A_146 {
        %add3A_163 = arith.constant 2 : i32
        %add3A_164 = arith.addi %add3A_143, %add3A_163 : i32
        %lt3A_165 = arith.cmpi slt, %add3A_164, %add3A_20 : i32
        %convert_element_type3A_166 = arith.extui %lt3A_165 : i1 to i32
        %cond3A_167 = arith.constant 0 : i32
        %cond3A_168 = arith.cmpi ne, %convert_element_type3A_166, %cond3A_167 : i32
        scf.if %cond3A_168 {
          %add3A_219 = arith.constant 2 : i32
          %add3A_220 = arith.addi %add3A_143, %add3A_219 : i32
          %mul3A_221 = arith.constant 32 : i32
          %mul3A_222 = arith.muli %add3A_220, %mul3A_221 : i32
          %add3A_223 = arith.addi %add3A, %mul3A_222 : i32
          %mul3A_224 = arith.constant 128 : i32
          %mul3A_225 = arith.muli %add3A_223, %mul3A_224 : i32
          %dma_start3A_226 = arith.constant 2 : i32
          %dma_start3A_227 = arith.constant 0 : i32
          %dma_start3A_228 = tpu.memref_slice %arg6[%dma_start3A_226, %dma_start3A_227] : memref<3x128xi32, #tpu.memory_space<vmem>> -> memref<1x128xi32, #tpu.memory_space<vmem>>
          %dma_start3A_229 = tpu.memref_squeeze %dma_start3A_228 : memref<1x128xi32, #tpu.memory_space<vmem>> -> memref<128xi32, #tpu.memory_space<vmem>>
          %dma_start3A_230 = tpu.memref_slice %arg3[%mul3A_225] : memref<160000xi32, #tpu.memory_space<hbm>> -> memref<128xi32, #tpu.memory_space<hbm>>
          %dma_start3A_231 = arith.constant 0 : i32
          %dma_start3A_232 = tpu.memref_slice %arg6[%dma_start3A_226, %dma_start3A_231] : memref<3x128xi32, #tpu.memory_space<vmem>> -> memref<1x128xi32, #tpu.memory_space<vmem>>
          %dma_start3A_233 = tpu.memref_squeeze %dma_start3A_232 : memref<1x128xi32, #tpu.memory_space<vmem>> -> memref<128xi32, #tpu.memory_space<vmem>>
          %dma_start3A_234 = tpu.memref_slice %arg3[%mul3A_225] : memref<160000xi32, #tpu.memory_space<hbm>> -> memref<128xi32, #tpu.memory_space<hbm>>
          tpu.enqueue_dma source(%dma_start3A_234 : memref<128xi32, #tpu.memory_space<hbm>>) target(%dma_start3A_233 : memref<128xi32, #tpu.memory_space<vmem>>) target_semaphore(%arg21 : memref<!tpu.dma_semaphore, #tpu.memory_space<semaphore_mem>>)
          %dma_start3A_235 = arith.constant 2 : i32
          %dma_start3A_236 = arith.constant 0 : i32
          %dma_start3A_237 = tpu.memref_slice %arg7[%dma_start3A_235, %dma_start3A_236] : memref<3x128xi32, #tpu.memory_space<vmem>> -> memref<1x128xi32, #tpu.memory_space<vmem>>
          %dma_start3A_238 = tpu.memref_squeeze %dma_start3A_237 : memref<1x128xi32, #tpu.memory_space<vmem>> -> memref<128xi32, #tpu.memory_space<vmem>>
          %dma_start3A_239 = tpu.memref_slice %arg4[%mul3A_225] : memref<160000xi32, #tpu.memory_space<hbm>> -> memref<128xi32, #tpu.memory_space<hbm>>
          %dma_start3A_240 = arith.constant 0 : i32
          %dma_start3A_241 = tpu.memref_slice %arg7[%dma_start3A_235, %dma_start3A_240] : memref<3x128xi32, #tpu.memory_space<vmem>> -> memref<1x128xi32, #tpu.memory_space<vmem>>
          %dma_start3A_242 = tpu.memref_squeeze %dma_start3A_241 : memref<1x128xi32, #tpu.memory_space<vmem>> -> memref<128xi32, #tpu.memory_space<vmem>>
          %dma_start3A_243 = tpu.memref_slice %arg4[%mul3A_225] : memref<160000xi32, #tpu.memory_space<hbm>> -> memref<128xi32, #tpu.memory_space<hbm>>
          tpu.enqueue_dma source(%dma_start3A_243 : memref<128xi32, #tpu.memory_space<hbm>>) target(%dma_start3A_242 : memref<128xi32, #tpu.memory_space<vmem>>) target_semaphore(%arg24 : memref<!tpu.dma_semaphore, #tpu.memory_space<semaphore_mem>>)
        } else {
        }
        %add3A_169 = arith.constant 1 : i32
        %add3A_170 = arith.addi %add3A_143, %add3A_169 : i32
        %lt3A_171 = arith.cmpi slt, %add3A_170, %add3A_20 : i32
        %convert_element_type3A_172 = arith.extui %lt3A_171 : i1 to i32
        %cond3A_173 = arith.constant 0 : i32
        %cond3A_174 = arith.cmpi ne, %convert_element_type3A_172, %cond3A_173 : i32
        scf.if %cond3A_174 {
          %ge3A = arith.constant 2 : i32
          %ge3A_219 = arith.cmpi sge, %add3A_143, %ge3A : i32
          %convert_element_type3A_220 = arith.extui %ge3A_219 : i1 to i32
          %cond3A_221 = arith.constant 0 : i32
          %cond3A_222 = arith.cmpi ne, %convert_element_type3A_220, %cond3A_221 : i32
          scf.if %cond3A_222 {
            %dma_wait3A_272 = arith.constant 1 : i32
            %dma_wait3A_273 = arith.constant 0 : i32
            %dma_wait3A_274 = arith.constant 0 : i32
            %dma_wait3A_275 = tpu.memref_slice %arg8[%dma_wait3A_272, %dma_wait3A_273, %dma_wait3A_274] : memref<3x128x128xf32, #tpu.memory_space<vmem>> -> memref<1x128x128xf32, #tpu.memory_space<vmem>>
            %dma_wait3A_276 = tpu.memref_squeeze %dma_wait3A_275 : memref<1x128x128xf32, #tpu.memory_space<vmem>> -> memref<128x128xf32, #tpu.memory_space<vmem>>
            %dma_wait3A_277 = arith.constant 0 : i32
            %dma_wait3A_278 = arith.constant 0 : i32
            %dma_wait3A_279 = tpu.memref_slice %arg5[%dma_wait3A_277, %dma_wait3A_278] : memref<160000x128xf32, #tpu.memory_space<hbm>> -> memref<128x128xf32, #tpu.memory_space<hbm>>
            %dma_wait3A_280 = arith.constant 0 : i32
            %dma_wait3A_281 = arith.constant 0 : i32
            %dma_wait3A_282 = tpu.memref_slice %arg5[%dma_wait3A_280, %dma_wait3A_281] : memref<160000x128xf32, #tpu.memory_space<hbm>> -> memref<128x128xf32, #tpu.memory_space<hbm>>
            %dma_wait3A_283 = arith.constant 0 : i32
            %dma_wait3A_284 = arith.constant 0 : i32
            %dma_wait3A_285 = tpu.memref_slice %arg8[%dma_wait3A_272, %dma_wait3A_283, %dma_wait3A_284] : memref<3x128x128xf32, #tpu.memory_space<vmem>> -> memref<1x128x128xf32, #tpu.memory_space<vmem>>
            %dma_wait3A_286 = tpu.memref_squeeze %dma_wait3A_285 : memref<1x128x128xf32, #tpu.memory_space<vmem>> -> memref<128x128xf32, #tpu.memory_space<vmem>>
            tpu.wait_dma2 semaphore(%arg17 : memref<!tpu.dma_semaphore, #tpu.memory_space<semaphore_mem>>) src(%dma_wait3A_286 : memref<128x128xf32, #tpu.memory_space<vmem>>) dst(%dma_wait3A_282 : memref<128x128xf32, #tpu.memory_space<hbm>>)
          } else {
          }
          %add3A_223 = arith.constant 1 : i32
          %add3A_224 = arith.addi %add3A_143, %add3A_223 : i32
          %mul3A_225 = arith.constant 32 : i32
          %mul3A_226 = arith.muli %add3A_224, %mul3A_225 : i32
          %add3A_227 = arith.addi %add3A, %mul3A_226 : i32
          %mul3A_228 = arith.constant 128 : i32
          %mul3A_229 = arith.muli %add3A_227, %mul3A_228 : i32
          %dma_wait3A_230 = arith.constant 1 : i32
          %dma_wait3A_231 = arith.constant 0 : i32
          %dma_wait3A_232 = tpu.memref_slice %arg6[%dma_wait3A_230, %dma_wait3A_231] : memref<3x128xi32, #tpu.memory_space<vmem>> -> memref<1x128xi32, #tpu.memory_space<vmem>>
          %dma_wait3A_233 = tpu.memref_squeeze %dma_wait3A_232 : memref<1x128xi32, #tpu.memory_space<vmem>> -> memref<128xi32, #tpu.memory_space<vmem>>
          %dma_wait3A_234 = tpu.memref_slice %arg3[%mul3A_229] : memref<160000xi32, #tpu.memory_space<hbm>> -> memref<128xi32, #tpu.memory_space<hbm>>
          %dma_wait3A_235 = arith.constant 0 : i32
          %dma_wait3A_236 = tpu.memref_slice %arg6[%dma_wait3A_230, %dma_wait3A_235] : memref<3x128xi32, #tpu.memory_space<vmem>> -> memref<1x128xi32, #tpu.memory_space<vmem>>
          %dma_wait3A_237 = tpu.memref_squeeze %dma_wait3A_236 : memref<1x128xi32, #tpu.memory_space<vmem>> -> memref<128xi32, #tpu.memory_space<vmem>>
          %dma_wait3A_238 = tpu.memref_slice %arg3[%mul3A_229] : memref<160000xi32, #tpu.memory_space<hbm>> -> memref<128xi32, #tpu.memory_space<hbm>>
          tpu.wait_dma2 semaphore(%arg20 : memref<!tpu.dma_semaphore, #tpu.memory_space<semaphore_mem>>) src(%dma_wait3A_238 : memref<128xi32, #tpu.memory_space<hbm>>) dst(%dma_wait3A_237 : memref<128xi32, #tpu.memory_space<vmem>>)
          %dma_wait3A_239 = arith.constant 1 : i32
          %dma_wait3A_240 = arith.constant 0 : i32
          %dma_wait3A_241 = tpu.memref_slice %arg7[%dma_wait3A_239, %dma_wait3A_240] : memref<3x128xi32, #tpu.memory_space<vmem>> -> memref<1x128xi32, #tpu.memory_space<vmem>>
          %dma_wait3A_242 = tpu.memref_squeeze %dma_wait3A_241 : memref<1x128xi32, #tpu.memory_space<vmem>> -> memref<128xi32, #tpu.memory_space<vmem>>
          %dma_wait3A_243 = tpu.memref_slice %arg4[%mul3A_229] : memref<160000xi32, #tpu.memory_space<hbm>> -> memref<128xi32, #tpu.memory_space<hbm>>
          %dma_wait3A_244 = arith.constant 0 : i32
          %dma_wait3A_245 = tpu.memref_slice %arg7[%dma_wait3A_239, %dma_wait3A_244] : memref<3x128xi32, #tpu.memory_space<vmem>> -> memref<1x128xi32, #tpu.memory_space<vmem>>
          %dma_wait3A_246 = tpu.memref_squeeze %dma_wait3A_245 : memref<1x128xi32, #tpu.memory_space<vmem>> -> memref<128xi32, #tpu.memory_space<vmem>>
          %dma_wait3A_247 = tpu.memref_slice %arg4[%mul3A_229] : memref<160000xi32, #tpu.memory_space<hbm>> -> memref<128xi32, #tpu.memory_space<hbm>>
          tpu.wait_dma2 semaphore(%arg23 : memref<!tpu.dma_semaphore, #tpu.memory_space<semaphore_mem>>) src(%dma_wait3A_247 : memref<128xi32, #tpu.memory_space<hbm>>) dst(%dma_wait3A_246 : memref<128xi32, #tpu.memory_space<vmem>>)
          %dma_start3A_248 = arith.constant 1 : i32
          %dma_start3A_249 = arith.constant 1 : i32
          %dma_start3A_250 = arith.constant 0 : i32
          %dma_start3A_251 = arith.constant 0 : i32
          %dma_start3A_252 = tpu.memref_slice %arg8[%dma_start3A_249, %dma_start3A_250, %dma_start3A_251] : memref<3x128x128xf32, #tpu.memory_space<vmem>> -> memref<1x128x128xf32, #tpu.memory_space<vmem>>
          %dma_start3A_253 = tpu.memref_squeeze %dma_start3A_252 : memref<1x128x128xf32, #tpu.memory_space<vmem>> -> memref<128x128xf32, #tpu.memory_space<vmem>>
          %dma_start3A_254 = arith.constant 0 : i32
          %dma_start3A_255 = tpu.memref_slice %arg6[%dma_start3A_248, %dma_start3A_254] : memref<3x128xi32, #tpu.memory_space<vmem>> -> memref<1x128xi32, #tpu.memory_space<vmem>>
          %dma_start3A_256 = tpu.memref_squeeze %dma_start3A_255 : memref<1x128xi32, #tpu.memory_space<vmem>> -> memref<128xi32, #tpu.memory_space<vmem>>
          %dma_start3A_257 = arith.constant 0 : i32
          %dma_start3A_258 = arith.constant 0 : i32
          %dma_start3A_259 = tpu.memref_slice %arg2[%dma_start3A_257, %dma_start3A_258] : memref<10000x128xf32, #tpu.memory_space<hbm>> -> memref<10000x128xf32, #tpu.memory_space<hbm>>
          tpu.enqueue_indirect_dma source(%dma_start3A_259 : memref<10000x128xf32, #tpu.memory_space<hbm>>) target(%dma_start3A_253 : memref<128x128xf32, #tpu.memory_space<vmem>>) offsets(%dma_start3A_256 : memref<128xi32, #tpu.memory_space<vmem>>) semaphore(%arg11 : memref<!tpu.dma_semaphore, #tpu.memory_space<semaphore_mem>>)
          %dma_start3A_260 = arith.constant 1 : i32
          %dma_start3A_261 = arith.constant 1 : i32
          %dma_start3A_262 = arith.constant 0 : i32
          %dma_start3A_263 = arith.constant 0 : i32
          %dma_start3A_264 = tpu.memref_slice %arg9[%dma_start3A_261, %dma_start3A_262, %dma_start3A_263] : memref<3x128x128xf32, #tpu.memory_space<vmem>> -> memref<1x128x128xf32, #tpu.memory_space<vmem>>
          %dma_start3A_265 = tpu.memref_squeeze %dma_start3A_264 : memref<1x128x128xf32, #tpu.memory_space<vmem>> -> memref<128x128xf32, #tpu.memory_space<vmem>>
          %dma_start3A_266 = arith.constant 0 : i32
          %dma_start3A_267 = tpu.memref_slice %arg7[%dma_start3A_260, %dma_start3A_266] : memref<3x128xi32, #tpu.memory_space<vmem>> -> memref<1x128xi32, #tpu.memory_space<vmem>>
          %dma_start3A_268 = tpu.memref_squeeze %dma_start3A_267 : memref<1x128xi32, #tpu.memory_space<vmem>> -> memref<128xi32, #tpu.memory_space<vmem>>
          %dma_start3A_269 = arith.constant 0 : i32
          %dma_start3A_270 = arith.constant 0 : i32
          %dma_start3A_271 = tpu.memref_slice %arg2[%dma_start3A_269, %dma_start3A_270] : memref<10000x128xf32, #tpu.memory_space<hbm>> -> memref<10000x128xf32, #tpu.memory_space<hbm>>
          tpu.enqueue_indirect_dma source(%dma_start3A_271 : memref<10000x128xf32, #tpu.memory_space<hbm>>) target(%dma_start3A_265 : memref<128x128xf32, #tpu.memory_space<vmem>>) offsets(%dma_start3A_268 : memref<128xi32, #tpu.memory_space<vmem>>) semaphore(%arg14 : memref<!tpu.dma_semaphore, #tpu.memory_space<semaphore_mem>>)
        } else {
        }
        %mul3A_175 = arith.constant 32 : i32
        %mul3A_176 = arith.muli %add3A_143, %mul3A_175 : i32
        %add3A_177 = arith.addi %add3A, %mul3A_176 : i32
        %mul3A_178 = arith.constant 128 : i32
        %mul3A_179 = arith.muli %add3A_177, %mul3A_178 : i32
        %dma_wait3A_180 = arith.constant 0 : i32
        %dma_wait3A_181 = arith.constant 0 : i32
        %dma_wait3A_182 = arith.constant 0 : i32
        %dma_wait3A_183 = arith.constant 0 : i32
        %dma_wait3A_184 = tpu.memref_slice %arg8[%dma_wait3A_181, %dma_wait3A_182, %dma_wait3A_183] : memref<3x128x128xf32, #tpu.memory_space<vmem>> -> memref<1x128x128xf32, #tpu.memory_space<vmem>>
        %dma_wait3A_185 = tpu.memref_squeeze %dma_wait3A_184 : memref<1x128x128xf32, #tpu.memory_space<vmem>> -> memref<128x128xf32, #tpu.memory_space<vmem>>
        %dma_wait3A_186 = arith.constant 0 : i32
        %dma_wait3A_187 = tpu.memref_slice %arg6[%dma_wait3A_180, %dma_wait3A_186] : memref<3x128xi32, #tpu.memory_space<vmem>> -> memref<1x128xi32, #tpu.memory_space<vmem>>
        %dma_wait3A_188 = tpu.memref_squeeze %dma_wait3A_187 : memref<1x128xi32, #tpu.memory_space<vmem>> -> memref<128xi32, #tpu.memory_space<vmem>>
        %dma_wait3A_189 = arith.constant 0 : i32
        %dma_wait3A_190 = arith.constant 0 : i32
        %dma_wait3A_191 = tpu.memref_slice %arg2[%dma_wait3A_189, %dma_wait3A_190] : memref<10000x128xf32, #tpu.memory_space<hbm>> -> memref<10000x128xf32, #tpu.memory_space<hbm>>
        tpu.wait_indirect_dma semaphore(%arg10 : memref<!tpu.dma_semaphore, #tpu.memory_space<semaphore_mem>>) src(%dma_wait3A_191 : memref<10000x128xf32, #tpu.memory_space<hbm>>) dst(%dma_wait3A_185 : memref<128x128xf32, #tpu.memory_space<vmem>>)
        %dma_wait3A_192 = arith.constant 0 : i32
        %dma_wait3A_193 = arith.constant 0 : i32
        %dma_wait3A_194 = arith.constant 0 : i32
        %dma_wait3A_195 = arith.constant 0 : i32
        %dma_wait3A_196 = tpu.memref_slice %arg9[%dma_wait3A_193, %dma_wait3A_194, %dma_wait3A_195] : memref<3x128x128xf32, #tpu.memory_space<vmem>> -> memref<1x128x128xf32, #tpu.memory_space<vmem>>
        %dma_wait3A_197 = tpu.memref_squeeze %dma_wait3A_196 : memref<1x128x128xf32, #tpu.memory_space<vmem>> -> memref<128x128xf32, #tpu.memory_space<vmem>>
        %dma_wait3A_198 = arith.constant 0 : i32
        %dma_wait3A_199 = tpu.memref_slice %arg7[%dma_wait3A_192, %dma_wait3A_198] : memref<3x128xi32, #tpu.memory_space<vmem>> -> memref<1x128xi32, #tpu.memory_space<vmem>>
        %dma_wait3A_200 = tpu.memref_squeeze %dma_wait3A_199 : memref<1x128xi32, #tpu.memory_space<vmem>> -> memref<128xi32, #tpu.memory_space<vmem>>
        %dma_wait3A_201 = arith.constant 0 : i32
        %dma_wait3A_202 = arith.constant 0 : i32
        %dma_wait3A_203 = tpu.memref_slice %arg2[%dma_wait3A_201, %dma_wait3A_202] : memref<10000x128xf32, #tpu.memory_space<hbm>> -> memref<10000x128xf32, #tpu.memory_space<hbm>>
        tpu.wait_indirect_dma semaphore(%arg13 : memref<!tpu.dma_semaphore, #tpu.memory_space<semaphore_mem>>) src(%dma_wait3A_203 : memref<10000x128xf32, #tpu.memory_space<hbm>>) dst(%dma_wait3A_197 : memref<128x128xf32, #tpu.memory_space<vmem>>)
        %parallel_loop3A = arith.constant 0 : i32
        %parallel_loop3A_204 = arith.constant 128 : i32
        %parallel_loop3A_205 = arith.constant 1 : i32
        scf.for %parallel_loop3A_219 = %parallel_loop3A to %parallel_loop3A_204 step %parallel_loop3A_205  : i32 {
          %parallel_loop3A_220 = arith.constant 0 : i32
          %parallel_loop3A_221 = arith.index_cast %parallel_loop3A_220 : i32 to index
          %parallel_loop3A_222 = arith.index_cast %parallel_loop3A_219 : i32 to index
          %parallel_loop3A_223 = arith.constant 0 : index
          %parallel_loop3A_224 = tpu.vector_load %arg8[%parallel_loop3A_221, %parallel_loop3A_222, %parallel_loop3A_223] {strides = array<i32>} : memref<3x128x128xf32, #tpu.memory_space<vmem>>, vector<16xf32>,
          %parallel_loop3A_225 = arith.constant 0 : i32
          %parallel_loop3A_226 = arith.index_cast %parallel_loop3A_225 : i32 to index
          %parallel_loop3A_227 = arith.index_cast %parallel_loop3A_219 : i32 to index
          %parallel_loop3A_228 = arith.constant 0 : index
          %parallel_loop3A_229 = tpu.vector_load %arg9[%parallel_loop3A_226, %parallel_loop3A_227, %parallel_loop3A_228] {strides = array<i32>} : memref<3x128x128xf32, #tpu.memory_space<vmem>>, vector<16xf32>,
          %parallel_loop3A_230 = arith.addf %parallel_loop3A_224, %parallel_loop3A_229 : vector<16xf32>
          %parallel_loop3A_231 = arith.constant 0 : i32
          %parallel_loop3A_232 = arith.index_cast %parallel_loop3A_231 : i32 to index
          %parallel_loop3A_233 = arith.index_cast %parallel_loop3A_219 : i32 to index
          %parallel_loop3A_234 = arith.constant 0 : index
          %parallel_loop3A_235 = tpu.vector_load %arg8[%parallel_loop3A_232, %parallel_loop3A_233, %parallel_loop3A_234] {strides = array<i32>} : memref<3x128x128xf32, #tpu.memory_space<vmem>>, vector<16xf32>,
          tpu.vector_store %arg8[%parallel_loop3A_232, %parallel_loop3A_233, %parallel_loop3A_234], %parallel_loop3A_230 {strides = array<i32>} : memref<3x128x128xf32, #tpu.memory_space<vmem>>, vector<16xf32>,
          %parallel_loop3A_236 = arith.constant 0 : i32
          %parallel_loop3A_237 = arith.index_cast %parallel_loop3A_236 : i32 to index
          %parallel_loop3A_238 = arith.index_cast %parallel_loop3A_219 : i32 to index
          %parallel_loop3A_239 = arith.constant 16 : index
          %parallel_loop3A_240 = tpu.vector_load %arg8[%parallel_loop3A_237, %parallel_loop3A_238, %parallel_loop3A_239] {strides = array<i32>} : memref<3x128x128xf32, #tpu.memory_space<vmem>>, vector<16xf32>,
          %parallel_loop3A_241 = arith.constant 0 : i32
          %parallel_loop3A_242 = arith.index_cast %parallel_loop3A_241 : i32 to index
          %parallel_loop3A_243 = arith.index_cast %parallel_loop3A_219 : i32 to index
          %parallel_loop3A_244 = arith.constant 16 : index
          %parallel_loop3A_245 = tpu.vector_load %arg9[%parallel_loop3A_242, %parallel_loop3A_243, %parallel_loop3A_244] {strides = array<i32>} : memref<3x128x128xf32, #tpu.memory_space<vmem>>, vector<16xf32>,
          %parallel_loop3A_246 = arith.addf %parallel_loop3A_240, %parallel_loop3A_245 : vector<16xf32>
          %parallel_loop3A_247 = arith.constant 0 : i32
          %parallel_loop3A_248 = arith.index_cast %parallel_loop3A_247 : i32 to index
          %parallel_loop3A_249 = arith.index_cast %parallel_loop3A_219 : i32 to index
          %parallel_loop3A_250 = arith.constant 16 : index
          %parallel_loop3A_251 = tpu.vector_load %arg8[%parallel_loop3A_248, %parallel_loop3A_249, %parallel_loop3A_250] {strides = array<i32>} : memref<3x128x128xf32, #tpu.memory_space<vmem>>, vector<16xf32>,
          tpu.vector_store %arg8[%parallel_loop3A_248, %parallel_loop3A_249, %parallel_loop3A_250], %parallel_loop3A_246 {strides = array<i32>} : memref<3x128x128xf32, #tpu.memory_space<vmem>>, vector<16xf32>,
          %parallel_loop3A_252 = arith.constant 0 : i32
          %parallel_loop3A_253 = arith.index_cast %parallel_loop3A_252 : i32 to index
          %parallel_loop3A_254 = arith.index_cast %parallel_loop3A_219 : i32 to index
          %parallel_loop3A_255 = arith.constant 32 : index
          %parallel_loop3A_256 = tpu.vector_load %arg8[%parallel_loop3A_253, %parallel_loop3A_254, %parallel_loop3A_255] {strides = array<i32>} : memref<3x128x128xf32, #tpu.memory_space<vmem>>, vector<16xf32>,
          %parallel_loop3A_257 = arith.constant 0 : i32
          %parallel_loop3A_258 = arith.index_cast %parallel_loop3A_257 : i32 to index
          %parallel_loop3A_259 = arith.index_cast %parallel_loop3A_219 : i32 to index
          %parallel_loop3A_260 = arith.constant 32 : index
          %parallel_loop3A_261 = tpu.vector_load %arg9[%parallel_loop3A_258, %parallel_loop3A_259, %parallel_loop3A_260] {strides = array<i32>} : memref<3x128x128xf32, #tpu.memory_space<vmem>>, vector<16xf32>,
          %parallel_loop3A_262 = arith.addf %parallel_loop3A_256, %parallel_loop3A_261 : vector<16xf32>
          %parallel_loop3A_263 = arith.constant 0 : i32
          %parallel_loop3A_264 = arith.index_cast %parallel_loop3A_263 : i32 to index
          %parallel_loop3A_265 = arith.index_cast %parallel_loop3A_219 : i32 to index
          %parallel_loop3A_266 = arith.constant 32 : index
          %parallel_loop3A_267 = tpu.vector_load %arg8[%parallel_loop3A_264, %parallel_loop3A_265, %parallel_loop3A_266] {strides = array<i32>} : memref<3x128x128xf32, #tpu.memory_space<vmem>>, vector<16xf32>,
          tpu.vector_store %arg8[%parallel_loop3A_264, %parallel_loop3A_265, %parallel_loop3A_266], %parallel_loop3A_262 {strides = array<i32>} : memref<3x128x128xf32, #tpu.memory_space<vmem>>, vector<16xf32>,
          %parallel_loop3A_268 = arith.constant 0 : i32
          %parallel_loop3A_269 = arith.index_cast %parallel_loop3A_268 : i32 to index
          %parallel_loop3A_270 = arith.index_cast %parallel_loop3A_219 : i32 to index
          %parallel_loop3A_271 = arith.constant 48 : index
          %parallel_loop3A_272 = tpu.vector_load %arg8[%parallel_loop3A_269, %parallel_loop3A_270, %parallel_loop3A_271] {strides = array<i32>} : memref<3x128x128xf32, #tpu.memory_space<vmem>>, vector<16xf32>,
          %parallel_loop3A_273 = arith.constant 0 : i32
          %parallel_loop3A_274 = arith.index_cast %parallel_loop3A_273 : i32 to index
          %parallel_loop3A_275 = arith.index_cast %parallel_loop3A_219 : i32 to index
          %parallel_loop3A_276 = arith.constant 48 : index
          %parallel_loop3A_277 = tpu.vector_load %arg9[%parallel_loop3A_274, %parallel_loop3A_275, %parallel_loop3A_276] {strides = array<i32>} : memref<3x128x128xf32, #tpu.memory_space<vmem>>, vector<16xf32>,
          %parallel_loop3A_278 = arith.addf %parallel_loop3A_272, %parallel_loop3A_277 : vector<16xf32>
          %parallel_loop3A_279 = arith.constant 0 : i32
          %parallel_loop3A_280 = arith.index_cast %parallel_loop3A_279 : i32 to index
          %parallel_loop3A_281 = arith.index_cast %parallel_loop3A_219 : i32 to index
          %parallel_loop3A_282 = arith.constant 48 : index
          %parallel_loop3A_283 = tpu.vector_load %arg8[%parallel_loop3A_280, %parallel_loop3A_281, %parallel_loop3A_282] {strides = array<i32>} : memref<3x128x128xf32, #tpu.memory_space<vmem>>, vector<16xf32>,
          tpu.vector_store %arg8[%parallel_loop3A_280, %parallel_loop3A_281, %parallel_loop3A_282], %parallel_loop3A_278 {strides = array<i32>} : memref<3x128x128xf32, #tpu.memory_space<vmem>>, vector<16xf32>,
          %parallel_loop3A_284 = arith.constant 0 : i32
          %parallel_loop3A_285 = arith.index_cast %parallel_loop3A_284 : i32 to index
          %parallel_loop3A_286 = arith.index_cast %parallel_loop3A_219 : i32 to index
          %parallel_loop3A_287 = arith.constant 64 : index
          %parallel_loop3A_288 = tpu.vector_load %arg8[%parallel_loop3A_285, %parallel_loop3A_286, %parallel_loop3A_287] {strides = array<i32>} : memref<3x128x128xf32, #tpu.memory_space<vmem>>, vector<16xf32>,
          %parallel_loop3A_289 = arith.constant 0 : i32
          %parallel_loop3A_290 = arith.index_cast %parallel_loop3A_289 : i32 to index
          %parallel_loop3A_291 = arith.index_cast %parallel_loop3A_219 : i32 to index
          %parallel_loop3A_292 = arith.constant 64 : index
          %parallel_loop3A_293 = tpu.vector_load %arg9[%parallel_loop3A_290, %parallel_loop3A_291, %parallel_loop3A_292] {strides = array<i32>} : memref<3x128x128xf32, #tpu.memory_space<vmem>>, vector<16xf32>,
          %parallel_loop3A_294 = arith.addf %parallel_loop3A_288, %parallel_loop3A_293 : vector<16xf32>
          %parallel_loop3A_295 = arith.constant 0 : i32
          %parallel_loop3A_296 = arith.index_cast %parallel_loop3A_295 : i32 to index
          %parallel_loop3A_297 = arith.index_cast %parallel_loop3A_219 : i32 to index
          %parallel_loop3A_298 = arith.constant 64 : index
          %parallel_loop3A_299 = tpu.vector_load %arg8[%parallel_loop3A_296, %parallel_loop3A_297, %parallel_loop3A_298] {strides = array<i32>} : memref<3x128x128xf32, #tpu.memory_space<vmem>>, vector<16xf32>,
          tpu.vector_store %arg8[%parallel_loop3A_296, %parallel_loop3A_297, %parallel_loop3A_298], %parallel_loop3A_294 {strides = array<i32>} : memref<3x128x128xf32, #tpu.memory_space<vmem>>, vector<16xf32>,
          %parallel_loop3A_300 = arith.constant 0 : i32
          %parallel_loop3A_301 = arith.index_cast %parallel_loop3A_300 : i32 to index
          %parallel_loop3A_302 = arith.index_cast %parallel_loop3A_219 : i32 to index
          %parallel_loop3A_303 = arith.constant 80 : index
          %parallel_loop3A_304 = tpu.vector_load %arg8[%parallel_loop3A_301, %parallel_loop3A_302, %parallel_loop3A_303] {strides = array<i32>} : memref<3x128x128xf32, #tpu.memory_space<vmem>>, vector<16xf32>,
          %parallel_loop3A_305 = arith.constant 0 : i32
          %parallel_loop3A_306 = arith.index_cast %parallel_loop3A_305 : i32 to index
          %parallel_loop3A_307 = arith.index_cast %parallel_loop3A_219 : i32 to index
          %parallel_loop3A_308 = arith.constant 80 : index
          %parallel_loop3A_309 = tpu.vector_load %arg9[%parallel_loop3A_306, %parallel_loop3A_307, %parallel_loop3A_308] {strides = array<i32>} : memref<3x128x128xf32, #tpu.memory_space<vmem>>, vector<16xf32>,
          %parallel_loop3A_310 = arith.addf %parallel_loop3A_304, %parallel_loop3A_309 : vector<16xf32>
          %parallel_loop3A_311 = arith.constant 0 : i32
          %parallel_loop3A_312 = arith.index_cast %parallel_loop3A_311 : i32 to index
          %parallel_loop3A_313 = arith.index_cast %parallel_loop3A_219 : i32 to index
          %parallel_loop3A_314 = arith.constant 80 : index
          %parallel_loop3A_315 = tpu.vector_load %arg8[%parallel_loop3A_312, %parallel_loop3A_313, %parallel_loop3A_314] {strides = array<i32>} : memref<3x128x128xf32, #tpu.memory_space<vmem>>, vector<16xf32>,
          tpu.vector_store %arg8[%parallel_loop3A_312, %parallel_loop3A_313, %parallel_loop3A_314], %parallel_loop3A_310 {strides = array<i32>} : memref<3x128x128xf32, #tpu.memory_space<vmem>>, vector<16xf32>,
          %parallel_loop3A_316 = arith.constant 0 : i32
          %parallel_loop3A_317 = arith.index_cast %parallel_loop3A_316 : i32 to index
          %parallel_loop3A_318 = arith.index_cast %parallel_loop3A_219 : i32 to index
          %parallel_loop3A_319 = arith.constant 96 : index
          %parallel_loop3A_320 = tpu.vector_load %arg8[%parallel_loop3A_317, %parallel_loop3A_318, %parallel_loop3A_319] {strides = array<i32>} : memref<3x128x128xf32, #tpu.memory_space<vmem>>, vector<16xf32>,
          %parallel_loop3A_321 = arith.constant 0 : i32
          %parallel_loop3A_322 = arith.index_cast %parallel_loop3A_321 : i32 to index
          %parallel_loop3A_323 = arith.index_cast %parallel_loop3A_219 : i32 to index
          %parallel_loop3A_324 = arith.constant 96 : index
          %parallel_loop3A_325 = tpu.vector_load %arg9[%parallel_loop3A_322, %parallel_loop3A_323, %parallel_loop3A_324] {strides = array<i32>} : memref<3x128x128xf32, #tpu.memory_space<vmem>>, vector<16xf32>,
          %parallel_loop3A_326 = arith.addf %parallel_loop3A_320, %parallel_loop3A_325 : vector<16xf32>
          %parallel_loop3A_327 = arith.constant 0 : i32
          %parallel_loop3A_328 = arith.index_cast %parallel_loop3A_327 : i32 to index
          %parallel_loop3A_329 = arith.index_cast %parallel_loop3A_219 : i32 to index
          %parallel_loop3A_330 = arith.constant 96 : index
          %parallel_loop3A_331 = tpu.vector_load %arg8[%parallel_loop3A_328, %parallel_loop3A_329, %parallel_loop3A_330] {strides = array<i32>} : memref<3x128x128xf32, #tpu.memory_space<vmem>>, vector<16xf32>,
          tpu.vector_store %arg8[%parallel_loop3A_328, %parallel_loop3A_329, %parallel_loop3A_330], %parallel_loop3A_326 {strides = array<i32>} : memref<3x128x128xf32, #tpu.memory_space<vmem>>, vector<16xf32>,
          %parallel_loop3A_332 = arith.constant 0 : i32
          %parallel_loop3A_333 = arith.index_cast %parallel_loop3A_332 : i32 to index
          %parallel_loop3A_334 = arith.index_cast %parallel_loop3A_219 : i32 to index
          %parallel_loop3A_335 = arith.constant 112 : index
          %parallel_loop3A_336 = tpu.vector_load %arg8[%parallel_loop3A_333, %parallel_loop3A_334, %parallel_loop3A_335] {strides = array<i32>} : memref<3x128x128xf32, #tpu.memory_space<vmem>>, vector<16xf32>,
          %parallel_loop3A_337 = arith.constant 0 : i32
          %parallel_loop3A_338 = arith.index_cast %parallel_loop3A_337 : i32 to index
          %parallel_loop3A_339 = arith.index_cast %parallel_loop3A_219 : i32 to index
          %parallel_loop3A_340 = arith.constant 112 : index
          %parallel_loop3A_341 = tpu.vector_load %arg9[%parallel_loop3A_338, %parallel_loop3A_339, %parallel_loop3A_340] {strides = array<i32>} : memref<3x128x128xf32, #tpu.memory_space<vmem>>, vector<16xf32>,
          %parallel_loop3A_342 = arith.addf %parallel_loop3A_336, %parallel_loop3A_341 : vector<16xf32>
          %parallel_loop3A_343 = arith.constant 0 : i32
          %parallel_loop3A_344 = arith.index_cast %parallel_loop3A_343 : i32 to index
          %parallel_loop3A_345 = arith.index_cast %parallel_loop3A_219 : i32 to index
          %parallel_loop3A_346 = arith.constant 112 : index
          %parallel_loop3A_347 = tpu.vector_load %arg8[%parallel_loop3A_344, %parallel_loop3A_345, %parallel_loop3A_346] {strides = array<i32>} : memref<3x128x128xf32, #tpu.memory_space<vmem>>, vector<16xf32>,
          tpu.vector_store %arg8[%parallel_loop3A_344, %parallel_loop3A_345, %parallel_loop3A_346], %parallel_loop3A_342 {strides = array<i32>} : memref<3x128x128xf32, #tpu.memory_space<vmem>>, vector<16xf32>,
        } {sc.loop_unroll_factor = 4 : i64, sc.parallel_access}
        %dma_start3A_206 = arith.constant 0 : i32
        %dma_start3A_207 = arith.constant 0 : i32
        %dma_start3A_208 = arith.constant 0 : i32
        %dma_start3A_209 = tpu.memref_slice %arg8[%dma_start3A_206, %dma_start3A_207, %dma_start3A_208] : memref<3x128x128xf32, #tpu.memory_space<vmem>> -> memref<1x128x128xf32, #tpu.memory_space<vmem>>
        %dma_start3A_210 = tpu.memref_squeeze %dma_start3A_209 : memref<1x128x128xf32, #tpu.memory_space<vmem>> -> memref<128x128xf32, #tpu.memory_space<vmem>>
        %dma_start3A_211 = arith.constant 0 : i32
        %dma_start3A_212 = tpu.memref_slice %arg5[%mul3A_179, %dma_start3A_211] : memref<160000x128xf32, #tpu.memory_space<hbm>> -> memref<128x128xf32, #tpu.memory_space<hbm>>
        %dma_start3A_213 = arith.constant 0 : i32
        %dma_start3A_214 = tpu.memref_slice %arg5[%mul3A_179, %dma_start3A_213] : memref<160000x128xf32, #tpu.memory_space<hbm>> -> memref<128x128xf32, #tpu.memory_space<hbm>>
        %dma_start3A_215 = arith.constant 0 : i32
        %dma_start3A_216 = arith.constant 0 : i32
        %dma_start3A_217 = tpu.memref_slice %arg8[%dma_start3A_206, %dma_start3A_215, %dma_start3A_216] : memref<3x128x128xf32, #tpu.memory_space<vmem>> -> memref<1x128x128xf32, #tpu.memory_space<vmem>>
        %dma_start3A_218 = tpu.memref_squeeze %dma_start3A_217 : memref<1x128x128xf32, #tpu.memory_space<vmem>> -> memref<128x128xf32, #tpu.memory_space<vmem>>
        tpu.enqueue_dma source(%dma_start3A_218 : memref<128x128xf32, #tpu.memory_space<vmem>>) target(%dma_start3A_214 : memref<128x128xf32, #tpu.memory_space<hbm>>) target_semaphore(%arg16 : memref<!tpu.dma_semaphore, #tpu.memory_space<semaphore_mem>>)
      } else {
      }
      %mul3A_147 = arith.constant 3 : i32
      %mul3A_148 = arith.muli %mul3A_147, %scan3A_139 : i32
      %add3A_149 = arith.constant 1 : i32
      %add3A_150 = arith.addi %mul3A_148, %add3A_149 : i32
      %lt3A_151 = arith.cmpi slt, %add3A_150, %add3A_20 : i32
      %convert_element_type3A_152 = arith.extui %lt3A_151 : i1 to i32
      %cond3A_153 = arith.constant 0 : i32
      %cond3A_154 = arith.cmpi ne, %convert_element_type3A_152, %cond3A_153 : i32
      scf.if %cond3A_154 {
        %add3A_163 = arith.constant 2 : i32
        %add3A_164 = arith.addi %add3A_150, %add3A_163 : i32
        %lt3A_165 = arith.cmpi slt, %add3A_164, %add3A_20 : i32
        %convert_element_type3A_166 = arith.extui %lt3A_165 : i1 to i32
        %cond3A_167 = arith.constant 0 : i32
        %cond3A_168 = arith.cmpi ne, %convert_element_type3A_166, %cond3A_167 : i32
        scf.if %cond3A_168 {
          %add3A_219 = arith.constant 2 : i32
          %add3A_220 = arith.addi %add3A_150, %add3A_219 : i32
          %mul3A_221 = arith.constant 32 : i32
          %mul3A_222 = arith.muli %add3A_220, %mul3A_221 : i32
          %add3A_223 = arith.addi %add3A, %mul3A_222 : i32
          %mul3A_224 = arith.constant 128 : i32
          %mul3A_225 = arith.muli %add3A_223, %mul3A_224 : i32
          %dma_start3A_226 = arith.constant 0 : i32
          %dma_start3A_227 = arith.constant 0 : i32
          %dma_start3A_228 = tpu.memref_slice %arg6[%dma_start3A_226, %dma_start3A_227] : memref<3x128xi32, #tpu.memory_space<vmem>> -> memref<1x128xi32, #tpu.memory_space<vmem>>
          %dma_start3A_229 = tpu.memref_squeeze %dma_start3A_228 : memref<1x128xi32, #tpu.memory_space<vmem>> -> memref<128xi32, #tpu.memory_space<vmem>>
          %dma_start3A_230 = tpu.memref_slice %arg3[%mul3A_225] : memref<160000xi32, #tpu.memory_space<hbm>> -> memref<128xi32, #tpu.memory_space<hbm>>
          %dma_start3A_231 = arith.constant 0 : i32
          %dma_start3A_232 = tpu.memref_slice %arg6[%dma_start3A_226, %dma_start3A_231] : memref<3x128xi32, #tpu.memory_space<vmem>> -> memref<1x128xi32, #tpu.memory_space<vmem>>
          %dma_start3A_233 = tpu.memref_squeeze %dma_start3A_232 : memref<1x128xi32, #tpu.memory_space<vmem>> -> memref<128xi32, #tpu.memory_space<vmem>>
          %dma_start3A_234 = tpu.memref_slice %arg3[%mul3A_225] : memref<160000xi32, #tpu.memory_space<hbm>> -> memref<128xi32, #tpu.memory_space<hbm>>
          tpu.enqueue_dma source(%dma_start3A_234 : memref<128xi32, #tpu.memory_space<hbm>>) target(%dma_start3A_233 : memref<128xi32, #tpu.memory_space<vmem>>) target_semaphore(%arg19 : memref<!tpu.dma_semaphore, #tpu.memory_space<semaphore_mem>>)
          %dma_start3A_235 = arith.constant 0 : i32
          %dma_start3A_236 = arith.constant 0 : i32
          %dma_start3A_237 = tpu.memref_slice %arg7[%dma_start3A_235, %dma_start3A_236] : memref<3x128xi32, #tpu.memory_space<vmem>> -> memref<1x128xi32, #tpu.memory_space<vmem>>
          %dma_start3A_238 = tpu.memref_squeeze %dma_start3A_237 : memref<1x128xi32, #tpu.memory_space<vmem>> -> memref<128xi32, #tpu.memory_space<vmem>>
          %dma_start3A_239 = tpu.memref_slice %arg4[%mul3A_225] : memref<160000xi32, #tpu.memory_space<hbm>> -> memref<128xi32, #tpu.memory_space<hbm>>
          %dma_start3A_240 = arith.constant 0 : i32
          %dma_start3A_241 = tpu.memref_slice %arg7[%dma_start3A_235, %dma_start3A_240] : memref<3x128xi32, #tpu.memory_space<vmem>> -> memref<1x128xi32, #tpu.memory_space<vmem>>
          %dma_start3A_242 = tpu.memref_squeeze %dma_start3A_241 : memref<1x128xi32, #tpu.memory_space<vmem>> -> memref<128xi32, #tpu.memory_space<vmem>>
          %dma_start3A_243 = tpu.memref_slice %arg4[%mul3A_225] : memref<160000xi32, #tpu.memory_space<hbm>> -> memref<128xi32, #tpu.memory_space<hbm>>
          tpu.enqueue_dma source(%dma_start3A_243 : memref<128xi32, #tpu.memory_space<hbm>>) target(%dma_start3A_242 : memref<128xi32, #tpu.memory_space<vmem>>) target_semaphore(%arg22 : memref<!tpu.dma_semaphore, #tpu.memory_space<semaphore_mem>>)
        } else {
        }
        %add3A_169 = arith.constant 1 : i32
        %add3A_170 = arith.addi %add3A_150, %add3A_169 : i32
        %lt3A_171 = arith.cmpi slt, %add3A_170, %add3A_20 : i32
        %convert_element_type3A_172 = arith.extui %lt3A_171 : i1 to i32
        %cond3A_173 = arith.constant 0 : i32
        %cond3A_174 = arith.cmpi ne, %convert_element_type3A_172, %cond3A_173 : i32
        scf.if %cond3A_174 {
          %ge3A = arith.constant 2 : i32
          %ge3A_219 = arith.cmpi sge, %add3A_150, %ge3A : i32
          %convert_element_type3A_220 = arith.extui %ge3A_219 : i1 to i32
          %cond3A_221 = arith.constant 0 : i32
          %cond3A_222 = arith.cmpi ne, %convert_element_type3A_220, %cond3A_221 : i32
          scf.if %cond3A_222 {
            %dma_wait3A_272 = arith.constant 2 : i32
            %dma_wait3A_273 = arith.constant 0 : i32
            %dma_wait3A_274 = arith.constant 0 : i32
            %dma_wait3A_275 = tpu.memref_slice %arg8[%dma_wait3A_272, %dma_wait3A_273, %dma_wait3A_274] : memref<3x128x128xf32, #tpu.memory_space<vmem>> -> memref<1x128x128xf32, #tpu.memory_space<vmem>>
            %dma_wait3A_276 = tpu.memref_squeeze %dma_wait3A_275 : memref<1x128x128xf32, #tpu.memory_space<vmem>> -> memref<128x128xf32, #tpu.memory_space<vmem>>
            %dma_wait3A_277 = arith.constant 0 : i32
            %dma_wait3A_278 = arith.constant 0 : i32
            %dma_wait3A_279 = tpu.memref_slice %arg5[%dma_wait3A_277, %dma_wait3A_278] : memref<160000x128xf32, #tpu.memory_space<hbm>> -> memref<128x128xf32, #tpu.memory_space<hbm>>
            %dma_wait3A_280 = arith.constant 0 : i32
            %dma_wait3A_281 = arith.constant 0 : i32
            %dma_wait3A_282 = tpu.memref_slice %arg5[%dma_wait3A_280, %dma_wait3A_281] : memref<160000x128xf32, #tpu.memory_space<hbm>> -> memref<128x128xf32, #tpu.memory_space<hbm>>
            %dma_wait3A_283 = arith.constant 0 : i32
            %dma_wait3A_284 = arith.constant 0 : i32
            %dma_wait3A_285 = tpu.memref_slice %arg8[%dma_wait3A_272, %dma_wait3A_283, %dma_wait3A_284] : memref<3x128x128xf32, #tpu.memory_space<vmem>> -> memref<1x128x128xf32, #tpu.memory_space<vmem>>
            %dma_wait3A_286 = tpu.memref_squeeze %dma_wait3A_285 : memref<1x128x128xf32, #tpu.memory_space<vmem>> -> memref<128x128xf32, #tpu.memory_space<vmem>>
            tpu.wait_dma2 semaphore(%arg18 : memref<!tpu.dma_semaphore, #tpu.memory_space<semaphore_mem>>) src(%dma_wait3A_286 : memref<128x128xf32, #tpu.memory_space<vmem>>) dst(%dma_wait3A_282 : memref<128x128xf32, #tpu.memory_space<hbm>>)
          } else {
          }
          %add3A_223 = arith.constant 1 : i32
          %add3A_224 = arith.addi %add3A_150, %add3A_223 : i32
          %mul3A_225 = arith.constant 32 : i32
          %mul3A_226 = arith.muli %add3A_224, %mul3A_225 : i32
          %add3A_227 = arith.addi %add3A, %mul3A_226 : i32
          %mul3A_228 = arith.constant 128 : i32
          %mul3A_229 = arith.muli %add3A_227, %mul3A_228 : i32
          %dma_wait3A_230 = arith.constant 2 : i32
          %dma_wait3A_231 = arith.constant 0 : i32
          %dma_wait3A_232 = tpu.memref_slice %arg6[%dma_wait3A_230, %dma_wait3A_231] : memref<3x128xi32, #tpu.memory_space<vmem>> -> memref<1x128xi32, #tpu.memory_space<vmem>>
          %dma_wait3A_233 = tpu.memref_squeeze %dma_wait3A_232 : memref<1x128xi32, #tpu.memory_space<vmem>> -> memref<128xi32, #tpu.memory_space<vmem>>
          %dma_wait3A_234 = tpu.memref_slice %arg3[%mul3A_229] : memref<160000xi32, #tpu.memory_space<hbm>> -> memref<128xi32, #tpu.memory_space<hbm>>
          %dma_wait3A_235 = arith.constant 0 : i32
          %dma_wait3A_236 = tpu.memref_slice %arg6[%dma_wait3A_230, %dma_wait3A_235] : memref<3x128xi32, #tpu.memory_space<vmem>> -> memref<1x128xi32, #tpu.memory_space<vmem>>
          %dma_wait3A_237 = tpu.memref_squeeze %dma_wait3A_236 : memref<1x128xi32, #tpu.memory_space<vmem>> -> memref<128xi32, #tpu.memory_space<vmem>>
          %dma_wait3A_238 = tpu.memref_slice %arg3[%mul3A_229] : memref<160000xi32, #tpu.memory_space<hbm>> -> memref<128xi32, #tpu.memory_space<hbm>>
          tpu.wait_dma2 semaphore(%arg21 : memref<!tpu.dma_semaphore, #tpu.memory_space<semaphore_mem>>) src(%dma_wait3A_238 : memref<128xi32, #tpu.memory_space<hbm>>) dst(%dma_wait3A_237 : memref<128xi32, #tpu.memory_space<vmem>>)
          %dma_wait3A_239 = arith.constant 2 : i32
          %dma_wait3A_240 = arith.constant 0 : i32
          %dma_wait3A_241 = tpu.memref_slice %arg7[%dma_wait3A_239, %dma_wait3A_240] : memref<3x128xi32, #tpu.memory_space<vmem>> -> memref<1x128xi32, #tpu.memory_space<vmem>>
          %dma_wait3A_242 = tpu.memref_squeeze %dma_wait3A_241 : memref<1x128xi32, #tpu.memory_space<vmem>> -> memref<128xi32, #tpu.memory_space<vmem>>
          %dma_wait3A_243 = tpu.memref_slice %arg4[%mul3A_229] : memref<160000xi32, #tpu.memory_space<hbm>> -> memref<128xi32, #tpu.memory_space<hbm>>
          %dma_wait3A_244 = arith.constant 0 : i32
          %dma_wait3A_245 = tpu.memref_slice %arg7[%dma_wait3A_239, %dma_wait3A_244] : memref<3x128xi32, #tpu.memory_space<vmem>> -> memref<1x128xi32, #tpu.memory_space<vmem>>
          %dma_wait3A_246 = tpu.memref_squeeze %dma_wait3A_245 : memref<1x128xi32, #tpu.memory_space<vmem>> -> memref<128xi32, #tpu.memory_space<vmem>>
          %dma_wait3A_247 = tpu.memref_slice %arg4[%mul3A_229] : memref<160000xi32, #tpu.memory_space<hbm>> -> memref<128xi32, #tpu.memory_space<hbm>>
          tpu.wait_dma2 semaphore(%arg24 : memref<!tpu.dma_semaphore, #tpu.memory_space<semaphore_mem>>) src(%dma_wait3A_247 : memref<128xi32, #tpu.memory_space<hbm>>) dst(%dma_wait3A_246 : memref<128xi32, #tpu.memory_space<vmem>>)
          %dma_start3A_248 = arith.constant 2 : i32
          %dma_start3A_249 = arith.constant 2 : i32
          %dma_start3A_250 = arith.constant 0 : i32
          %dma_start3A_251 = arith.constant 0 : i32
          %dma_start3A_252 = tpu.memref_slice %arg8[%dma_start3A_249, %dma_start3A_250, %dma_start3A_251] : memref<3x128x128xf32, #tpu.memory_space<vmem>> -> memref<1x128x128xf32, #tpu.memory_space<vmem>>
          %dma_start3A_253 = tpu.memref_squeeze %dma_start3A_252 : memref<1x128x128xf32, #tpu.memory_space<vmem>> -> memref<128x128xf32, #tpu.memory_space<vmem>>
          %dma_start3A_254 = arith.constant 0 : i32
          %dma_start3A_255 = tpu.memref_slice %arg6[%dma_start3A_248, %dma_start3A_254] : memref<3x128xi32, #tpu.memory_space<vmem>> -> memref<1x128xi32, #tpu.memory_space<vmem>>
          %dma_start3A_256 = tpu.memref_squeeze %dma_start3A_255 : memref<1x128xi32, #tpu.memory_space<vmem>> -> memref<128xi32, #tpu.memory_space<vmem>>
          %dma_start3A_257 = arith.constant 0 : i32
          %dma_start3A_258 = arith.constant 0 : i32
          %dma_start3A_259 = tpu.memref_slice %arg2[%dma_start3A_257, %dma_start3A_258] : memref<10000x128xf32, #tpu.memory_space<hbm>> -> memref<10000x128xf32, #tpu.memory_space<hbm>>
          tpu.enqueue_indirect_dma source(%dma_start3A_259 : memref<10000x128xf32, #tpu.memory_space<hbm>>) target(%dma_start3A_253 : memref<128x128xf32, #tpu.memory_space<vmem>>) offsets(%dma_start3A_256 : memref<128xi32, #tpu.memory_space<vmem>>) semaphore(%arg12 : memref<!tpu.dma_semaphore, #tpu.memory_space<semaphore_mem>>)
          %dma_start3A_260 = arith.constant 2 : i32
          %dma_start3A_261 = arith.constant 2 : i32
          %dma_start3A_262 = arith.constant 0 : i32
          %dma_start3A_263 = arith.constant 0 : i32
          %dma_start3A_264 = tpu.memref_slice %arg9[%dma_start3A_261, %dma_start3A_262, %dma_start3A_263] : memref<3x128x128xf32, #tpu.memory_space<vmem>> -> memref<1x128x128xf32, #tpu.memory_space<vmem>>
          %dma_start3A_265 = tpu.memref_squeeze %dma_start3A_264 : memref<1x128x128xf32, #tpu.memory_space<vmem>> -> memref<128x128xf32, #tpu.memory_space<vmem>>
          %dma_start3A_266 = arith.constant 0 : i32
          %dma_start3A_267 = tpu.memref_slice %arg7[%dma_start3A_260, %dma_start3A_266] : memref<3x128xi32, #tpu.memory_space<vmem>> -> memref<1x128xi32, #tpu.memory_space<vmem>>
          %dma_start3A_268 = tpu.memref_squeeze %dma_start3A_267 : memref<1x128xi32, #tpu.memory_space<vmem>> -> memref<128xi32, #tpu.memory_space<vmem>>
          %dma_start3A_269 = arith.constant 0 : i32
          %dma_start3A_270 = arith.constant 0 : i32
          %dma_start3A_271 = tpu.memref_slice %arg2[%dma_start3A_269, %dma_start3A_270] : memref<10000x128xf32, #tpu.memory_space<hbm>> -> memref<10000x128xf32, #tpu.memory_space<hbm>>
          tpu.enqueue_indirect_dma source(%dma_start3A_271 : memref<10000x128xf32, #tpu.memory_space<hbm>>) target(%dma_start3A_265 : memref<128x128xf32, #tpu.memory_space<vmem>>) offsets(%dma_start3A_268 : memref<128xi32, #tpu.memory_space<vmem>>) semaphore(%arg15 : memref<!tpu.dma_semaphore, #tpu.memory_space<semaphore_mem>>)
        } else {
        }
        %mul3A_175 = arith.constant 32 : i32
        %mul3A_176 = arith.muli %add3A_150, %mul3A_175 : i32
        %add3A_177 = arith.addi %add3A, %mul3A_176 : i32
        %mul3A_178 = arith.constant 128 : i32
        %mul3A_179 = arith.muli %add3A_177, %mul3A_178 : i32
        %dma_wait3A_180 = arith.constant 1 : i32
        %dma_wait3A_181 = arith.constant 1 : i32
        %dma_wait3A_182 = arith.constant 0 : i32
        %dma_wait3A_183 = arith.constant 0 : i32
        %dma_wait3A_184 = tpu.memref_slice %arg8[%dma_wait3A_181, %dma_wait3A_182, %dma_wait3A_183] : memref<3x128x128xf32, #tpu.memory_space<vmem>> -> memref<1x128x128xf32, #tpu.memory_space<vmem>>
        %dma_wait3A_185 = tpu.memref_squeeze %dma_wait3A_184 : memref<1x128x128xf32, #tpu.memory_space<vmem>> -> memref<128x128xf32, #tpu.memory_space<vmem>>
        %dma_wait3A_186 = arith.constant 0 : i32
        %dma_wait3A_187 = tpu.memref_slice %arg6[%dma_wait3A_180, %dma_wait3A_186] : memref<3x128xi32, #tpu.memory_space<vmem>> -> memref<1x128xi32, #tpu.memory_space<vmem>>
        %dma_wait3A_188 = tpu.memref_squeeze %dma_wait3A_187 : memref<1x128xi32, #tpu.memory_space<vmem>> -> memref<128xi32, #tpu.memory_space<vmem>>
        %dma_wait3A_189 = arith.constant 0 : i32
        %dma_wait3A_190 = arith.constant 0 : i32
        %dma_wait3A_191 = tpu.memref_slice %arg2[%dma_wait3A_189, %dma_wait3A_190] : memref<10000x128xf32, #tpu.memory_space<hbm>> -> memref<10000x128xf32, #tpu.memory_space<hbm>>
        tpu.wait_indirect_dma semaphore(%arg11 : memref<!tpu.dma_semaphore, #tpu.memory_space<semaphore_mem>>) src(%dma_wait3A_191 : memref<10000x128xf32, #tpu.memory_space<hbm>>) dst(%dma_wait3A_185 : memref<128x128xf32, #tpu.memory_space<vmem>>)
        %dma_wait3A_192 = arith.constant 1 : i32
        %dma_wait3A_193 = arith.constant 1 : i32
        %dma_wait3A_194 = arith.constant 0 : i32
        %dma_wait3A_195 = arith.constant 0 : i32
        %dma_wait3A_196 = tpu.memref_slice %arg9[%dma_wait3A_193, %dma_wait3A_194, %dma_wait3A_195] : memref<3x128x128xf32, #tpu.memory_space<vmem>> -> memref<1x128x128xf32, #tpu.memory_space<vmem>>
        %dma_wait3A_197 = tpu.memref_squeeze %dma_wait3A_196 : memref<1x128x128xf32, #tpu.memory_space<vmem>> -> memref<128x128xf32, #tpu.memory_space<vmem>>
        %dma_wait3A_198 = arith.constant 0 : i32
        %dma_wait3A_199 = tpu.memref_slice %arg7[%dma_wait3A_192, %dma_wait3A_198] : memref<3x128xi32, #tpu.memory_space<vmem>> -> memref<1x128xi32, #tpu.memory_space<vmem>>
        %dma_wait3A_200 = tpu.memref_squeeze %dma_wait3A_199 : memref<1x128xi32, #tpu.memory_space<vmem>> -> memref<128xi32, #tpu.memory_space<vmem>>
        %dma_wait3A_201 = arith.constant 0 : i32
        %dma_wait3A_202 = arith.constant 0 : i32
        %dma_wait3A_203 = tpu.memref_slice %arg2[%dma_wait3A_201, %dma_wait3A_202] : memref<10000x128xf32, #tpu.memory_space<hbm>> -> memref<10000x128xf32, #tpu.memory_space<hbm>>
        tpu.wait_indirect_dma semaphore(%arg14 : memref<!tpu.dma_semaphore, #tpu.memory_space<semaphore_mem>>) src(%dma_wait3A_203 : memref<10000x128xf32, #tpu.memory_space<hbm>>) dst(%dma_wait3A_197 : memref<128x128xf32, #tpu.memory_space<vmem>>)
        %parallel_loop3A = arith.constant 0 : i32
        %parallel_loop3A_204 = arith.constant 128 : i32
        %parallel_loop3A_205 = arith.constant 1 : i32
        scf.for %parallel_loop3A_219 = %parallel_loop3A to %parallel_loop3A_204 step %parallel_loop3A_205  : i32 {
          %parallel_loop3A_220 = arith.constant 1 : i32
          %parallel_loop3A_221 = arith.index_cast %parallel_loop3A_220 : i32 to index
          %parallel_loop3A_222 = arith.index_cast %parallel_loop3A_219 : i32 to index
          %parallel_loop3A_223 = arith.constant 0 : index
          %parallel_loop3A_224 = tpu.vector_load %arg8[%parallel_loop3A_221, %parallel_loop3A_222, %parallel_loop3A_223] {strides = array<i32>} : memref<3x128x128xf32, #tpu.memory_space<vmem>>, vector<16xf32>,
          %parallel_loop3A_225 = arith.constant 1 : i32
          %parallel_loop3A_226 = arith.index_cast %parallel_loop3A_225 : i32 to index
          %parallel_loop3A_227 = arith.index_cast %parallel_loop3A_219 : i32 to index
          %parallel_loop3A_228 = arith.constant 0 : index
          %parallel_loop3A_229 = tpu.vector_load %arg9[%parallel_loop3A_226, %parallel_loop3A_227, %parallel_loop3A_228] {strides = array<i32>} : memref<3x128x128xf32, #tpu.memory_space<vmem>>, vector<16xf32>,
          %parallel_loop3A_230 = arith.addf %parallel_loop3A_224, %parallel_loop3A_229 : vector<16xf32>
          %parallel_loop3A_231 = arith.constant 1 : i32
          %parallel_loop3A_232 = arith.index_cast %parallel_loop3A_231 : i32 to index
          %parallel_loop3A_233 = arith.index_cast %parallel_loop3A_219 : i32 to index
          %parallel_loop3A_234 = arith.constant 0 : index
          %parallel_loop3A_235 = tpu.vector_load %arg8[%parallel_loop3A_232, %parallel_loop3A_233, %parallel_loop3A_234] {strides = array<i32>} : memref<3x128x128xf32, #tpu.memory_space<vmem>>, vector<16xf32>,
          tpu.vector_store %arg8[%parallel_loop3A_232, %parallel_loop3A_233, %parallel_loop3A_234], %parallel_loop3A_230 {strides = array<i32>} : memref<3x128x128xf32, #tpu.memory_space<vmem>>, vector<16xf32>,
          %parallel_loop3A_236 = arith.constant 1 : i32
          %parallel_loop3A_237 = arith.index_cast %parallel_loop3A_236 : i32 to index
          %parallel_loop3A_238 = arith.index_cast %parallel_loop3A_219 : i32 to index
          %parallel_loop3A_239 = arith.constant 16 : index
          %parallel_loop3A_240 = tpu.vector_load %arg8[%parallel_loop3A_237, %parallel_loop3A_238, %parallel_loop3A_239] {strides = array<i32>} : memref<3x128x128xf32, #tpu.memory_space<vmem>>, vector<16xf32>,
          %parallel_loop3A_241 = arith.constant 1 : i32
          %parallel_loop3A_242 = arith.index_cast %parallel_loop3A_241 : i32 to index
          %parallel_loop3A_243 = arith.index_cast %parallel_loop3A_219 : i32 to index
          %parallel_loop3A_244 = arith.constant 16 : index
          %parallel_loop3A_245 = tpu.vector_load %arg9[%parallel_loop3A_242, %parallel_loop3A_243, %parallel_loop3A_244] {strides = array<i32>} : memref<3x128x128xf32, #tpu.memory_space<vmem>>, vector<16xf32>,
          %parallel_loop3A_246 = arith.addf %parallel_loop3A_240, %parallel_loop3A_245 : vector<16xf32>
          %parallel_loop3A_247 = arith.constant 1 : i32
          %parallel_loop3A_248 = arith.index_cast %parallel_loop3A_247 : i32 to index
          %parallel_loop3A_249 = arith.index_cast %parallel_loop3A_219 : i32 to index
          %parallel_loop3A_250 = arith.constant 16 : index
          %parallel_loop3A_251 = tpu.vector_load %arg8[%parallel_loop3A_248, %parallel_loop3A_249, %parallel_loop3A_250] {strides = array<i32>} : memref<3x128x128xf32, #tpu.memory_space<vmem>>, vector<16xf32>,
          tpu.vector_store %arg8[%parallel_loop3A_248, %parallel_loop3A_249, %parallel_loop3A_250], %parallel_loop3A_246 {strides = array<i32>} : memref<3x128x128xf32, #tpu.memory_space<vmem>>, vector<16xf32>,
          %parallel_loop3A_252 = arith.constant 1 : i32
          %parallel_loop3A_253 = arith.index_cast %parallel_loop3A_252 : i32 to index
          %parallel_loop3A_254 = arith.index_cast %parallel_loop3A_219 : i32 to index
          %parallel_loop3A_255 = arith.constant 32 : index
          %parallel_loop3A_256 = tpu.vector_load %arg8[%parallel_loop3A_253, %parallel_loop3A_254, %parallel_loop3A_255] {strides = array<i32>} : memref<3x128x128xf32, #tpu.memory_space<vmem>>, vector<16xf32>,
          %parallel_loop3A_257 = arith.constant 1 : i32
          %parallel_loop3A_258 = arith.index_cast %parallel_loop3A_257 : i32 to index
          %parallel_loop3A_259 = arith.index_cast %parallel_loop3A_219 : i32 to index
          %parallel_loop3A_260 = arith.constant 32 : index
          %parallel_loop3A_261 = tpu.vector_load %arg9[%parallel_loop3A_258, %parallel_loop3A_259, %parallel_loop3A_260] {strides = array<i32>} : memref<3x128x128xf32, #tpu.memory_space<vmem>>, vector<16xf32>,
          %parallel_loop3A_262 = arith.addf %parallel_loop3A_256, %parallel_loop3A_261 : vector<16xf32>
          %parallel_loop3A_263 = arith.constant 1 : i32
          %parallel_loop3A_264 = arith.index_cast %parallel_loop3A_263 : i32 to index
          %parallel_loop3A_265 = arith.index_cast %parallel_loop3A_219 : i32 to index
          %parallel_loop3A_266 = arith.constant 32 : index
          %parallel_loop3A_267 = tpu.vector_load %arg8[%parallel_loop3A_264, %parallel_loop3A_265, %parallel_loop3A_266] {strides = array<i32>} : memref<3x128x128xf32, #tpu.memory_space<vmem>>, vector<16xf32>,
          tpu.vector_store %arg8[%parallel_loop3A_264, %parallel_loop3A_265, %parallel_loop3A_266], %parallel_loop3A_262 {strides = array<i32>} : memref<3x128x128xf32, #tpu.memory_space<vmem>>, vector<16xf32>,
          %parallel_loop3A_268 = arith.constant 1 : i32
          %parallel_loop3A_269 = arith.index_cast %parallel_loop3A_268 : i32 to index
          %parallel_loop3A_270 = arith.index_cast %parallel_loop3A_219 : i32 to index
          %parallel_loop3A_271 = arith.constant 48 : index
          %parallel_loop3A_272 = tpu.vector_load %arg8[%parallel_loop3A_269, %parallel_loop3A_270, %parallel_loop3A_271] {strides = array<i32>} : memref<3x128x128xf32, #tpu.memory_space<vmem>>, vector<16xf32>,
          %parallel_loop3A_273 = arith.constant 1 : i32
          %parallel_loop3A_274 = arith.index_cast %parallel_loop3A_273 : i32 to index
          %parallel_loop3A_275 = arith.index_cast %parallel_loop3A_219 : i32 to index
          %parallel_loop3A_276 = arith.constant 48 : index
          %parallel_loop3A_277 = tpu.vector_load %arg9[%parallel_loop3A_274, %parallel_loop3A_275, %parallel_loop3A_276] {strides = array<i32>} : memref<3x128x128xf32, #tpu.memory_space<vmem>>, vector<16xf32>,
          %parallel_loop3A_278 = arith.addf %parallel_loop3A_272, %parallel_loop3A_277 : vector<16xf32>
          %parallel_loop3A_279 = arith.constant 1 : i32
          %parallel_loop3A_280 = arith.index_cast %parallel_loop3A_279 : i32 to index
          %parallel_loop3A_281 = arith.index_cast %parallel_loop3A_219 : i32 to index
          %parallel_loop3A_282 = arith.constant 48 : index
          %parallel_loop3A_283 = tpu.vector_load %arg8[%parallel_loop3A_280, %parallel_loop3A_281, %parallel_loop3A_282] {strides = array<i32>} : memref<3x128x128xf32, #tpu.memory_space<vmem>>, vector<16xf32>,
          tpu.vector_store %arg8[%parallel_loop3A_280, %parallel_loop3A_281, %parallel_loop3A_282], %parallel_loop3A_278 {strides = array<i32>} : memref<3x128x128xf32, #tpu.memory_space<vmem>>, vector<16xf32>,
          %parallel_loop3A_284 = arith.constant 1 : i32
          %parallel_loop3A_285 = arith.index_cast %parallel_loop3A_284 : i32 to index
          %parallel_loop3A_286 = arith.index_cast %parallel_loop3A_219 : i32 to index
          %parallel_loop3A_287 = arith.constant 64 : index
          %parallel_loop3A_288 = tpu.vector_load %arg8[%parallel_loop3A_285, %parallel_loop3A_286, %parallel_loop3A_287] {strides = array<i32>} : memref<3x128x128xf32, #tpu.memory_space<vmem>>, vector<16xf32>,
          %parallel_loop3A_289 = arith.constant 1 : i32
          %parallel_loop3A_290 = arith.index_cast %parallel_loop3A_289 : i32 to index
          %parallel_loop3A_291 = arith.index_cast %parallel_loop3A_219 : i32 to index
          %parallel_loop3A_292 = arith.constant 64 : index
          %parallel_loop3A_293 = tpu.vector_load %arg9[%parallel_loop3A_290, %parallel_loop3A_291, %parallel_loop3A_292] {strides = array<i32>} : memref<3x128x128xf32, #tpu.memory_space<vmem>>, vector<16xf32>,
          %parallel_loop3A_294 = arith.addf %parallel_loop3A_288, %parallel_loop3A_293 : vector<16xf32>
          %parallel_loop3A_295 = arith.constant 1 : i32
          %parallel_loop3A_296 = arith.index_cast %parallel_loop3A_295 : i32 to index
          %parallel_loop3A_297 = arith.index_cast %parallel_loop3A_219 : i32 to index
          %parallel_loop3A_298 = arith.constant 64 : index
          %parallel_loop3A_299 = tpu.vector_load %arg8[%parallel_loop3A_296, %parallel_loop3A_297, %parallel_loop3A_298] {strides = array<i32>} : memref<3x128x128xf32, #tpu.memory_space<vmem>>, vector<16xf32>,
          tpu.vector_store %arg8[%parallel_loop3A_296, %parallel_loop3A_297, %parallel_loop3A_298], %parallel_loop3A_294 {strides = array<i32>} : memref<3x128x128xf32, #tpu.memory_space<vmem>>, vector<16xf32>,
          %parallel_loop3A_300 = arith.constant 1 : i32
          %parallel_loop3A_301 = arith.index_cast %parallel_loop3A_300 : i32 to index
          %parallel_loop3A_302 = arith.index_cast %parallel_loop3A_219 : i32 to index
          %parallel_loop3A_303 = arith.constant 80 : index
          %parallel_loop3A_304 = tpu.vector_load %arg8[%parallel_loop3A_301, %parallel_loop3A_302, %parallel_loop3A_303] {strides = array<i32>} : memref<3x128x128xf32, #tpu.memory_space<vmem>>, vector<16xf32>,
          %parallel_loop3A_305 = arith.constant 1 : i32
          %parallel_loop3A_306 = arith.index_cast %parallel_loop3A_305 : i32 to index
          %parallel_loop3A_307 = arith.index_cast %parallel_loop3A_219 : i32 to index
          %parallel_loop3A_308 = arith.constant 80 : index
          %parallel_loop3A_309 = tpu.vector_load %arg9[%parallel_loop3A_306, %parallel_loop3A_307, %parallel_loop3A_308] {strides = array<i32>} : memref<3x128x128xf32, #tpu.memory_space<vmem>>, vector<16xf32>,
          %parallel_loop3A_310 = arith.addf %parallel_loop3A_304, %parallel_loop3A_309 : vector<16xf32>
          %parallel_loop3A_311 = arith.constant 1 : i32
          %parallel_loop3A_312 = arith.index_cast %parallel_loop3A_311 : i32 to index
          %parallel_loop3A_313 = arith.index_cast %parallel_loop3A_219 : i32 to index
          %parallel_loop3A_314 = arith.constant 80 : index
          %parallel_loop3A_315 = tpu.vector_load %arg8[%parallel_loop3A_312, %parallel_loop3A_313, %parallel_loop3A_314] {strides = array<i32>} : memref<3x128x128xf32, #tpu.memory_space<vmem>>, vector<16xf32>,
          tpu.vector_store %arg8[%parallel_loop3A_312, %parallel_loop3A_313, %parallel_loop3A_314], %parallel_loop3A_310 {strides = array<i32>} : memref<3x128x128xf32, #tpu.memory_space<vmem>>, vector<16xf32>,
          %parallel_loop3A_316 = arith.constant 1 : i32
          %parallel_loop3A_317 = arith.index_cast %parallel_loop3A_316 : i32 to index
          %parallel_loop3A_318 = arith.index_cast %parallel_loop3A_219 : i32 to index
          %parallel_loop3A_319 = arith.constant 96 : index
          %parallel_loop3A_320 = tpu.vector_load %arg8[%parallel_loop3A_317, %parallel_loop3A_318, %parallel_loop3A_319] {strides = array<i32>} : memref<3x128x128xf32, #tpu.memory_space<vmem>>, vector<16xf32>,
          %parallel_loop3A_321 = arith.constant 1 : i32
          %parallel_loop3A_322 = arith.index_cast %parallel_loop3A_321 : i32 to index
          %parallel_loop3A_323 = arith.index_cast %parallel_loop3A_219 : i32 to index
          %parallel_loop3A_324 = arith.constant 96 : index
          %parallel_loop3A_325 = tpu.vector_load %arg9[%parallel_loop3A_322, %parallel_loop3A_323, %parallel_loop3A_324] {strides = array<i32>} : memref<3x128x128xf32, #tpu.memory_space<vmem>>, vector<16xf32>,
          %parallel_loop3A_326 = arith.addf %parallel_loop3A_320, %parallel_loop3A_325 : vector<16xf32>
          %parallel_loop3A_327 = arith.constant 1 : i32
          %parallel_loop3A_328 = arith.index_cast %parallel_loop3A_327 : i32 to index
          %parallel_loop3A_329 = arith.index_cast %parallel_loop3A_219 : i32 to index
          %parallel_loop3A_330 = arith.constant 96 : index
          %parallel_loop3A_331 = tpu.vector_load %arg8[%parallel_loop3A_328, %parallel_loop3A_329, %parallel_loop3A_330] {strides = array<i32>} : memref<3x128x128xf32, #tpu.memory_space<vmem>>, vector<16xf32>,
          tpu.vector_store %arg8[%parallel_loop3A_328, %parallel_loop3A_329, %parallel_loop3A_330], %parallel_loop3A_326 {strides = array<i32>} : memref<3x128x128xf32, #tpu.memory_space<vmem>>, vector<16xf32>,
          %parallel_loop3A_332 = arith.constant 1 : i32
          %parallel_loop3A_333 = arith.index_cast %parallel_loop3A_332 : i32 to index
          %parallel_loop3A_334 = arith.index_cast %parallel_loop3A_219 : i32 to index
          %parallel_loop3A_335 = arith.constant 112 : index
          %parallel_loop3A_336 = tpu.vector_load %arg8[%parallel_loop3A_333, %parallel_loop3A_334, %parallel_loop3A_335] {strides = array<i32>} : memref<3x128x128xf32, #tpu.memory_space<vmem>>, vector<16xf32>,
          %parallel_loop3A_337 = arith.constant 1 : i32
          %parallel_loop3A_338 = arith.index_cast %parallel_loop3A_337 : i32 to index
          %parallel_loop3A_339 = arith.index_cast %parallel_loop3A_219 : i32 to index
          %parallel_loop3A_340 = arith.constant 112 : index
          %parallel_loop3A_341 = tpu.vector_load %arg9[%parallel_loop3A_338, %parallel_loop3A_339, %parallel_loop3A_340] {strides = array<i32>} : memref<3x128x128xf32, #tpu.memory_space<vmem>>, vector<16xf32>,
          %parallel_loop3A_342 = arith.addf %parallel_loop3A_336, %parallel_loop3A_341 : vector<16xf32>
          %parallel_loop3A_343 = arith.constant 1 : i32
          %parallel_loop3A_344 = arith.index_cast %parallel_loop3A_343 : i32 to index
          %parallel_loop3A_345 = arith.index_cast %parallel_loop3A_219 : i32 to index
          %parallel_loop3A_346 = arith.constant 112 : index
          %parallel_loop3A_347 = tpu.vector_load %arg8[%parallel_loop3A_344, %parallel_loop3A_345, %parallel_loop3A_346] {strides = array<i32>} : memref<3x128x128xf32, #tpu.memory_space<vmem>>, vector<16xf32>,
          tpu.vector_store %arg8[%parallel_loop3A_344, %parallel_loop3A_345, %parallel_loop3A_346], %parallel_loop3A_342 {strides = array<i32>} : memref<3x128x128xf32, #tpu.memory_space<vmem>>, vector<16xf32>,
        } {sc.loop_unroll_factor = 4 : i64, sc.parallel_access}
        %dma_start3A_206 = arith.constant 1 : i32
        %dma_start3A_207 = arith.constant 0 : i32
        %dma_start3A_208 = arith.constant 0 : i32
        %dma_start3A_209 = tpu.memref_slice %arg8[%dma_start3A_206, %dma_start3A_207, %dma_start3A_208] : memref<3x128x128xf32, #tpu.memory_space<vmem>> -> memref<1x128x128xf32, #tpu.memory_space<vmem>>
        %dma_start3A_210 = tpu.memref_squeeze %dma_start3A_209 : memref<1x128x128xf32, #tpu.memory_space<vmem>> -> memref<128x128xf32, #tpu.memory_space<vmem>>
        %dma_start3A_211 = arith.constant 0 : i32
        %dma_start3A_212 = tpu.memref_slice %arg5[%mul3A_179, %dma_start3A_211] : memref<160000x128xf32, #tpu.memory_space<hbm>> -> memref<128x128xf32, #tpu.memory_space<hbm>>
        %dma_start3A_213 = arith.constant 0 : i32
        %dma_start3A_214 = tpu.memref_slice %arg5[%mul3A_179, %dma_start3A_213] : memref<160000x128xf32, #tpu.memory_space<hbm>> -> memref<128x128xf32, #tpu.memory_space<hbm>>
        %dma_start3A_215 = arith.constant 0 : i32
        %dma_start3A_216 = arith.constant 0 : i32
        %dma_start3A_217 = tpu.memref_slice %arg8[%dma_start3A_206, %dma_start3A_215, %dma_start3A_216] : memref<3x128x128xf32, #tpu.memory_space<vmem>> -> memref<1x128x128xf32, #tpu.memory_space<vmem>>
        %dma_start3A_218 = tpu.memref_squeeze %dma_start3A_217 : memref<1x128x128xf32, #tpu.memory_space<vmem>> -> memref<128x128xf32, #tpu.memory_space<vmem>>
        tpu.enqueue_dma source(%dma_start3A_218 : memref<128x128xf32, #tpu.memory_space<vmem>>) target(%dma_start3A_214 : memref<128x128xf32, #tpu.memory_space<hbm>>) target_semaphore(%arg17 : memref<!tpu.dma_semaphore, #tpu.memory_space<semaphore_mem>>)
      } else {
      }
      %mul3A_155 = arith.constant 3 : i32
      %mul3A_156 = arith.muli %mul3A_155, %scan3A_139 : i32
      %add3A_157 = arith.constant 2 : i32
      %add3A_158 = arith.addi %mul3A_156, %add3A_157 : i32
      %lt3A_159 = arith.cmpi slt, %add3A_158, %add3A_20 : i32
      %convert_element_type3A_160 = arith.extui %lt3A_159 : i1 to i32
      %cond3A_161 = arith.constant 0 : i32
      %cond3A_162 = arith.cmpi ne, %convert_element_type3A_160, %cond3A_161 : i32
      scf.if %cond3A_162 {
        %add3A_163 = arith.constant 2 : i32
        %add3A_164 = arith.addi %add3A_158, %add3A_163 : i32
        %lt3A_165 = arith.cmpi slt, %add3A_164, %add3A_20 : i32
        %convert_element_type3A_166 = arith.extui %lt3A_165 : i1 to i32
        %cond3A_167 = arith.constant 0 : i32
        %cond3A_168 = arith.cmpi ne, %convert_element_type3A_166, %cond3A_167 : i32
        scf.if %cond3A_168 {
          %add3A_219 = arith.constant 2 : i32
          %add3A_220 = arith.addi %add3A_158, %add3A_219 : i32
          %mul3A_221 = arith.constant 32 : i32
          %mul3A_222 = arith.muli %add3A_220, %mul3A_221 : i32
          %add3A_223 = arith.addi %add3A, %mul3A_222 : i32
          %mul3A_224 = arith.constant 128 : i32
          %mul3A_225 = arith.muli %add3A_223, %mul3A_224 : i32
          %dma_start3A_226 = arith.constant 1 : i32
          %dma_start3A_227 = arith.constant 0 : i32
          %dma_start3A_228 = tpu.memref_slice %arg6[%dma_start3A_226, %dma_start3A_227] : memref<3x128xi32, #tpu.memory_space<vmem>> -> memref<1x128xi32, #tpu.memory_space<vmem>>
          %dma_start3A_229 = tpu.memref_squeeze %dma_start3A_228 : memref<1x128xi32, #tpu.memory_space<vmem>> -> memref<128xi32, #tpu.memory_space<vmem>>
          %dma_start3A_230 = tpu.memref_slice %arg3[%mul3A_225] : memref<160000xi32, #tpu.memory_space<hbm>> -> memref<128xi32, #tpu.memory_space<hbm>>
          %dma_start3A_231 = arith.constant 0 : i32
          %dma_start3A_232 = tpu.memref_slice %arg6[%dma_start3A_226, %dma_start3A_231] : memref<3x128xi32, #tpu.memory_space<vmem>> -> memref<1x128xi32, #tpu.memory_space<vmem>>
          %dma_start3A_233 = tpu.memref_squeeze %dma_start3A_232 : memref<1x128xi32, #tpu.memory_space<vmem>> -> memref<128xi32, #tpu.memory_space<vmem>>
          %dma_start3A_234 = tpu.memref_slice %arg3[%mul3A_225] : memref<160000xi32, #tpu.memory_space<hbm>> -> memref<128xi32, #tpu.memory_space<hbm>>
          tpu.enqueue_dma source(%dma_start3A_234 : memref<128xi32, #tpu.memory_space<hbm>>) target(%dma_start3A_233 : memref<128xi32, #tpu.memory_space<vmem>>) target_semaphore(%arg20 : memref<!tpu.dma_semaphore, #tpu.memory_space<semaphore_mem>>)
          %dma_start3A_235 = arith.constant 1 : i32
          %dma_start3A_236 = arith.constant 0 : i32
          %dma_start3A_237 = tpu.memref_slice %arg7[%dma_start3A_235, %dma_start3A_236] : memref<3x128xi32, #tpu.memory_space<vmem>> -> memref<1x128xi32, #tpu.memory_space<vmem>>
          %dma_start3A_238 = tpu.memref_squeeze %dma_start3A_237 : memref<1x128xi32, #tpu.memory_space<vmem>> -> memref<128xi32, #tpu.memory_space<vmem>>
          %dma_start3A_239 = tpu.memref_slice %arg4[%mul3A_225] : memref<160000xi32, #tpu.memory_space<hbm>> -> memref<128xi32, #tpu.memory_space<hbm>>
          %dma_start3A_240 = arith.constant 0 : i32
          %dma_start3A_241 = tpu.memref_slice %arg7[%dma_start3A_235, %dma_start3A_240] : memref<3x128xi32, #tpu.memory_space<vmem>> -> memref<1x128xi32, #tpu.memory_space<vmem>>
          %dma_start3A_242 = tpu.memref_squeeze %dma_start3A_241 : memref<1x128xi32, #tpu.memory_space<vmem>> -> memref<128xi32, #tpu.memory_space<vmem>>
          %dma_start3A_243 = tpu.memref_slice %arg4[%mul3A_225] : memref<160000xi32, #tpu.memory_space<hbm>> -> memref<128xi32, #tpu.memory_space<hbm>>
          tpu.enqueue_dma source(%dma_start3A_243 : memref<128xi32, #tpu.memory_space<hbm>>) target(%dma_start3A_242 : memref<128xi32, #tpu.memory_space<vmem>>) target_semaphore(%arg23 : memref<!tpu.dma_semaphore, #tpu.memory_space<semaphore_mem>>)
        } else {
        }
        %add3A_169 = arith.constant 1 : i32
        %add3A_170 = arith.addi %add3A_158, %add3A_169 : i32
        %lt3A_171 = arith.cmpi slt, %add3A_170, %add3A_20 : i32
        %convert_element_type3A_172 = arith.extui %lt3A_171 : i1 to i32
        %cond3A_173 = arith.constant 0 : i32
        %cond3A_174 = arith.cmpi ne, %convert_element_type3A_172, %cond3A_173 : i32
        scf.if %cond3A_174 {
          %ge3A = arith.constant 2 : i32
          %ge3A_219 = arith.cmpi sge, %add3A_158, %ge3A : i32
          %convert_element_type3A_220 = arith.extui %ge3A_219 : i1 to i32
          %cond3A_221 = arith.constant 0 : i32
          %cond3A_222 = arith.cmpi ne, %convert_element_type3A_220, %cond3A_221 : i32
          scf.if %cond3A_222 {
            %dma_wait3A_272 = arith.constant 0 : i32
            %dma_wait3A_273 = arith.constant 0 : i32
            %dma_wait3A_274 = arith.constant 0 : i32
            %dma_wait3A_275 = tpu.memref_slice %arg8[%dma_wait3A_272, %dma_wait3A_273, %dma_wait3A_274] : memref<3x128x128xf32, #tpu.memory_space<vmem>> -> memref<1x128x128xf32, #tpu.memory_space<vmem>>
            %dma_wait3A_276 = tpu.memref_squeeze %dma_wait3A_275 : memref<1x128x128xf32, #tpu.memory_space<vmem>> -> memref<128x128xf32, #tpu.memory_space<vmem>>
            %dma_wait3A_277 = arith.constant 0 : i32
            %dma_wait3A_278 = arith.constant 0 : i32
            %dma_wait3A_279 = tpu.memref_slice %arg5[%dma_wait3A_277, %dma_wait3A_278] : memref<160000x128xf32, #tpu.memory_space<hbm>> -> memref<128x128xf32, #tpu.memory_space<hbm>>
            %dma_wait3A_280 = arith.constant 0 : i32
            %dma_wait3A_281 = arith.constant 0 : i32
            %dma_wait3A_282 = tpu.memref_slice %arg5[%dma_wait3A_280, %dma_wait3A_281] : memref<160000x128xf32, #tpu.memory_space<hbm>> -> memref<128x128xf32, #tpu.memory_space<hbm>>
            %dma_wait3A_283 = arith.constant 0 : i32
            %dma_wait3A_284 = arith.constant 0 : i32
            %dma_wait3A_285 = tpu.memref_slice %arg8[%dma_wait3A_272, %dma_wait3A_283, %dma_wait3A_284] : memref<3x128x128xf32, #tpu.memory_space<vmem>> -> memref<1x128x128xf32, #tpu.memory_space<vmem>>
            %dma_wait3A_286 = tpu.memref_squeeze %dma_wait3A_285 : memref<1x128x128xf32, #tpu.memory_space<vmem>> -> memref<128x128xf32, #tpu.memory_space<vmem>>
            tpu.wait_dma2 semaphore(%arg16 : memref<!tpu.dma_semaphore, #tpu.memory_space<semaphore_mem>>) src(%dma_wait3A_286 : memref<128x128xf32, #tpu.memory_space<vmem>>) dst(%dma_wait3A_282 : memref<128x128xf32, #tpu.memory_space<hbm>>)
          } else {
          }
          %add3A_223 = arith.constant 1 : i32
          %add3A_224 = arith.addi %add3A_158, %add3A_223 : i32
          %mul3A_225 = arith.constant 32 : i32
          %mul3A_226 = arith.muli %add3A_224, %mul3A_225 : i32
          %add3A_227 = arith.addi %add3A, %mul3A_226 : i32
          %mul3A_228 = arith.constant 128 : i32
          %mul3A_229 = arith.muli %add3A_227, %mul3A_228 : i32
          %dma_wait3A_230 = arith.constant 0 : i32
          %dma_wait3A_231 = arith.constant 0 : i32
          %dma_wait3A_232 = tpu.memref_slice %arg6[%dma_wait3A_230, %dma_wait3A_231] : memref<3x128xi32, #tpu.memory_space<vmem>> -> memref<1x128xi32, #tpu.memory_space<vmem>>
          %dma_wait3A_233 = tpu.memref_squeeze %dma_wait3A_232 : memref<1x128xi32, #tpu.memory_space<vmem>> -> memref<128xi32, #tpu.memory_space<vmem>>
          %dma_wait3A_234 = tpu.memref_slice %arg3[%mul3A_229] : memref<160000xi32, #tpu.memory_space<hbm>> -> memref<128xi32, #tpu.memory_space<hbm>>
          %dma_wait3A_235 = arith.constant 0 : i32
          %dma_wait3A_236 = tpu.memref_slice %arg6[%dma_wait3A_230, %dma_wait3A_235] : memref<3x128xi32, #tpu.memory_space<vmem>> -> memref<1x128xi32, #tpu.memory_space<vmem>>
          %dma_wait3A_237 = tpu.memref_squeeze %dma_wait3A_236 : memref<1x128xi32, #tpu.memory_space<vmem>> -> memref<128xi32, #tpu.memory_space<vmem>>
          %dma_wait3A_238 = tpu.memref_slice %arg3[%mul3A_229] : memref<160000xi32, #tpu.memory_space<hbm>> -> memref<128xi32, #tpu.memory_space<hbm>>
          tpu.wait_dma2 semaphore(%arg19 : memref<!tpu.dma_semaphore, #tpu.memory_space<semaphore_mem>>) src(%dma_wait3A_238 : memref<128xi32, #tpu.memory_space<hbm>>) dst(%dma_wait3A_237 : memref<128xi32, #tpu.memory_space<vmem>>)
          %dma_wait3A_239 = arith.constant 0 : i32
          %dma_wait3A_240 = arith.constant 0 : i32
          %dma_wait3A_241 = tpu.memref_slice %arg7[%dma_wait3A_239, %dma_wait3A_240] : memref<3x128xi32, #tpu.memory_space<vmem>> -> memref<1x128xi32, #tpu.memory_space<vmem>>
          %dma_wait3A_242 = tpu.memref_squeeze %dma_wait3A_241 : memref<1x128xi32, #tpu.memory_space<vmem>> -> memref<128xi32, #tpu.memory_space<vmem>>
          %dma_wait3A_243 = tpu.memref_slice %arg4[%mul3A_229] : memref<160000xi32, #tpu.memory_space<hbm>> -> memref<128xi32, #tpu.memory_space<hbm>>
          %dma_wait3A_244 = arith.constant 0 : i32
          %dma_wait3A_245 = tpu.memref_slice %arg7[%dma_wait3A_239, %dma_wait3A_244] : memref<3x128xi32, #tpu.memory_space<vmem>> -> memref<1x128xi32, #tpu.memory_space<vmem>>
          %dma_wait3A_246 = tpu.memref_squeeze %dma_wait3A_245 : memref<1x128xi32, #tpu.memory_space<vmem>> -> memref<128xi32, #tpu.memory_space<vmem>>
          %dma_wait3A_247 = tpu.memref_slice %arg4[%mul3A_229] : memref<160000xi32, #tpu.memory_space<hbm>> -> memref<128xi32, #tpu.memory_space<hbm>>
          tpu.wait_dma2 semaphore(%arg22 : memref<!tpu.dma_semaphore, #tpu.memory_space<semaphore_mem>>) src(%dma_wait3A_247 : memref<128xi32, #tpu.memory_space<hbm>>) dst(%dma_wait3A_246 : memref<128xi32, #tpu.memory_space<vmem>>)
          %dma_start3A_248 = arith.constant 0 : i32
          %dma_start3A_249 = arith.constant 0 : i32
          %dma_start3A_250 = arith.constant 0 : i32
          %dma_start3A_251 = arith.constant 0 : i32
          %dma_start3A_252 = tpu.memref_slice %arg8[%dma_start3A_249, %dma_start3A_250, %dma_start3A_251] : memref<3x128x128xf32, #tpu.memory_space<vmem>> -> memref<1x128x128xf32, #tpu.memory_space<vmem>>
          %dma_start3A_253 = tpu.memref_squeeze %dma_start3A_252 : memref<1x128x128xf32, #tpu.memory_space<vmem>> -> memref<128x128xf32, #tpu.memory_space<vmem>>
          %dma_start3A_254 = arith.constant 0 : i32
          %dma_start3A_255 = tpu.memref_slice %arg6[%dma_start3A_248, %dma_start3A_254] : memref<3x128xi32, #tpu.memory_space<vmem>> -> memref<1x128xi32, #tpu.memory_space<vmem>>
          %dma_start3A_256 = tpu.memref_squeeze %dma_start3A_255 : memref<1x128xi32, #tpu.memory_space<vmem>> -> memref<128xi32, #tpu.memory_space<vmem>>
          %dma_start3A_257 = arith.constant 0 : i32
          %dma_start3A_258 = arith.constant 0 : i32
          %dma_start3A_259 = tpu.memref_slice %arg2[%dma_start3A_257, %dma_start3A_258] : memref<10000x128xf32, #tpu.memory_space<hbm>> -> memref<10000x128xf32, #tpu.memory_space<hbm>>
          tpu.enqueue_indirect_dma source(%dma_start3A_259 : memref<10000x128xf32, #tpu.memory_space<hbm>>) target(%dma_start3A_253 : memref<128x128xf32, #tpu.memory_space<vmem>>) offsets(%dma_start3A_256 : memref<128xi32, #tpu.memory_space<vmem>>) semaphore(%arg10 : memref<!tpu.dma_semaphore, #tpu.memory_space<semaphore_mem>>)
          %dma_start3A_260 = arith.constant 0 : i32
          %dma_start3A_261 = arith.constant 0 : i32
          %dma_start3A_262 = arith.constant 0 : i32
          %dma_start3A_263 = arith.constant 0 : i32
          %dma_start3A_264 = tpu.memref_slice %arg9[%dma_start3A_261, %dma_start3A_262, %dma_start3A_263] : memref<3x128x128xf32, #tpu.memory_space<vmem>> -> memref<1x128x128xf32, #tpu.memory_space<vmem>>
          %dma_start3A_265 = tpu.memref_squeeze %dma_start3A_264 : memref<1x128x128xf32, #tpu.memory_space<vmem>> -> memref<128x128xf32, #tpu.memory_space<vmem>>
          %dma_start3A_266 = arith.constant 0 : i32
          %dma_start3A_267 = tpu.memref_slice %arg7[%dma_start3A_260, %dma_start3A_266] : memref<3x128xi32, #tpu.memory_space<vmem>> -> memref<1x128xi32, #tpu.memory_space<vmem>>
          %dma_start3A_268 = tpu.memref_squeeze %dma_start3A_267 : memref<1x128xi32, #tpu.memory_space<vmem>> -> memref<128xi32, #tpu.memory_space<vmem>>
          %dma_start3A_269 = arith.constant 0 : i32
          %dma_start3A_270 = arith.constant 0 : i32
          %dma_start3A_271 = tpu.memref_slice %arg2[%dma_start3A_269, %dma_start3A_270] : memref<10000x128xf32, #tpu.memory_space<hbm>> -> memref<10000x128xf32, #tpu.memory_space<hbm>>
          tpu.enqueue_indirect_dma source(%dma_start3A_271 : memref<10000x128xf32, #tpu.memory_space<hbm>>) target(%dma_start3A_265 : memref<128x128xf32, #tpu.memory_space<vmem>>) offsets(%dma_start3A_268 : memref<128xi32, #tpu.memory_space<vmem>>) semaphore(%arg13 : memref<!tpu.dma_semaphore, #tpu.memory_space<semaphore_mem>>)
        } else {
        }
        %mul3A_175 = arith.constant 32 : i32
        %mul3A_176 = arith.muli %add3A_158, %mul3A_175 : i32
        %add3A_177 = arith.addi %add3A, %mul3A_176 : i32
        %mul3A_178 = arith.constant 128 : i32
        %mul3A_179 = arith.muli %add3A_177, %mul3A_178 : i32
        %dma_wait3A_180 = arith.constant 2 : i32
        %dma_wait3A_181 = arith.constant 2 : i32
        %dma_wait3A_182 = arith.constant 0 : i32
        %dma_wait3A_183 = arith.constant 0 : i32
        %dma_wait3A_184 = tpu.memref_slice %arg8[%dma_wait3A_181, %dma_wait3A_182, %dma_wait3A_183] : memref<3x128x128xf32, #tpu.memory_space<vmem>> -> memref<1x128x128xf32, #tpu.memory_space<vmem>>
        %dma_wait3A_185 = tpu.memref_squeeze %dma_wait3A_184 : memref<1x128x128xf32, #tpu.memory_space<vmem>> -> memref<128x128xf32, #tpu.memory_space<vmem>>
        %dma_wait3A_186 = arith.constant 0 : i32
        %dma_wait3A_187 = tpu.memref_slice %arg6[%dma_wait3A_180, %dma_wait3A_186] : memref<3x128xi32, #tpu.memory_space<vmem>> -> memref<1x128xi32, #tpu.memory_space<vmem>>
        %dma_wait3A_188 = tpu.memref_squeeze %dma_wait3A_187 : memref<1x128xi32, #tpu.memory_space<vmem>> -> memref<128xi32, #tpu.memory_space<vmem>>
        %dma_wait3A_189 = arith.constant 0 : i32
        %dma_wait3A_190 = arith.constant 0 : i32
        %dma_wait3A_191 = tpu.memref_slice %arg2[%dma_wait3A_189, %dma_wait3A_190] : memref<10000x128xf32, #tpu.memory_space<hbm>> -> memref<10000x128xf32, #tpu.memory_space<hbm>>
        tpu.wait_indirect_dma semaphore(%arg12 : memref<!tpu.dma_semaphore, #tpu.memory_space<semaphore_mem>>) src(%dma_wait3A_191 : memref<10000x128xf32, #tpu.memory_space<hbm>>) dst(%dma_wait3A_185 : memref<128x128xf32, #tpu.memory_space<vmem>>)
        %dma_wait3A_192 = arith.constant 2 : i32
        %dma_wait3A_193 = arith.constant 2 : i32
        %dma_wait3A_194 = arith.constant 0 : i32
        %dma_wait3A_195 = arith.constant 0 : i32
        %dma_wait3A_196 = tpu.memref_slice %arg9[%dma_wait3A_193, %dma_wait3A_194, %dma_wait3A_195] : memref<3x128x128xf32, #tpu.memory_space<vmem>> -> memref<1x128x128xf32, #tpu.memory_space<vmem>>
        %dma_wait3A_197 = tpu.memref_squeeze %dma_wait3A_196 : memref<1x128x128xf32, #tpu.memory_space<vmem>> -> memref<128x128xf32, #tpu.memory_space<vmem>>
        %dma_wait3A_198 = arith.constant 0 : i32
        %dma_wait3A_199 = tpu.memref_slice %arg7[%dma_wait3A_192, %dma_wait3A_198] : memref<3x128xi32, #tpu.memory_space<vmem>> -> memref<1x128xi32, #tpu.memory_space<vmem>>
        %dma_wait3A_200 = tpu.memref_squeeze %dma_wait3A_199 : memref<1x128xi32, #tpu.memory_space<vmem>> -> memref<128xi32, #tpu.memory_space<vmem>>
        %dma_wait3A_201 = arith.constant 0 : i32
        %dma_wait3A_202 = arith.constant 0 : i32
        %dma_wait3A_203 = tpu.memref_slice %arg2[%dma_wait3A_201, %dma_wait3A_202] : memref<10000x128xf32, #tpu.memory_space<hbm>> -> memref<10000x128xf32, #tpu.memory_space<hbm>>
        tpu.wait_indirect_dma semaphore(%arg15 : memref<!tpu.dma_semaphore, #tpu.memory_space<semaphore_mem>>) src(%dma_wait3A_203 : memref<10000x128xf32, #tpu.memory_space<hbm>>) dst(%dma_wait3A_197 : memref<128x128xf32, #tpu.memory_space<vmem>>)
        %parallel_loop3A = arith.constant 0 : i32
        %parallel_loop3A_204 = arith.constant 128 : i32
        %parallel_loop3A_205 = arith.constant 1 : i32
        scf.for %parallel_loop3A_219 = %parallel_loop3A to %parallel_loop3A_204 step %parallel_loop3A_205  : i32 {
          %parallel_loop3A_220 = arith.constant 2 : i32
          %parallel_loop3A_221 = arith.index_cast %parallel_loop3A_220 : i32 to index
          %parallel_loop3A_222 = arith.index_cast %parallel_loop3A_219 : i32 to index
          %parallel_loop3A_223 = arith.constant 0 : index
          %parallel_loop3A_224 = tpu.vector_load %arg8[%parallel_loop3A_221, %parallel_loop3A_222, %parallel_loop3A_223] {strides = array<i32>} : memref<3x128x128xf32, #tpu.memory_space<vmem>>, vector<16xf32>,
          %parallel_loop3A_225 = arith.constant 2 : i32
          %parallel_loop3A_226 = arith.index_cast %parallel_loop3A_225 : i32 to index
          %parallel_loop3A_227 = arith.index_cast %parallel_loop3A_219 : i32 to index
          %parallel_loop3A_228 = arith.constant 0 : index
          %parallel_loop3A_229 = tpu.vector_load %arg9[%parallel_loop3A_226, %parallel_loop3A_227, %parallel_loop3A_228] {strides = array<i32>} : memref<3x128x128xf32, #tpu.memory_space<vmem>>, vector<16xf32>,
          %parallel_loop3A_230 = arith.addf %parallel_loop3A_224, %parallel_loop3A_229 : vector<16xf32>
          %parallel_loop3A_231 = arith.constant 2 : i32
          %parallel_loop3A_232 = arith.index_cast %parallel_loop3A_231 : i32 to index
          %parallel_loop3A_233 = arith.index_cast %parallel_loop3A_219 : i32 to index
          %parallel_loop3A_234 = arith.constant 0 : index
          %parallel_loop3A_235 = tpu.vector_load %arg8[%parallel_loop3A_232, %parallel_loop3A_233, %parallel_loop3A_234] {strides = array<i32>} : memref<3x128x128xf32, #tpu.memory_space<vmem>>, vector<16xf32>,
          tpu.vector_store %arg8[%parallel_loop3A_232, %parallel_loop3A_233, %parallel_loop3A_234], %parallel_loop3A_230 {strides = array<i32>} : memref<3x128x128xf32, #tpu.memory_space<vmem>>, vector<16xf32>,
          %parallel_loop3A_236 = arith.constant 2 : i32
          %parallel_loop3A_237 = arith.index_cast %parallel_loop3A_236 : i32 to index
          %parallel_loop3A_238 = arith.index_cast %parallel_loop3A_219 : i32 to index
          %parallel_loop3A_239 = arith.constant 16 : index
          %parallel_loop3A_240 = tpu.vector_load %arg8[%parallel_loop3A_237, %parallel_loop3A_238, %parallel_loop3A_239] {strides = array<i32>} : memref<3x128x128xf32, #tpu.memory_space<vmem>>, vector<16xf32>,
          %parallel_loop3A_241 = arith.constant 2 : i32
          %parallel_loop3A_242 = arith.index_cast %parallel_loop3A_241 : i32 to index
          %parallel_loop3A_243 = arith.index_cast %parallel_loop3A_219 : i32 to index
          %parallel_loop3A_244 = arith.constant 16 : index
          %parallel_loop3A_245 = tpu.vector_load %arg9[%parallel_loop3A_242, %parallel_loop3A_243, %parallel_loop3A_244] {strides = array<i32>} : memref<3x128x128xf32, #tpu.memory_space<vmem>>, vector<16xf32>,
          %parallel_loop3A_246 = arith.addf %parallel_loop3A_240, %parallel_loop3A_245 : vector<16xf32>
          %parallel_loop3A_247 = arith.constant 2 : i32
          %parallel_loop3A_248 = arith.index_cast %parallel_loop3A_247 : i32 to index
          %parallel_loop3A_249 = arith.index_cast %parallel_loop3A_219 : i32 to index
          %parallel_loop3A_250 = arith.constant 16 : index
          %parallel_loop3A_251 = tpu.vector_load %arg8[%parallel_loop3A_248, %parallel_loop3A_249, %parallel_loop3A_250] {strides = array<i32>} : memref<3x128x128xf32, #tpu.memory_space<vmem>>, vector<16xf32>,
          tpu.vector_store %arg8[%parallel_loop3A_248, %parallel_loop3A_249, %parallel_loop3A_250], %parallel_loop3A_246 {strides = array<i32>} : memref<3x128x128xf32, #tpu.memory_space<vmem>>, vector<16xf32>,
          %parallel_loop3A_252 = arith.constant 2 : i32
          %parallel_loop3A_253 = arith.index_cast %parallel_loop3A_252 : i32 to index
          %parallel_loop3A_254 = arith.index_cast %parallel_loop3A_219 : i32 to index
          %parallel_loop3A_255 = arith.constant 32 : index
          %parallel_loop3A_256 = tpu.vector_load %arg8[%parallel_loop3A_253, %parallel_loop3A_254, %parallel_loop3A_255] {strides = array<i32>} : memref<3x128x128xf32, #tpu.memory_space<vmem>>, vector<16xf32>,
          %parallel_loop3A_257 = arith.constant 2 : i32
          %parallel_loop3A_258 = arith.index_cast %parallel_loop3A_257 : i32 to index
          %parallel_loop3A_259 = arith.index_cast %parallel_loop3A_219 : i32 to index
          %parallel_loop3A_260 = arith.constant 32 : index
          %parallel_loop3A_261 = tpu.vector_load %arg9[%parallel_loop3A_258, %parallel_loop3A_259, %parallel_loop3A_260] {strides = array<i32>} : memref<3x128x128xf32, #tpu.memory_space<vmem>>, vector<16xf32>,
          %parallel_loop3A_262 = arith.addf %parallel_loop3A_256, %parallel_loop3A_261 : vector<16xf32>
          %parallel_loop3A_263 = arith.constant 2 : i32
          %parallel_loop3A_264 = arith.index_cast %parallel_loop3A_263 : i32 to index
          %parallel_loop3A_265 = arith.index_cast %parallel_loop3A_219 : i32 to index
          %parallel_loop3A_266 = arith.constant 32 : index
          %parallel_loop3A_267 = tpu.vector_load %arg8[%parallel_loop3A_264, %parallel_loop3A_265, %parallel_loop3A_266] {strides = array<i32>} : memref<3x128x128xf32, #tpu.memory_space<vmem>>, vector<16xf32>,
          tpu.vector_store %arg8[%parallel_loop3A_264, %parallel_loop3A_265, %parallel_loop3A_266], %parallel_loop3A_262 {strides = array<i32>} : memref<3x128x128xf32, #tpu.memory_space<vmem>>, vector<16xf32>,
          %parallel_loop3A_268 = arith.constant 2 : i32
          %parallel_loop3A_269 = arith.index_cast %parallel_loop3A_268 : i32 to index
          %parallel_loop3A_270 = arith.index_cast %parallel_loop3A_219 : i32 to index
          %parallel_loop3A_271 = arith.constant 48 : index
          %parallel_loop3A_272 = tpu.vector_load %arg8[%parallel_loop3A_269, %parallel_loop3A_270, %parallel_loop3A_271] {strides = array<i32>} : memref<3x128x128xf32, #tpu.memory_space<vmem>>, vector<16xf32>,
          %parallel_loop3A_273 = arith.constant 2 : i32
          %parallel_loop3A_274 = arith.index_cast %parallel_loop3A_273 : i32 to index
          %parallel_loop3A_275 = arith.index_cast %parallel_loop3A_219 : i32 to index
          %parallel_loop3A_276 = arith.constant 48 : index
          %parallel_loop3A_277 = tpu.vector_load %arg9[%parallel_loop3A_274, %parallel_loop3A_275, %parallel_loop3A_276] {strides = array<i32>} : memref<3x128x128xf32, #tpu.memory_space<vmem>>, vector<16xf32>,
          %parallel_loop3A_278 = arith.addf %parallel_loop3A_272, %parallel_loop3A_277 : vector<16xf32>
          %parallel_loop3A_279 = arith.constant 2 : i32
          %parallel_loop3A_280 = arith.index_cast %parallel_loop3A_279 : i32 to index
          %parallel_loop3A_281 = arith.index_cast %parallel_loop3A_219 : i32 to index
          %parallel_loop3A_282 = arith.constant 48 : index
          %parallel_loop3A_283 = tpu.vector_load %arg8[%parallel_loop3A_280, %parallel_loop3A_281, %parallel_loop3A_282] {strides = array<i32>} : memref<3x128x128xf32, #tpu.memory_space<vmem>>, vector<16xf32>,
          tpu.vector_store %arg8[%parallel_loop3A_280, %parallel_loop3A_281, %parallel_loop3A_282], %parallel_loop3A_278 {strides = array<i32>} : memref<3x128x128xf32, #tpu.memory_space<vmem>>, vector<16xf32>,
          %parallel_loop3A_284 = arith.constant 2 : i32
          %parallel_loop3A_285 = arith.index_cast %parallel_loop3A_284 : i32 to index
          %parallel_loop3A_286 = arith.index_cast %parallel_loop3A_219 : i32 to index
          %parallel_loop3A_287 = arith.constant 64 : index
          %parallel_loop3A_288 = tpu.vector_load %arg8[%parallel_loop3A_285, %parallel_loop3A_286, %parallel_loop3A_287] {strides = array<i32>} : memref<3x128x128xf32, #tpu.memory_space<vmem>>, vector<16xf32>,
          %parallel_loop3A_289 = arith.constant 2 : i32
          %parallel_loop3A_290 = arith.index_cast %parallel_loop3A_289 : i32 to index
          %parallel_loop3A_291 = arith.index_cast %parallel_loop3A_219 : i32 to index
          %parallel_loop3A_292 = arith.constant 64 : index
          %parallel_loop3A_293 = tpu.vector_load %arg9[%parallel_loop3A_290, %parallel_loop3A_291, %parallel_loop3A_292] {strides = array<i32>} : memref<3x128x128xf32, #tpu.memory_space<vmem>>, vector<16xf32>,
          %parallel_loop3A_294 = arith.addf %parallel_loop3A_288, %parallel_loop3A_293 : vector<16xf32>
          %parallel_loop3A_295 = arith.constant 2 : i32
          %parallel_loop3A_296 = arith.index_cast %parallel_loop3A_295 : i32 to index
          %parallel_loop3A_297 = arith.index_cast %parallel_loop3A_219 : i32 to index
          %parallel_loop3A_298 = arith.constant 64 : index
          %parallel_loop3A_299 = tpu.vector_load %arg8[%parallel_loop3A_296, %parallel_loop3A_297, %parallel_loop3A_298] {strides = array<i32>} : memref<3x128x128xf32, #tpu.memory_space<vmem>>, vector<16xf32>,
          tpu.vector_store %arg8[%parallel_loop3A_296, %parallel_loop3A_297, %parallel_loop3A_298], %parallel_loop3A_294 {strides = array<i32>} : memref<3x128x128xf32, #tpu.memory_space<vmem>>, vector<16xf32>,
          %parallel_loop3A_300 = arith.constant 2 : i32
          %parallel_loop3A_301 = arith.index_cast %parallel_loop3A_300 : i32 to index
          %parallel_loop3A_302 = arith.index_cast %parallel_loop3A_219 : i32 to index
          %parallel_loop3A_303 = arith.constant 80 : index
          %parallel_loop3A_304 = tpu.vector_load %arg8[%parallel_loop3A_301, %parallel_loop3A_302, %parallel_loop3A_303] {strides = array<i32>} : memref<3x128x128xf32, #tpu.memory_space<vmem>>, vector<16xf32>,
          %parallel_loop3A_305 = arith.constant 2 : i32
          %parallel_loop3A_306 = arith.index_cast %parallel_loop3A_305 : i32 to index
          %parallel_loop3A_307 = arith.index_cast %parallel_loop3A_219 : i32 to index
          %parallel_loop3A_308 = arith.constant 80 : index
          %parallel_loop3A_309 = tpu.vector_load %arg9[%parallel_loop3A_306, %parallel_loop3A_307, %parallel_loop3A_308] {strides = array<i32>} : memref<3x128x128xf32, #tpu.memory_space<vmem>>, vector<16xf32>,
          %parallel_loop3A_310 = arith.addf %parallel_loop3A_304, %parallel_loop3A_309 : vector<16xf32>
          %parallel_loop3A_311 = arith.constant 2 : i32
          %parallel_loop3A_312 = arith.index_cast %parallel_loop3A_311 : i32 to index
          %parallel_loop3A_313 = arith.index_cast %parallel_loop3A_219 : i32 to index
          %parallel_loop3A_314 = arith.constant 80 : index
          %parallel_loop3A_315 = tpu.vector_load %arg8[%parallel_loop3A_312, %parallel_loop3A_313, %parallel_loop3A_314] {strides = array<i32>} : memref<3x128x128xf32, #tpu.memory_space<vmem>>, vector<16xf32>,
          tpu.vector_store %arg8[%parallel_loop3A_312, %parallel_loop3A_313, %parallel_loop3A_314], %parallel_loop3A_310 {strides = array<i32>} : memref<3x128x128xf32, #tpu.memory_space<vmem>>, vector<16xf32>,
          %parallel_loop3A_316 = arith.constant 2 : i32
          %parallel_loop3A_317 = arith.index_cast %parallel_loop3A_316 : i32 to index
          %parallel_loop3A_318 = arith.index_cast %parallel_loop3A_219 : i32 to index
          %parallel_loop3A_319 = arith.constant 96 : index
          %parallel_loop3A_320 = tpu.vector_load %arg8[%parallel_loop3A_317, %parallel_loop3A_318, %parallel_loop3A_319] {strides = array<i32>} : memref<3x128x128xf32, #tpu.memory_space<vmem>>, vector<16xf32>,
          %parallel_loop3A_321 = arith.constant 2 : i32
          %parallel_loop3A_322 = arith.index_cast %parallel_loop3A_321 : i32 to index
          %parallel_loop3A_323 = arith.index_cast %parallel_loop3A_219 : i32 to index
          %parallel_loop3A_324 = arith.constant 96 : index
          %parallel_loop3A_325 = tpu.vector_load %arg9[%parallel_loop3A_322, %parallel_loop3A_323, %parallel_loop3A_324] {strides = array<i32>} : memref<3x128x128xf32, #tpu.memory_space<vmem>>, vector<16xf32>,
          %parallel_loop3A_326 = arith.addf %parallel_loop3A_320, %parallel_loop3A_325 : vector<16xf32>
          %parallel_loop3A_327 = arith.constant 2 : i32
          %parallel_loop3A_328 = arith.index_cast %parallel_loop3A_327 : i32 to index
          %parallel_loop3A_329 = arith.index_cast %parallel_loop3A_219 : i32 to index
          %parallel_loop3A_330 = arith.constant 96 : index
          %parallel_loop3A_331 = tpu.vector_load %arg8[%parallel_loop3A_328, %parallel_loop3A_329, %parallel_loop3A_330] {strides = array<i32>} : memref<3x128x128xf32, #tpu.memory_space<vmem>>, vector<16xf32>,
          tpu.vector_store %arg8[%parallel_loop3A_328, %parallel_loop3A_329, %parallel_loop3A_330], %parallel_loop3A_326 {strides = array<i32>} : memref<3x128x128xf32, #tpu.memory_space<vmem>>, vector<16xf32>,
          %parallel_loop3A_332 = arith.constant 2 : i32
          %parallel_loop3A_333 = arith.index_cast %parallel_loop3A_332 : i32 to index
          %parallel_loop3A_334 = arith.index_cast %parallel_loop3A_219 : i32 to index
          %parallel_loop3A_335 = arith.constant 112 : index
          %parallel_loop3A_336 = tpu.vector_load %arg8[%parallel_loop3A_333, %parallel_loop3A_334, %parallel_loop3A_335] {strides = array<i32>} : memref<3x128x128xf32, #tpu.memory_space<vmem>>, vector<16xf32>,
          %parallel_loop3A_337 = arith.constant 2 : i32
          %parallel_loop3A_338 = arith.index_cast %parallel_loop3A_337 : i32 to index
          %parallel_loop3A_339 = arith.index_cast %parallel_loop3A_219 : i32 to index
          %parallel_loop3A_340 = arith.constant 112 : index
          %parallel_loop3A_341 = tpu.vector_load %arg9[%parallel_loop3A_338, %parallel_loop3A_339, %parallel_loop3A_340] {strides = array<i32>} : memref<3x128x128xf32, #tpu.memory_space<vmem>>, vector<16xf32>,
          %parallel_loop3A_342 = arith.addf %parallel_loop3A_336, %parallel_loop3A_341 : vector<16xf32>
          %parallel_loop3A_343 = arith.constant 2 : i32
          %parallel_loop3A_344 = arith.index_cast %parallel_loop3A_343 : i32 to index
          %parallel_loop3A_345 = arith.index_cast %parallel_loop3A_219 : i32 to index
          %parallel_loop3A_346 = arith.constant 112 : index
          %parallel_loop3A_347 = tpu.vector_load %arg8[%parallel_loop3A_344, %parallel_loop3A_345, %parallel_loop3A_346] {strides = array<i32>} : memref<3x128x128xf32, #tpu.memory_space<vmem>>, vector<16xf32>,
          tpu.vector_store %arg8[%parallel_loop3A_344, %parallel_loop3A_345, %parallel_loop3A_346], %parallel_loop3A_342 {strides = array<i32>} : memref<3x128x128xf32, #tpu.memory_space<vmem>>, vector<16xf32>,
        } {sc.loop_unroll_factor = 4 : i64, sc.parallel_access}
        %dma_start3A_206 = arith.constant 2 : i32
        %dma_start3A_207 = arith.constant 0 : i32
        %dma_start3A_208 = arith.constant 0 : i32
        %dma_start3A_209 = tpu.memref_slice %arg8[%dma_start3A_206, %dma_start3A_207, %dma_start3A_208] : memref<3x128x128xf32, #tpu.memory_space<vmem>> -> memref<1x128x128xf32, #tpu.memory_space<vmem>>
        %dma_start3A_210 = tpu.memref_squeeze %dma_start3A_209 : memref<1x128x128xf32, #tpu.memory_space<vmem>> -> memref<128x128xf32, #tpu.memory_space<vmem>>
        %dma_start3A_211 = arith.constant 0 : i32
        %dma_start3A_212 = tpu.memref_slice %arg5[%mul3A_179, %dma_start3A_211] : memref<160000x128xf32, #tpu.memory_space<hbm>> -> memref<128x128xf32, #tpu.memory_space<hbm>>
        %dma_start3A_213 = arith.constant 0 : i32
        %dma_start3A_214 = tpu.memref_slice %arg5[%mul3A_179, %dma_start3A_213] : memref<160000x128xf32, #tpu.memory_space<hbm>> -> memref<128x128xf32, #tpu.memory_space<hbm>>
        %dma_start3A_215 = arith.constant 0 : i32
        %dma_start3A_216 = arith.constant 0 : i32
        %dma_start3A_217 = tpu.memref_slice %arg8[%dma_start3A_206, %dma_start3A_215, %dma_start3A_216] : memref<3x128x128xf32, #tpu.memory_space<vmem>> -> memref<1x128x128xf32, #tpu.memory_space<vmem>>
        %dma_start3A_218 = tpu.memref_squeeze %dma_start3A_217 : memref<1x128x128xf32, #tpu.memory_space<vmem>> -> memref<128x128xf32, #tpu.memory_space<vmem>>
        tpu.enqueue_dma source(%dma_start3A_218 : memref<128x128xf32, #tpu.memory_space<vmem>>) target(%dma_start3A_214 : memref<128x128xf32, #tpu.memory_space<hbm>>) target_semaphore(%arg18 : memref<!tpu.dma_semaphore, #tpu.memory_space<semaphore_mem>>)
      } else {
      }
    }
    %scan3A_93 = arith.constant 14 : i32
    %dma_wait3A_94 = arith.constant 0 : i32
    %dma_wait3A_95 = arith.constant 0 : i32
    %dma_wait3A_96 = arith.constant 0 : i32
    %dma_wait3A_97 = tpu.memref_slice %arg8[%dma_wait3A_94, %dma_wait3A_95, %dma_wait3A_96] : memref<3x128x128xf32, #tpu.memory_space<vmem>> -> memref<1x128x128xf32, #tpu.memory_space<vmem>>
    %dma_wait3A_98 = tpu.memref_squeeze %dma_wait3A_97 : memref<1x128x128xf32, #tpu.memory_space<vmem>> -> memref<128x128xf32, #tpu.memory_space<vmem>>
    %dma_wait3A_99 = arith.constant 0 : i32
    %dma_wait3A_100 = arith.constant 0 : i32
    %dma_wait3A_101 = tpu.memref_slice %arg5[%dma_wait3A_99, %dma_wait3A_100] : memref<160000x128xf32, #tpu.memory_space<hbm>> -> memref<128x128xf32, #tpu.memory_space<hbm>>
    %dma_wait3A_102 = arith.constant 0 : i32
    %dma_wait3A_103 = arith.constant 0 : i32
    %dma_wait3A_104 = tpu.memref_slice %arg5[%dma_wait3A_102, %dma_wait3A_103] : memref<160000x128xf32, #tpu.memory_space<hbm>> -> memref<128x128xf32, #tpu.memory_space<hbm>>
    %dma_wait3A_105 = arith.constant 0 : i32
    %dma_wait3A_106 = arith.constant 0 : i32
    %dma_wait3A_107 = tpu.memref_slice %arg8[%dma_wait3A_94, %dma_wait3A_105, %dma_wait3A_106] : memref<3x128x128xf32, #tpu.memory_space<vmem>> -> memref<1x128x128xf32, #tpu.memory_space<vmem>>
    %dma_wait3A_108 = tpu.memref_squeeze %dma_wait3A_107 : memref<1x128x128xf32, #tpu.memory_space<vmem>> -> memref<128x128xf32, #tpu.memory_space<vmem>>
    tpu.wait_dma2 semaphore(%arg16 : memref<!tpu.dma_semaphore, #tpu.memory_space<semaphore_mem>>) src(%dma_wait3A_108 : memref<128x128xf32, #tpu.memory_space<vmem>>) dst(%dma_wait3A_104 : memref<128x128xf32, #tpu.memory_space<hbm>>)
    %dma_wait3A_109 = arith.constant 1 : i32
    %dma_wait3A_110 = arith.constant 0 : i32
    %dma_wait3A_111 = arith.constant 0 : i32
    %dma_wait3A_112 = tpu.memref_slice %arg8[%dma_wait3A_109, %dma_wait3A_110, %dma_wait3A_111] : memref<3x128x128xf32, #tpu.memory_space<vmem>> -> memref<1x128x128xf32, #tpu.memory_space<vmem>>
    %dma_wait3A_113 = tpu.memref_squeeze %dma_wait3A_112 : memref<1x128x128xf32, #tpu.memory_space<vmem>> -> memref<128x128xf32, #tpu.memory_space<vmem>>
    %dma_wait3A_114 = arith.constant 0 : i32
    %dma_wait3A_115 = arith.constant 0 : i32
    %dma_wait3A_116 = tpu.memref_slice %arg5[%dma_wait3A_114, %dma_wait3A_115] : memref<160000x128xf32, #tpu.memory_space<hbm>> -> memref<128x128xf32, #tpu.memory_space<hbm>>
    %dma_wait3A_117 = arith.constant 0 : i32
    %dma_wait3A_118 = arith.constant 0 : i32
    %dma_wait3A_119 = tpu.memref_slice %arg5[%dma_wait3A_117, %dma_wait3A_118] : memref<160000x128xf32, #tpu.memory_space<hbm>> -> memref<128x128xf32, #tpu.memory_space<hbm>>
    %dma_wait3A_120 = arith.constant 0 : i32
    %dma_wait3A_121 = arith.constant 0 : i32
    %dma_wait3A_122 = tpu.memref_slice %arg8[%dma_wait3A_109, %dma_wait3A_120, %dma_wait3A_121] : memref<3x128x128xf32, #tpu.memory_space<vmem>> -> memref<1x128x128xf32, #tpu.memory_space<vmem>>
    %dma_wait3A_123 = tpu.memref_squeeze %dma_wait3A_122 : memref<1x128x128xf32, #tpu.memory_space<vmem>> -> memref<128x128xf32, #tpu.memory_space<vmem>>
    tpu.wait_dma2 semaphore(%arg17 : memref<!tpu.dma_semaphore, #tpu.memory_space<semaphore_mem>>) src(%dma_wait3A_123 : memref<128x128xf32, #tpu.memory_space<vmem>>) dst(%dma_wait3A_119 : memref<128x128xf32, #tpu.memory_space<hbm>>)
    %dma_wait3A_124 = arith.constant 2 : i32
    %dma_wait3A_125 = arith.constant 0 : i32
    %dma_wait3A_126 = arith.constant 0 : i32
    %dma_wait3A_127 = tpu.memref_slice %arg8[%dma_wait3A_124, %dma_wait3A_125, %dma_wait3A_126] : memref<3x128x128xf32, #tpu.memory_space<vmem>> -> memref<1x128x128xf32, #tpu.memory_space<vmem>>
    %dma_wait3A_128 = tpu.memref_squeeze %dma_wait3A_127 : memref<1x128x128xf32, #tpu.memory_space<vmem>> -> memref<128x128xf32, #tpu.memory_space<vmem>>
    %dma_wait3A_129 = arith.constant 0 : i32
    %dma_wait3A_130 = arith.constant 0 : i32
    %dma_wait3A_131 = tpu.memref_slice %arg5[%dma_wait3A_129, %dma_wait3A_130] : memref<160000x128xf32, #tpu.memory_space<hbm>> -> memref<128x128xf32, #tpu.memory_space<hbm>>
    %dma_wait3A_132 = arith.constant 0 : i32
    %dma_wait3A_133 = arith.constant 0 : i32
    %dma_wait3A_134 = tpu.memref_slice %arg5[%dma_wait3A_132, %dma_wait3A_133] : memref<160000x128xf32, #tpu.memory_space<hbm>> -> memref<128x128xf32, #tpu.memory_space<hbm>>
    %dma_wait3A_135 = arith.constant 0 : i32
    %dma_wait3A_136 = arith.constant 0 : i32
    %dma_wait3A_137 = tpu.memref_slice %arg8[%dma_wait3A_124, %dma_wait3A_135, %dma_wait3A_136] : memref<3x128x128xf32, #tpu.memory_space<vmem>> -> memref<1x128x128xf32, #tpu.memory_space<vmem>>
    %dma_wait3A_138 = tpu.memref_squeeze %dma_wait3A_137 : memref<1x128x128xf32, #tpu.memory_space<vmem>> -> memref<128x128xf32, #tpu.memory_space<vmem>>
    tpu.wait_dma2 semaphore(%arg18 : memref<!tpu.dma_semaphore, #tpu.memory_space<semaphore_mem>>) src(%dma_wait3A_138 : memref<128x128xf32, #tpu.memory_space<vmem>>) dst(%dma_wait3A_134 : memref<128x128xf32, #tpu.memory_space<hbm>>)
    return
  }
}

#map = affine_map<(d0, d1) -> (0)>
module attributes {stable_mosaic.version = 14 : i64} {
  func.func @_dist2_body(%arg0: i32, %arg1: i32, %arg2: memref<10000xf32, #tpu.memory_space<hbm>>, %arg3: memref<10000xf32, #tpu.memory_space<hbm>>, %arg4: memref<10000xf32, #tpu.memory_space<hbm>>, %arg5: memref<160000xi32, #tpu.memory_space<hbm>>, %arg6: memref<160000xi32, #tpu.memory_space<hbm>>, %arg7: memref<160000xf32, #tpu.memory_space<hbm>>, %arg8: memref<10000xf32, #tpu.memory_space<vmem>>, %arg9: memref<10000xf32, #tpu.memory_space<vmem>>, %arg10: memref<10000xf32, #tpu.memory_space<vmem>>, %arg11: memref<640xi32, #tpu.memory_space<vmem>>, %arg12: memref<640xi32, #tpu.memory_space<vmem>>, %arg13: memref<640xf32, #tpu.memory_space<vmem>>) attributes {dimension_semantics = [#tpu.dimension_semantics<core_parallel>, #tpu.dimension_semantics<subcore_parallel>], iteration_bounds = array<i64: 2, 16>, scalar_prefetch = 0 : i64, scratch_operands = 6 : i64, tpu.core_type = #tpu.core_type<sc_vector_subcore>, window_params = [{transform_indices = #map}, {transform_indices = #map}, {transform_indices = #map}, {transform_indices = #map}, {transform_indices = #map}, {transform_indices = #map}]} {
    %mul3A = arith.constant 2 : i32
    %mul3A_0 = arith.muli %arg1, %mul3A : i32
    %add3A = arith.addi %mul3A_0, %arg0 : i32
    "tpu.region"() ({
      %run_scoped3A = tpu.sem_alloc : memref<!tpu.dma_semaphore, #tpu.memory_space<semaphore_mem>>
      tpu.enqueue_dma source(%arg2 : memref<10000xf32, #tpu.memory_space<hbm>>) target(%arg8 : memref<10000xf32, #tpu.memory_space<vmem>>) target_semaphore(%run_scoped3A : memref<!tpu.dma_semaphore, #tpu.memory_space<semaphore_mem>>)
      tpu.wait_dma2 semaphore(%run_scoped3A : memref<!tpu.dma_semaphore, #tpu.memory_space<semaphore_mem>>) src(%arg2 : memref<10000xf32, #tpu.memory_space<hbm>>) dst(%arg8 : memref<10000xf32, #tpu.memory_space<vmem>>)
      tpu.yield
    }) : () -> ()
    "tpu.region"() ({
      %run_scoped3A = tpu.sem_alloc : memref<!tpu.dma_semaphore, #tpu.memory_space<semaphore_mem>>
      tpu.enqueue_dma source(%arg3 : memref<10000xf32, #tpu.memory_space<hbm>>) target(%arg9 : memref<10000xf32, #tpu.memory_space<vmem>>) target_semaphore(%run_scoped3A : memref<!tpu.dma_semaphore, #tpu.memory_space<semaphore_mem>>)
      tpu.wait_dma2 semaphore(%run_scoped3A : memref<!tpu.dma_semaphore, #tpu.memory_space<semaphore_mem>>) src(%arg3 : memref<10000xf32, #tpu.memory_space<hbm>>) dst(%arg9 : memref<10000xf32, #tpu.memory_space<vmem>>)
      tpu.yield
    }) : () -> ()
    "tpu.region"() ({
      %run_scoped3A = tpu.sem_alloc : memref<!tpu.dma_semaphore, #tpu.memory_space<semaphore_mem>>
      tpu.enqueue_dma source(%arg4 : memref<10000xf32, #tpu.memory_space<hbm>>) target(%arg10 : memref<10000xf32, #tpu.memory_space<vmem>>) target_semaphore(%run_scoped3A : memref<!tpu.dma_semaphore, #tpu.memory_space<semaphore_mem>>)
      tpu.wait_dma2 semaphore(%run_scoped3A : memref<!tpu.dma_semaphore, #tpu.memory_space<semaphore_mem>>) src(%arg4 : memref<10000xf32, #tpu.memory_space<hbm>>) dst(%arg10 : memref<10000xf32, #tpu.memory_space<vmem>>)
      tpu.yield
    }) : () -> ()
    %sub3A = arith.constant 249 : i32
    %sub3A_1 = arith.subi %sub3A, %add3A : i32
    %jit3A = arith.constant 32 : i32
    %div3A = arith.divsi %sub3A_1, %jit3A : i32
    %sign3A = arith.constant 0 : i32
    %sign3A_2 = arith.cmpi sgt, %sub3A_1, %sign3A : i32
    %sign3A_3 = arith.extui %sign3A_2 : i1 to i32
    %sign3A_4 = arith.constant 0 : i32
    %sign3A_5 = arith.cmpi slt, %sub3A_1, %sign3A_4 : i32
    %sign3A_6 = arith.extui %sign3A_5 : i1 to i32
    %sign3A_7 = arith.subi %sign3A_3, %sign3A_6 : i32
    %sign3A_8 = arith.constant 0 : i32
    %sign3A_9 = arith.cmpi sgt, %jit3A, %sign3A_8 : i32
    %sign3A_10 = arith.extui %sign3A_9 : i1 to i32
    %sign3A_11 = arith.constant 0 : i32
    %sign3A_12 = arith.cmpi slt, %jit3A, %sign3A_11 : i32
    %sign3A_13 = arith.extui %sign3A_12 : i1 to i32
    %sign3A_14 = arith.subi %sign3A_10, %sign3A_13 : i32
    %ne3A = arith.cmpi ne, %sign3A_7, %sign3A_14 : i32
    %rem3A = arith.remsi %sub3A_1, %jit3A : i32
    %ne3A_15 = arith.constant 0 : i32
    %ne3A_16 = arith.cmpi ne, %rem3A, %ne3A_15 : i32
    %and3A = arith.andi %ne3A, %ne3A_16 : i1
    %sub3A_17 = arith.constant 1 : i32
    %sub3A_18 = arith.subi %div3A, %sub3A_17 : i32
    %select_n3A = arith.select %and3A, %sub3A_18, %div3A : i32
    %add3A_19 = arith.constant 1 : i32
    %add3A_20 = arith.addi %select_n3A, %add3A_19 : i32
    %while3A = arith.constant 0 : i32
    %while3A_21 = arith.constant 0 : i32
    %while3A_22 = arith.subi %add3A_20, %while3A_21 : i32
    %while3A_23 = arith.addi %while3A_21, %while3A_22 : i32
    %while3A_24 = arith.constant 1 : i32
    %while3A_25 = arith.divsi %while3A_22, %while3A_24 : i32
    %while3A_26 = arith.muli %while3A_25, %while3A_24 : i32
    %while3A_27 = arith.addi %while3A_21, %while3A_26 : i32
    %while3A_28 = arith.constant 1 : i32
    scf.for %while3A_30 = %while3A_21 to %while3A_27 step %while3A_28  : i32 {
      %mul3A_31 = arith.constant 32 : i32
      %mul3A_32 = arith.muli %while3A_30, %mul3A_31 : i32
      %add3A_33 = arith.addi %add3A, %mul3A_32 : i32
      %mul3A_34 = arith.constant 640 : i32
      %mul3A_35 = arith.muli %add3A_33, %mul3A_34 : i32
      "tpu.region"() ({
        %run_scoped3A = tpu.sem_alloc : memref<!tpu.dma_semaphore, #tpu.memory_space<semaphore_mem>>
        %dma_start3A = tpu.memref_slice %arg5[%mul3A_35] : memref<160000xi32, #tpu.memory_space<hbm>> -> memref<640xi32, #tpu.memory_space<hbm>>
        %dma_start3A_38 = tpu.memref_slice %arg5[%mul3A_35] : memref<160000xi32, #tpu.memory_space<hbm>> -> memref<640xi32, #tpu.memory_space<hbm>>
        tpu.enqueue_dma source(%dma_start3A_38 : memref<640xi32, #tpu.memory_space<hbm>>) target(%arg11 : memref<640xi32, #tpu.memory_space<vmem>>) target_semaphore(%run_scoped3A : memref<!tpu.dma_semaphore, #tpu.memory_space<semaphore_mem>>)
        %dma_wait3A = tpu.memref_slice %arg5[%mul3A_35] : memref<160000xi32, #tpu.memory_space<hbm>> -> memref<640xi32, #tpu.memory_space<hbm>>
        %dma_wait3A_39 = tpu.memref_slice %arg5[%mul3A_35] : memref<160000xi32, #tpu.memory_space<hbm>> -> memref<640xi32, #tpu.memory_space<hbm>>
        tpu.wait_dma2 semaphore(%run_scoped3A : memref<!tpu.dma_semaphore, #tpu.memory_space<semaphore_mem>>) src(%dma_wait3A_39 : memref<640xi32, #tpu.memory_space<hbm>>) dst(%arg11 : memref<640xi32, #tpu.memory_space<vmem>>)
        tpu.yield
      }) : () -> ()
      "tpu.region"() ({
        %run_scoped3A = tpu.sem_alloc : memref<!tpu.dma_semaphore, #tpu.memory_space<semaphore_mem>>
        %dma_start3A = tpu.memref_slice %arg6[%mul3A_35] : memref<160000xi32, #tpu.memory_space<hbm>> -> memref<640xi32, #tpu.memory_space<hbm>>
        %dma_start3A_38 = tpu.memref_slice %arg6[%mul3A_35] : memref<160000xi32, #tpu.memory_space<hbm>> -> memref<640xi32, #tpu.memory_space<hbm>>
        tpu.enqueue_dma source(%dma_start3A_38 : memref<640xi32, #tpu.memory_space<hbm>>) target(%arg12 : memref<640xi32, #tpu.memory_space<vmem>>) target_semaphore(%run_scoped3A : memref<!tpu.dma_semaphore, #tpu.memory_space<semaphore_mem>>)
        %dma_wait3A = tpu.memref_slice %arg6[%mul3A_35] : memref<160000xi32, #tpu.memory_space<hbm>> -> memref<640xi32, #tpu.memory_space<hbm>>
        %dma_wait3A_39 = tpu.memref_slice %arg6[%mul3A_35] : memref<160000xi32, #tpu.memory_space<hbm>> -> memref<640xi32, #tpu.memory_space<hbm>>
        tpu.wait_dma2 semaphore(%run_scoped3A : memref<!tpu.dma_semaphore, #tpu.memory_space<semaphore_mem>>) src(%dma_wait3A_39 : memref<640xi32, #tpu.memory_space<hbm>>) dst(%arg12 : memref<640xi32, #tpu.memory_space<vmem>>)
        tpu.yield
      }) : () -> ()
      %parallel_loop3A = arith.constant 0 : i32
      %parallel_loop3A_36 = arith.constant 40 : i32
      %parallel_loop3A_37 = arith.constant 1 : i32
      scf.for %parallel_loop3A_38 = %parallel_loop3A to %parallel_loop3A_36 step %parallel_loop3A_37  : i32 {
        %parallel_loop3A_39 = arith.constant 16 : i32
        %parallel_loop3A_40 = arith.muli %parallel_loop3A_38, %parallel_loop3A_39 : i32
        %parallel_loop3A_41 = arith.index_cast %parallel_loop3A_40 : i32 to index
        %parallel_loop3A_42 = tpu.vector_load %arg11[%parallel_loop3A_41] {strides = array<i32>} : memref<640xi32, #tpu.memory_space<vmem>>, vector<16xi32>,
        %parallel_loop3A_43 = arith.index_cast %parallel_loop3A_40 : i32 to index
        %parallel_loop3A_44 = tpu.vector_load %arg12[%parallel_loop3A_43] {strides = array<i32>} : memref<640xi32, #tpu.memory_space<vmem>>, vector<16xi32>,
        %parallel_loop3A_45 = tpu.vector_load_idx %arg8[%parallel_loop3A_42] : memref<10000xf32, #tpu.memory_space<vmem>>[vector<16xi32>], vector<16xf32>,
        %parallel_loop3A_46 = tpu.vector_load_idx %arg8[%parallel_loop3A_44] : memref<10000xf32, #tpu.memory_space<vmem>>[vector<16xi32>], vector<16xf32>,
        %parallel_loop3A_47 = arith.subf %parallel_loop3A_45, %parallel_loop3A_46 : vector<16xf32>
        %parallel_loop3A_48 = tpu.vector_load_idx %arg9[%parallel_loop3A_42] : memref<10000xf32, #tpu.memory_space<vmem>>[vector<16xi32>], vector<16xf32>,
        %parallel_loop3A_49 = tpu.vector_load_idx %arg9[%parallel_loop3A_44] : memref<10000xf32, #tpu.memory_space<vmem>>[vector<16xi32>], vector<16xf32>,
        %parallel_loop3A_50 = arith.subf %parallel_loop3A_48, %parallel_loop3A_49 : vector<16xf32>
        %parallel_loop3A_51 = tpu.vector_load_idx %arg10[%parallel_loop3A_42] : memref<10000xf32, #tpu.memory_space<vmem>>[vector<16xi32>], vector<16xf32>,
        %parallel_loop3A_52 = tpu.vector_load_idx %arg10[%parallel_loop3A_44] : memref<10000xf32, #tpu.memory_space<vmem>>[vector<16xi32>], vector<16xf32>,
        %parallel_loop3A_53 = arith.subf %parallel_loop3A_51, %parallel_loop3A_52 : vector<16xf32>
        %parallel_loop3A_54 = arith.mulf %parallel_loop3A_47, %parallel_loop3A_47 : vector<16xf32>
        %parallel_loop3A_55 = arith.mulf %parallel_loop3A_50, %parallel_loop3A_50 : vector<16xf32>
        %parallel_loop3A_56 = arith.addf %parallel_loop3A_54, %parallel_loop3A_55 : vector<16xf32>
        %parallel_loop3A_57 = arith.mulf %parallel_loop3A_53, %parallel_loop3A_53 : vector<16xf32>
        %parallel_loop3A_58 = arith.addf %parallel_loop3A_56, %parallel_loop3A_57 : vector<16xf32>
        %parallel_loop3A_59 = arith.index_cast %parallel_loop3A_40 : i32 to index
        %parallel_loop3A_60 = tpu.vector_load %arg13[%parallel_loop3A_59] {strides = array<i32>} : memref<640xf32, #tpu.memory_space<vmem>>, vector<16xf32>,
        tpu.vector_store %arg13[%parallel_loop3A_59], %parallel_loop3A_58 {strides = array<i32>} : memref<640xf32, #tpu.memory_space<vmem>>, vector<16xf32>,
      } {sc.loop_unroll_factor = 4 : i64, sc.parallel_access}
      "tpu.region"() ({
        %run_scoped3A = tpu.sem_alloc : memref<!tpu.dma_semaphore, #tpu.memory_space<semaphore_mem>>
        %dma_start3A = tpu.memref_slice %arg7[%mul3A_35] : memref<160000xf32, #tpu.memory_space<hbm>> -> memref<640xf32, #tpu.memory_space<hbm>>
        %dma_start3A_38 = tpu.memref_slice %arg7[%mul3A_35] : memref<160000xf32, #tpu.memory_space<hbm>> -> memref<640xf32, #tpu.memory_space<hbm>>
        tpu.enqueue_dma source(%arg13 : memref<640xf32, #tpu.memory_space<vmem>>) target(%dma_start3A_38 : memref<640xf32, #tpu.memory_space<hbm>>) target_semaphore(%run_scoped3A : memref<!tpu.dma_semaphore, #tpu.memory_space<semaphore_mem>>)
        %dma_wait3A = tpu.memref_slice %arg7[%mul3A_35] : memref<160000xf32, #tpu.memory_space<hbm>> -> memref<640xf32, #tpu.memory_space<hbm>>
        %dma_wait3A_39 = tpu.memref_slice %arg7[%mul3A_35] : memref<160000xf32, #tpu.memory_space<hbm>> -> memref<640xf32, #tpu.memory_space<hbm>>
        tpu.wait_dma2 semaphore(%run_scoped3A : memref<!tpu.dma_semaphore, #tpu.memory_space<semaphore_mem>>) src(%arg13 : memref<640xf32, #tpu.memory_space<vmem>>) dst(%dma_wait3A_39 : memref<640xf32, #tpu.memory_space<hbm>>)
        tpu.yield
      }) : () -> ()
    }
    %while3A_29 = arith.constant 1 : i32
    scf.for %while3A_30 = %while3A_27 to %while3A_23 step %while3A_29  : i32 {
      %mul3A_31 = arith.constant 32 : i32
      %mul3A_32 = arith.muli %while3A_30, %mul3A_31 : i32
      %add3A_33 = arith.addi %add3A, %mul3A_32 : i32
      %mul3A_34 = arith.constant 640 : i32
      %mul3A_35 = arith.muli %add3A_33, %mul3A_34 : i32
      "tpu.region"() ({
        %run_scoped3A = tpu.sem_alloc : memref<!tpu.dma_semaphore, #tpu.memory_space<semaphore_mem>>
        %dma_start3A = tpu.memref_slice %arg5[%mul3A_35] : memref<160000xi32, #tpu.memory_space<hbm>> -> memref<640xi32, #tpu.memory_space<hbm>>
        %dma_start3A_38 = tpu.memref_slice %arg5[%mul3A_35] : memref<160000xi32, #tpu.memory_space<hbm>> -> memref<640xi32, #tpu.memory_space<hbm>>
        tpu.enqueue_dma source(%dma_start3A_38 : memref<640xi32, #tpu.memory_space<hbm>>) target(%arg11 : memref<640xi32, #tpu.memory_space<vmem>>) target_semaphore(%run_scoped3A : memref<!tpu.dma_semaphore, #tpu.memory_space<semaphore_mem>>)
        %dma_wait3A = tpu.memref_slice %arg5[%mul3A_35] : memref<160000xi32, #tpu.memory_space<hbm>> -> memref<640xi32, #tpu.memory_space<hbm>>
        %dma_wait3A_39 = tpu.memref_slice %arg5[%mul3A_35] : memref<160000xi32, #tpu.memory_space<hbm>> -> memref<640xi32, #tpu.memory_space<hbm>>
        tpu.wait_dma2 semaphore(%run_scoped3A : memref<!tpu.dma_semaphore, #tpu.memory_space<semaphore_mem>>) src(%dma_wait3A_39 : memref<640xi32, #tpu.memory_space<hbm>>) dst(%arg11 : memref<640xi32, #tpu.memory_space<vmem>>)
        tpu.yield
      }) : () -> ()
      "tpu.region"() ({
        %run_scoped3A = tpu.sem_alloc : memref<!tpu.dma_semaphore, #tpu.memory_space<semaphore_mem>>
        %dma_start3A = tpu.memref_slice %arg6[%mul3A_35] : memref<160000xi32, #tpu.memory_space<hbm>> -> memref<640xi32, #tpu.memory_space<hbm>>
        %dma_start3A_38 = tpu.memref_slice %arg6[%mul3A_35] : memref<160000xi32, #tpu.memory_space<hbm>> -> memref<640xi32, #tpu.memory_space<hbm>>
        tpu.enqueue_dma source(%dma_start3A_38 : memref<640xi32, #tpu.memory_space<hbm>>) target(%arg12 : memref<640xi32, #tpu.memory_space<vmem>>) target_semaphore(%run_scoped3A : memref<!tpu.dma_semaphore, #tpu.memory_space<semaphore_mem>>)
        %dma_wait3A = tpu.memref_slice %arg6[%mul3A_35] : memref<160000xi32, #tpu.memory_space<hbm>> -> memref<640xi32, #tpu.memory_space<hbm>>
        %dma_wait3A_39 = tpu.memref_slice %arg6[%mul3A_35] : memref<160000xi32, #tpu.memory_space<hbm>> -> memref<640xi32, #tpu.memory_space<hbm>>
        tpu.wait_dma2 semaphore(%run_scoped3A : memref<!tpu.dma_semaphore, #tpu.memory_space<semaphore_mem>>) src(%dma_wait3A_39 : memref<640xi32, #tpu.memory_space<hbm>>) dst(%arg12 : memref<640xi32, #tpu.memory_space<vmem>>)
        tpu.yield
      }) : () -> ()
      %parallel_loop3A = arith.constant 0 : i32
      %parallel_loop3A_36 = arith.constant 40 : i32
      %parallel_loop3A_37 = arith.constant 1 : i32
      scf.for %parallel_loop3A_38 = %parallel_loop3A to %parallel_loop3A_36 step %parallel_loop3A_37  : i32 {
        %parallel_loop3A_39 = arith.constant 16 : i32
        %parallel_loop3A_40 = arith.muli %parallel_loop3A_38, %parallel_loop3A_39 : i32
        %parallel_loop3A_41 = arith.index_cast %parallel_loop3A_40 : i32 to index
        %parallel_loop3A_42 = tpu.vector_load %arg11[%parallel_loop3A_41] {strides = array<i32>} : memref<640xi32, #tpu.memory_space<vmem>>, vector<16xi32>,
        %parallel_loop3A_43 = arith.index_cast %parallel_loop3A_40 : i32 to index
        %parallel_loop3A_44 = tpu.vector_load %arg12[%parallel_loop3A_43] {strides = array<i32>} : memref<640xi32, #tpu.memory_space<vmem>>, vector<16xi32>,
        %parallel_loop3A_45 = tpu.vector_load_idx %arg8[%parallel_loop3A_42] : memref<10000xf32, #tpu.memory_space<vmem>>[vector<16xi32>], vector<16xf32>,
        %parallel_loop3A_46 = tpu.vector_load_idx %arg8[%parallel_loop3A_44] : memref<10000xf32, #tpu.memory_space<vmem>>[vector<16xi32>], vector<16xf32>,
        %parallel_loop3A_47 = arith.subf %parallel_loop3A_45, %parallel_loop3A_46 : vector<16xf32>
        %parallel_loop3A_48 = tpu.vector_load_idx %arg9[%parallel_loop3A_42] : memref<10000xf32, #tpu.memory_space<vmem>>[vector<16xi32>], vector<16xf32>,
        %parallel_loop3A_49 = tpu.vector_load_idx %arg9[%parallel_loop3A_44] : memref<10000xf32, #tpu.memory_space<vmem>>[vector<16xi32>], vector<16xf32>,
        %parallel_loop3A_50 = arith.subf %parallel_loop3A_48, %parallel_loop3A_49 : vector<16xf32>
        %parallel_loop3A_51 = tpu.vector_load_idx %arg10[%parallel_loop3A_42] : memref<10000xf32, #tpu.memory_space<vmem>>[vector<16xi32>], vector<16xf32>,
        %parallel_loop3A_52 = tpu.vector_load_idx %arg10[%parallel_loop3A_44] : memref<10000xf32, #tpu.memory_space<vmem>>[vector<16xi32>], vector<16xf32>,
        %parallel_loop3A_53 = arith.subf %parallel_loop3A_51, %parallel_loop3A_52 : vector<16xf32>
        %parallel_loop3A_54 = arith.mulf %parallel_loop3A_47, %parallel_loop3A_47 : vector<16xf32>
        %parallel_loop3A_55 = arith.mulf %parallel_loop3A_50, %parallel_loop3A_50 : vector<16xf32>
        %parallel_loop3A_56 = arith.addf %parallel_loop3A_54, %parallel_loop3A_55 : vector<16xf32>
        %parallel_loop3A_57 = arith.mulf %parallel_loop3A_53, %parallel_loop3A_53 : vector<16xf32>
        %parallel_loop3A_58 = arith.addf %parallel_loop3A_56, %parallel_loop3A_57 : vector<16xf32>
        %parallel_loop3A_59 = arith.index_cast %parallel_loop3A_40 : i32 to index
        %parallel_loop3A_60 = tpu.vector_load %arg13[%parallel_loop3A_59] {strides = array<i32>} : memref<640xf32, #tpu.memory_space<vmem>>, vector<16xf32>,
        tpu.vector_store %arg13[%parallel_loop3A_59], %parallel_loop3A_58 {strides = array<i32>} : memref<640xf32, #tpu.memory_space<vmem>>, vector<16xf32>,
      } {sc.loop_unroll_factor = 4 : i64, sc.parallel_access}
      "tpu.region"() ({
        %run_scoped3A = tpu.sem_alloc : memref<!tpu.dma_semaphore, #tpu.memory_space<semaphore_mem>>
        %dma_start3A = tpu.memref_slice %arg7[%mul3A_35] : memref<160000xf32, #tpu.memory_space<hbm>> -> memref<640xf32, #tpu.memory_space<hbm>>
        %dma_start3A_38 = tpu.memref_slice %arg7[%mul3A_35] : memref<160000xf32, #tpu.memory_space<hbm>> -> memref<640xf32, #tpu.memory_space<hbm>>
        tpu.enqueue_dma source(%arg13 : memref<640xf32, #tpu.memory_space<vmem>>) target(%dma_start3A_38 : memref<640xf32, #tpu.memory_space<hbm>>) target_semaphore(%run_scoped3A : memref<!tpu.dma_semaphore, #tpu.memory_space<semaphore_mem>>)
        %dma_wait3A = tpu.memref_slice %arg7[%mul3A_35] : memref<160000xf32, #tpu.memory_space<hbm>> -> memref<640xf32, #tpu.memory_space<hbm>>
        %dma_wait3A_39 = tpu.memref_slice %arg7[%mul3A_35] : memref<160000xf32, #tpu.memory_space<hbm>> -> memref<640xf32, #tpu.memory_space<hbm>>
        tpu.wait_dma2 semaphore(%run_scoped3A : memref<!tpu.dma_semaphore, #tpu.memory_space<semaphore_mem>>) src(%arg13 : memref<640xf32, #tpu.memory_space<vmem>>) dst(%dma_wait3A_39 : memref<640xf32, #tpu.memory_space<hbm>>)
        tpu.yield
      }) : () -> ()
    }
    return
  }
}

module attributes {stable_mosaic.version = 14 : i64} {
  func.func @_h_body(%arg0: i32, %arg1: memref<2000x128xf32, #tpu.memory_space<vmem>>, %arg2: memref<128x256xf32, #tpu.memory_space<vmem>>, %arg3: memref<2x2000x128xf32, #tpu.memory_space<vmem>>) attributes {dimension_semantics = [#tpu.dimension_semantics<arbitrary>], iteration_bounds = array<i64: 5>, scalar_prefetch = 0 : i64, scratch_operands = 0 : i64, tpu.core_type = #tpu.core_type<tc>, window_params = [{transform_indices = @transform_0, window_bounds = array<i64: 2000, 128>}, {pipeline_mode = #tpu.pipeline_mode<synchronous>, transform_indices = @transform_1, window_bounds = array<i64: 128, 256>}, {transform_indices = @transform_2, window_bounds = array<i64: 2, 2000, 128>}]} {
    %get3A = arith.constant 0 : index
    %get3A_0 = arith.constant 0 : index
    %get3A_1 = vector.load %arg1[%get3A, %get3A_0] : memref<2000x128xf32, #tpu.memory_space<vmem>>, vector<2000x128xf32>
    %get3A_2 = arith.constant 0 : index
    %get3A_3 = arith.constant 0 : index
    %get3A_4 = vector.load %arg2[%get3A_2, %get3A_3] : memref<128x256xf32, #tpu.memory_space<vmem>>, vector<128x256xf32>
    %slice3A = vector.extract_strided_slice %get3A_4 {offsets = [0, 0], sizes = [128, 128], strides = [1, 1]} : vector<128x256xf32> to vector<128x128xf32>
    %dot_general3A = arith.constant dense<0.000000e+00> : vector<2000x128xf32>
    %dot_general3A_5 = tpu.matmul %get3A_1, %slice3A, %dot_general3A {dimension_numbers = #tpu.dot_dimension_numbers<[1], [0], [0], [1], [0, 0, 1, 1], [], []>, transpose_lhs_hint = false} : vector<2000x128xf32>, vector<128x128xf32>, vector<2000x128xf32> -> vector<2000x128xf32>
    %swap3A = arith.constant 0 : index
    %swap3A_6 = arith.constant 0 : index
    %swap3A_7 = arith.constant 0 : index
    %swap3A_8 = vector.load %arg3[%swap3A, %swap3A_6, %swap3A_7] : memref<2x2000x128xf32, #tpu.memory_space<vmem>>, vector<1x2000x128xf32>
    %swap3A_9 = vector.shape_cast %swap3A_8 : vector<1x2000x128xf32> to vector<2000x128xf32>
    %swap3A_10 = vector.shape_cast %dot_general3A_5 : vector<2000x128xf32> to vector<1x2000x128xf32>
    tpu.vector_store %arg3[%swap3A, %swap3A_6, %swap3A_7], %swap3A_10 {strides = array<i32>} : memref<2x2000x128xf32, #tpu.memory_space<vmem>>, vector<1x2000x128xf32>,
    %slice3A_11 = vector.extract_strided_slice %get3A_4 {offsets = [0, 128], sizes = [128, 128], strides = [1, 1]} : vector<128x256xf32> to vector<128x128xf32>
    %dot_general3A_12 = arith.constant dense<0.000000e+00> : vector<2000x128xf32>
    %dot_general3A_13 = tpu.matmul %get3A_1, %slice3A_11, %dot_general3A_12 {dimension_numbers = #tpu.dot_dimension_numbers<[1], [0], [0], [1], [0, 0, 1, 1], [], []>, transpose_lhs_hint = false} : vector<2000x128xf32>, vector<128x128xf32>, vector<2000x128xf32> -> vector<2000x128xf32>
    %swap3A_14 = arith.constant 1 : index
    %swap3A_15 = arith.constant 0 : index
    %swap3A_16 = arith.constant 0 : index
    %swap3A_17 = vector.load %arg3[%swap3A_14, %swap3A_15, %swap3A_16] : memref<2x2000x128xf32, #tpu.memory_space<vmem>>, vector<1x2000x128xf32>
    %swap3A_18 = vector.shape_cast %swap3A_17 : vector<1x2000x128xf32> to vector<2000x128xf32>
    %swap3A_19 = vector.shape_cast %dot_general3A_13 : vector<2000x128xf32> to vector<1x2000x128xf32>
    tpu.vector_store %arg3[%swap3A_14, %swap3A_15, %swap3A_16], %swap3A_19 {strides = array<i32>} : memref<2x2000x128xf32, #tpu.memory_space<vmem>>, vector<1x2000x128xf32>,
    return
  }
  func.func @transform_0(%arg0: i32) -> (i32, i32) {
    %c0_i32 = arith.constant 0 : i32
    %c0_i32_0 = arith.constant 0 : i32
    return %arg0, %c0_i32 : i32, i32
  }
  func.func @transform_1(%arg0: i32) -> (i32, i32) {
    %c0_i32 = arith.constant 0 : i32
    %c0_i32_0 = arith.constant 0 : i32
    %c0_i32_1 = arith.constant 0 : i32
    return %c0_i32, %c0_i32_0 : i32, i32
  }
  func.func @transform_2(%arg0: i32) -> (i32, i32, i32) {
    %c0_i32 = arith.constant 0 : i32
    %c0_i32_0 = arith.constant 0 : i32
    %c0_i32_1 = arith.constant 0 : i32
    return %c0_i32, %arg0, %c0_i32_0 : i32, i32, i32
  }
}

module attributes {stable_mosaic.version = 14 : i64} {
  func.func @_filt_body(%arg0: i32, %arg1: memref<3200x128xf32, #tpu.memory_space<vmem>>, %arg2: memref<1250x128xf32, #tpu.memory_space<vmem>>, %arg3: memref<128x256xf32, #tpu.memory_space<vmem>>, %arg4: memref<1x256xf32, #tpu.memory_space<vmem>>, %arg5: memref<256x256xf32, #tpu.memory_space<vmem>>, %arg6: memref<1x256xf32, #tpu.memory_space<vmem>>, %arg7: memref<2x3200x128xf32, #tpu.memory_space<vmem>>) attributes {dimension_semantics = [#tpu.dimension_semantics<arbitrary>], iteration_bounds = array<i64: 50>, scalar_prefetch = 0 : i64, scratch_operands = 0 : i64, tpu.core_type = #tpu.core_type<tc>, window_params = [{transform_indices = @transform_0, window_bounds = array<i64: 3200, 128>}, {pipeline_mode = #tpu.pipeline_mode<synchronous>, transform_indices = @transform_1, window_bounds = array<i64: 1250, 128>}, {pipeline_mode = #tpu.pipeline_mode<synchronous>, transform_indices = @transform_2, window_bounds = array<i64: 128, 256>}, {pipeline_mode = #tpu.pipeline_mode<synchronous>, transform_indices = @transform_3, window_bounds = array<i64: 1, 256>}, {pipeline_mode = #tpu.pipeline_mode<synchronous>, transform_indices = @transform_4, window_bounds = array<i64: 256, 256>}, {pipeline_mode = #tpu.pipeline_mode<synchronous>, transform_indices = @transform_5, window_bounds = array<i64: 1, 256>}, {transform_indices = @transform_6, window_bounds = array<i64: 2, 3200, 128>}]} {
    %get3A = arith.constant 0 : index
    %get3A_0 = arith.constant 0 : index
    %get3A_1 = vector.load %arg1[%get3A, %get3A_0] : memref<3200x128xf32, #tpu.memory_space<vmem>>, vector<3200x128xf32>
    %get3A_2 = arith.constant 0 : index
    %get3A_3 = arith.constant 0 : index
    %get3A_4 = vector.load %arg3[%get3A_2, %get3A_3] : memref<128x256xf32, #tpu.memory_space<vmem>>, vector<128x256xf32>
    %dot_general3A = arith.constant dense<0.000000e+00> : vector<3200x256xf32>
    %dot_general3A_5 = tpu.matmul %get3A_1, %get3A_4, %dot_general3A {dimension_numbers = #tpu.dot_dimension_numbers<[1], [0], [0], [1], [0, 0, 1, 1], [], []>, transpose_lhs_hint = false} : vector<3200x128xf32>, vector<128x256xf32>, vector<3200x256xf32> -> vector<3200x256xf32>
    %get3A_6 = arith.constant 0 : index
    %get3A_7 = arith.constant 0 : index
    %get3A_8 = vector.load %arg4[%get3A_6, %get3A_7] : memref<1x256xf32, #tpu.memory_space<vmem>>, vector<1x256xf32>
    %add3A = vector.broadcast %get3A_8 : vector<1x256xf32> to vector<3200x256xf32>
    %add3A_9 = arith.addf %dot_general3A_5, %add3A : vector<3200x256xf32>
    %custom_jvp_call3A = arith.constant 0.000000e+00 : f32
    %max3A = vector.broadcast %custom_jvp_call3A : f32 to vector<3200x256xf32>
    %max3A_10 = arith.maximumf %add3A_9, %max3A : vector<3200x256xf32>
    %sub3A = vector.broadcast %custom_jvp_call3A : f32 to vector<3200x256xf32>
    %sub3A_11 = arith.subf %add3A_9, %sub3A : vector<3200x256xf32>
    %ne3A = arith.cmpf one, %sub3A_11, %sub3A_11 : vector<3200x256xf32>
    %add3A_12 = vector.broadcast %custom_jvp_call3A : f32 to vector<3200x256xf32>
    %add3A_13 = arith.addf %add3A_9, %add3A_12 : vector<3200x256xf32>
    %abs3A = math.absf %sub3A_11 : vector<3200x256xf32>
    %neg3A = arith.constant 0.000000e+00 : f32
    %neg3A_14 = vector.broadcast %neg3A : f32 to vector<3200x256xf32>
    %neg3A_15 = arith.subf %neg3A_14, %abs3A : vector<3200x256xf32>
    %exp3A = math.exp %neg3A_15 : vector<3200x256xf32>
    %log1p3A = math.log1p %exp3A : vector<3200x256xf32>
    %add3A_16 = arith.addf %max3A_10, %log1p3A : vector<3200x256xf32>
    %select_n3A = arith.select %ne3A, %add3A_13, %add3A_16 : vector<3200x256xi1>, vector<3200x256xf32>
    %sub3A_17 = arith.constant 0.693147182 : f32
    %sub3A_18 = vector.broadcast %sub3A_17 : f32 to vector<3200x256xf32>
    %sub3A_19 = arith.subf %select_n3A, %sub3A_18 : vector<3200x256xf32>
    %mul3A = arith.constant 25 : i32
    %mul3A_20 = arith.muli %arg0, %mul3A : i32
    %get3A_21 = arith.index_cast %mul3A_20 : i32 to index
    %get3A_22 = arith.constant 0 : index
    %get3A_23 = vector.load %arg2[%get3A_21, %get3A_22] : memref<1250x128xf32, #tpu.memory_space<vmem>>, vector<25x128xf32>
    %add3A_24 = arith.constant 9.99999996E-13 : f32
    %add3A_25 = vector.broadcast %add3A_24 : f32 to vector<25x128xf32>
    %add3A_26 = arith.addf %get3A_23, %add3A_25 : vector<25x128xf32>
    %sqrt3A = math.sqrt %add3A_26 : vector<25x128xf32>
    %mul3A_27 = arith.constant 0.314159274 : f32
    %mul3A_28 = vector.broadcast %mul3A_27 : f32 to vector<25x128xf32>
    %mul3A_29 = arith.mulf %sqrt3A, %mul3A_28 : vector<25x128xf32>
    %cos3A = math.cos %mul3A_29 : vector<25x128xf32>
    %add3A_30 = arith.constant 1.000000e+00 : f32
    %add3A_31 = vector.broadcast %add3A_30 : f32 to vector<25x128xf32>
    %add3A_32 = arith.addf %cos3A, %add3A_31 : vector<25x128xf32>
    %mul3A_33 = arith.constant 5.000000e-01 : f32
    %mul3A_34 = vector.broadcast %mul3A_33 : f32 to vector<25x128xf32>
    %mul3A_35 = arith.mulf %mul3A_34, %add3A_32 : vector<25x128xf32>
    %lt3A = arith.constant 1.000000e+01 : f32
    %lt3A_36 = vector.broadcast %lt3A : f32 to vector<25x128xf32>
    %lt3A_37 = arith.cmpf olt, %sqrt3A, %lt3A_36 : vector<25x128xf32>
    %convert_element_type3A = arith.extui %lt3A_37 : vector<25x128xi1> to vector<25x128xi32>
    %convert_element_type3A_38 = arith.sitofp %convert_element_type3A : vector<25x128xi32> to vector<25x128xf32>
    %mul3A_39 = arith.mulf %mul3A_35, %convert_element_type3A_38 : vector<25x128xf32>
    %broadcast_in_dim3A = vector.shape_cast %mul3A_39 : vector<25x128xf32> to vector<25x128x1xf32>
    %get3A_40 = arith.constant 0 : index
    %get3A_41 = arith.constant 0 : index
    %get3A_42 = vector.load %arg5[%get3A_40, %get3A_41] : memref<256x256xf32, #tpu.memory_space<vmem>>, vector<256x256xf32>
    %get3A_43 = arith.constant 0 : index
    %get3A_44 = arith.constant 0 : index
    %get3A_45 = vector.load %arg6[%get3A_43, %get3A_44] : memref<1x256xf32, #tpu.memory_space<vmem>>, vector<1x256xf32>
    %slice3A = vector.extract_strided_slice %get3A_42 {offsets = [0, 0], sizes = [256, 128], strides = [1, 1]} : vector<256x256xf32> to vector<256x128xf32>
    %dot_general3A_46 = arith.constant dense<0.000000e+00> : vector<3200x128xf32>
    %dot_general3A_47 = tpu.matmul %sub3A_19, %slice3A, %dot_general3A_46 {dimension_numbers = #tpu.dot_dimension_numbers<[1], [0], [0], [1], [0, 0, 1, 1], [], []>, transpose_lhs_hint = false} : vector<3200x256xf32>, vector<256x128xf32>, vector<3200x128xf32> -> vector<3200x128xf32>
    %slice3A_48 = vector.extract_strided_slice %get3A_45 {offsets = [0, 0], sizes = [1, 128], strides = [1, 1]} : vector<1x256xf32> to vector<1x128xf32>
    %add3A_49 = vector.broadcast %slice3A_48 : vector<1x128xf32> to vector<3200x128xf32>
    %add3A_50 = arith.addf %dot_general3A_47, %add3A_49 : vector<3200x128xf32>
    %reshape3A = vector.shape_cast %add3A_50 : vector<3200x128xf32> to vector<25x128x128xf32>
    %mul3A_51 = vector.broadcast %broadcast_in_dim3A : vector<25x128x1xf32> to vector<25x128x128xf32>
    %mul3A_52 = arith.mulf %reshape3A, %mul3A_51 : vector<25x128x128xf32>
    %reshape3A_53 = vector.shape_cast %mul3A_52 : vector<25x128x128xf32> to vector<3200x128xf32>
    %swap3A = arith.constant 0 : index
    %swap3A_54 = arith.constant 0 : index
    %swap3A_55 = arith.constant 0 : index
    %swap3A_56 = vector.load %arg7[%swap3A, %swap3A_54, %swap3A_55] : memref<2x3200x128xf32, #tpu.memory_space<vmem>>, vector<1x3200x128xf32>
    %swap3A_57 = vector.shape_cast %swap3A_56 : vector<1x3200x128xf32> to vector<3200x128xf32>
    %swap3A_58 = vector.shape_cast %reshape3A_53 : vector<3200x128xf32> to vector<1x3200x128xf32>
    tpu.vector_store %arg7[%swap3A, %swap3A_54, %swap3A_55], %swap3A_58 {strides = array<i32>} : memref<2x3200x128xf32, #tpu.memory_space<vmem>>, vector<1x3200x128xf32>,
    %slice3A_59 = vector.extract_strided_slice %get3A_42 {offsets = [0, 128], sizes = [256, 128], strides = [1, 1]} : vector<256x256xf32> to vector<256x128xf32>
    %dot_general3A_60 = arith.constant dense<0.000000e+00> : vector<3200x128xf32>
    %dot_general3A_61 = tpu.matmul %sub3A_19, %slice3A_59, %dot_general3A_60 {dimension_numbers = #tpu.dot_dimension_numbers<[1], [0], [0], [1], [0, 0, 1, 1], [], []>, transpose_lhs_hint = false} : vector<3200x256xf32>, vector<256x128xf32>, vector<3200x128xf32> -> vector<3200x128xf32>
    %slice3A_62 = vector.extract_strided_slice %get3A_45 {offsets = [0, 128], sizes = [1, 128], strides = [1, 1]} : vector<1x256xf32> to vector<1x128xf32>
    %add3A_63 = vector.broadcast %slice3A_62 : vector<1x128xf32> to vector<3200x128xf32>
    %add3A_64 = arith.addf %dot_general3A_61, %add3A_63 : vector<3200x128xf32>
    %reshape3A_65 = vector.shape_cast %add3A_64 : vector<3200x128xf32> to vector<25x128x128xf32>
    %mul3A_66 = vector.broadcast %broadcast_in_dim3A : vector<25x128x1xf32> to vector<25x128x128xf32>
    %mul3A_67 = arith.mulf %reshape3A_65, %mul3A_66 : vector<25x128x128xf32>
    %reshape3A_68 = vector.shape_cast %mul3A_67 : vector<25x128x128xf32> to vector<3200x128xf32>
    %swap3A_69 = arith.constant 1 : index
    %swap3A_70 = arith.constant 0 : index
    %swap3A_71 = arith.constant 0 : index
    %swap3A_72 = vector.load %arg7[%swap3A_69, %swap3A_70, %swap3A_71] : memref<2x3200x128xf32, #tpu.memory_space<vmem>>, vector<1x3200x128xf32>
    %swap3A_73 = vector.shape_cast %swap3A_72 : vector<1x3200x128xf32> to vector<3200x128xf32>
    %swap3A_74 = vector.shape_cast %reshape3A_68 : vector<3200x128xf32> to vector<1x3200x128xf32>
    tpu.vector_store %arg7[%swap3A_69, %swap3A_70, %swap3A_71], %swap3A_74 {strides = array<i32>} : memref<2x3200x128xf32, #tpu.memory_space<vmem>>, vector<1x3200x128xf32>,
    return
  }
  func.func @transform_0(%arg0: i32) -> (i32, i32) {
    %c0_i32 = arith.constant 0 : i32
    %c0_i32_0 = arith.constant 0 : i32
    return %arg0, %c0_i32 : i32, i32
  }
  func.func @transform_1(%arg0: i32) -> (i32, i32) {
    %c0_i32 = arith.constant 0 : i32
    %c0_i32_0 = arith.constant 0 : i32
    %c0_i32_1 = arith.constant 0 : i32
    return %c0_i32, %c0_i32_0 : i32, i32
  }
  func.func @transform_2(%arg0: i32) -> (i32, i32) {
    %c0_i32 = arith.constant 0 : i32
    %c0_i32_0 = arith.constant 0 : i32
    %c0_i32_1 = arith.constant 0 : i32
    return %c0_i32, %c0_i32_0 : i32, i32
  }
  func.func @transform_3(%arg0: i32) -> (i32, i32) {
    %c0_i32 = arith.constant 0 : i32
    %c0_i32_0 = arith.constant 0 : i32
    %c0_i32_1 = arith.constant 0 : i32
    return %c0_i32, %c0_i32_0 : i32, i32
  }
  func.func @transform_4(%arg0: i32) -> (i32, i32) {
    %c0_i32 = arith.constant 0 : i32
    %c0_i32_0 = arith.constant 0 : i32
    %c0_i32_1 = arith.constant 0 : i32
    return %c0_i32, %c0_i32_0 : i32, i32
  }
  func.func @transform_5(%arg0: i32) -> (i32, i32) {
    %c0_i32 = arith.constant 0 : i32
    %c0_i32_0 = arith.constant 0 : i32
    %c0_i32_1 = arith.constant 0 : i32
    return %c0_i32, %c0_i32_0 : i32, i32
  }
  func.func @transform_6(%arg0: i32) -> (i32, i32, i32) {
    %c0_i32 = arith.constant 0 : i32
    %c0_i32_0 = arith.constant 0 : i32
    %c0_i32_1 = arith.constant 0 : i32
    return %c0_i32, %arg0, %c0_i32_0 : i32, i32, i32
  }
}

module attributes {stable_mosaic.version = 14 : i64} {
  func.func @_node_body(%arg0: i32, %arg1: memref<2x2000x128xf32, #tpu.memory_space<vmem>>, %arg2: memref<2000x128xf32, #tpu.memory_space<vmem>>, %arg3: memref<256x128xf32, #tpu.memory_space<vmem>>, %arg4: memref<1x128xf32, #tpu.memory_space<vmem>>, %arg5: memref<128x128xf32, #tpu.memory_space<vmem>>, %arg6: memref<1x128xf32, #tpu.memory_space<vmem>>, %arg7: memref<2000x128xf32, #tpu.memory_space<vmem>>) attributes {dimension_semantics = [#tpu.dimension_semantics<arbitrary>], iteration_bounds = array<i64: 5>, scalar_prefetch = 0 : i64, scratch_operands = 0 : i64, tpu.core_type = #tpu.core_type<tc>, window_params = [{transform_indices = @transform_0, window_bounds = array<i64: 2, 2000, 128>}, {transform_indices = @transform_1, window_bounds = array<i64: 2000, 128>}, {pipeline_mode = #tpu.pipeline_mode<synchronous>, transform_indices = @transform_2, window_bounds = array<i64: 256, 128>}, {pipeline_mode = #tpu.pipeline_mode<synchronous>, transform_indices = @transform_3, window_bounds = array<i64: 1, 128>}, {pipeline_mode = #tpu.pipeline_mode<synchronous>, transform_indices = @transform_4, window_bounds = array<i64: 128, 128>}, {pipeline_mode = #tpu.pipeline_mode<synchronous>, transform_indices = @transform_5, window_bounds = array<i64: 1, 128>}, {transform_indices = @transform_6, window_bounds = array<i64: 2000, 128>}]} {
    %get3A = arith.constant 0 : index
    %get3A_0 = arith.constant 0 : index
    %get3A_1 = vector.load %arg3[%get3A, %get3A_0] : memref<256x128xf32, #tpu.memory_space<vmem>>, vector<256x128xf32>
    %get3A_2 = arith.constant 0 : index
    %get3A_3 = arith.constant 0 : index
    %get3A_4 = arith.constant 0 : index
    %get3A_5 = vector.load %arg1[%get3A_2, %get3A_3, %get3A_4] : memref<2x2000x128xf32, #tpu.memory_space<vmem>>, vector<1x2000x128xf32>
    %get3A_6 = vector.shape_cast %get3A_5 : vector<1x2000x128xf32> to vector<2000x128xf32>
    %slice3A = vector.extract_strided_slice %get3A_1 {offsets = [0, 0], sizes = [128, 128], strides = [1, 1]} : vector<256x128xf32> to vector<128x128xf32>
    %dot_general3A = arith.constant dense<0.000000e+00> : vector<2000x128xf32>
    %dot_general3A_7 = tpu.matmul %get3A_6, %slice3A, %dot_general3A {dimension_numbers = #tpu.dot_dimension_numbers<[1], [0], [0], [1], [0, 0, 1, 1], [], []>, transpose_lhs_hint = false} : vector<2000x128xf32>, vector<128x128xf32>, vector<2000x128xf32> -> vector<2000x128xf32>
    %get3A_8 = arith.constant 1 : index
    %get3A_9 = arith.constant 0 : index
    %get3A_10 = arith.constant 0 : index
    %get3A_11 = vector.load %arg1[%get3A_8, %get3A_9, %get3A_10] : memref<2x2000x128xf32, #tpu.memory_space<vmem>>, vector<1x2000x128xf32>
    %get3A_12 = vector.shape_cast %get3A_11 : vector<1x2000x128xf32> to vector<2000x128xf32>
    %slice3A_13 = vector.extract_strided_slice %get3A_1 {offsets = [128, 0], sizes = [128, 128], strides = [1, 1]} : vector<256x128xf32> to vector<128x128xf32>
    %dot_general3A_14 = arith.constant dense<0.000000e+00> : vector<2000x128xf32>
    %dot_general3A_15 = tpu.matmul %get3A_12, %slice3A_13, %dot_general3A_14 {dimension_numbers = #tpu.dot_dimension_numbers<[1], [0], [0], [1], [0, 0, 1, 1], [], []>, transpose_lhs_hint = false} : vector<2000x128xf32>, vector<128x128xf32>, vector<2000x128xf32> -> vector<2000x128xf32>
    %add3A = arith.addf %dot_general3A_7, %dot_general3A_15 : vector<2000x128xf32>
    %get3A_16 = arith.constant 0 : index
    %get3A_17 = arith.constant 0 : index
    %get3A_18 = vector.load %arg4[%get3A_16, %get3A_17] : memref<1x128xf32, #tpu.memory_space<vmem>>, vector<1x128xf32>
    %add3A_19 = vector.broadcast %get3A_18 : vector<1x128xf32> to vector<2000x128xf32>
    %add3A_20 = arith.addf %add3A, %add3A_19 : vector<2000x128xf32>
    %custom_jvp_call3A = arith.constant 0.000000e+00 : f32
    %max3A = vector.broadcast %custom_jvp_call3A : f32 to vector<2000x128xf32>
    %max3A_21 = arith.maximumf %add3A_20, %max3A : vector<2000x128xf32>
    %sub3A = vector.broadcast %custom_jvp_call3A : f32 to vector<2000x128xf32>
    %sub3A_22 = arith.subf %add3A_20, %sub3A : vector<2000x128xf32>
    %ne3A = arith.cmpf one, %sub3A_22, %sub3A_22 : vector<2000x128xf32>
    %add3A_23 = vector.broadcast %custom_jvp_call3A : f32 to vector<2000x128xf32>
    %add3A_24 = arith.addf %add3A_20, %add3A_23 : vector<2000x128xf32>
    %abs3A = math.absf %sub3A_22 : vector<2000x128xf32>
    %neg3A = arith.constant 0.000000e+00 : f32
    %neg3A_25 = vector.broadcast %neg3A : f32 to vector<2000x128xf32>
    %neg3A_26 = arith.subf %neg3A_25, %abs3A : vector<2000x128xf32>
    %exp3A = math.exp %neg3A_26 : vector<2000x128xf32>
    %log1p3A = math.log1p %exp3A : vector<2000x128xf32>
    %add3A_27 = arith.addf %max3A_21, %log1p3A : vector<2000x128xf32>
    %select_n3A = arith.select %ne3A, %add3A_24, %add3A_27 : vector<2000x128xi1>, vector<2000x128xf32>
    %sub3A_28 = arith.constant 0.693147182 : f32
    %sub3A_29 = vector.broadcast %sub3A_28 : f32 to vector<2000x128xf32>
    %sub3A_30 = arith.subf %select_n3A, %sub3A_29 : vector<2000x128xf32>
    %get3A_31 = arith.constant 0 : index
    %get3A_32 = arith.constant 0 : index
    %get3A_33 = vector.load %arg5[%get3A_31, %get3A_32] : memref<128x128xf32, #tpu.memory_space<vmem>>, vector<128x128xf32>
    %dot_general3A_34 = arith.constant dense<0.000000e+00> : vector<2000x128xf32>
    %dot_general3A_35 = tpu.matmul %sub3A_30, %get3A_33, %dot_general3A_34 {dimension_numbers = #tpu.dot_dimension_numbers<[1], [0], [0], [1], [0, 0, 1, 1], [], []>, transpose_lhs_hint = false} : vector<2000x128xf32>, vector<128x128xf32>, vector<2000x128xf32> -> vector<2000x128xf32>
    %get3A_36 = arith.constant 0 : index
    %get3A_37 = arith.constant 0 : index
    %get3A_38 = vector.load %arg6[%get3A_36, %get3A_37] : memref<1x128xf32, #tpu.memory_space<vmem>>, vector<1x128xf32>
    %add3A_39 = vector.broadcast %get3A_38 : vector<1x128xf32> to vector<2000x128xf32>
    %add3A_40 = arith.addf %dot_general3A_35, %add3A_39 : vector<2000x128xf32>
    %max3A_41 = arith.constant 0.000000e+00 : f32
    %max3A_42 = vector.broadcast %max3A_41 : f32 to vector<2000x128xf32>
    %max3A_43 = arith.maximumf %add3A_40, %max3A_42 : vector<2000x128xf32>
    %get3A_44 = arith.constant 0 : index
    %get3A_45 = arith.constant 0 : index
    %get3A_46 = vector.load %arg2[%get3A_44, %get3A_45] : memref<2000x128xf32, #tpu.memory_space<vmem>>, vector<2000x128xf32>
    %add3A_47 = arith.addf %max3A_43, %get3A_46 : vector<2000x128xf32>
    %swap3A = arith.constant 0 : index
    %swap3A_48 = arith.constant 0 : index
    %swap3A_49 = vector.load %arg7[%swap3A, %swap3A_48] : memref<2000x128xf32, #tpu.memory_space<vmem>>, vector<2000x128xf32>
    tpu.vector_store %arg7[%swap3A, %swap3A_48], %add3A_47 {strides = array<i32>} : memref<2000x128xf32, #tpu.memory_space<vmem>>, vector<2000x128xf32>,
    return
  }
  func.func @transform_0(%arg0: i32) -> (i32, i32, i32) {
    %c0_i32 = arith.constant 0 : i32
    %c0_i32_0 = arith.constant 0 : i32
    %c0_i32_1 = arith.constant 0 : i32
    return %c0_i32, %arg0, %c0_i32_0 : i32, i32, i32
  }
  func.func @transform_1(%arg0: i32) -> (i32, i32) {
    %c0_i32 = arith.constant 0 : i32
    %c0_i32_0 = arith.constant 0 : i32
    return %arg0, %c0_i32 : i32, i32
  }
  func.func @transform_2(%arg0: i32) -> (i32, i32) {
    %c0_i32 = arith.constant 0 : i32
    %c0_i32_0 = arith.constant 0 : i32
    %c0_i32_1 = arith.constant 0 : i32
    return %c0_i32, %c0_i32_0 : i32, i32
  }
  func.func @transform_3(%arg0: i32) -> (i32, i32) {
    %c0_i32 = arith.constant 0 : i32
    %c0_i32_0 = arith.constant 0 : i32
    %c0_i32_1 = arith.constant 0 : i32
    return %c0_i32, %c0_i32_0 : i32, i32
  }
  func.func @transform_4(%arg0: i32) -> (i32, i32) {
    %c0_i32 = arith.constant 0 : i32
    %c0_i32_0 = arith.constant 0 : i32
    %c0_i32_1 = arith.constant 0 : i32
    return %c0_i32, %c0_i32_0 : i32, i32
  }
  func.func @transform_5(%arg0: i32) -> (i32, i32) {
    %c0_i32 = arith.constant 0 : i32
    %c0_i32_0 = arith.constant 0 : i32
    %c0_i32_1 = arith.constant 0 : i32
    return %c0_i32, %c0_i32_0 : i32, i32
  }
  func.func @transform_6(%arg0: i32) -> (i32, i32) {
    %c0_i32 = arith.constant 0 : i32
    %c0_i32_0 = arith.constant 0 : i32
    return %arg0, %c0_i32 : i32, i32
  }
}

module attributes {stable_mosaic.version = 14 : i64} {
  func.func @_emlp_body(%arg0: i32, %arg1: memref<2000x128xf32, #tpu.memory_space<vmem>>, %arg2: memref<2000x128xf32, #tpu.memory_space<vmem>>, %arg3: memref<256x128xf32, #tpu.memory_space<vmem>>, %arg4: memref<1x128xf32, #tpu.memory_space<vmem>>, %arg5: memref<2000x128xf32, #tpu.memory_space<vmem>>) attributes {dimension_semantics = [#tpu.dimension_semantics<arbitrary>], iteration_bounds = array<i64: 80>, scalar_prefetch = 0 : i64, scratch_operands = 0 : i64, tpu.core_type = #tpu.core_type<tc>, window_params = [{transform_indices = @transform_0, window_bounds = array<i64: 2000, 128>}, {transform_indices = @transform_1, window_bounds = array<i64: 2000, 128>}, {pipeline_mode = #tpu.pipeline_mode<synchronous>, transform_indices = @transform_2, window_bounds = array<i64: 256, 128>}, {pipeline_mode = #tpu.pipeline_mode<synchronous>, transform_indices = @transform_3, window_bounds = array<i64: 1, 128>}, {transform_indices = @transform_4, window_bounds = array<i64: 2000, 128>}]} {
    %get3A = arith.constant 0 : index
    %get3A_0 = arith.constant 0 : index
    %get3A_1 = vector.load %arg1[%get3A, %get3A_0] : memref<2000x128xf32, #tpu.memory_space<vmem>>, vector<2000x128xf32>
    %max3A = arith.constant 0.000000e+00 : f32
    %max3A_2 = vector.broadcast %max3A : f32 to vector<2000x128xf32>
    %max3A_3 = arith.maximumf %get3A_1, %max3A_2 : vector<2000x128xf32>
    %get3A_4 = arith.constant 0 : index
    %get3A_5 = arith.constant 0 : index
    %get3A_6 = vector.load %arg2[%get3A_4, %get3A_5] : memref<2000x128xf32, #tpu.memory_space<vmem>>, vector<2000x128xf32>
    %max3A_7 = arith.constant 0.000000e+00 : f32
    %max3A_8 = vector.broadcast %max3A_7 : f32 to vector<2000x128xf32>
    %max3A_9 = arith.maximumf %get3A_6, %max3A_8 : vector<2000x128xf32>
    %get3A_10 = arith.constant 0 : index
    %get3A_11 = arith.constant 0 : index
    %get3A_12 = vector.load %arg3[%get3A_10, %get3A_11] : memref<256x128xf32, #tpu.memory_space<vmem>>, vector<256x128xf32>
    %slice3A = vector.extract_strided_slice %get3A_12 {offsets = [0, 0], sizes = [128, 128], strides = [1, 1]} : vector<256x128xf32> to vector<128x128xf32>
    %dot_general3A = arith.constant dense<0.000000e+00> : vector<2000x128xf32>
    %dot_general3A_13 = tpu.matmul %max3A_3, %slice3A, %dot_general3A {dimension_numbers = #tpu.dot_dimension_numbers<[1], [0], [0], [1], [0, 0, 1, 1], [], []>, transpose_lhs_hint = false} : vector<2000x128xf32>, vector<128x128xf32>, vector<2000x128xf32> -> vector<2000x128xf32>
    %slice3A_14 = vector.extract_strided_slice %get3A_12 {offsets = [128, 0], sizes = [128, 128], strides = [1, 1]} : vector<256x128xf32> to vector<128x128xf32>
    %dot_general3A_15 = arith.constant dense<0.000000e+00> : vector<2000x128xf32>
    %dot_general3A_16 = tpu.matmul %max3A_9, %slice3A_14, %dot_general3A_15 {dimension_numbers = #tpu.dot_dimension_numbers<[1], [0], [0], [1], [0, 0, 1, 1], [], []>, transpose_lhs_hint = false} : vector<2000x128xf32>, vector<128x128xf32>, vector<2000x128xf32> -> vector<2000x128xf32>
    %add3A = arith.addf %dot_general3A_13, %dot_general3A_16 : vector<2000x128xf32>
    %get3A_17 = arith.constant 0 : index
    %get3A_18 = arith.constant 0 : index
    %get3A_19 = vector.load %arg4[%get3A_17, %get3A_18] : memref<1x128xf32, #tpu.memory_space<vmem>>, vector<1x128xf32>
    %add3A_20 = vector.broadcast %get3A_19 : vector<1x128xf32> to vector<2000x128xf32>
    %add3A_21 = arith.addf %add3A, %add3A_20 : vector<2000x128xf32>
    %tanh3A = math.tanh %add3A_21 : vector<2000x128xf32>
    %add3A_22 = arith.addf %tanh3A, %get3A_1 : vector<2000x128xf32>
    %swap3A = arith.constant 0 : index
    %swap3A_23 = arith.constant 0 : index
    %swap3A_24 = vector.load %arg5[%swap3A, %swap3A_23] : memref<2000x128xf32, #tpu.memory_space<vmem>>, vector<2000x128xf32>
    tpu.vector_store %arg5[%swap3A, %swap3A_23], %add3A_22 {strides = array<i32>} : memref<2000x128xf32, #tpu.memory_space<vmem>>, vector<2000x128xf32>,
    return
  }
  func.func @transform_0(%arg0: i32) -> (i32, i32) {
    %c0_i32 = arith.constant 0 : i32
    %c0_i32_0 = arith.constant 0 : i32
    return %arg0, %c0_i32 : i32, i32
  }
  func.func @transform_1(%arg0: i32) -> (i32, i32) {
    %c0_i32 = arith.constant 0 : i32
    %c0_i32_0 = arith.constant 0 : i32
    return %arg0, %c0_i32 : i32, i32
  }
  func.func @transform_2(%arg0: i32) -> (i32, i32) {
    %c0_i32 = arith.constant 0 : i32
    %c0_i32_0 = arith.constant 0 : i32
    %c0_i32_1 = arith.constant 0 : i32
    return %c0_i32, %c0_i32_0 : i32, i32
  }
  func.func @transform_3(%arg0: i32) -> (i32, i32) {
    %c0_i32 = arith.constant 0 : i32
    %c0_i32_0 = arith.constant 0 : i32
    %c0_i32_1 = arith.constant 0 : i32
    return %c0_i32, %c0_i32_0 : i32, i32
  }
  func.func @transform_4(%arg0: i32) -> (i32, i32) {
    %c0_i32 = arith.constant 0 : i32
    %c0_i32_0 = arith.constant 0 : i32
    return %arg0, %c0_i32 : i32, i32
  }
}

</mosaic_0001>

<sc_bundles>
// kernel: kernel.12.cloned.1.call-start
scs
__scs_entry_jumppad:
0x0: {  	(pc) =	sbr.rel $0x88, $3  }
0x1: {  	(tag) =	ssettag $0x0;
	lr =	simm.s32 $0x1  }
0x2: {  	[smem:$0x3F92] =	sst lr;
	_ =	strace $0xD0000000  }
0x3: {  	_ = 	snop  }
0x4: {  	_ = 	snop  }
0x5: {  	_ = 	snop  }
0x6: {  	_ = 	snop  }
0x7: {  	_ = 	snop  }
__scs_overlays_trampoline_lowered:
0x8: {  	[smem:$0x3FA1] =	sst s0  }
0x9: {  	[smem:$0x3FA2] =	sst s1  }
0xa: {  	[smem:$0x3FA3] =	sst s2  }
0xb: {  	[smem:$0x3FA4] =	sst s3  }
0xc: {  	[smem:$0x3FA5] =	sst s4  }
0xd: {  	[smem:$0x3FA6] =	sst s5  }
0xe: {  	[smem:$0x3FA7] =	sst s6  }
0xf: {  	[smem:$0x3FA8] =	sst s7  }
0x10: {  	[smem:$0x3FA9] =	sst s8  }
0x11: {  	[smem:$0x3FAA] =	sst s9;
	s0 =	simm.s32 @!p0 $0x0  }
0x12: {  	s1 =	sld [smem:$0x3F90];
	s0 =	simm.s32 @p0 $0x1  }
0x13: {  	[smem:$0x3FAB] =	sst s0;
	s0 =	simm.s32 @!p1 $0x0  }
0x14: {  	s2 =	sld [smem:$0x3F8F];
	s0 =	simm.s32 @p1 $0x1  }
0x15: {  	[smem:$0x3FAC] =	sst s0;
	s0 =	simm.s32 @!p2 $0x0  }
0x16: {  	s3 =	sld [smem:$0x3FDB];
	s0 =	simm.s32 @p2 $0x1  }
0x17: {  	s4 =	simm.s32 $0x1BF5;
	[smem:$0x3FAE] =	sst s0  }
0x18: {  	s0 =	sld [smem:$0x3F91];
	_ =	swait.ge [sflag:s4], $0x0  }
0x19: {  	s7 =	sld [smem:$0x3F92]  }
0x1a: {  	s8 =	sadd.s32 $0xFFFFE003, lr  }
0x1b: {  	s9 =	sadd.s32 $0xFFFFFEF7, lr;
	s5 =	simm.s32 $0xFFFFFFFF;
	p2 =	slt.u32 s8, $0xFFFFF086  }
0x1c: {  	p1 =	slt.u32 s9, $0xF7A;
	s5 =	simm.s32 @!p2 $0x0  }
0x1d: {  	s5 =	simm.s32 @p1 $0x1;
	p0 =	seq.s32 s7, s2  }
0x1e: {  	s7 =	smul.u32 @!p0 $0xF7A, s2;
	p2 =	seq.s32 @!p0 s5, $0x0  }
0x1f: {  	s9 =	smul.u32 $0xF7A, s1;
	s8 =	simm.s32 @!p0 $0x1BF5;
	p2 =	por !p2, p0  }
0x20: {  	[sflag:s8] =	ssyncset.s32 @!p0 $0xFFFFF086;
	s6 =	sadd.s32 @!p0 s3, s7;
	s7 =	simm.s32 @!p0 $0x108  }
0x21: {  	s3 =	sadd.s32 s3, s9;
	s6 =	sadd.s32 @!p0 $0x88, s6;
	s7 =	simm.s32 @p2 $0x1082  }
0x22: {  	[simem:s7], [sflag:s8] =	dma.local @!p0 [hbm:s6], $0xF7A  }
0x23: {  	s9 =	sor.u32 $0xD0000000, s2;
	s6 =	simm.s32 $0x108;
	_ =	swait.ge @!p0 [sflag:s8], $0x0  }
0x24: {  	s3 =	sadd.s32 $0x88, s3;
	s6 =	simm.s32 @!p1 $0x1082;
	[sflag:s4] =	ssyncset.s32 $0xFFFFF086  }
0x25: {  	[simem:s6], [sflag:s4] =	dma.local [hbm:s3], $0xF7A  }
0x26: {  	[smem:$0x3F92] =	sst s1;
	(tag) =	ssettag s2;
	_ =	strace s9  }
0x27: {  	s1 =	sld [smem:$0x3FA2]  }
0x28: {  	s2 =	sld [smem:$0x3FA3]  }
0x29: {  	s4 =	sld [smem:$0x3FA5]  }
0x2a: {  	p0 =	seq.s32 s5, $0x0;
	s5 =	sld [smem:$0x3FA6]  }
0x2b: {  	s6 =	sld [smem:$0x3FA7]  }
0x2c: {  	s7 =	sld [smem:$0x3FA8]  }
0x2d: {  	s3 =	simm.s32 $0x108;
	s8 =	sld [smem:$0x3FA9]  }
0x2e: {  	s3 =	simm.s32 @!p0 $0x1082;
	s9 =	sld [smem:$0x3FAA]  }
0x2f: {  	lr =	sadd.s32 s0, s3;
	s0 =	sld [smem:$0x3FA1]  }
0x30: {  	s3 =	sld [smem:$0x3FA4]  }
0x31: {  	[smem:$0x3FAD] =	sst s10  }
0x32: {  	s10 =	sld [smem:$0x3FAB];
	_ =	sdelay $0x3  }
0x33: {  	p0 =	seq.s32 s10, $0x1;
	s10 =	sld [smem:$0x3FAD];
	_ =	sdelay $0x3  }
0x34: {  	[smem:$0x3FAD] =	sst s10  }
0x35: {  	s10 =	sld [smem:$0x3FAC];
	_ =	sdelay $0x3  }
0x36: {  	p1 =	seq.s32 s10, $0x1;
	s10 =	sld [smem:$0x3FAD];
	_ =	sdelay $0x3  }
0x37: {  	[smem:$0x3FAD] =	sst s10  }
0x38: {  	s10 =	sld [smem:$0x3FAE]  }
0x39: {  	_ = 	snop;
	(pc) =	sbr.ind lr, $3  }
0x3a: {  	_ = 	snop  }
0x3b: {  	_ = 	snop  }
0x3c: {  	p2 =	seq.s32 s10, $0x1;
	s10 =	sld [smem:$0x3FAD]  }
0x3d: {  	_ =	shalt  }
0x3e: {  	_ =	shalt  }
0x3f: {  	_ =	shalt  }
0x40: {  	_ =	shalt  }
0x41: {  	_ =	shalt  }
0x42: {  	_ =	shalt  }
0x43: {  	_ =	shalt  }
0x44: {  	_ =	shalt  }
0x45: {  	_ =	shalt  }
0x46: {  	_ =	shalt  }
0x47: {  	_ =	shalt  }
0x48: {  	_ =	shalt  }
0x49: {  	_ =	shalt  }
0x4a: {  	_ =	shalt  }
0x4b: {  	_ =	shalt  }
0x4c: {  	_ =	shalt  }
0x4d: {  	_ =	shalt  }
0x4e: {  	_ =	shalt  }
0x4f: {  	_ =	shalt  }
0x50: {  	_ =	shalt  }
0x51: {  	_ =	shalt  }
0x52: {  	_ =	shalt  }
0x53: {  	_ =	shalt  }
0x54: {  	_ =	shalt  }
0x55: {  	_ =	shalt  }
0x56: {  	_ =	shalt  }
0x57: {  	_ =	shalt  }
0x58: {  	_ =	shalt  }
0x59: {  	_ =	shalt  }
0x5a: {  	_ =	shalt  }
0x5b: {  	_ =	shalt  }
0x5c: {  	_ =	shalt  }
0x5d: {  	_ =	shalt  }
0x5e: {  	_ =	shalt  }
0x5f: {  	_ =	shalt  }
0x60: {  	_ =	shalt  }
0x61: {  	_ =	shalt  }
0x62: {  	_ =	shalt  }
0x63: {  	_ =	shalt  }
0x64: {  	_ =	shalt  }
0x65: {  	_ =	shalt  }
0x66: {  	_ =	shalt  }
0x67: {  	_ =	shalt  }
0x68: {  	_ =	shalt  }
0x69: {  	_ =	shalt  }
0x6a: {  	_ =	shalt  }
0x6b: {  	_ =	shalt  }
0x6c: {  	_ =	shalt  }
0x6d: {  	_ =	shalt  }
0x6e: {  	_ =	shalt  }
0x6f: {  	_ =	shalt  }
0x70: {  	_ =	shalt  }
0x71: {  	_ =	shalt  }
0x72: {  	_ =	shalt  }
0x73: {  	_ =	shalt  }
0x74: {  	_ =	shalt  }
0x75: {  	_ =	shalt  }
0x76: {  	_ =	shalt  }
0x77: {  	_ =	shalt  }
0x78: {  	_ =	shalt  }
0x79: {  	_ =	shalt  }
0x7a: {  	_ =	shalt  }
0x7b: {  	_ =	shalt  }
0x7c: {  	_ =	shalt  }
0x7d: {  	_ =	shalt  }
0x7e: {  	_ =	shalt  }
0x7f: {  	_ =	shalt  }
0x80: {  	_ =	shalt  }
0x81: {  	_ =	shalt  }
0x82: {  	_ =	shalt  }
0x83: {  	_ =	shalt  }
0x84: {  	_ =	shalt  }
0x85: {  	_ =	shalt  }
0x86: {  	_ =	shalt  }
0x87: {  	_ =	shalt  }
.Lfunc_end0:
.L_simem_size_0:
called_computation.1_lowered:
.L_overlay_start_0:
0x88: {  	s2 =	sld [smem:$0x3FD9]  }
0x89: {  	s3 =	sld [smem:$0x3FFE];
	_ =	sdelay $0x1  }
0x8a: {  	s1 =	srdreg.scid  }
0x8b: {  	s0 =	sand.u32 $0x1, s1  }
0x8c: {  	s14 =	sshll.u32 s0, $0xA;
	s2 =	sadd.s32 s3, s2  }
0x8d: {  	s2 =	sadd.s32 s2, s14  }
0x8e: {  	[smem:$0x3FB9] =	sst s2  }
0x8f: {  	_ = 	snop  }
0x90: {  	s2 =	sld [smem:$0x3FD0];
	_ =	sdelay $0x2  }
0x91: {  	s15 =	simm.s32 $0xA;
	s4 =	simm.s32 $0x10  }
0x92: {  	[smem:s4], [sflag:s15] =	dma.local [hbm:s2], $0x1  }
0x93: {  	_ =	swait.eq [sflag:s15], $0x1  }
0x94: {  	[sflag:s15] =	ssyncset.done $0x0  }
0x95: {  	s16 =	sld [smem:$0x10];
	[sflag:s15] =	ssyncadd.s32 $0xFFFFFFFF  }
0x96: {  	s17 =	sld [smem:$0x11];
	(tm) =	ssettm $0x1  }
0x97: {  	s18 =	sld [smem:$0x3FFB];
	_ =	sdelay $0x3  }
0x98: {  	_ =	strace s18  }
0x99: {  	s4 =	sld [smem:$0x3FFC];
	_ =	sdelay $0x3  }
0x9a: {  	_ =	strace s4  }
0x9b: {  	s4 =	sld [smem:$0x3FFD];
	_ =	sdelay $0x3  }
0x9c: {  	_ =	strace s4  }
0x9d: {  	_ =	strace $0x8FFFFFFF  }
0x9e: {  	s19 =	sld [smem:$0x3FDB];
	_ =	sdelay $0x1  }
0x9f: {  	s5 =	simm.s32 $_scs_section_size  }
0xa0: {  	s6 =	simm.s32 $_size__tile_overlayer_lowered;
	s7 =	simm.s32 $_tile_overlayer_lowered  }
0xa1: {  	s22 =	simm.s32 $0x1BFF;
	s21 =	sshll.u32 s7, $0x1;
	s4 =	sadd.s32 s5, s19  }
0xa2: {  	s8 =	simm.s32 $0x0;
	s20 =	sshll.u32 s6, $0x1;
	s6 =	sadd.s32 s21, s4  }
0xa3: {  	[timem:s8], [sflag:s22] =	dma.local [hbm:s6], s20  }
0xa4: {  	_ =	swait.ge [sflag:s22], s20  }
0xa5: {  	s5 =	ssub.s32 $0x0, s20;
	[sflag:s22] =	ssyncset.done $0x0  }
0xa6: {  	[sflag:s22] =	ssyncadd.s32 s5;
	_ =	sdelay $0x1  }
0xa7: {  	s23 =	simm.s32 $0x1B8B  }
0xa8: {  	_ =	swait.ge [sflag:s23], $0x1  }
0xa9: {  	[sflag:s23] =	ssyncset.done $0x0  }
0xaa: {  	s25 =	simm.s32 $0x1B8E;
	s24 =	sld [smem:$0x3FFE];
	[sflag:s23] =	ssyncadd.s32 $0xFFFFFFFF  }
0xab: {  	s26 =	simm.s32 $execute0_lowered;
	[smem:$0x3FD2] =	sst s25  }
0xac: {  	s6 =	sshll.u32 s26, $0x1;
	_ =	strace $0x80000049;
	[dreg:$0x1] =	wrdreg $0xFFFFFFFF  }
0xad: {  	s28 =	simm.s32 $_size_execute0_lowered;
	s4 =	sadd.s32 s4, s6;
	[dreg:$0x0] =	wrdreg $0x0  }
0xae: {  	s6 =	sshll.u32 s28, $0x1;
	[dreg:$0x2] =	wrdreg s4  }
0xaf: {  	[dreg:$0x3] =	wrdreg s6  }
0xb0: {  	[dreg:$0x4] =	wrdreg $0xC0  }
0xb1: {  	_ =	task [dreg:s8], $0x5FFFF  }
0xb2: {  	[dreg:$0x1] =	wrdreg $0xFFFFFFFF  }
0xb3: {  	[dreg:$0x0] =	wrdreg $0x60  }
0xb4: {  	[dreg:$0x2] =	wrdreg s17  }
0xb5: {  	[dreg:$0x3] =	wrdreg s24  }
0xb6: {  	[dreg:$0x4] =	wrdreg s16  }
0xb7: {  	[dreg:$0x5] =	wrdreg $0xC6000  }
0xb8: {  	[dreg:$0x6] =	wrdreg $0x9  }
0xb9: {  	_ =	task.clear_ibuf [dreg:s8], $0x7FFFF;
	_ =	strace $0x90000049  }
0xba: {  	s29 =	simm.s32 $0x9;
	_ =	strace $0x8000004B  }
0xbb: {  	_ =	swait.ge [sflag:s29], $0x1  }
0xbc: {  	[sflag:s29] =	ssyncadd.s32 $0xFFFFFFFF  }
0xbd: {  	_ =	strace $0x9000004B  }
0xbe: {  	_ =	sfence  }
0xbf: {  	s30 =	sld [smem:$0x0];
	_ =	sdelay $0x2  }
0xc0: {  	s31 =	sshll.u32 s1, $0xD;
	s1 =	sshrl.u32 s1, $0x2  }
0xc1: {  	s3 =	sand.u32 $0x4000, s31;
	s1 =	sadd.s32 s1, s30  }
0xc2: {  	s0 =	sor.u32 s3, s0;
	s1 =	sshll.u32 s1, $0x11  }
0xc3: {  	s0 =	sor.u32 s1, s0  }
0xc4: {  	s0 =	sadd.s32 $0x8F2B, s0  }
0xc5: {  	[sflag:s0] =	ssyncadd.remote.s32 $0x1  }
0xc6: {  	_ =	sfence.sel $0xFFFF  }
0xc7: {  	[dreg:$0x0] =	wrdreg $0xFFFFFFFF;
	(pc) =	sbr.abs _section_cstart, $3  }
0xc8: {  	[dreg:$0x1] =	wrdreg $0xFFFFFFFF  }
0xc9: {  	_ =	task.clear_ibuf [dreg:s8], $0x2FFFF;
	_ =	strace $0x9FFFFFFF  }
0xca: {  	(tm) =	ssettm $0x7FFFFFFF  }
0xcb: {  	_ =	shalt  }
tec
execute0_lowered:
.L_overlay_start_1:
0x0: {  	(tag) =	ssettag $0x1  }
0x1: {  	s1 =	rddreg [dreg:$0x0]  }
0x2: {  	s0 =	rddreg [dreg:$0x1]  }
0x3: {  	s3 =	rddreg [dreg:$0x3]  }
0x4: {  	s2 =	simm.s32 $0x0;
	s20 =	srdreg.scid;
	s8 =	stileid.u32  }
0x5: {  	s31 =	simm.s32 $0x40;
	s29 =	simm.s32 $0x4;
	s30 =	simm.s32 $0x400  }
0x6: {  	[smem:$0x7FF] =	sst s2;
	s5 =	sadd.s32 $0xC600, s0;
	s2 =	sand.u32 $0x1, s20  }
0x7: {  	s6 =	sadd.s32 $0x7600, s0;
	s7 =	sadd.s32 $0x2600, s0;
	s0 =	sadd.s32 $0x4EE600, s0  }
0x8: {  	s21 =	ssub.s32 $0x4D, s8;
	s10 =	sshll.u32 s8, $0xE;
	s22 =	ssub.s32 $0x9C3, s8  }
0x9: {  	s18 =	sadd.s32 $0x138000, s3;
	s25 =	sshll.u32 s8, $0xA;
	s26 =	sshll.u32 s8, $0x6  }
0xa: {  	p0 =	sne.s32 s8, $0x0;
	_ =	strace $0x8000004A;
	s13 =	smul.u32 $0x2710, s2  }
0xb: {  	s4 =	ssub.s32 $0x2, s2;
	s12 =	sshrl.u32 s21, $0x4;
	s14 =	smul.u32 $0x271000, s2  }
0xc: {  	s24 =	sadd.s32 s10, s3;
	s11 =	sshrl.u32 s22, $0x4;
	s15 =	smul.u32 $0x138800, s2  }
0xd: {  	s2 =	smul.u32 $0x27100, s2;
	s22 =	sshll.u32 s8, $0xB;
	[dreg:$0xa] =	wrdreg s26  }
0xe: {  	[dreg:$0x6] =	wrdreg s18;
	s9 =	sshrl.u32 s4, $0x1;
	s19 =	sadd.s32 $0xFFFFFFFE, s11  }
0xf: {  	s28 =	sadd.s32 $0x1, s12;
	s12 =	simm.s32 $0x2600;
	[dreg:$0x5] =	wrdreg s24  }
0x10: {  	s4 =	ssub.s32 s4, s9;
	s9 =	sshll.u32 s8, $0x3;
	s14 =	sadd.s32 s5, s14  }
0x11: {  	s21 =	sshrl.u32 s15, $0x3;
	s15 =	simm.s32 $0x1;
	v0 =	vmov s13;
	s13 =	simm.s32 $0x0  }
0x12: {  	[dreg:$0x10] =	wrdreg s28;
	s23 =	sadd.s32 s6, s9;
	s16 =	sadd.s32 s7, s9  }
0x13: {  	s10 =	sadd.s32 s25, s14;
	s20 =	sor.u32 $0x80, s9;
	[dreg:$0x7] =	wrdreg s23  }
0x14: {  	s14 =	sadd.s32 s0, s21;
	s0 =	sadd.s32 s2, s0;
	[dreg:$0x8] =	wrdreg s16  }
0x15: {  	s21 =	simm.s32 $0x500;
	[dreg:$0x9] =	wrdreg s10;
	s17 =	sadd.s32 s6, s20  }
0x16: {  	s10 =	sadd.s32 s7, s20;
	s0 =	sadd.s32 s22, s0;
	s23 =	sadd.s32 s26, s2  }
0x17: {  	s25 =	sadd.s32 $0x27000, s14;
	s26 =	smax.u32 s4, $0x1;
	[dreg:$0xb] =	wrdreg s17  }
0x18: {  	s2 =	simm.s32 $0x5;
	s4 =	simm.s32 $0x480;
	[dreg:$0xc] =	wrdreg s10  }
0x19: {  	s16 =	simm.s32 $0x3;
	s22 =	simm.s32 $0x4600;
	[dreg:$0xd] =	wrdreg s0  }
0x1a: {  	s20 =	sadd.s32 $0x400, s23;
	[dreg:$0xe] =	wrdreg s25;
	s0 =	sshll.u32 s23, $0x4  }
0x1b: {  	[dreg:$0xf] =	wrdreg s26;
	s25 =	simm.s32 $0x600;
	s26 =	simm.s32 $0x10  }
0x1c: {  	s17 =	simm.s32 $0x6;
	s23 =	sadd.s32 s5, s0;
	s0 =	simm.s32 $0x2  }
.LBB2_1:
0x1d: {  	s8 =	rddreg [dreg:$0x2];
	s10 =	simm.s32 $0x0  }
0x1e: {  	[tilespmem:s25], [sflag:$0x10] =	stream.linear.gather [hbm4b:s8+s10], $0x4000, $0x38;
	[tilespmem:$0x1FE80] =	vst v63  }
0x1f: {  	p1 =	sne.s32 s28, $0x1;
	_ =	swait.ge [sflag:s26], $0x4000  }
.Ltmp0:
0x20: {  	[sflag:s26] =	ssyncset.done $0x0;
	(pc) =	sbr.rel @!p1 .LBB2_3-.Ltmp0, $4  }
0x21: {  	[sflag:s26] =	ssyncadd.s32 $0xFFFFC000  }
0x22: {  	[spmem:s24] =	stream.linear.scatter [tilespmem:s25], [sflag:$0x10], $0x4000, $0x38;
	[tilespmem:$0x1FE80] =	vst v63  }
0x23: {  	_ =	swait.ge [sflag:s26], $0x4000  }
0x24: {  	s8 =	sadd.s32 $0xFFFFFFFF, s28;
	s10 =	smov.u32 s24;
	[sflag:s26] =	ssyncset.done $0x0  }
.LBB2_2:
0x25: {  	p2 =	sne.s32 s8, $0x1;
	[sflag:s26] =	ssyncadd.s32 $0xFFFFC000;
	s10 =	sadd.s32 $0x40000, s10  }
.Ltmp1:
0x26: {  	s8 =	sadd.s32 $0xFFFFFFFF, s8;
	(pc) =	sbr.rel @p2 .LBB2_2-.Ltmp1, $4  }
0x27: {  	_ = 	snop  }
0x28: {  	[spmem:s10] =	stream.linear.scatter [tilespmem:s25], [sflag:$0x10], $0x4000, $0x38;
	[tilespmem:$0x1FE80] =	vst v63  }
0x29: {  	_ =	swait.ge [sflag:s26], $0x4000  }
0x2a: {  	[sflag:s26] =	ssyncset.done $0x0  }
.LBB2_3:
0x2b: {  	[sflag:s26] =	ssyncadd.s32 $0xFFFFC000;
	s8 =	simm.s32 @!p0 $0x600  }
0x2c: {  	[spmem:s18] =	stream.linear.scatter @!p0 [tilespmem:s8], [sflag:$0x10], $0x800, $0x38;
	[tilespmem:$0x1FE80] =	vst v63  }
0x2d: {  	[dreg:$0x11] =	wrdreg s13;
	s8 =	simm.s32 @!p0 $0x10  }
0x2e: {  	_ =	swait.ge @!p0 [sflag:s8], $0x800  }
0x2f: {  	[sflag:s8] =	ssyncset.done @!p0 $0x0  }
0x30: {  	[sflag:s8] =	ssyncadd.s32 @!p0 $0xFFFFF800  }
0x31: {  	[bflag:$0x0] =	sbarrier.arrive $0xFFFF  }
0x32: {  	s28 =	simm.s32 $0x0;
	s18 =	rddreg [dreg:$0x7]  }
0x33: {  	[tilespmem:s28], [sflag:$0xA] =	stream.linear.gather [hbm4b:s18+s28], $0x40, $0x38;
	[tilespmem:$0x1FE80] =	vst v63  }
0x34: {  	s10 =	simm.s32 $0x200;
	s13 =	simm.s32 $0xA;
	s24 =	rddreg [dreg:$0x8]  }
0x35: {  	[tilespmem:s10], [sflag:$0xD] =	stream.linear.gather [hbm4b:s24+s28], $0x40, $0x38;
	[tilespmem:$0x1FE80] =	vst v63  }
0x36: {  	_ =	swait.ge [sflag:s13], $0x40  }
0x37: {  	[sflag:s13] =	ssyncset.done $0x0  }
0x38: {  	s14 =	simm.s32 $0xD;
	[sflag:s13] =	ssyncadd.s32 $0xFFFFFFC0  }
0x39: {  	_ =	swait.ge [sflag:s14], $0x40  }
0x3a: {  	[sflag:s14] =	ssyncset.done $0x0  }
0x3b: {  	[sflag:s14] =	ssyncadd.s32 $0xFFFFFFC0  }
0x3c: {  	v1 =	vld [tilespmem:$0x200]  }
0x3d: {  	v2 =	vld [tilespmem:$0x0]  }
0x3e: {  	v3 =	vld [tilespmem:$0x210];
	_ =	sdelay $0x1  }
0x3f: {  	v4 =	vld [tilespmem:$0x10]  }
0x40: {  	v5 =	vld [tilespmem:$0x220]  }
0x41: {  	v6 =	vld [tilespmem:$0x20];
	v1 =	vadd.s32 v0, v1;
	[tilespmem:$0x400] =	vst v2  }
0x42: {  	v2 =	vadd.s32 v0, v3;
	[tilespmem:$0x200] =	vst v1;
	v1 =	vld [tilespmem:$0x230]  }
0x43: {  	[tilespmem:$0x210] =	vst v2;
	v2 =	vld [tilespmem:$0x30];
	_ =	sdelay $0x1  }
0x44: {  	[tilespmem:$0x410] =	vst v4  }
0x45: {  	v3 =	vadd.s32 v0, v5;
	[tilespmem:$0x420] =	vst v6  }
0x46: {  	[tilespmem:$0x220] =	vst v3  }
0x47: {  	v1 =	vadd.s32 v0, v1;
	[tilespmem:$0x430] =	vst v2  }
0x48: {  	[tilespmem:$0x230] =	vst v1  }
0x49: {  	[tilespmem:s25], [sflag:$0x1] =	stream.indirect.gather [hbm4b:s1+s31], $0x80, s10, s31, $0xb8;
	[tilespmem:$0x1FE80] =	vst v63  }
0x4a: {  	s24 =	simm.s32 $0x6600;
	s18 =	rddreg [dreg:$0x9]  }
0x4b: {  	[tilespmem:s24], [sflag:$0x4] =	stream.linear.gather [hbm4b:s18+s28], $0x2000, $0x38;
	[tilespmem:$0x1FE80] =	vst v63  }
.Ltmp2:
0x4c: {  	_ = 	snop;
	(pc) =	sbr.rel .LBB2_4-.Ltmp2, $4  }
0x4d: {  	s13 =	rddreg [dreg:$0xb];
	s14 =	simm.s32 $0x80  }
0x4e: {  	[tilespmem:s14], [sflag:$0xB] =	stream.linear.gather [hbm4b:s13+s28], $0x40, $0x38;
	[tilespmem:$0x1FE80] =	vst v63  }
0x4f: {  	s18 =	rddreg [dreg:$0xc];
	s24 =	simm.s32 $0x280  }
0x50: {  	[tilespmem:s24], [sflag:$0xE] =	stream.linear.gather [hbm4b:s18+s28], $0x40, $0x38;
	[tilespmem:$0x1FE80] =	vst v63  }
.LBB2_16:
0x51: {  	s28 =	sadd.s32 $0x1, s28  }
0x52: {  	p2 =	sne.s32 s28, $0x35  }
.Ltmp3:
0x53: {  	_ = 	snop;
	(pc) =	sbr.rel @!p2 .LBB2_17-.Ltmp3, $1  }
0x54: {  	_ =	sdelay $0x3  }
.LBB2_4:
0x55: {  	s14 =	smul.u32 $0x3, s28;
	_ =	sdelay $0x1  }
0x56: {  	p2 =	sgt.u32 s14, s11  }
.Ltmp4:
0x57: {  	_ = 	snop;
	(pc) =	sbr.rel @p2 .LBB2_8-.Ltmp4, $1  }
0x58: {  	_ =	sdelay $0x3  }
0x59: {  	s8 =	sadd.s32 $0x2, s14  }
0x5a: {  	p2 =	sgt.u32 s8, s11  }
0x5b: {  	s8 =	sshll.u32 @!p2 s8, $0x7  }
0x5c: {  	s8 =	sor.u32 @!p2 s9, s8  }
0x5d: {  	s13 =	simm.s32 @!p2 $0x0;
	s18 =	simm.s32 @!p2 $0x100;
	s10 =	sadd.s32 @!p2 s6, s8  }
0x5e: {  	[tilespmem:s18], [sflag:$0xC] =	stream.linear.gather @!p2 [hbm4b:s10+s13], $0x40, $0x38;
	[tilespmem:$0x1FE80] =	vst v63  }
0x5f: {  	s8 =	sadd.s32 @!p2 s7, s8;
	s10 =	simm.s32 @!p2 $0x300  }
0x60: {  	[tilespmem:s10], [sflag:$0xF] =	stream.linear.gather @!p2 [hbm4b:s8+s13], $0x40, $0x38;
	[tilespmem:$0x1FE80] =	vst v63  }
0x61: {  	p2 =	sge.u32 s14, s11  }
0x62: {  	p3 =	seq.s32 @!p2 s28, $0x0  }
0x63: {  	p3 =	por p3, p2  }
0x64: {  	s8 =	simm.s32 @!p3 $0x8  }
0x65: {  	_ =	swait.ge @!p3 [sflag:s8], $0x2000  }
0x66: {  	[sflag:s8] =	ssyncset.done @!p3 $0x0  }
0x67: {  	[sflag:s8] =	ssyncadd.s32 @!p3 $0xFFFFE000;
	s8 =	simm.s32 @!p2 $0xB  }
0x68: {  	_ =	swait.ge @!p2 [sflag:s8], $0x40  }
0x69: {  	[sflag:s8] =	ssyncset.done @!p2 $0x0  }
0x6a: {  	[sflag:s8] =	ssyncadd.s32 @!p2 $0xFFFFFFC0;
	s8 =	simm.s32 @!p2 $0xE  }
0x6b: {  	_ =	swait.ge @!p2 [sflag:s8], $0x40  }
0x6c: {  	[sflag:s8] =	ssyncset.done @!p2 $0x0  }
0x6d: {  	[sflag:s8] =	ssyncadd.s32 @!p2 $0xFFFFFFC0  }
0x6e: {  	v1 =	vld @!p2 [tilespmem:$0x280]  }
0x6f: {  	v2 =	vld @!p2 [tilespmem:$0x80]  }
0x70: {  	v3 =	vld @!p2 [tilespmem:$0x290];
	_ =	sdelay $0x1  }
0x71: {  	v4 =	vld @!p2 [tilespmem:$0x90]  }
0x72: {  	v5 =	vld @!p2 [tilespmem:$0x2A0]  }
0x73: {  	v6 =	vld @!p2 [tilespmem:$0xA0];
	v1 =	vadd.s32 @!p2 v0, v1;
	[tilespmem:$0x480] =	vst @!p2 v2  }
0x74: {  	v2 =	vadd.s32 @!p2 v0, v3;
	[tilespmem:$0x280] =	vst @!p2 v1;
	v1 =	vld @!p2 [tilespmem:$0x2B0]  }
0x75: {  	[tilespmem:$0x290] =	vst @!p2 v2;
	v2 =	vld @!p2 [tilespmem:$0xB0];
	_ =	sdelay $0x1  }
0x76: {  	[tilespmem:$0x490] =	vst @!p2 v4  }
0x77: {  	v3 =	vadd.s32 @!p2 v0, v5;
	[tilespmem:$0x4A0] =	vst @!p2 v6  }
0x78: {  	[tilespmem:$0x2A0] =	vst @!p2 v3  }
0x79: {  	s10 =	simm.s32 @!p2 $0x280;
	v1 =	vadd.s32 @!p2 v0, v1;
	[tilespmem:$0x4B0] =	vst @!p2 v2  }
0x7a: {  	s13 =	simm.s32 @!p2 $0x2600;
	s18 =	smul.u32 @!p2 $0xC00, s28;
	s8 =	simm.s32 @!p2 $0x40;
	[tilespmem:$0x2B0] =	vst @!p2 v1  }
0x7b: {  	[tilespmem:s13], [sflag:$0x2] =	stream.indirect.gather @!p2 [hbm4b:s1+s8], $0x80, s10, s8, $0xb8;
	[tilespmem:$0x1FE80] =	vst v63  }
0x7c: {  	s8 =	sadd.s32 @!p2 s18, s20  }
0x7d: {  	s8 =	sshll.u32 @!p2 s8, $0x4  }
0x7e: {  	s10 =	simm.s32 @!p2 $0x0;
	s13 =	simm.s32 @!p2 $0x8600;
	s8 =	sadd.s32 @!p2 s5, s8  }
0x7f: {  	[tilespmem:s13], [sflag:$0x5] =	stream.linear.gather @!p2 [hbm4b:s8+s10], $0x2000, $0x38;
	[tilespmem:$0x1FE80] =	vst v63  }
0x80: {  	_ =	swait.ge [sflag:s15], $0x2000  }
0x81: {  	[sflag:s15] =	ssyncset.done $0x0  }
0x82: {  	[sflag:s15] =	ssyncadd.s32 $0xFFFFE000  }
0x83: {  	_ =	swait.ge [sflag:s29], $0x2000  }
0x84: {  	[sflag:s29] =	ssyncset.done $0x0  }
0x85: {  	s10 =	simm.s32 $0x700;
	[sflag:s29] =	ssyncadd.s32 $0xFFFFE000  }
0x86: {  	s18 =	simm.s32 $0x6700;
	v1 =	vld [tilespmem:s10+$0x80]  }
0x87: {  	v2 =	vld [tilespmem:s18+$0x80]  }
0x88: {  	v3 =	vld [tilespmem:s10+$0xFFFFFF80]  }
0x89: {  	v4 =	vld [tilespmem:s18+$0xFFFFFF80]  }
0x8a: {  	v5 =	vld [tilespmem:s10+$0x0]  }
0x8b: {  	v6 =	vld [tilespmem:s18+$0x0]  }
0x8c: {  	v7 =	vld [tilespmem:s10+$0xFFFFFF00];
	v1 =	vmul.f32 v2, v1  }
0x8d: {  	v2 =	vld [tilespmem:s18+$0xFFFFFF00]  }
0x8e: {  	[tilespmem:s10+$0x80] =	vst v1;
	v1 =	vld [tilespmem:s10+$0x90]  }
0x8f: {  	v3 =	vmul.f32 v4, v3;
	v4 =	vld [tilespmem:s18+$0x90]  }
0x90: {  	v8 =	vld [tilespmem:s10+$0xFFFFFF10]  }
0x91: {  	[tilespmem:s10+$0xFFFFFF80] =	vst v3;
	v3 =	vmul.f32 v6, v5;
	v5 =	vld [tilespmem:s10+$0xFFFFFF90]  }
0x92: {  	v6 =	vld [tilespmem:s18+$0xFFFFFF90];
	v2 =	vmul.f32 v2, v7  }
0x93: {  	[tilespmem:s10+$0x0] =	vst v3;
	v3 =	vld [tilespmem:s10+$0x10]  }
0x94: {  	v7 =	vld [tilespmem:s18+$0x10];
	[tilespmem:s10+$0xFFFFFF00] =	vst v2;
	v1 =	vmul.f32 v4, v1  }
0x95: {  	v2 =	vld [tilespmem:s18+$0xFFFFFF10]  }
0x96: {  	[tilespmem:s10+$0x90] =	vst v1;
	v1 =	vld [tilespmem:s10+$0xA0]  }
0x97: {  	v4 =	vmul.f32 v6, v5;
	v5 =	vld [tilespmem:s18+$0xA0]  }
0x98: {  	v6 =	vld [tilespmem:s10+$0xFFFFFF20]  }
0x99: {  	[tilespmem:s10+$0xFFFFFF90] =	vst v4;
	v3 =	vmul.f32 v7, v3;
	v4 =	vld [tilespmem:s10+$0xFFFFFFA0]  }
0x9a: {  	v7 =	vld [tilespmem:s18+$0xFFFFFFA0];
	v2 =	vmul.f32 v2, v8  }
0x9b: {  	[tilespmem:s10+$0x10] =	vst v3;
	v3 =	vld [tilespmem:s10+$0x20]  }
0x9c: {  	v8 =	vld [tilespmem:s18+$0x20];
	[tilespmem:s10+$0xFFFFFF10] =	vst v2;
	v1 =	vmul.f32 v5, v1  }
0x9d: {  	v2 =	vld [tilespmem:s18+$0xFFFFFF20]  }
0x9e: {  	[tilespmem:s10+$0xA0] =	vst v1;
	v1 =	vld [tilespmem:s10+$0xB0]  }
0x9f: {  	v4 =	vmul.f32 v7, v4;
	v5 =	vld [tilespmem:s18+$0xB0]  }
0xa0: {  	v7 =	vld [tilespmem:s10+$0xFFFFFF30]  }
0xa1: {  	[tilespmem:s10+$0xFFFFFFA0] =	vst v4;
	v3 =	vmul.f32 v8, v3;
	v4 =	vld [tilespmem:s10+$0xFFFFFFB0]  }
0xa2: {  	v8 =	vld [tilespmem:s18+$0xFFFFFFB0];
	v2 =	vmul.f32 v2, v6  }
0xa3: {  	[tilespmem:s10+$0x20] =	vst v3;
	v3 =	vld [tilespmem:s10+$0x30]  }
0xa4: {  	v6 =	vld [tilespmem:s18+$0x30];
	[tilespmem:s10+$0xFFFFFF20] =	vst v2;
	v1 =	vmul.f32 v5, v1  }
0xa5: {  	v2 =	vld [tilespmem:s18+$0xFFFFFF30]  }
0xa6: {  	[tilespmem:s10+$0xB0] =	vst v1;
	v1 =	vld [tilespmem:s10+$0xC0]  }
0xa7: {  	v4 =	vmul.f32 v8, v4;
	v5 =	vld [tilespmem:s18+$0xC0]  }
0xa8: {  	v8 =	vld [tilespmem:s10+$0xFFFFFF40]  }
0xa9: {  	[tilespmem:s10+$0xFFFFFFB0] =	vst v4;
	v3 =	vmul.f32 v6, v3;
	v4 =	vld [tilespmem:s10+$0xFFFFFFC0]  }
0xaa: {  	v6 =	vld [tilespmem:s18+$0xFFFFFFC0];
	v2 =	vmul.f32 v2, v7  }
0xab: {  	[tilespmem:s10+$0x30] =	vst v3;
	v3 =	vld [tilespmem:s10+$0x40]  }
0xac: {  	v7 =	vld [tilespmem:s18+$0x40];
	[tilespmem:s10+$0xFFFFFF30] =	vst v2;
	v1 =	vmul.f32 v5, v1  }
0xad: {  	v2 =	vld [tilespmem:s18+$0xFFFFFF40]  }
0xae: {  	[tilespmem:s10+$0xC0] =	vst v1;
	v1 =	vld [tilespmem:s10+$0xD0]  }
0xaf: {  	v4 =	vmul.f32 v6, v4;
	v5 =	vld [tilespmem:s18+$0xD0]  }
0xb0: {  	v6 =	vld [tilespmem:s10+$0xFFFFFF50]  }
0xb1: {  	[tilespmem:s10+$0xFFFFFFC0] =	vst v4;
	v3 =	vmul.f32 v7, v3;
	v4 =	vld [tilespmem:s10+$0xFFFFFFD0]  }
0xb2: {  	v7 =	vld [tilespmem:s18+$0xFFFFFFD0];
	v2 =	vmul.f32 v2, v8  }
0xb3: {  	[tilespmem:s10+$0x40] =	vst v3;
	v3 =	vld [tilespmem:s10+$0x50]  }
0xb4: {  	v8 =	vld [tilespmem:s18+$0x50];
	[tilespmem:s10+$0xFFFFFF40] =	vst v2;
	v1 =	vmul.f32 v5, v1  }
0xb5: {  	v2 =	vld [tilespmem:s18+$0xFFFFFF50]  }
0xb6: {  	[tilespmem:s10+$0xD0] =	vst v1;
	v1 =	vld [tilespmem:s10+$0xE0]  }
0xb7: {  	v4 =	vmul.f32 v7, v4;
	v5 =	vld [tilespmem:s18+$0xE0]  }
0xb8: {  	v7 =	vld [tilespmem:s10+$0xFFFFFF60]  }
0xb9: {  	[tilespmem:s10+$0xFFFFFFD0] =	vst v4;
	v3 =	vmul.f32 v8, v3;
	v4 =	vld [tilespmem:s10+$0xFFFFFFE0]  }
0xba: {  	v8 =	vld [tilespmem:s18+$0xFFFFFFE0];
	v2 =	vmul.f32 v2, v6  }
0xbb: {  	[tilespmem:s10+$0x50] =	vst v3;
	v3 =	vld [tilespmem:s10+$0x60]  }
0xbc: {  	v6 =	vld [tilespmem:s18+$0x60];
	[tilespmem:s10+$0xFFFFFF50] =	vst v2;
	v1 =	vmul.f32 v5, v1  }
0xbd: {  	v5 =	vld [tilespmem:s18+$0xFFFFFF60]  }
0xbe: {  	v9 =	vld [tilespmem:s10+$0xF0];
	[tilespmem:s10+$0xE0] =	vst v1  }
0xbf: {  	v2 =	vmul.f32 v8, v4;
	v8 =	vld [tilespmem:s18+$0xF0]  }
0xc0: {  	v1 =	vld [tilespmem:s10+$0xFFFFFF70]  }
0xc1: {  	[tilespmem:s10+$0xFFFFFFE0] =	vst v2;
	v3 =	vmul.f32 v6, v3;
	v2 =	vld [tilespmem:s10+$0xFFFFFFF0]  }
0xc2: {  	v4 =	vld [tilespmem:s18+$0xFFFFFFF0];
	v5 =	vmul.f32 v5, v7  }
0xc3: {  	[tilespmem:s10+$0x60] =	vst v3;
	v3 =	vld [tilespmem:s10+$0x70]  }
0xc4: {  	[tilespmem:s10+$0xFFFFFF60] =	vst v5;
	v5 =	vld [tilespmem:s18+$0x70];
	v7 =	vmul.f32 v8, v9  }
0xc5: {  	s24 =	simm.s32 $0x0;
	s8 =	simm.s32 $0x900;
	v6 =	vld [tilespmem:s18+$0xFFFFFF70]  }
.LBB2_6:
0xc6: {  	v8 =	vld [tilespmem:s8+$0x80];
	[tilespmem:s10+$0xF0] =	vst v7;
	s18 =	sadd.s32 $0x200, s18  }
0xc7: {  	s24 =	sadd.s32 $0x4, s24;
	v7 =	vld [tilespmem:s18+$0x80];
	v2 =	vmul.f32 v4, v2  }
0xc8: {  	p2 =	slt.u32 s24, $0x3C;
	v4 =	vld [tilespmem:s18+$0xFFFFFF00]  }
0xc9: {  	v9 =	vld [tilespmem:s8+$0xFFFFFF80];
	[tilespmem:s10+$0xFFFFFFF0] =	vst v2;
	v2 =	vmul.f32 v5, v3  }
0xca: {  	v3 =	vld [tilespmem:s18+$0xFFFFFF80];
	v1 =	vmul.f32 v6, v1  }
0xcb: {  	v5 =	vld [tilespmem:s8+$0x0];
	[tilespmem:s10+$0x70] =	vst v2  }
0xcc: {  	v2 =	vld [tilespmem:s18+$0x0];
	v6 =	vmul.f32 v7, v8;
	[tilespmem:s10+$0xFFFFFF70] =	vst v1;
	s10 =	smov.u32 s8  }
0xcd: {  	v1 =	vld [tilespmem:s8+$0xFFFFFF00]  }
0xce: {  	[tilespmem:s8+$0x80] =	vst v6;
	v6 =	vld [tilespmem:s8+$0x90]  }
0xcf: {  	v3 =	vmul.f32 v3, v9;
	v7 =	vld [tilespmem:s18+$0x90]  }
0xd0: {  	v8 =	vld [tilespmem:s8+$0xFFFFFF10]  }
0xd1: {  	[tilespmem:s8+$0xFFFFFF80] =	vst v3;
	v3 =	vld [tilespmem:s8+$0xFFFFFF90];
	v2 =	vmul.f32 v2, v5  }
0xd2: {  	v1 =	vmul.f32 v4, v1;
	v4 =	vld [tilespmem:s18+$0xFFFFFF90]  }
0xd3: {  	[tilespmem:s8+$0x0] =	vst v2;
	v2 =	vld [tilespmem:s8+$0x10]  }
0xd4: {  	[tilespmem:s8+$0xFFFFFF00] =	vst v1;
	v1 =	vld [tilespmem:s18+$0x10];
	v5 =	vmul.f32 v7, v6  }
0xd5: {  	v6 =	vld [tilespmem:s18+$0xFFFFFF10]  }
0xd6: {  	[tilespmem:s8+$0x90] =	vst v5;
	v5 =	vld [tilespmem:s8+$0xA0]  }
0xd7: {  	v3 =	vmul.f32 v4, v3;
	v4 =	vld [tilespmem:s18+$0xA0]  }
0xd8: {  	v7 =	vld [tilespmem:s8+$0xFFFFFF20]  }
0xd9: {  	[tilespmem:s8+$0xFFFFFF90] =	vst v3;
	v3 =	vld [tilespmem:s8+$0xFFFFFFA0];
	v1 =	vmul.f32 v1, v2  }
0xda: {  	v2 =	vmul.f32 v6, v8;
	v6 =	vld [tilespmem:s18+$0xFFFFFFA0]  }
0xdb: {  	[tilespmem:s8+$0x10] =	vst v1;
	v1 =	vld [tilespmem:s8+$0x20]  }
0xdc: {  	[tilespmem:s8+$0xFFFFFF10] =	vst v2;
	v2 =	vld [tilespmem:s18+$0x20];
	v4 =	vmul.f32 v4, v5  }
0xdd: {  	v5 =	vld [tilespmem:s18+$0xFFFFFF20]  }
0xde: {  	[tilespmem:s8+$0xA0] =	vst v4;
	v4 =	vld [tilespmem:s8+$0xB0]  }
0xdf: {  	v3 =	vmul.f32 v6, v3;
	v6 =	vld [tilespmem:s18+$0xB0]  }
0xe0: {  	v8 =	vld [tilespmem:s8+$0xFFFFFF30]  }
0xe1: {  	[tilespmem:s8+$0xFFFFFFA0] =	vst v3;
	v3 =	vld [tilespmem:s8+$0xFFFFFFB0];
	v1 =	vmul.f32 v2, v1  }
0xe2: {  	v2 =	vmul.f32 v5, v7;
	v5 =	vld [tilespmem:s18+$0xFFFFFFB0]  }
0xe3: {  	[tilespmem:s8+$0x20] =	vst v1;
	v1 =	vld [tilespmem:s8+$0x30]  }
0xe4: {  	[tilespmem:s8+$0xFFFFFF20] =	vst v2;
	v2 =	vld [tilespmem:s18+$0x30];
	v4 =	vmul.f32 v6, v4  }
0xe5: {  	v6 =	vld [tilespmem:s18+$0xFFFFFF30]  }
0xe6: {  	[tilespmem:s8+$0xB0] =	vst v4;
	v4 =	vld [tilespmem:s8+$0xC0]  }
0xe7: {  	v3 =	vmul.f32 v5, v3;
	v5 =	vld [tilespmem:s18+$0xC0]  }
0xe8: {  	v7 =	vld [tilespmem:s8+$0xFFFFFF40]  }
0xe9: {  	[tilespmem:s8+$0xFFFFFFB0] =	vst v3;
	v3 =	vld [tilespmem:s8+$0xFFFFFFC0];
	v1 =	vmul.f32 v2, v1  }
0xea: {  	v2 =	vmul.f32 v6, v8;
	v6 =	vld [tilespmem:s18+$0xFFFFFFC0]  }
0xeb: {  	[tilespmem:s8+$0x30] =	vst v1;
	v1 =	vld [tilespmem:s8+$0x40]  }
0xec: {  	[tilespmem:s8+$0xFFFFFF30] =	vst v2;
	v2 =	vld [tilespmem:s18+$0x40];
	v4 =	vmul.f32 v5, v4  }
0xed: {  	v5 =	vld [tilespmem:s18+$0xFFFFFF40]  }
0xee: {  	[tilespmem:s8+$0xC0] =	vst v4;
	v4 =	vld [tilespmem:s8+$0xD0]  }
0xef: {  	v3 =	vmul.f32 v6, v3;
	v6 =	vld [tilespmem:s18+$0xD0]  }
0xf0: {  	v8 =	vld [tilespmem:s8+$0xFFFFFF50]  }
0xf1: {  	[tilespmem:s8+$0xFFFFFFC0] =	vst v3;
	v3 =	vld [tilespmem:s8+$0xFFFFFFD0];
	v1 =	vmul.f32 v2, v1  }
0xf2: {  	v2 =	vmul.f32 v5, v7;
	v5 =	vld [tilespmem:s18+$0xFFFFFFD0]  }
0xf3: {  	[tilespmem:s8+$0x40] =	vst v1;
	v1 =	vld [tilespmem:s8+$0x50]  }
0xf4: {  	[tilespmem:s8+$0xFFFFFF40] =	vst v2;
	v2 =	vld [tilespmem:s18+$0x50];
	v4 =	vmul.f32 v6, v4  }
0xf5: {  	v6 =	vld [tilespmem:s18+$0xFFFFFF50]  }
0xf6: {  	[tilespmem:s8+$0xD0] =	vst v4;
	v4 =	vld [tilespmem:s8+$0xE0]  }
0xf7: {  	v3 =	vmul.f32 v5, v3;
	v5 =	vld [tilespmem:s18+$0xE0]  }
0xf8: {  	v7 =	vld [tilespmem:s8+$0xFFFFFF60]  }
0xf9: {  	[tilespmem:s8+$0xFFFFFFD0] =	vst v3;
	v3 =	vld [tilespmem:s8+$0xFFFFFFE0];
	v1 =	vmul.f32 v2, v1  }
0xfa: {  	v2 =	vmul.f32 v6, v8;
	v6 =	vld [tilespmem:s18+$0xFFFFFFE0]  }
0xfb: {  	[tilespmem:s8+$0x50] =	vst v1;
	v8 =	vld [tilespmem:s8+$0x60]  }
0xfc: {  	[tilespmem:s8+$0xFFFFFF50] =	vst v2;
	v9 =	vld [tilespmem:s18+$0x60];
	v1 =	vmul.f32 v5, v4  }
0xfd: {  	v4 =	vld [tilespmem:s18+$0xFFFFFF60]  }
0xfe: {  	[tilespmem:s8+$0xE0] =	vst v1;
	v10 =	vld [tilespmem:s8+$0xF0]  }
0xff: {  	v2 =	vmul.f32 v6, v3;
	v6 =	vld [tilespmem:s18+$0xF0]  }
0x100: {  	v1 =	vld [tilespmem:s8+$0xFFFFFF70]  }
.Ltmp5:
0x101: {  	[tilespmem:s8+$0xFFFFFFE0] =	vst v2;
	v2 =	vld [tilespmem:s8+$0xFFFFFFF0];
	v3 =	vmul.f32 v9, v8;
	(pc) =	sbr.rel @p2 .LBB2_6-.Ltmp5, $4  }
0x102: {  	v5 =	vmul.f32 v4, v7;
	v4 =	vld [tilespmem:s18+$0xFFFFFFF0]  }
0x103: {  	[tilespmem:s8+$0x60] =	vst v3;
	v3 =	vld [tilespmem:s8+$0x70]  }
0x104: {  	[tilespmem:s8+$0xFFFFFF60] =	vst v5;
	v5 =	vld [tilespmem:s18+$0x70];
	v7 =	vmul.f32 v6, v10  }
0x105: {  	s8 =	sadd.s32 $0x200, s8;
	v6 =	vld [tilespmem:s18+$0xFFFFFF70]  }
0x106: {  	_ =	sdelay $0x1  }
0x107: {  	v2 =	vmul.f32 v4, v2  }
0x108: {  	[tilespmem:s10+$0xF0] =	vst v7;
	v3 =	vmul.f32 v5, v3  }
0x109: {  	[tilespmem:s10+$0xFFFFFFF0] =	vst v2;
	v1 =	vmul.f32 v6, v1  }
0x10a: {  	[tilespmem:s10+$0x70] =	vst v3  }
0x10b: {  	[tilespmem:s10+$0xFFFFFF70] =	vst v1  }
0x10c: {  	[spmem:s3] =	stream.indirect.scatter.add.f32 [tilespmem:s25], [sflag:$0x7], $0x80, s30, s31, $0xb8;
	[tilespmem:$0x1FE80] =	vst v63  }
.LBB2_8:
0x10d: {  	p3 =	sge.u32 s14, s11  }
.Ltmp6:
0x10e: {  	_ = 	snop;
	(pc) =	sbr.rel @p3 .LBB2_12-.Ltmp6, $3  }
0x10f: {  	_ =	sdelay $0x1  }
0x110: {  	s10 =	sadd.s32 $0x3, s14  }
0x111: {  	p2 =	sgt.u32 s10, s11  }
0x112: {  	s8 =	sshll.u32 @!p2 s10, $0x7  }
0x113: {  	s8 =	sor.u32 @!p2 s9, s8  }
0x114: {  	s18 =	simm.s32 @!p2 $0x0;
	s13 =	sadd.s32 @!p2 s6, s8  }
0x115: {  	[tilespmem:s18], [sflag:$0xA] =	stream.linear.gather @!p2 [hbm4b:s13+s18], $0x40, $0x38;
	[tilespmem:$0x1FE80] =	vst v63  }
0x116: {  	s8 =	sadd.s32 @!p2 s7, s8;
	s13 =	simm.s32 @!p2 $0x200  }
0x117: {  	[tilespmem:s13], [sflag:$0xD] =	stream.linear.gather @!p2 [hbm4b:s8+s18], $0x40, $0x38;
	[tilespmem:$0x1FE80] =	vst v63  }
0x118: {  	s8 =	sadd.s32 $0x2, s14  }
0x119: {  	p3 =	sgt.u32 s8, s11  }
0x11a: {  	p4 =	seq.s32 @!p3 s28, $0x0  }
0x11b: {  	p4 =	por p4, p3  }
0x11c: {  	s13 =	simm.s32 @!p4 $0x9  }
0x11d: {  	_ =	swait.ge @!p4 [sflag:s13], $0x2000  }
0x11e: {  	[sflag:s13] =	ssyncset.done @!p4 $0x0  }
0x11f: {  	[sflag:s13] =	ssyncadd.s32 @!p4 $0xFFFFE000;
	s13 =	simm.s32 @!p3 $0xC  }
0x120: {  	_ =	swait.ge @!p3 [sflag:s13], $0x40  }
0x121: {  	[sflag:s13] =	ssyncset.done @!p3 $0x0  }
0x122: {  	[sflag:s13] =	ssyncadd.s32 @!p3 $0xFFFFFFC0;
	s13 =	simm.s32 @!p3 $0xF  }
0x123: {  	_ =	swait.ge @!p3 [sflag:s13], $0x40  }
0x124: {  	[sflag:s13] =	ssyncset.done @!p3 $0x0  }
0x125: {  	[sflag:s13] =	ssyncadd.s32 @!p3 $0xFFFFFFC0  }
0x126: {  	v1 =	vld @!p3 [tilespmem:$0x300]  }
0x127: {  	v2 =	vld @!p3 [tilespmem:$0x100]  }
0x128: {  	v3 =	vld @!p3 [tilespmem:$0x310];
	_ =	sdelay $0x1  }
0x129: {  	v4 =	vld @!p3 [tilespmem:$0x110]  }
0x12a: {  	v5 =	vld @!p3 [tilespmem:$0x320]  }
0x12b: {  	v6 =	vld @!p3 [tilespmem:$0x120];
	v1 =	vadd.s32 @!p3 v0, v1;
	[tilespmem:$0x500] =	vst @!p3 v2  }
0x12c: {  	v2 =	vadd.s32 @!p3 v0, v3;
	[tilespmem:$0x300] =	vst @!p3 v1;
	v1 =	vld @!p3 [tilespmem:$0x330]  }
0x12d: {  	[tilespmem:$0x310] =	vst @!p3 v2;
	v2 =	vld @!p3 [tilespmem:$0x130];
	_ =	sdelay $0x1  }
0x12e: {  	[tilespmem:$0x510] =	vst @!p3 v4  }
0x12f: {  	v3 =	vadd.s32 @!p3 v0, v5;
	[tilespmem:$0x520] =	vst @!p3 v6  }
0x130: {  	[tilespmem:$0x320] =	vst @!p3 v3  }
0x131: {  	s18 =	simm.s32 @!p3 $0x300;
	v1 =	vadd.s32 @!p3 v0, v1;
	[tilespmem:$0x530] =	vst @!p3 v2  }
0x132: {  	s24 =	simm.s32 @!p3 $0x4600;
	s8 =	sshll.u32 @!p3 s8, $0xE;
	s13 =	simm.s32 @!p3 $0x40;
	[tilespmem:$0x330] =	vst @!p3 v1  }
0x133: {  	[tilespmem:s24], [sflag:$0x3] =	stream.indirect.gather @!p3 [hbm4b:s1+s13], $0x80, s18, s13, $0xb8;
	[tilespmem:$0x1FE80] =	vst v63  }
0x134: {  	s8 =	sadd.s32 @!p3 s23, s8;
	s13 =	simm.s32 @!p3 $0x0;
	s18 =	simm.s32 @!p3 $0xA600  }
0x135: {  	[tilespmem:s18], [sflag:$0x6] =	stream.linear.gather @!p3 [hbm4b:s8+s13], $0x2000, $0x38;
	[tilespmem:$0x1FE80] =	vst v63  }
0x136: {  	_ =	swait.ge [sflag:s0], $0x2000  }
0x137: {  	[sflag:s0] =	ssyncset.done $0x0  }
0x138: {  	[sflag:s0] =	ssyncadd.s32 $0xFFFFE000  }
0x139: {  	_ =	swait.ge [sflag:s2], $0x2000  }
0x13a: {  	[sflag:s2] =	ssyncset.done $0x0  }
0x13b: {  	s18 =	simm.s32 $0x27F0;
	[sflag:s2] =	ssyncadd.s32 $0xFFFFE000  }
0x13c: {  	s24 =	simm.s32 $0x87F0;
	v1 =	vld [tilespmem:s18+$0xFFFFFF90]  }
0x13d: {  	v2 =	vld [tilespmem:s24+$0xFFFFFF90]  }
0x13e: {  	v3 =	vld [tilespmem:s18+$0xFFFFFE90]  }
0x13f: {  	v4 =	vld [tilespmem:s24+$0xFFFFFE90]  }
0x140: {  	v5 =	vld [tilespmem:s18+$0xFFFFFF10]  }
0x141: {  	v6 =	vld [tilespmem:s24+$0xFFFFFF10]  }
0x142: {  	v7 =	vld [tilespmem:s18+$0xFFFFFE10];
	v1 =	vmul.f32 v2, v1  }
0x143: {  	v2 =	vld [tilespmem:s24+$0xFFFFFE10]  }
0x144: {  	[tilespmem:s18+$0xFFFFFF90] =	vst v1;
	v1 =	vld [tilespmem:s18+$0xFFFFFFA0]  }
0x145: {  	v3 =	vmul.f32 v4, v3;
	v4 =	vld [tilespmem:s24+$0xFFFFFFA0]  }
0x146: {  	v8 =	vld [tilespmem:s18+$0xFFFFFE20]  }
0x147: {  	[tilespmem:s18+$0xFFFFFE90] =	vst v3;
	v3 =	vmul.f32 v6, v5;
	v5 =	vld [tilespmem:s18+$0xFFFFFEA0]  }
0x148: {  	v6 =	vld [tilespmem:s24+$0xFFFFFEA0];
	v2 =	vmul.f32 v2, v7  }
0x149: {  	[tilespmem:s18+$0xFFFFFF10] =	vst v3;
	v3 =	vld [tilespmem:s18+$0xFFFFFF20]  }
0x14a: {  	v7 =	vld [tilespmem:s24+$0xFFFFFF20];
	[tilespmem:s18+$0xFFFFFE10] =	vst v2;
	v1 =	vmul.f32 v4, v1  }
0x14b: {  	v2 =	vld [tilespmem:s24+$0xFFFFFE20]  }
0x14c: {  	[tilespmem:s18+$0xFFFFFFA0] =	vst v1;
	v1 =	vld [tilespmem:s18+$0xFFFFFFB0]  }
0x14d: {  	v4 =	vmul.f32 v6, v5;
	v5 =	vld [tilespmem:s24+$0xFFFFFFB0]  }
0x14e: {  	v6 =	vld [tilespmem:s18+$0xFFFFFE30]  }
0x14f: {  	[tilespmem:s18+$0xFFFFFEA0] =	vst v4;
	v3 =	vmul.f32 v7, v3;
	v4 =	vld [tilespmem:s18+$0xFFFFFEB0]  }
0x150: {  	v7 =	vld [tilespmem:s24+$0xFFFFFEB0];
	v2 =	vmul.f32 v2, v8  }
0x151: {  	[tilespmem:s18+$0xFFFFFF20] =	vst v3;
	v3 =	vld [tilespmem:s18+$0xFFFFFF30]  }
0x152: {  	v8 =	vld [tilespmem:s24+$0xFFFFFF30];
	[tilespmem:s18+$0xFFFFFE20] =	vst v2;
	v1 =	vmul.f32 v5, v1  }
0x153: {  	v2 =	vld [tilespmem:s24+$0xFFFFFE30]  }
0x154: {  	[tilespmem:s18+$0xFFFFFFB0] =	vst v1;
	v1 =	vld [tilespmem:s18+$0xFFFFFFC0]  }
0x155: {  	v4 =	vmul.f32 v7, v4;
	v5 =	vld [tilespmem:s24+$0xFFFFFFC0]  }
0x156: {  	v7 =	vld [tilespmem:s18+$0xFFFFFE40]  }
0x157: {  	[tilespmem:s18+$0xFFFFFEB0] =	vst v4;
	v3 =	vmul.f32 v8, v3;
	v4 =	vld [tilespmem:s18+$0xFFFFFEC0]  }
0x158: {  	v8 =	vld [tilespmem:s24+$0xFFFFFEC0];
	v2 =	vmul.f32 v2, v6  }
0x159: {  	[tilespmem:s18+$0xFFFFFF30] =	vst v3;
	v3 =	vld [tilespmem:s18+$0xFFFFFF40]  }
0x15a: {  	v6 =	vld [tilespmem:s24+$0xFFFFFF40];
	[tilespmem:s18+$0xFFFFFE30] =	vst v2;
	v1 =	vmul.f32 v5, v1  }
0x15b: {  	v2 =	vld [tilespmem:s24+$0xFFFFFE40]  }
0x15c: {  	[tilespmem:s18+$0xFFFFFFC0] =	vst v1;
	v1 =	vld [tilespmem:s18+$0xFFFFFFD0]  }
0x15d: {  	v4 =	vmul.f32 v8, v4;
	v5 =	vld [tilespmem:s24+$0xFFFFFFD0]  }
0x15e: {  	v8 =	vld [tilespmem:s18+$0xFFFFFE50]  }
0x15f: {  	[tilespmem:s18+$0xFFFFFEC0] =	vst v4;
	v3 =	vmul.f32 v6, v3;
	v4 =	vld [tilespmem:s18+$0xFFFFFED0]  }
0x160: {  	v6 =	vld [tilespmem:s24+$0xFFFFFED0];
	v2 =	vmul.f32 v2, v7  }
0x161: {  	[tilespmem:s18+$0xFFFFFF40] =	vst v3;
	v3 =	vld [tilespmem:s18+$0xFFFFFF50]  }
0x162: {  	v7 =	vld [tilespmem:s24+$0xFFFFFF50];
	[tilespmem:s18+$0xFFFFFE40] =	vst v2;
	v1 =	vmul.f32 v5, v1  }
0x163: {  	v2 =	vld [tilespmem:s24+$0xFFFFFE50]  }
0x164: {  	[tilespmem:s18+$0xFFFFFFD0] =	vst v1;
	v1 =	vld [tilespmem:s18+$0xFFFFFFE0]  }
0x165: {  	v4 =	vmul.f32 v6, v4;
	v5 =	vld [tilespmem:s24+$0xFFFFFFE0]  }
0x166: {  	v6 =	vld [tilespmem:s18+$0xFFFFFE60]  }
0x167: {  	[tilespmem:s18+$0xFFFFFED0] =	vst v4;
	v3 =	vmul.f32 v7, v3;
	v4 =	vld [tilespmem:s18+$0xFFFFFEE0]  }
0x168: {  	v7 =	vld [tilespmem:s24+$0xFFFFFEE0];
	v2 =	vmul.f32 v2, v8  }
0x169: {  	[tilespmem:s18+$0xFFFFFF50] =	vst v3;
	v3 =	vld [tilespmem:s18+$0xFFFFFF60]  }
0x16a: {  	v8 =	vld [tilespmem:s24+$0xFFFFFF60];
	[tilespmem:s18+$0xFFFFFE50] =	vst v2;
	v1 =	vmul.f32 v5, v1  }
0x16b: {  	v2 =	vld [tilespmem:s24+$0xFFFFFE60]  }
0x16c: {  	[tilespmem:s18+$0xFFFFFFE0] =	vst v1;
	v1 =	vld [tilespmem:s18+$0xFFFFFFF0]  }
0x16d: {  	v4 =	vmul.f32 v7, v4;
	v5 =	vld [tilespmem:s24+$0xFFFFFFF0]  }
0x16e: {  	v7 =	vld [tilespmem:s18+$0xFFFFFE70]  }
0x16f: {  	[tilespmem:s18+$0xFFFFFEE0] =	vst v4;
	v3 =	vmul.f32 v8, v3;
	v4 =	vld [tilespmem:s18+$0xFFFFFEF0]  }
0x170: {  	v8 =	vld [tilespmem:s24+$0xFFFFFEF0];
	v2 =	vmul.f32 v2, v6  }
0x171: {  	[tilespmem:s18+$0xFFFFFF60] =	vst v3;
	v3 =	vld [tilespmem:s18+$0xFFFFFF70]  }
0x172: {  	v6 =	vld [tilespmem:s24+$0xFFFFFF70];
	[tilespmem:s18+$0xFFFFFE60] =	vst v2;
	v1 =	vmul.f32 v5, v1  }
0x173: {  	v5 =	vld [tilespmem:s24+$0xFFFFFE70]  }
0x174: {  	v9 =	vld [tilespmem:s18+$0x0];
	[tilespmem:s18+$0xFFFFFFF0] =	vst v1  }
0x175: {  	v2 =	vmul.f32 v8, v4;
	v8 =	vld [tilespmem:s24+$0x0]  }
0x176: {  	v1 =	vld [tilespmem:s18+$0xFFFFFE80]  }
0x177: {  	[tilespmem:s18+$0xFFFFFEF0] =	vst v2;
	v3 =	vmul.f32 v6, v3;
	v2 =	vld [tilespmem:s18+$0xFFFFFF00]  }
0x178: {  	v4 =	vld [tilespmem:s24+$0xFFFFFF00];
	v5 =	vmul.f32 v5, v7  }
0x179: {  	[tilespmem:s18+$0xFFFFFF70] =	vst v3;
	v3 =	vld [tilespmem:s18+$0xFFFFFF80]  }
0x17a: {  	[tilespmem:s18+$0xFFFFFE70] =	vst v5;
	v5 =	vld [tilespmem:s24+$0xFFFFFF80];
	v7 =	vmul.f32 v8, v9  }
0x17b: {  	s8 =	simm.s32 $0x0;
	s13 =	simm.s32 $0x29F0;
	v6 =	vld [tilespmem:s24+$0xFFFFFE80]  }
.LBB2_10:
0x17c: {  	v8 =	vld [tilespmem:s13+$0xFFFFFF90];
	[tilespmem:s18+$0x0] =	vst v7;
	s24 =	sadd.s32 $0x200, s24  }
0x17d: {  	s8 =	sadd.s32 $0x4, s8;
	v7 =	vld [tilespmem:s24+$0xFFFFFF90];
	v2 =	vmul.f32 v4, v2  }
0x17e: {  	p3 =	slt.u32 s8, $0x3C;
	v4 =	vld [tilespmem:s24+$0xFFFFFE10]  }
0x17f: {  	v9 =	vld [tilespmem:s13+$0xFFFFFE90];
	[tilespmem:s18+$0xFFFFFF00] =	vst v2;
	v2 =	vmul.f32 v5, v3  }
0x180: {  	v3 =	vld [tilespmem:s24+$0xFFFFFE90];
	v1 =	vmul.f32 v6, v1  }
0x181: {  	v5 =	vld [tilespmem:s13+$0xFFFFFF10];
	[tilespmem:s18+$0xFFFFFF80] =	vst v2  }
0x182: {  	v2 =	vld [tilespmem:s24+$0xFFFFFF10];
	v6 =	vmul.f32 v7, v8;
	[tilespmem:s18+$0xFFFFFE80] =	vst v1;
	s18 =	smov.u32 s13  }
0x183: {  	v1 =	vld [tilespmem:s13+$0xFFFFFE10]  }
0x184: {  	[tilespmem:s13+$0xFFFFFF90] =	vst v6;
	v6 =	vld [tilespmem:s13+$0xFFFFFFA0]  }
0x185: {  	v3 =	vmul.f32 v3, v9;
	v7 =	vld [tilespmem:s24+$0xFFFFFFA0]  }
0x186: {  	v8 =	vld [tilespmem:s13+$0xFFFFFE20]  }
0x187: {  	[tilespmem:s13+$0xFFFFFE90] =	vst v3;
	v3 =	vld [tilespmem:s13+$0xFFFFFEA0];
	v2 =	vmul.f32 v2, v5  }
0x188: {  	v1 =	vmul.f32 v4, v1;
	v4 =	vld [tilespmem:s24+$0xFFFFFEA0]  }
0x189: {  	[tilespmem:s13+$0xFFFFFF10] =	vst v2;
	v2 =	vld [tilespmem:s13+$0xFFFFFF20]  }
0x18a: {  	[tilespmem:s13+$0xFFFFFE10] =	vst v1;
	v1 =	vld [tilespmem:s24+$0xFFFFFF20];
	v5 =	vmul.f32 v7, v6  }
0x18b: {  	v6 =	vld [tilespmem:s24+$0xFFFFFE20]  }
0x18c: {  	[tilespmem:s13+$0xFFFFFFA0] =	vst v5;
	v5 =	vld [tilespmem:s13+$0xFFFFFFB0]  }
0x18d: {  	v3 =	vmul.f32 v4, v3;
	v4 =	vld [tilespmem:s24+$0xFFFFFFB0]  }
0x18e: {  	v7 =	vld [tilespmem:s13+$0xFFFFFE30]  }
0x18f: {  	[tilespmem:s13+$0xFFFFFEA0] =	vst v3;
	v3 =	vld [tilespmem:s13+$0xFFFFFEB0];
	v1 =	vmul.f32 v1, v2  }
0x190: {  	v2 =	vmul.f32 v6, v8;
	v6 =	vld [tilespmem:s24+$0xFFFFFEB0]  }
0x191: {  	[tilespmem:s13+$0xFFFFFF20] =	vst v1;
	v1 =	vld [tilespmem:s13+$0xFFFFFF30]  }
0x192: {  	[tilespmem:s13+$0xFFFFFE20] =	vst v2;
	v2 =	vld [tilespmem:s24+$0xFFFFFF30];
	v4 =	vmul.f32 v4, v5  }
0x193: {  	v5 =	vld [tilespmem:s24+$0xFFFFFE30]  }
0x194: {  	[tilespmem:s13+$0xFFFFFFB0] =	vst v4;
	v4 =	vld [tilespmem:s13+$0xFFFFFFC0]  }
0x195: {  	v3 =	vmul.f32 v6, v3;
	v6 =	vld [tilespmem:s24+$0xFFFFFFC0]  }
0x196: {  	v8 =	vld [tilespmem:s13+$0xFFFFFE40]  }
0x197: {  	[tilespmem:s13+$0xFFFFFEB0] =	vst v3;
	v3 =	vld [tilespmem:s13+$0xFFFFFEC0];
	v1 =	vmul.f32 v2, v1  }
0x198: {  	v2 =	vmul.f32 v5, v7;
	v5 =	vld [tilespmem:s24+$0xFFFFFEC0]  }
0x199: {  	[tilespmem:s13+$0xFFFFFF30] =	vst v1;
	v1 =	vld [tilespmem:s13+$0xFFFFFF40]  }
0x19a: {  	[tilespmem:s13+$0xFFFFFE30] =	vst v2;
	v2 =	vld [tilespmem:s24+$0xFFFFFF40];
	v4 =	vmul.f32 v6, v4  }
0x19b: {  	v6 =	vld [tilespmem:s24+$0xFFFFFE40]  }
0x19c: {  	[tilespmem:s13+$0xFFFFFFC0] =	vst v4;
	v4 =	vld [tilespmem:s13+$0xFFFFFFD0]  }
0x19d: {  	v3 =	vmul.f32 v5, v3;
	v5 =	vld [tilespmem:s24+$0xFFFFFFD0]  }
0x19e: {  	v7 =	vld [tilespmem:s13+$0xFFFFFE50]  }
0x19f: {  	[tilespmem:s13+$0xFFFFFEC0] =	vst v3;
	v3 =	vld [tilespmem:s13+$0xFFFFFED0];
	v1 =	vmul.f32 v2, v1  }
0x1a0: {  	v2 =	vmul.f32 v6, v8;
	v6 =	vld [tilespmem:s24+$0xFFFFFED0]  }
0x1a1: {  	[tilespmem:s13+$0xFFFFFF40] =	vst v1;
	v1 =	vld [tilespmem:s13+$0xFFFFFF50]  }
0x1a2: {  	[tilespmem:s13+$0xFFFFFE40] =	vst v2;
	v2 =	vld [tilespmem:s24+$0xFFFFFF50];
	v4 =	vmul.f32 v5, v4  }
0x1a3: {  	v5 =	vld [tilespmem:s24+$0xFFFFFE50]  }
0x1a4: {  	[tilespmem:s13+$0xFFFFFFD0] =	vst v4;
	v4 =	vld [tilespmem:s13+$0xFFFFFFE0]  }
0x1a5: {  	v3 =	vmul.f32 v6, v3;
	v6 =	vld [tilespmem:s24+$0xFFFFFFE0]  }
0x1a6: {  	v8 =	vld [tilespmem:s13+$0xFFFFFE60]  }
0x1a7: {  	[tilespmem:s13+$0xFFFFFED0] =	vst v3;
	v3 =	vld [tilespmem:s13+$0xFFFFFEE0];
	v1 =	vmul.f32 v2, v1  }
0x1a8: {  	v2 =	vmul.f32 v5, v7;
	v5 =	vld [tilespmem:s24+$0xFFFFFEE0]  }
0x1a9: {  	[tilespmem:s13+$0xFFFFFF50] =	vst v1;
	v1 =	vld [tilespmem:s13+$0xFFFFFF60]  }
0x1aa: {  	[tilespmem:s13+$0xFFFFFE50] =	vst v2;
	v2 =	vld [tilespmem:s24+$0xFFFFFF60];
	v4 =	vmul.f32 v6, v4  }
0x1ab: {  	v6 =	vld [tilespmem:s24+$0xFFFFFE60]  }
0x1ac: {  	[tilespmem:s13+$0xFFFFFFE0] =	vst v4;
	v4 =	vld [tilespmem:s13+$0xFFFFFFF0]  }
0x1ad: {  	v3 =	vmul.f32 v5, v3;
	v5 =	vld [tilespmem:s24+$0xFFFFFFF0]  }
0x1ae: {  	v7 =	vld [tilespmem:s13+$0xFFFFFE70]  }
0x1af: {  	[tilespmem:s13+$0xFFFFFEE0] =	vst v3;
	v3 =	vld [tilespmem:s13+$0xFFFFFEF0];
	v1 =	vmul.f32 v2, v1  }
0x1b0: {  	v2 =	vmul.f32 v6, v8;
	v6 =	vld [tilespmem:s24+$0xFFFFFEF0]  }
0x1b1: {  	[tilespmem:s13+$0xFFFFFF60] =	vst v1;
	v8 =	vld [tilespmem:s13+$0xFFFFFF70]  }
0x1b2: {  	[tilespmem:s13+$0xFFFFFE60] =	vst v2;
	v9 =	vld [tilespmem:s24+$0xFFFFFF70];
	v1 =	vmul.f32 v5, v4  }
0x1b3: {  	v4 =	vld [tilespmem:s24+$0xFFFFFE70]  }
0x1b4: {  	[tilespmem:s13+$0xFFFFFFF0] =	vst v1;
	v10 =	vld [tilespmem:s13+$0x0]  }
0x1b5: {  	v2 =	vmul.f32 v6, v3;
	v6 =	vld [tilespmem:s24+$0x0]  }
0x1b6: {  	v1 =	vld [tilespmem:s13+$0xFFFFFE80]  }
.Ltmp7:
0x1b7: {  	[tilespmem:s13+$0xFFFFFEF0] =	vst v2;
	v2 =	vld [tilespmem:s13+$0xFFFFFF00];
	v3 =	vmul.f32 v9, v8;
	(pc) =	sbr.rel @p3 .LBB2_10-.Ltmp7, $4  }
0x1b8: {  	v5 =	vmul.f32 v4, v7;
	v4 =	vld [tilespmem:s24+$0xFFFFFF00]  }
0x1b9: {  	[tilespmem:s13+$0xFFFFFF70] =	vst v3;
	v3 =	vld [tilespmem:s13+$0xFFFFFF80]  }
0x1ba: {  	[tilespmem:s13+$0xFFFFFE70] =	vst v5;
	v5 =	vld [tilespmem:s24+$0xFFFFFF80];
	v7 =	vmul.f32 v6, v10  }
0x1bb: {  	s13 =	sadd.s32 $0x200, s13;
	v6 =	vld [tilespmem:s24+$0xFFFFFE80]  }
0x1bc: {  	_ =	sdelay $0x1  }
0x1bd: {  	v2 =	vmul.f32 v4, v2  }
0x1be: {  	[tilespmem:s18+$0x0] =	vst v7;
	v3 =	vmul.f32 v5, v3  }
0x1bf: {  	[tilespmem:s18+$0xFFFFFF00] =	vst v2;
	v1 =	vmul.f32 v6, v1  }
0x1c0: {  	[tilespmem:s18+$0xFFFFFF80] =	vst v3  }
0x1c1: {  	[tilespmem:s18+$0xFFFFFE80] =	vst v1  }
0x1c2: {  	[spmem:s3] =	stream.indirect.scatter.add.f32 [tilespmem:s12], [sflag:$0x8], $0x80, s4, s31, $0xb8;
	[tilespmem:$0x1FE80] =	vst v63  }
.LBB2_12:
0x1c3: {  	p3 =	sgt.u32 s14, s19  }
.Ltmp8:
0x1c4: {  	_ = 	snop;
	(pc) =	sbr.rel @p3 .LBB2_16-.Ltmp8, $1  }
0x1c5: {  	_ =	sdelay $0x3  }
0x1c6: {  	s8 =	sadd.s32 $0x4, s14  }
0x1c7: {  	p3 =	sgt.u32 s8, s11  }
0x1c8: {  	s8 =	sshll.u32 @!p3 s8, $0x7  }
0x1c9: {  	s8 =	sor.u32 @!p3 s9, s8  }
0x1ca: {  	s14 =	simm.s32 @!p3 $0x0;
	s18 =	simm.s32 @!p3 $0x80;
	s13 =	sadd.s32 @!p3 s6, s8  }
0x1cb: {  	[tilespmem:s18], [sflag:$0xB] =	stream.linear.gather @!p3 [hbm4b:s13+s14], $0x40, $0x38;
	[tilespmem:$0x1FE80] =	vst v63  }
0x1cc: {  	s8 =	sadd.s32 @!p3 s7, s8;
	s13 =	simm.s32 @!p3 $0x280  }
0x1cd: {  	[tilespmem:s13], [sflag:$0xE] =	stream.linear.gather @!p3 [hbm4b:s8+s14], $0x40, $0x38;
	[tilespmem:$0x1FE80] =	vst v63  }
0x1ce: {  	s8 =	simm.s32 @!p2 $0x7  }
0x1cf: {  	_ =	swait.ge @!p2 [sflag:s8], $0x2000  }
0x1d0: {  	[sflag:s8] =	ssyncset.done @!p2 $0x0  }
0x1d1: {  	[sflag:s8] =	ssyncadd.s32 @!p2 $0xFFFFE000;
	s8 =	simm.s32 @!p2 $0xA  }
0x1d2: {  	_ =	swait.ge @!p2 [sflag:s8], $0x40  }
0x1d3: {  	[sflag:s8] =	ssyncset.done @!p2 $0x0  }
0x1d4: {  	[sflag:s8] =	ssyncadd.s32 @!p2 $0xFFFFFFC0;
	s8 =	simm.s32 @!p2 $0xD  }
0x1d5: {  	_ =	swait.ge @!p2 [sflag:s8], $0x40  }
0x1d6: {  	[sflag:s8] =	ssyncset.done @!p2 $0x0  }
0x1d7: {  	[sflag:s8] =	ssyncadd.s32 @!p2 $0xFFFFFFC0  }
0x1d8: {  	v1 =	vld @!p2 [tilespmem:$0x200]  }
0x1d9: {  	v2 =	vld @!p2 [tilespmem:$0x0]  }
0x1da: {  	v3 =	vld @!p2 [tilespmem:$0x210];
	_ =	sdelay $0x1  }
0x1db: {  	v4 =	vld @!p2 [tilespmem:$0x10]  }
0x1dc: {  	v5 =	vld @!p2 [tilespmem:$0x220]  }
0x1dd: {  	v6 =	vld @!p2 [tilespmem:$0x20];
	v1 =	vadd.s32 @!p2 v0, v1;
	[tilespmem:$0x400] =	vst @!p2 v2  }
0x1de: {  	v2 =	vadd.s32 @!p2 v0, v3;
	[tilespmem:$0x200] =	vst @!p2 v1;
	v1 =	vld @!p2 [tilespmem:$0x230]  }
0x1df: {  	[tilespmem:$0x210] =	vst @!p2 v2;
	v2 =	vld @!p2 [tilespmem:$0x30];
	_ =	sdelay $0x1  }
0x1e0: {  	[tilespmem:$0x410] =	vst @!p2 v4  }
0x1e1: {  	v3 =	vadd.s32 @!p2 v0, v5;
	[tilespmem:$0x420] =	vst @!p2 v6  }
0x1e2: {  	[tilespmem:$0x220] =	vst @!p2 v3  }
0x1e3: {  	v1 =	vadd.s32 @!p2 v0, v1;
	[tilespmem:$0x430] =	vst @!p2 v2  }
0x1e4: {  	s13 =	simm.s32 @!p2 $0x200;
	s14 =	simm.s32 @!p2 $0x600;
	s8 =	simm.s32 @!p2 $0x40;
	[tilespmem:$0x230] =	vst @!p2 v1  }
0x1e5: {  	[tilespmem:s14], [sflag:$0x1] =	stream.indirect.gather @!p2 [hbm4b:s1+s8], $0x80, s13, s8, $0xb8;
	[tilespmem:$0x1FE80] =	vst v63  }
0x1e6: {  	s8 =	sshll.u32 @!p2 s10, $0xE  }
0x1e7: {  	s10 =	simm.s32 @!p2 $0x0;
	s13 =	simm.s32 @!p2 $0x6600;
	s8 =	sadd.s32 @!p2 s23, s8  }
0x1e8: {  	[tilespmem:s13], [sflag:$0x4] =	stream.linear.gather @!p2 [hbm4b:s8+s10], $0x2000, $0x38;
	[tilespmem:$0x1FE80] =	vst v63  }
0x1e9: {  	_ =	swait.ge [sflag:s16], $0x2000  }
0x1ea: {  	[sflag:s16] =	ssyncset.done $0x0  }
0x1eb: {  	[sflag:s16] =	ssyncadd.s32 $0xFFFFE000  }
0x1ec: {  	_ =	swait.ge [sflag:s17], $0x2000  }
0x1ed: {  	[sflag:s17] =	ssyncset.done $0x0  }
0x1ee: {  	s10 =	simm.s32 $0x0;
	[sflag:s17] =	ssyncadd.s32 $0xFFFFE000  }
0x1ef: {  	v1 =	vld [tilespmem:s10+$0x4600]  }
0x1f0: {  	v2 =	vld [tilespmem:s10+$0xA600]  }
0x1f1: {  	v3 =	vld [tilespmem:s10+$0x4610]  }
0x1f2: {  	v4 =	vld [tilespmem:s10+$0xA610]  }
0x1f3: {  	v5 =	vld [tilespmem:s10+$0x4620]  }
0x1f4: {  	v6 =	vld [tilespmem:s10+$0xA620]  }
0x1f5: {  	v7 =	vld [tilespmem:s10+$0xA630]  }
0x1f6: {  	v8 =	vld [tilespmem:s10+$0x47F0]  }
0x1f7: {  	v9 =	vld [tilespmem:s10+$0xA7F0]  }
0x1f8: {  	v10 =	vld [tilespmem:s10+$0xA660]  }
0x1f9: {  	v11 =	vld [tilespmem:s10+$0x4680]  }
0x1fa: {  	v12 =	vld [tilespmem:s10+$0xA680]  }
0x1fb: {  	v13 =	vld [tilespmem:s10+$0x4690]  }
0x1fc: {  	v14 =	vld [tilespmem:s10+$0xA690]  }
0x1fd: {  	v15 =	vld [tilespmem:s10+$0x46A0]  }
0x1fe: {  	v45 =	vld [tilespmem:s10+$0x46B0]  }
0x1ff: {  	v16 =	vld [tilespmem:s10+$0x4670]  }
0x200: {  	v47 =	vld [tilespmem:s10+$0x46C0]  }
0x201: {  	v48 =	vld [tilespmem:s10+$0xA6C0]  }
0x202: {  	v17 =	vld [tilespmem:s10+$0xA670]  }
0x203: {  	v49 =	vld [tilespmem:s10+$0x46D0]  }
0x204: {  	v18 =	vld [tilespmem:s10+$0xA6D0]  }
0x205: {  	v19 =	vld [tilespmem:s10+$0x4700]  }
0x206: {  	v20 =	vld [tilespmem:s10+$0xA700]  }
0x207: {  	v21 =	vld [tilespmem:s10+$0x4710]  }
0x208: {  	v22 =	vld [tilespmem:s10+$0xA710]  }
0x209: {  	v23 =	vld [tilespmem:s10+$0x4720]  }
0x20a: {  	v50 =	vld [tilespmem:s10+$0xA720]  }
0x20b: {  	v51 =	vld [tilespmem:s10+$0x4730]  }
0x20c: {  	v24 =	vld [tilespmem:s10+$0x46E0]  }
0x20d: {  	v53 =	vld [tilespmem:s10+$0x4740]  }
0x20e: {  	v1 =	vmul.f32 v2, v1;
	v2 =	vld [tilespmem:s10+$0x4630]  }
0x20f: {  	v54 =	vld [tilespmem:s10+$0xA740]  }
0x210: {  	v55 =	vld [tilespmem:s10+$0xA6E0]  }
0x211: {  	v56 =	vld [tilespmem:s10+$0x4750];
	v11 =	vmul.f32 v12, v11  }
0x212: {  	v46 =	vmul.f32 v14, v13;
	[tilespmem:s10+$0x4600] =	vst v1;
	v1 =	vmul.f32 v4, v3;
	v3 =	vld [tilespmem:s10+$0x4640]  }
0x213: {  	[tilespmem:s10+$0x4680] =	vst v11;
	v2 =	vmul.f32 v7, v2;
	v7 =	vld [tilespmem:s10+$0xA6A0]  }
0x214: {  	v19 =	vmul.f32 v20, v19;
	v4 =	vld [tilespmem:s10+$0xA640];
	[tilespmem:s10+$0x4690] =	vst v46  }
0x215: {  	v52 =	vmul.f32 v22, v21;
	[tilespmem:s10+$0x4610] =	vst v1;
	v1 =	vmul.f32 v6, v5;
	v5 =	vld [tilespmem:s10+$0x4650]  }
0x216: {  	[tilespmem:s10+$0x4700] =	vst v19;
	v6 =	vld [tilespmem:s10+$0xA650]  }
0x217: {  	v57 =	vld [tilespmem:s10+$0x46F0];
	v8 =	vmul.f32 v9, v8;
	[tilespmem:s10+$0x4710] =	vst v52  }
0x218: {  	[tilespmem:s10+$0x4620] =	vst v1;
	v1 =	vld [tilespmem:s10+$0x4660];
	v7 =	vmul.f32 v7, v15  }
0x219: {  	v58 =	vld [tilespmem:s10+$0x4760];
	[tilespmem:s10+$0x47F0] =	vst v8  }
0x21a: {  	v3 =	vmul.f32 v4, v3;
	[tilespmem:s10+$0x46A0] =	vst v7;
	v7 =	vld [tilespmem:s10+$0xA730]  }
0x21b: {  	[tilespmem:s10+$0x4630] =	vst v2;
	v2 =	vld [tilespmem:s10+$0xA6B0];
	v5 =	vmul.f32 v6, v5  }
0x21c: {  	v59 =	vld [tilespmem:s10+$0xA760];
	[tilespmem:s10+$0x4640] =	vst v3;
	v15 =	vmul.f32 v50, v23  }
0x21d: {  	v6 =	vld [tilespmem:s10+$0x4780];
	v1 =	vmul.f32 v10, v1;
	[tilespmem:s10+$0x4650] =	vst v5  }
0x21e: {  	v3 =	vld [tilespmem:s10+$0xA780];
	v5 =	vmul.f32 v17, v16;
	[tilespmem:s10+$0x4720] =	vst v15  }
0x21f: {  	v60 =	vld [tilespmem:s10+$0xA790];
	[tilespmem:s10+$0x4660] =	vst v1;
	v7 =	vmul.f32 v7, v51  }
0x220: {  	v8 =	vld [tilespmem:s10+$0x4790];
	v2 =	vmul.f32 v2, v45;
	[tilespmem:s10+$0x4670] =	vst v5  }
0x221: {  	v1 =	vmul.f32 v48, v47;
	[tilespmem:s10+$0x4730] =	vst v7;
	v7 =	vld [tilespmem:s10+$0xA6F0]  }
0x222: {  	v61 =	vld [tilespmem:s10+$0x47A0];
	v5 =	vmul.f32 v18, v49;
	[tilespmem:s10+$0x46B0] =	vst v2  }
0x223: {  	v63 =	vld [tilespmem:s10+$0xA770];
	v3 =	vmul.f32 v3, v6;
	[tilespmem:s10+$0x46C0] =	vst v1  }
0x224: {  	v2 =	vld [tilespmem:s10+$0xA750];
	v1 =	vmul.f32 v55, v24;
	[tilespmem:s10+$0x46D0] =	vst v5  }
0x225: {  	v4 =	vld [tilespmem:s10+$0x4770];
	[tilespmem:s10+$0x4780] =	vst v3;
	v3 =	vmul.f32 v60, v8  }
0x226: {  	v62 =	vld [tilespmem:s10+$0xA7A0];
	[tilespmem:s10+$0x46E0] =	vst v1;
	v1 =	vmul.f32 v7, v57  }
0x227: {  	v6 =	vld [tilespmem:s10+$0xA7B0];
	[tilespmem:s10+$0x4790] =	vst v3;
	v7 =	vmul.f32 v54, v53  }
0x228: {  	v5 =	vld [tilespmem:s10+$0x47B0];
	v8 =	vmul.f32 v59, v58;
	[tilespmem:s10+$0x46F0] =	vst v1  }
0x229: {  	v1 =	vld [tilespmem:s10+$0x47C0];
	[tilespmem:s10+$0x4740] =	vst v7;
	v7 =	vmul.f32 v2, v56  }
0x22a: {  	[tilespmem:s10+$0x4760] =	vst v8;
	v8 =	vmul.f32 v63, v4;
	v2 =	vld [tilespmem:s10+$0xA7C0]  }
0x22b: {  	v3 =	vld [tilespmem:s10+$0x47D0];
	[tilespmem:s10+$0x4750] =	vst v7;
	v7 =	vmul.f32 v62, v61  }
0x22c: {  	v4 =	vld [tilespmem:s10+$0xA7D0];
	[tilespmem:s10+$0x4770] =	vst v8  }
0x22d: {  	s14 =	simm.s32 $0x0;
	s8 =	simm.s32 $0x800;
	v6 =	vmul.f32 v6, v5;
	v5 =	vld [tilespmem:s10+$0x47E0];
	[tilespmem:s10+$0x47A0] =	vst v7  }
.LBB2_14:
0x22e: {  	s13 =	sshra.s32 s8, $0x2;
	v7 =	vld [tilespmem:s10+$0xA7E0]  }
0x22f: {  	s14 =	sadd.s32 $0x4, s14;
	v8 =	vld [tilespmem:s13+$0x47F0];
	[tilespmem:s10+$0x47B0] =	vst v6;
	v1 =	vmul.f32 v2, v1  }
0x230: {  	p2 =	slt.u32 s14, $0x3C;
	v2 =	vld [tilespmem:s13+$0xA7F0]  }
0x231: {  	v6 =	vld [tilespmem:s13+$0x4600];
	[tilespmem:s10+$0x47C0] =	vst v1;
	v1 =	vmul.f32 v4, v3  }
0x232: {  	v3 =	vld [tilespmem:s13+$0xA600]  }
0x233: {  	v4 =	vld [tilespmem:s13+$0x4610];
	[tilespmem:s10+$0x47D0] =	vst v1;
	v1 =	vmul.f32 v7, v5  }
0x234: {  	v5 =	vld [tilespmem:s13+$0xA610]  }
0x235: {  	v7 =	vld [tilespmem:s13+$0x4620];
	v2 =	vmul.f32 v2, v8;
	[tilespmem:s10+$0x47E0] =	vst v1;
	s10 =	smov.u32 s13  }
0x236: {  	v1 =	vld [tilespmem:s10+$0xA620]  }
0x237: {  	v3 =	vmul.f32 v3, v6;
	v6 =	vld [tilespmem:s10+$0x4630];
	[tilespmem:s10+$0x47F0] =	vst v2  }
0x238: {  	v2 =	vld [tilespmem:s10+$0xA630]  }
0x239: {  	[tilespmem:s10+$0x4600] =	vst v3;
	v3 =	vmul.f32 v5, v4;
	v4 =	vld [tilespmem:s10+$0x4640]  }
0x23a: {  	v5 =	vld [tilespmem:s10+$0xA640]  }
0x23b: {  	[tilespmem:s10+$0x4610] =	vst v3;
	v1 =	vmul.f32 v1, v7;
	v3 =	vld [tilespmem:s10+$0x4650]  }
0x23c: {  	v7 =	vld [tilespmem:s10+$0xA650]  }
0x23d: {  	[tilespmem:s10+$0x4620] =	vst v1;
	v1 =	vmul.f32 v2, v6;
	v2 =	vld [tilespmem:s10+$0x4660]  }
0x23e: {  	v6 =	vld [tilespmem:s10+$0xA660]  }
0x23f: {  	[tilespmem:s10+$0x4630] =	vst v1;
	v1 =	vmul.f32 v5, v4;
	v4 =	vld [tilespmem:s10+$0x4670]  }
0x240: {  	v5 =	vld [tilespmem:s10+$0xA670]  }
0x241: {  	[tilespmem:s10+$0x4640] =	vst v1;
	v1 =	vmul.f32 v7, v3;
	v3 =	vld [tilespmem:s10+$0x4680]  }
0x242: {  	v7 =	vld [tilespmem:s10+$0xA680]  }
0x243: {  	[tilespmem:s10+$0x4650] =	vst v1;
	v1 =	vmul.f32 v6, v2;
	v2 =	vld [tilespmem:s10+$0x4690]  }
0x244: {  	v6 =	vld [tilespmem:s10+$0xA690]  }
0x245: {  	[tilespmem:s10+$0x4660] =	vst v1;
	v1 =	vmul.f32 v5, v4;
	v4 =	vld [tilespmem:s10+$0x46A0]  }
0x246: {  	v5 =	vld [tilespmem:s10+$0xA6A0]  }
0x247: {  	[tilespmem:s10+$0x4670] =	vst v1;
	v1 =	vmul.f32 v7, v3;
	v3 =	vld [tilespmem:s10+$0x46B0]  }
0x248: {  	v7 =	vld [tilespmem:s10+$0xA6B0]  }
0x249: {  	[tilespmem:s10+$0x4680] =	vst v1;
	v1 =	vmul.f32 v6, v2;
	v2 =	vld [tilespmem:s10+$0x46C0]  }
0x24a: {  	v6 =	vld [tilespmem:s10+$0xA6C0]  }
0x24b: {  	[tilespmem:s10+$0x4690] =	vst v1;
	v1 =	vmul.f32 v5, v4;
	v4 =	vld [tilespmem:s10+$0x46D0]  }
0x24c: {  	v5 =	vld [tilespmem:s10+$0xA6D0]  }
0x24d: {  	[tilespmem:s10+$0x46A0] =	vst v1;
	v1 =	vmul.f32 v7, v3;
	v3 =	vld [tilespmem:s10+$0x46E0]  }
0x24e: {  	v7 =	vld [tilespmem:s10+$0xA6E0]  }
0x24f: {  	[tilespmem:s10+$0x46B0] =	vst v1;
	v1 =	vmul.f32 v6, v2;
	v2 =	vld [tilespmem:s10+$0x46F0]  }
0x250: {  	v6 =	vld [tilespmem:s10+$0xA6F0]  }
0x251: {  	[tilespmem:s10+$0x46C0] =	vst v1;
	v1 =	vmul.f32 v5, v4;
	v4 =	vld [tilespmem:s10+$0x4700]  }
0x252: {  	v5 =	vld [tilespmem:s10+$0xA700]  }
0x253: {  	[tilespmem:s10+$0x46D0] =	vst v1;
	v1 =	vmul.f32 v7, v3;
	v3 =	vld [tilespmem:s10+$0x4710]  }
0x254: {  	v7 =	vld [tilespmem:s10+$0xA710]  }
0x255: {  	[tilespmem:s10+$0x46E0] =	vst v1;
	v1 =	vmul.f32 v6, v2;
	v2 =	vld [tilespmem:s10+$0x4720]  }
0x256: {  	v6 =	vld [tilespmem:s10+$0xA720]  }
0x257: {  	[tilespmem:s10+$0x46F0] =	vst v1;
	v1 =	vmul.f32 v5, v4;
	v4 =	vld [tilespmem:s10+$0x4730]  }
0x258: {  	v5 =	vld [tilespmem:s10+$0xA730]  }
0x259: {  	[tilespmem:s10+$0x4700] =	vst v1;
	v1 =	vmul.f32 v7, v3;
	v3 =	vld [tilespmem:s10+$0x4740]  }
0x25a: {  	v7 =	vld [tilespmem:s10+$0xA740]  }
0x25b: {  	[tilespmem:s10+$0x4710] =	vst v1;
	v1 =	vmul.f32 v6, v2;
	v2 =	vld [tilespmem:s10+$0x4750]  }
0x25c: {  	v6 =	vld [tilespmem:s10+$0xA750]  }
0x25d: {  	[tilespmem:s10+$0x4720] =	vst v1;
	v1 =	vmul.f32 v5, v4;
	v4 =	vld [tilespmem:s10+$0x4760]  }
0x25e: {  	v5 =	vld [tilespmem:s10+$0xA760]  }
0x25f: {  	[tilespmem:s10+$0x4730] =	vst v1;
	v1 =	vmul.f32 v7, v3;
	v3 =	vld [tilespmem:s10+$0x4770]  }
0x260: {  	v7 =	vld [tilespmem:s10+$0xA770]  }
0x261: {  	[tilespmem:s10+$0x4740] =	vst v1;
	v1 =	vmul.f32 v6, v2;
	v2 =	vld [tilespmem:s10+$0x4780]  }
0x262: {  	v6 =	vld [tilespmem:s10+$0xA780]  }
0x263: {  	[tilespmem:s10+$0x4750] =	vst v1;
	v1 =	vmul.f32 v5, v4;
	v4 =	vld [tilespmem:s10+$0x4790]  }
0x264: {  	v5 =	vld [tilespmem:s10+$0xA790]  }
0x265: {  	[tilespmem:s10+$0x4760] =	vst v1;
	v1 =	vmul.f32 v7, v3;
	v3 =	vld [tilespmem:s10+$0x47A0]  }
0x266: {  	v7 =	vld [tilespmem:s10+$0xA7A0]  }
0x267: {  	[tilespmem:s10+$0x4770] =	vst v1;
	v1 =	vmul.f32 v6, v2;
	v6 =	vld [tilespmem:s10+$0x47B0]  }
0x268: {  	v8 =	vld [tilespmem:s10+$0xA7B0]  }
.Ltmp9:
0x269: {  	[tilespmem:s10+$0x4780] =	vst v1;
	v4 =	vmul.f32 v5, v4;
	v1 =	vld [tilespmem:s10+$0x47C0];
	(pc) =	sbr.rel @p2 .LBB2_14-.Ltmp9, $4  }
0x26a: {  	v2 =	vld [tilespmem:s10+$0xA7C0]  }
0x26b: {  	[tilespmem:s10+$0x4790] =	vst v4;
	v5 =	vmul.f32 v7, v3;
	v3 =	vld [tilespmem:s10+$0x47D0]  }
0x26c: {  	v4 =	vld [tilespmem:s10+$0xA7D0]  }
0x26d: {  	s8 =	sadd.s32 $0x800, s8;
	[tilespmem:s10+$0x47A0] =	vst v5;
	v6 =	vmul.f32 v8, v6;
	v5 =	vld [tilespmem:s10+$0x47E0]  }
0x26e: {  	v7 =	vld [tilespmem:s10+$0xA7E0];
	_ =	sdelay $0x2  }
0x26f: {  	v1 =	vmul.f32 v2, v1  }
.Ltmp10:
0x270: {  	[tilespmem:s10+$0x47B0] =	vst v6;
	v2 =	vmul.f32 v4, v3;
	(pc) =	sbr.rel .LBB2_16-.Ltmp10, $4  }
0x271: {  	[tilespmem:s10+$0x47C0] =	vst v1;
	v1 =	vmul.f32 v7, v5  }
0x272: {  	[tilespmem:s10+$0x47D0] =	vst v2  }
0x273: {  	[tilespmem:s10+$0x47E0] =	vst v1  }
0x274: {  	[spmem:s3] =	stream.indirect.scatter.add.f32 [tilespmem:s22], [sflag:$0x9], $0x80, s21, s31, $0xb8;
	[tilespmem:$0x1FE80] =	vst v63  }
.LBB2_17:
0x275: {  	s8 =	simm.s32 $0x7  }
0x276: {  	_ =	swait.ge [sflag:s8], $0x2000  }
0x277: {  	[sflag:s8] =	ssyncset.done $0x0  }
0x278: {  	s14 =	simm.s32 $0x8;
	[sflag:s8] =	ssyncadd.s32 $0xFFFFE000  }
0x279: {  	_ =	swait.ge [sflag:s14], $0x2000  }
0x27a: {  	[sflag:s14] =	ssyncset.done $0x0  }
0x27b: {  	s18 =	simm.s32 $0x9;
	[sflag:s14] =	ssyncadd.s32 $0xFFFFE000  }
0x27c: {  	_ =	swait.ge [sflag:s18], $0x2000  }
0x27d: {  	[sflag:s18] =	ssyncset.done $0x0  }
0x27e: {  	[sflag:s18] =	ssyncadd.s32 $0xFFFFE000  }
0x27f: {  	[bflag:$0x0] =	sbarrier.arrive $0xFFFF  }
0x280: {  	s24 =	rddreg [dreg:$0xa]  }
.Ltmp11:
0x281: {  	s8 =	sor.u32 $0x1C10, s24;
	s24 =	rddreg [dreg:$0x5];
	(pc) =	sbr.rel @!p1 .LBB2_19-.Ltmp11, $4  }
0x282: {  	s13 =	rddreg [dreg:$0xd];
	s10 =	sshrl.u32 s24, $0x3  }
0x283: {  	[hbm:s13], [sflag:s8] =	dma.local [spmem:s10], $0x800  }
0x284: {  	s14 =	sadd.s32 $0x40000, s24;
	s28 =	rddreg [dreg:$0x10];
	_ =	swait.ge [sflag:s26], $0x800  }
0x285: {  	s13 =	sadd.s32 $0x8000, s13;
	s10 =	sadd.s32 $0xFFFFFFFF, s28;
	[sflag:s26] =	ssyncset.done $0x0  }
.LBB2_18:
0x286: {  	s18 =	sshrl.u32 s14, $0x3;
	[sflag:s26] =	ssyncadd.s32 $0xFFFFF800;
	p1 =	sne.s32 s10, $0x1  }
0x287: {  	[hbm:s13], [sflag:s8] =	dma.local [spmem:s18], $0x800  }
.Ltmp12:
0x288: {  	_ = 	snop;
	(pc) =	sbr.rel @p1 .LBB2_18-.Ltmp12, $4  }
0x289: {  	_ = 	snop  }
0x28a: {  	s10 =	sadd.s32 $0xFFFFFFFF, s10  }
0x28b: {  	_ =	swait.ge [sflag:s26], $0x800  }
0x28c: {  	s14 =	sadd.s32 $0x40000, s14;
	s13 =	sadd.s32 $0x8000, s13;
	[sflag:s26] =	ssyncset.done $0x0  }
.LBB2_19:
0x28d: {  	[sflag:s26] =	ssyncadd.s32 $0xFFFFF800;
	s18 =	rddreg [dreg:$0x6]  }
0x28e: {  	s10 =	simm.s32 @!p0 $0x1C10;
	s13 =	rddreg [dreg:$0xe];
	s8 =	sshrl.u32 @!p0 s18, $0x3  }
0x28f: {  	[hbm:s13], [sflag:s10] =	dma.local @!p0 [spmem:s8], $0x100  }
0x290: {  	s8 =	simm.s32 @!p0 $0x10  }
0x291: {  	_ =	swait.ge @!p0 [sflag:s8], $0x100  }
0x292: {  	s10 =	rddreg [dreg:$0x11]  }
0x293: {  	s14 =	rddreg [dreg:$0xf];
	s13 =	sadd.s32 $0x1, s10  }
0x294: {  	p1 =	sne.s32 s13, s14  }
.Ltmp13:
0x295: {  	_ = 	snop;
	(pc) =	sbr.rel @p1 .LBB2_1-.Ltmp13, $3  }
0x296: {  	_ =	sdelay $0x1  }
0x297: {  	[sflag:s8] =	ssyncset.done @!p0 $0x0  }
0x298: {  	[sflag:s8] =	ssyncadd.s32 @!p0 $0xFFFFFF00  }
0x299: {  	_ =	sfence.sel $0x180000  }
0x29a: {  	[bflag:$0x0] =	sbarrier.arrive $0xFFFF  }
0x29b: {  	_ =	strace $0x9000004A  }
0x29c: {  	[bflag:$0x2] =	sbarrier.arrive $0xFFFF  }
0x29d: {  	s0 =	rddreg [dreg:$0x4]  }
0x29e: {  	s0 =	sadd.s32 @!p0 $0x100000, s0  }
0x29f: {  	[sflag:s0] =	ssyncadd.tile.s32 @!p0 $0x1;
	_ =	shalt  }
.Lfunc_end2:
_tile_overlayer_lowered:
.L_overlay_start_2:
0x2a0: {  	(tag) =	ssettag $0x2  }
0x2a1: {  	s0 =	rddreg [dreg:$0x0];
	s2 =	stileid.u32  }
0x2a2: {  	s1 =	rddreg [dreg:$0x1];
	p0 =	sne.s32 s2, $0x0  }
0x2a3: {  	s3 =	rddreg [dreg:$0x2];
	[bflag:$0x3] =	sbarrier.arrive $0xFFFF;
	s2 =	simm.s32 @!p0 $0x1C10  }
0x2a4: {  	[timem:s3], [sflag:s2] =	dma.local @!p0 [hbm:s0], s1  }
0x2a5: {  	s0 =	simm.s32 @!p0 $0x10  }
0x2a6: {  	_ =	swait.ge @!p0 [sflag:s0], s1  }
0x2a7: {  	s1 =	ssub.s32 @!p0 $0x0, s1;
	[sflag:s0] =	ssyncset.done @!p0 $0x0  }
0x2a8: {  	[sflag:s0] =	ssyncadd.s32 @!p0 s1  }
0x2a9: {  	[bflag:$0x3] =	sbarrier.arrive $0xFFFF  }
0x2aa: {  	_ =	shalt  }

// kernel: kernel.15.cloned.1.call-start
scs
__scs_entry_jumppad:
0x0: {  	(pc) =	sbr.rel $0x88, $3  }
0x1: {  	(tag) =	ssettag $0x0;
	lr =	simm.s32 $0x1  }
0x2: {  	[smem:$0x3F92] =	sst lr;
	_ =	strace $0xD0000000  }
0x3: {  	_ = 	snop  }
0x4: {  	_ = 	snop  }
0x5: {  	_ = 	snop  }
0x6: {  	_ = 	snop  }
0x7: {  	_ = 	snop  }
__scs_overlays_trampoline_lowered:
0x8: {  	[smem:$0x3FA1] =	sst s0  }
0x9: {  	[smem:$0x3FA2] =	sst s1  }
0xa: {  	[smem:$0x3FA3] =	sst s2  }
0xb: {  	[smem:$0x3FA4] =	sst s3  }
0xc: {  	[smem:$0x3FA5] =	sst s4  }
0xd: {  	[smem:$0x3FA6] =	sst s5  }
0xe: {  	[smem:$0x3FA7] =	sst s6  }
0xf: {  	[smem:$0x3FA8] =	sst s7  }
0x10: {  	[smem:$0x3FA9] =	sst s8  }
0x11: {  	[smem:$0x3FAA] =	sst s9;
	s0 =	simm.s32 @!p0 $0x0  }
0x12: {  	s1 =	sld [smem:$0x3F90];
	s0 =	simm.s32 @p0 $0x1  }
0x13: {  	[smem:$0x3FAB] =	sst s0;
	s0 =	simm.s32 @!p1 $0x0  }
0x14: {  	s2 =	sld [smem:$0x3F8F];
	s0 =	simm.s32 @p1 $0x1  }
0x15: {  	[smem:$0x3FAC] =	sst s0;
	s0 =	simm.s32 @!p2 $0x0  }
0x16: {  	s3 =	sld [smem:$0x3FDB];
	s0 =	simm.s32 @p2 $0x1  }
0x17: {  	s4 =	simm.s32 $0x1BF5;
	[smem:$0x3FAE] =	sst s0  }
0x18: {  	s0 =	sld [smem:$0x3F91];
	_ =	swait.ge [sflag:s4], $0x0  }
0x19: {  	s7 =	sld [smem:$0x3F92]  }
0x1a: {  	s8 =	sadd.s32 $0xFFFFE003, lr  }
0x1b: {  	s9 =	sadd.s32 $0xFFFFFEF7, lr;
	s5 =	simm.s32 $0xFFFFFFFF;
	p2 =	slt.u32 s8, $0xFFFFF086  }
0x1c: {  	p1 =	slt.u32 s9, $0xF7A;
	s5 =	simm.s32 @!p2 $0x0  }
0x1d: {  	s5 =	simm.s32 @p1 $0x1;
	p0 =	seq.s32 s7, s2  }
0x1e: {  	s7 =	smul.u32 @!p0 $0xF7A, s2;
	p2 =	seq.s32 @!p0 s5, $0x0  }
0x1f: {  	s9 =	smul.u32 $0xF7A, s1;
	s8 =	simm.s32 @!p0 $0x1BF5;
	p2 =	por !p2, p0  }
0x20: {  	[sflag:s8] =	ssyncset.s32 @!p0 $0xFFFFF086;
	s6 =	sadd.s32 @!p0 s3, s7;
	s7 =	simm.s32 @!p0 $0x108  }
0x21: {  	s3 =	sadd.s32 s3, s9;
	s6 =	sadd.s32 @!p0 $0x88, s6;
	s7 =	simm.s32 @p2 $0x1082  }
0x22: {  	[simem:s7], [sflag:s8] =	dma.local @!p0 [hbm:s6], $0xF7A  }
0x23: {  	s9 =	sor.u32 $0xD0000000, s2;
	s6 =	simm.s32 $0x108;
	_ =	swait.ge @!p0 [sflag:s8], $0x0  }
0x24: {  	s3 =	sadd.s32 $0x88, s3;
	s6 =	simm.s32 @!p1 $0x1082;
	[sflag:s4] =	ssyncset.s32 $0xFFFFF086  }
0x25: {  	[simem:s6], [sflag:s4] =	dma.local [hbm:s3], $0xF7A  }
0x26: {  	[smem:$0x3F92] =	sst s1;
	(tag) =	ssettag s2;
	_ =	strace s9  }
0x27: {  	s1 =	sld [smem:$0x3FA2]  }
0x28: {  	s2 =	sld [smem:$0x3FA3]  }
0x29: {  	s4 =	sld [smem:$0x3FA5]  }
0x2a: {  	p0 =	seq.s32 s5, $0x0;
	s5 =	sld [smem:$0x3FA6]  }
0x2b: {  	s6 =	sld [smem:$0x3FA7]  }
0x2c: {  	s7 =	sld [smem:$0x3FA8]  }
0x2d: {  	s3 =	simm.s32 $0x108;
	s8 =	sld [smem:$0x3FA9]  }
0x2e: {  	s3 =	simm.s32 @!p0 $0x1082;
	s9 =	sld [smem:$0x3FAA]  }
0x2f: {  	lr =	sadd.s32 s0, s3;
	s0 =	sld [smem:$0x3FA1]  }
0x30: {  	s3 =	sld [smem:$0x3FA4]  }
0x31: {  	[smem:$0x3FAD] =	sst s10  }
0x32: {  	s10 =	sld [smem:$0x3FAB];
	_ =	sdelay $0x3  }
0x33: {  	p0 =	seq.s32 s10, $0x1;
	s10 =	sld [smem:$0x3FAD];
	_ =	sdelay $0x3  }
0x34: {  	[smem:$0x3FAD] =	sst s10  }
0x35: {  	s10 =	sld [smem:$0x3FAC];
	_ =	sdelay $0x3  }
0x36: {  	p1 =	seq.s32 s10, $0x1;
	s10 =	sld [smem:$0x3FAD];
	_ =	sdelay $0x3  }
0x37: {  	[smem:$0x3FAD] =	sst s10  }
0x38: {  	s10 =	sld [smem:$0x3FAE]  }
0x39: {  	_ = 	snop;
	(pc) =	sbr.ind lr, $3  }
0x3a: {  	_ = 	snop  }
0x3b: {  	_ = 	snop  }
0x3c: {  	p2 =	seq.s32 s10, $0x1;
	s10 =	sld [smem:$0x3FAD]  }
0x3d: {  	_ =	shalt  }
0x3e: {  	_ =	shalt  }
0x3f: {  	_ =	shalt  }
0x40: {  	_ =	shalt  }
0x41: {  	_ =	shalt  }
0x42: {  	_ =	shalt  }
0x43: {  	_ =	shalt  }
0x44: {  	_ =	shalt  }
0x45: {  	_ =	shalt  }
0x46: {  	_ =	shalt  }
0x47: {  	_ =	shalt  }
0x48: {  	_ =	shalt  }
0x49: {  	_ =	shalt  }
0x4a: {  	_ =	shalt  }
0x4b: {  	_ =	shalt  }
0x4c: {  	_ =	shalt  }
0x4d: {  	_ =	shalt  }
0x4e: {  	_ =	shalt  }
0x4f: {  	_ =	shalt  }
0x50: {  	_ =	shalt  }
0x51: {  	_ =	shalt  }
0x52: {  	_ =	shalt  }
0x53: {  	_ =	shalt  }
0x54: {  	_ =	shalt  }
0x55: {  	_ =	shalt  }
0x56: {  	_ =	shalt  }
0x57: {  	_ =	shalt  }
0x58: {  	_ =	shalt  }
0x59: {  	_ =	shalt  }
0x5a: {  	_ =	shalt  }
0x5b: {  	_ =	shalt  }
0x5c: {  	_ =	shalt  }
0x5d: {  	_ =	shalt  }
0x5e: {  	_ =	shalt  }
0x5f: {  	_ =	shalt  }
0x60: {  	_ =	shalt  }
0x61: {  	_ =	shalt  }
0x62: {  	_ =	shalt  }
0x63: {  	_ =	shalt  }
0x64: {  	_ =	shalt  }
0x65: {  	_ =	shalt  }
0x66: {  	_ =	shalt  }
0x67: {  	_ =	shalt  }
0x68: {  	_ =	shalt  }
0x69: {  	_ =	shalt  }
0x6a: {  	_ =	shalt  }
0x6b: {  	_ =	shalt  }
0x6c: {  	_ =	shalt  }
0x6d: {  	_ =	shalt  }
0x6e: {  	_ =	shalt  }
0x6f: {  	_ =	shalt  }
0x70: {  	_ =	shalt  }
0x71: {  	_ =	shalt  }
0x72: {  	_ =	shalt  }
0x73: {  	_ =	shalt  }
0x74: {  	_ =	shalt  }
0x75: {  	_ =	shalt  }
0x76: {  	_ =	shalt  }
0x77: {  	_ =	shalt  }
0x78: {  	_ =	shalt  }
0x79: {  	_ =	shalt  }
0x7a: {  	_ =	shalt  }
0x7b: {  	_ =	shalt  }
0x7c: {  	_ =	shalt  }
0x7d: {  	_ =	shalt  }
0x7e: {  	_ =	shalt  }
0x7f: {  	_ =	shalt  }
0x80: {  	_ =	shalt  }
0x81: {  	_ =	shalt  }
0x82: {  	_ =	shalt  }
0x83: {  	_ =	shalt  }
0x84: {  	_ =	shalt  }
0x85: {  	_ =	shalt  }
0x86: {  	_ =	shalt  }
0x87: {  	_ =	shalt  }
.Lfunc_end0:
.L_simem_size_0:
called_computation.2_lowered:
.L_overlay_start_0:
0x88: {  	s2 =	sld [smem:$0x3FD9]  }
0x89: {  	s3 =	sld [smem:$0x3FFE];
	_ =	sdelay $0x1  }
0x8a: {  	s1 =	srdreg.scid  }
0x8b: {  	s0 =	sand.u32 $0x1, s1  }
0x8c: {  	s14 =	sshll.u32 s0, $0xA;
	s2 =	sadd.s32 s3, s2  }
0x8d: {  	s2 =	sadd.s32 s2, s14  }
0x8e: {  	[smem:$0x3FB9] =	sst s2  }
0x8f: {  	_ = 	snop  }
0x90: {  	s2 =	sld [smem:$0x3FD0];
	_ =	sdelay $0x2  }
0x91: {  	s15 =	simm.s32 $0xA;
	s4 =	simm.s32 $0x10  }
0x92: {  	[smem:s4], [sflag:s15] =	dma.local [hbm:s2], $0x1  }
0x93: {  	_ =	swait.eq [sflag:s15], $0x1  }
0x94: {  	[sflag:s15] =	ssyncset.done $0x0  }
0x95: {  	[sflag:s15] =	ssyncadd.s32 $0xFFFFFFFF  }
0x96: {  	s16 =	sld [smem:$0x10];
	(tm) =	ssettm $0x1  }
0x97: {  	s17 =	sld [smem:$0x3FFB];
	_ =	sdelay $0x3  }
0x98: {  	_ =	strace s17  }
0x99: {  	s3 =	sld [smem:$0x3FFC];
	_ =	sdelay $0x3  }
0x9a: {  	_ =	strace s3  }
0x9b: {  	s3 =	sld [smem:$0x3FFD];
	_ =	sdelay $0x3  }
0x9c: {  	_ =	strace s3  }
0x9d: {  	_ =	strace $0x8FFFFFFF  }
0x9e: {  	s18 =	sld [smem:$0x3FDB];
	_ =	sdelay $0x1  }
0x9f: {  	s19 =	simm.s32 $_scs_section_size  }
0xa0: {  	s5 =	simm.s32 $_size__tile_overlayer_lowered;
	s6 =	simm.s32 $_tile_overlayer_lowered  }
0xa1: {  	s22 =	simm.s32 $0x1BFF;
	s21 =	sshll.u32 s6, $0x1;
	s3 =	sadd.s32 s19, s18  }
0xa2: {  	s7 =	simm.s32 $0x0;
	s20 =	sshll.u32 s5, $0x1;
	s5 =	sadd.s32 s21, s3  }
0xa3: {  	[timem:s7], [sflag:s22] =	dma.local [hbm:s5], s20  }
0xa4: {  	_ =	swait.ge [sflag:s22], s20  }
0xa5: {  	s4 =	ssub.s32 $0x0, s20;
	[sflag:s22] =	ssyncset.done $0x0  }
0xa6: {  	[sflag:s22] =	ssyncadd.s32 s4;
	_ =	sdelay $0x1  }
0xa7: {  	s23 =	simm.s32 $0x1B8B  }
0xa8: {  	_ =	swait.ge [sflag:s23], $0x1  }
0xa9: {  	[sflag:s23] =	ssyncset.done $0x0  }
0xaa: {  	s25 =	simm.s32 $0x1B8E;
	s24 =	sld [smem:$0x3FFE];
	[sflag:s23] =	ssyncadd.s32 $0xFFFFFFFF  }
0xab: {  	s26 =	simm.s32 $execute0_lowered;
	[smem:$0x3FD2] =	sst s25  }
0xac: {  	s5 =	sshll.u32 s26, $0x1;
	_ =	strace $0x8000004C;
	[dreg:$0x1] =	wrdreg $0xFFFFFFFF  }
0xad: {  	s28 =	simm.s32 $_size_execute0_lowered;
	s3 =	sadd.s32 s3, s5;
	[dreg:$0x0] =	wrdreg $0x0  }
0xae: {  	s5 =	sshll.u32 s28, $0x1;
	[dreg:$0x2] =	wrdreg s3  }
0xaf: {  	[dreg:$0x3] =	wrdreg s5  }
0xb0: {  	[dreg:$0x4] =	wrdreg $0xC0  }
0xb1: {  	_ =	task [dreg:s7], $0x5FFFF  }
0xb2: {  	[dreg:$0x1] =	wrdreg $0xFFFFFFFF  }
0xb3: {  	[dreg:$0x0] =	wrdreg $0x60  }
0xb4: {  	[dreg:$0x2] =	wrdreg s16  }
0xb5: {  	[dreg:$0x3] =	wrdreg s24  }
0xb6: {  	[dreg:$0x4] =	wrdreg $0x9  }
0xb7: {  	_ =	task.clear_ibuf [dreg:s7], $0x5FFFF;
	_ =	strace $0x9000004C  }
0xb8: {  	s29 =	simm.s32 $0x9;
	_ =	strace $0x8000004E  }
0xb9: {  	_ =	swait.ge [sflag:s29], $0x1  }
0xba: {  	[sflag:s29] =	ssyncadd.s32 $0xFFFFFFFF  }
0xbb: {  	_ =	strace $0x9000004E  }
0xbc: {  	_ =	sfence  }
0xbd: {  	s30 =	sld [smem:$0x0];
	_ =	sdelay $0x2  }
0xbe: {  	s31 =	sshll.u32 s1, $0xD;
	s1 =	sshrl.u32 s1, $0x2  }
0xbf: {  	s3 =	sand.u32 $0x4000, s31;
	s1 =	sadd.s32 s1, s30  }
0xc0: {  	s0 =	sor.u32 s3, s0;
	s1 =	sshll.u32 s1, $0x11  }
0xc1: {  	s0 =	sor.u32 s1, s0  }
0xc2: {  	s0 =	sadd.s32 $0x8F2B, s0  }
0xc3: {  	[sflag:s0] =	ssyncadd.remote.s32 $0x1  }
0xc4: {  	_ =	sfence.sel $0xFFFF  }
0xc5: {  	[dreg:$0x0] =	wrdreg $0xFFFFFFFF;
	(pc) =	sbr.abs _section_cstart, $3  }
0xc6: {  	[dreg:$0x1] =	wrdreg $0xFFFFFFFF  }
0xc7: {  	_ =	task.clear_ibuf [dreg:s7], $0x2FFFF;
	_ =	strace $0x9FFFFFFF  }
0xc8: {  	(tm) =	ssettm $0x7FFFFFFF  }
0xc9: {  	_ =	shalt  }
tec
execute0_lowered:
.L_overlay_start_1:
0x0: {  	(tag) =	ssettag $0x1  }
0x1: {  	s1 =	rddreg [dreg:$0x0]  }
0x2: {  	s0 =	rddreg [dreg:$0x1];
	s2 =	simm.s32 $0x0;
	s3 =	srdreg.scid  }
0x3: {  	s6 =	stileid.u32;
	s28 =	simm.s32 $0x5;
	s29 =	simm.s32 $0x4400  }
0x4: {  	s31 =	simm.s32 $0x8;
	s19 =	simm.s32 $0x1;
	s11 =	simm.s32 $0x0  }
0x5: {  	[smem:$0x7FF] =	sst s2;
	s4 =	sadd.s32 $0x7600, s0;
	s5 =	sadd.s32 $0x2600, s0  }
0x6: {  	s3 =	sand.u32 $0x1, s3;
	s7 =	sshll.u32 s6, $0x1;
	s6 =	sadd.s32 $0xC600, s0  }
0x7: {  	_ =	strace $0x8000004D;
	s21 =	ssub.s32 $0x2, s3;
	s7 =	sor.u32 s3, s7  }
0x8: {  	s22 =	sshrl.u32 s21, $0x1;
	s9 =	ssub.s32 $0x4E1, s7;
	s8 =	sshll.u32 s7, $0x4  }
0x9: {  	s26 =	sshll.u32 s7, $0xE;
	s30 =	sshll.u32 s7, $0xB;
	s0 =	ssub.s32 s21, s22  }
0xa: {  	s9 =	sshrl.u32 s9, $0x5;
	s23 =	sor.u32 $0x200, s8;
	s10 =	sadd.s32 s4, s8  }
0xb: {  	s24 =	sadd.s32 s5, s8;
	s16 =	sor.u32 $0x80000, s26;
	[dreg:$0x3] =	wrdreg s10  }
0xc: {  	s17 =	sadd.s32 s6, s30;
	s26 =	simm.s32 $0x2;
	[dreg:$0x4] =	wrdreg s24  }
.Ltmp0:
0xd: {  	s25 =	sadd.s32 s4, s23;
	s3 =	sadd.s32 s5, s23;
	(pc) =	sbr.rel .LBB2_1-.Ltmp0, $4  }
0xe: {  	s14 =	sadd.s32 $0xFFFFFFFE, s9;
	s15 =	sadd.s32 $0xFFFFFFFD, s9;
	[dreg:$0x5] =	wrdreg s25  }
0xf: {  	s0 =	smax.u32 s0, $0x1;
	s23 =	simm.s32 $0x400;
	[dreg:$0x6] =	wrdreg s3  }
0x10: {  	s24 =	simm.s32 $0x6;
	s10 =	simm.s32 $0x4;
	[dreg:$0x7] =	wrdreg s0  }
0x11: {  	s0 =	simm.s32 $0x9;
	s3 =	simm.s32 $0x3;
	s25 =	simm.s32 $0x8400  }
.LBB2_15:
0x12: {  	s12 =	simm.s32 $0x7  }
0x13: {  	_ =	swait.ge [sflag:s12], $0x4000  }
0x14: {  	[sflag:s12] =	ssyncset.done $0x0  }
0x15: {  	[sflag:s12] =	ssyncadd.s32 $0xFFFFC000  }
0x16: {  	_ =	swait.ge [sflag:s31], $0x4000  }
0x17: {  	[sflag:s31] =	ssyncset.done $0x0  }
0x18: {  	[sflag:s31] =	ssyncadd.s32 $0xFFFFC000  }
0x19: {  	_ =	swait.ge [sflag:s0], $0x4000  }
0x1a: {  	s11 =	sadd.s32 $0x1, s11;
	s30 =	rddreg [dreg:$0x7]  }
0x1b: {  	p0 =	sne.s32 s11, s30  }
.Ltmp1:
0x1c: {  	_ = 	snop;
	(pc) =	sbr.rel @!p0 .LBB2_16-.Ltmp1, $3  }
0x1d: {  	_ =	sdelay $0x1  }
0x1e: {  	[sflag:s0] =	ssyncset.done $0x0  }
0x1f: {  	[sflag:s0] =	ssyncadd.s32 $0xFFFFC000  }
.LBB2_1:
0x20: {  	s12 =	rddreg [dreg:$0x3]  }
0x21: {  	[tilespmem:s2], [sflag:$0xA] =	stream.linear.gather [hbm4b:s12+s2], $0x80, $0x38;
	[tilespmem:$0x18400] =	vst v63  }
0x22: {  	s22 =	rddreg [dreg:$0x4];
	s13 =	simm.s32 $0x200;
	s30 =	simm.s32 $0xA  }
0x23: {  	[tilespmem:s13], [sflag:$0xD] =	stream.linear.gather [hbm4b:s22+s2], $0x80, $0x38;
	[tilespmem:$0x18400] =	vst v63  }
0x24: {  	_ =	swait.ge [sflag:s30], $0x80  }
0x25: {  	[sflag:s30] =	ssyncset.done $0x0  }
0x26: {  	s18 =	simm.s32 $0xD;
	[sflag:s30] =	ssyncadd.s32 $0xFFFFFF80  }
0x27: {  	_ =	swait.ge [sflag:s18], $0x80  }
0x28: {  	[sflag:s18] =	ssyncset.done $0x0  }
0x29: {  	[sflag:s18] =	ssyncadd.s32 $0xFFFFFF80;
	s18 =	simm.s32 $0x80  }
0x2a: {  	[tilespmem:s23], [sflag:$0x1] =	stream.indirect.gather [hbm4b:s1+s18], $0x80, s2, s18, $0xb8;
	[tilespmem:$0x18400] =	vst v63  }
0x2b: {  	s20 =	simm.s32 $0xC400  }
0x2c: {  	[tilespmem:s20], [sflag:$0x4] =	stream.indirect.gather [hbm4b:s1+s18], $0x80, s13, s18, $0xb8;
	[tilespmem:$0x18400] =	vst v63  }
.Ltmp2:
0x2d: {  	_ = 	snop;
	(pc) =	sbr.rel .LBB2_2-.Ltmp2, $4  }
0x2e: {  	s21 =	rddreg [dreg:$0x5]  }
0x2f: {  	[tilespmem:s18], [sflag:$0xB] =	stream.linear.gather [hbm4b:s21+s2], $0x80, $0x38;
	[tilespmem:$0x18400] =	vst v63  }
0x30: {  	s12 =	simm.s32 $0x0;
	s30 =	simm.s32 $0x280;
	s22 =	rddreg [dreg:$0x6]  }
0x31: {  	[tilespmem:s30], [sflag:$0xE] =	stream.linear.gather [hbm4b:s22+s2], $0x80, $0x38;
	[tilespmem:$0x18400] =	vst v63  }
.LBB2_14:
0x32: {  	s12 =	sadd.s32 $0x1, s12  }
0x33: {  	p0 =	sne.s32 s12, $0xE  }
.Ltmp3:
0x34: {  	_ = 	snop;
	(pc) =	sbr.rel @!p0 .LBB2_15-.Ltmp3, $1  }
0x35: {  	_ =	sdelay $0x3  }
.LBB2_2:
0x36: {  	s13 =	smul.u32 $0x3, s12;
	_ =	sdelay $0x1  }
0x37: {  	p0 =	sgt.u32 s13, s9  }
.Ltmp4:
0x38: {  	_ = 	snop;
	(pc) =	sbr.rel @p0 .LBB2_6-.Ltmp4, $1  }
0x39: {  	_ =	sdelay $0x3  }
0x3a: {  	s18 =	sadd.s32 $0x2, s13  }
0x3b: {  	p0 =	sgt.u32 s18, s9  }
0x3c: {  	s18 =	sshll.u32 @!p0 s18, $0x9  }
0x3d: {  	s18 =	sor.u32 @!p0 s8, s18  }
0x3e: {  	s21 =	simm.s32 @!p0 $0x0;
	s22 =	simm.s32 @!p0 $0x100;
	s20 =	sadd.s32 @!p0 s4, s18  }
0x3f: {  	[tilespmem:s22], [sflag:$0xC] =	stream.linear.gather @!p0 [hbm4b:s20+s21], $0x80, $0x38;
	[tilespmem:$0x18400] =	vst v63  }
0x40: {  	s18 =	sadd.s32 @!p0 s5, s18;
	s20 =	simm.s32 @!p0 $0x300  }
0x41: {  	[tilespmem:s20], [sflag:$0xF] =	stream.linear.gather @!p0 [hbm4b:s18+s21], $0x80, $0x38;
	[tilespmem:$0x18400] =	vst v63  }
0x42: {  	p0 =	sge.u32 s13, s9  }
0x43: {  	p1 =	seq.s32 @!p0 s12, $0x0  }
0x44: {  	p1 =	por p1, p0  }
0x45: {  	s18 =	simm.s32 @!p1 $0x8  }
0x46: {  	_ =	swait.ge @!p1 [sflag:s18], $0x4000  }
0x47: {  	[sflag:s18] =	ssyncset.done @!p1 $0x0  }
0x48: {  	[sflag:s18] =	ssyncadd.s32 @!p1 $0xFFFFC000;
	s18 =	simm.s32 @!p0 $0xB  }
0x49: {  	_ =	swait.ge @!p0 [sflag:s18], $0x80  }
0x4a: {  	[sflag:s18] =	ssyncset.done @!p0 $0x0  }
0x4b: {  	[sflag:s18] =	ssyncadd.s32 @!p0 $0xFFFFFF80;
	s18 =	simm.s32 @!p0 $0xE  }
0x4c: {  	_ =	swait.ge @!p0 [sflag:s18], $0x80  }
0x4d: {  	[sflag:s18] =	ssyncset.done @!p0 $0x0  }
0x4e: {  	s20 =	simm.s32 @!p0 $0x4400;
	[sflag:s18] =	ssyncadd.s32 @!p0 $0xFFFFFF80;
	s18 =	simm.s32 @!p0 $0x80  }
0x4f: {  	[tilespmem:s20], [sflag:$0x2] =	stream.indirect.gather @!p0 [hbm4b:s1+s18], $0x80, s18, s18, $0xb8;
	[tilespmem:$0x18400] =	vst v63  }
0x50: {  	s21 =	simm.s32 @!p0 $0x10400;
	s20 =	simm.s32 @!p0 $0x280  }
0x51: {  	[tilespmem:s21], [sflag:$0x5] =	stream.indirect.gather @!p0 [hbm4b:s1+s18], $0x80, s20, s18, $0xb8;
	[tilespmem:$0x18400] =	vst v63  }
0x52: {  	_ =	swait.ge [sflag:s19], $0x4000  }
0x53: {  	[sflag:s19] =	ssyncset.done $0x0  }
0x54: {  	[sflag:s19] =	ssyncadd.s32 $0xFFFFC000  }
0x55: {  	_ =	swait.ge [sflag:s10], $0x4000  }
0x56: {  	[sflag:s10] =	ssyncset.done $0x0  }
0x57: {  	s18 =	simm.s32 $0x500;
	[sflag:s10] =	ssyncadd.s32 $0xFFFFC000  }
0x58: {  	s20 =	simm.s32 $0xC500;
	v0 =	vld [tilespmem:s18+$0x80]  }
0x59: {  	v1 =	vld [tilespmem:s20+$0x80]  }
0x5a: {  	v2 =	vld [tilespmem:s18+$0xFFFFFF80]  }
0x5b: {  	v3 =	vld [tilespmem:s20+$0xFFFFFF80]  }
0x5c: {  	v4 =	vld [tilespmem:s18+$0x0]  }
0x5d: {  	v5 =	vld [tilespmem:s20+$0x0]  }
0x5e: {  	v6 =	vld [tilespmem:s18+$0xFFFFFF00];
	v0 =	vadd.f32 v1, v0  }
0x5f: {  	v1 =	vld [tilespmem:s20+$0xFFFFFF00]  }
0x60: {  	[tilespmem:s18+$0x80] =	vst v0;
	v0 =	vld [tilespmem:s18+$0x90]  }
0x61: {  	v2 =	vadd.f32 v3, v2;
	v3 =	vld [tilespmem:s20+$0x90]  }
0x62: {  	v7 =	vld [tilespmem:s18+$0xFFFFFF10]  }
0x63: {  	[tilespmem:s18+$0xFFFFFF80] =	vst v2;
	v2 =	vadd.f32 v5, v4;
	v4 =	vld [tilespmem:s18+$0xFFFFFF90]  }
0x64: {  	v5 =	vld [tilespmem:s20+$0xFFFFFF90];
	v1 =	vadd.f32 v1, v6  }
0x65: {  	[tilespmem:s18+$0x0] =	vst v2;
	v2 =	vld [tilespmem:s18+$0x10]  }
0x66: {  	v6 =	vld [tilespmem:s20+$0x10];
	[tilespmem:s18+$0xFFFFFF00] =	vst v1;
	v0 =	vadd.f32 v3, v0  }
0x67: {  	v1 =	vld [tilespmem:s20+$0xFFFFFF10]  }
0x68: {  	[tilespmem:s18+$0x90] =	vst v0;
	v0 =	vld [tilespmem:s18+$0xA0]  }
0x69: {  	v3 =	vadd.f32 v5, v4;
	v4 =	vld [tilespmem:s20+$0xA0]  }
0x6a: {  	v5 =	vld [tilespmem:s18+$0xFFFFFF20]  }
0x6b: {  	[tilespmem:s18+$0xFFFFFF90] =	vst v3;
	v2 =	vadd.f32 v6, v2;
	v3 =	vld [tilespmem:s18+$0xFFFFFFA0]  }
0x6c: {  	v6 =	vld [tilespmem:s20+$0xFFFFFFA0];
	v1 =	vadd.f32 v1, v7  }
0x6d: {  	[tilespmem:s18+$0x10] =	vst v2;
	v2 =	vld [tilespmem:s18+$0x20]  }
0x6e: {  	v7 =	vld [tilespmem:s20+$0x20];
	[tilespmem:s18+$0xFFFFFF10] =	vst v1;
	v0 =	vadd.f32 v4, v0  }
0x6f: {  	v1 =	vld [tilespmem:s20+$0xFFFFFF20]  }
0x70: {  	[tilespmem:s18+$0xA0] =	vst v0;
	v0 =	vld [tilespmem:s18+$0xB0]  }
0x71: {  	v3 =	vadd.f32 v6, v3;
	v4 =	vld [tilespmem:s20+$0xB0]  }
0x72: {  	v6 =	vld [tilespmem:s18+$0xFFFFFF30]  }
0x73: {  	[tilespmem:s18+$0xFFFFFFA0] =	vst v3;
	v2 =	vadd.f32 v7, v2;
	v3 =	vld [tilespmem:s18+$0xFFFFFFB0]  }
0x74: {  	v7 =	vld [tilespmem:s20+$0xFFFFFFB0];
	v1 =	vadd.f32 v1, v5  }
0x75: {  	[tilespmem:s18+$0x20] =	vst v2;
	v2 =	vld [tilespmem:s18+$0x30]  }
0x76: {  	v5 =	vld [tilespmem:s20+$0x30];
	[tilespmem:s18+$0xFFFFFF20] =	vst v1;
	v0 =	vadd.f32 v4, v0  }
0x77: {  	v1 =	vld [tilespmem:s20+$0xFFFFFF30]  }
0x78: {  	[tilespmem:s18+$0xB0] =	vst v0;
	v0 =	vld [tilespmem:s18+$0xC0]  }
0x79: {  	v3 =	vadd.f32 v7, v3;
	v4 =	vld [tilespmem:s20+$0xC0]  }
0x7a: {  	v7 =	vld [tilespmem:s18+$0xFFFFFF40]  }
0x7b: {  	[tilespmem:s18+$0xFFFFFFB0] =	vst v3;
	v2 =	vadd.f32 v5, v2;
	v3 =	vld [tilespmem:s18+$0xFFFFFFC0]  }
0x7c: {  	v5 =	vld [tilespmem:s20+$0xFFFFFFC0];
	v1 =	vadd.f32 v1, v6  }
0x7d: {  	[tilespmem:s18+$0x30] =	vst v2;
	v2 =	vld [tilespmem:s18+$0x40]  }
0x7e: {  	v6 =	vld [tilespmem:s20+$0x40];
	[tilespmem:s18+$0xFFFFFF30] =	vst v1;
	v0 =	vadd.f32 v4, v0  }
0x7f: {  	v1 =	vld [tilespmem:s20+$0xFFFFFF40]  }
0x80: {  	[tilespmem:s18+$0xC0] =	vst v0;
	v0 =	vld [tilespmem:s18+$0xD0]  }
0x81: {  	v3 =	vadd.f32 v5, v3;
	v4 =	vld [tilespmem:s20+$0xD0]  }
0x82: {  	v5 =	vld [tilespmem:s18+$0xFFFFFF50]  }
0x83: {  	[tilespmem:s18+$0xFFFFFFC0] =	vst v3;
	v2 =	vadd.f32 v6, v2;
	v3 =	vld [tilespmem:s18+$0xFFFFFFD0]  }
0x84: {  	v6 =	vld [tilespmem:s20+$0xFFFFFFD0];
	v1 =	vadd.f32 v1, v7  }
0x85: {  	[tilespmem:s18+$0x40] =	vst v2;
	v2 =	vld [tilespmem:s18+$0x50]  }
0x86: {  	v7 =	vld [tilespmem:s20+$0x50];
	[tilespmem:s18+$0xFFFFFF40] =	vst v1;
	v0 =	vadd.f32 v4, v0  }
0x87: {  	v1 =	vld [tilespmem:s20+$0xFFFFFF50]  }
0x88: {  	[tilespmem:s18+$0xD0] =	vst v0;
	v0 =	vld [tilespmem:s18+$0xE0]  }
0x89: {  	v3 =	vadd.f32 v6, v3;
	v4 =	vld [tilespmem:s20+$0xE0]  }
0x8a: {  	v6 =	vld [tilespmem:s18+$0xFFFFFF60]  }
0x8b: {  	[tilespmem:s18+$0xFFFFFFD0] =	vst v3;
	v2 =	vadd.f32 v7, v2;
	v3 =	vld [tilespmem:s18+$0xFFFFFFE0]  }
0x8c: {  	v7 =	vld [tilespmem:s20+$0xFFFFFFE0];
	v1 =	vadd.f32 v1, v5  }
0x8d: {  	[tilespmem:s18+$0x50] =	vst v2;
	v2 =	vld [tilespmem:s18+$0x60]  }
0x8e: {  	v5 =	vld [tilespmem:s20+$0x60];
	[tilespmem:s18+$0xFFFFFF50] =	vst v1;
	v0 =	vadd.f32 v4, v0  }
0x8f: {  	v4 =	vld [tilespmem:s20+$0xFFFFFF60]  }
0x90: {  	v8 =	vld [tilespmem:s18+$0xF0];
	[tilespmem:s18+$0xE0] =	vst v0  }
0x91: {  	v1 =	vadd.f32 v7, v3;
	v7 =	vld [tilespmem:s20+$0xF0]  }
0x92: {  	v0 =	vld [tilespmem:s18+$0xFFFFFF70]  }
0x93: {  	[tilespmem:s18+$0xFFFFFFE0] =	vst v1;
	v2 =	vadd.f32 v5, v2;
	v1 =	vld [tilespmem:s18+$0xFFFFFFF0]  }
0x94: {  	v3 =	vld [tilespmem:s20+$0xFFFFFFF0];
	v4 =	vadd.f32 v4, v6  }
0x95: {  	[tilespmem:s18+$0x60] =	vst v2;
	v2 =	vld [tilespmem:s18+$0x70]  }
0x96: {  	[tilespmem:s18+$0xFFFFFF60] =	vst v4;
	v4 =	vld [tilespmem:s20+$0x70];
	v6 =	vadd.f32 v7, v8  }
0x97: {  	s22 =	simm.s32 $0x700;
	s21 =	simm.s32 $0x0;
	v5 =	vld [tilespmem:s20+$0xFFFFFF70]  }
.LBB2_4:
0x98: {  	v7 =	vld [tilespmem:s22+$0x80];
	[tilespmem:s18+$0xF0] =	vst v6;
	s20 =	sadd.s32 $0x200, s20  }
0x99: {  	s21 =	sadd.s32 $0x4, s21;
	v6 =	vld [tilespmem:s20+$0x80];
	v1 =	vadd.f32 v3, v1  }
0x9a: {  	p0 =	slt.u32 s21, $0x7C;
	v3 =	vld [tilespmem:s20+$0xFFFFFF00]  }
0x9b: {  	v8 =	vld [tilespmem:s22+$0xFFFFFF80];
	[tilespmem:s18+$0xFFFFFFF0] =	vst v1;
	v1 =	vadd.f32 v4, v2  }
0x9c: {  	v2 =	vld [tilespmem:s20+$0xFFFFFF80];
	v0 =	vadd.f32 v5, v0  }
0x9d: {  	v4 =	vld [tilespmem:s22+$0x0];
	[tilespmem:s18+$0x70] =	vst v1  }
0x9e: {  	v1 =	vld [tilespmem:s20+$0x0];
	v5 =	vadd.f32 v6, v7;
	[tilespmem:s18+$0xFFFFFF70] =	vst v0;
	s18 =	smov.u32 s22  }
0x9f: {  	v0 =	vld [tilespmem:s22+$0xFFFFFF00]  }
0xa0: {  	[tilespmem:s22+$0x80] =	vst v5;
	v5 =	vld [tilespmem:s22+$0x90]  }
0xa1: {  	v2 =	vadd.f32 v2, v8;
	v6 =	vld [tilespmem:s20+$0x90]  }
0xa2: {  	v7 =	vld [tilespmem:s22+$0xFFFFFF10]  }
0xa3: {  	[tilespmem:s22+$0xFFFFFF80] =	vst v2;
	v2 =	vld [tilespmem:s22+$0xFFFFFF90];
	v1 =	vadd.f32 v1, v4  }
0xa4: {  	v0 =	vadd.f32 v3, v0;
	v3 =	vld [tilespmem:s20+$0xFFFFFF90]  }
0xa5: {  	[tilespmem:s22+$0x0] =	vst v1;
	v1 =	vld [tilespmem:s22+$0x10]  }
0xa6: {  	[tilespmem:s22+$0xFFFFFF00] =	vst v0;
	v0 =	vld [tilespmem:s20+$0x10];
	v4 =	vadd.f32 v6, v5  }
0xa7: {  	v5 =	vld [tilespmem:s20+$0xFFFFFF10]  }
0xa8: {  	[tilespmem:s22+$0x90] =	vst v4;
	v4 =	vld [tilespmem:s22+$0xA0]  }
0xa9: {  	v2 =	vadd.f32 v3, v2;
	v3 =	vld [tilespmem:s20+$0xA0]  }
0xaa: {  	v6 =	vld [tilespmem:s22+$0xFFFFFF20]  }
0xab: {  	[tilespmem:s22+$0xFFFFFF90] =	vst v2;
	v2 =	vld [tilespmem:s22+$0xFFFFFFA0];
	v0 =	vadd.f32 v0, v1  }
0xac: {  	v1 =	vadd.f32 v5, v7;
	v5 =	vld [tilespmem:s20+$0xFFFFFFA0]  }
0xad: {  	[tilespmem:s22+$0x10] =	vst v0;
	v0 =	vld [tilespmem:s22+$0x20]  }
0xae: {  	[tilespmem:s22+$0xFFFFFF10] =	vst v1;
	v1 =	vld [tilespmem:s20+$0x20];
	v3 =	vadd.f32 v3, v4  }
0xaf: {  	v4 =	vld [tilespmem:s20+$0xFFFFFF20]  }
0xb0: {  	[tilespmem:s22+$0xA0] =	vst v3;
	v3 =	vld [tilespmem:s22+$0xB0]  }
0xb1: {  	v2 =	vadd.f32 v5, v2;
	v5 =	vld [tilespmem:s20+$0xB0]  }
0xb2: {  	v7 =	vld [tilespmem:s22+$0xFFFFFF30]  }
0xb3: {  	[tilespmem:s22+$0xFFFFFFA0] =	vst v2;
	v2 =	vld [tilespmem:s22+$0xFFFFFFB0];
	v0 =	vadd.f32 v1, v0  }
0xb4: {  	v1 =	vadd.f32 v4, v6;
	v4 =	vld [tilespmem:s20+$0xFFFFFFB0]  }
0xb5: {  	[tilespmem:s22+$0x20] =	vst v0;
	v0 =	vld [tilespmem:s22+$0x30]  }
0xb6: {  	[tilespmem:s22+$0xFFFFFF20] =	vst v1;
	v1 =	vld [tilespmem:s20+$0x30];
	v3 =	vadd.f32 v5, v3  }
0xb7: {  	v5 =	vld [tilespmem:s20+$0xFFFFFF30]  }
0xb8: {  	[tilespmem:s22+$0xB0] =	vst v3;
	v3 =	vld [tilespmem:s22+$0xC0]  }
0xb9: {  	v2 =	vadd.f32 v4, v2;
	v4 =	vld [tilespmem:s20+$0xC0]  }
0xba: {  	v6 =	vld [tilespmem:s22+$0xFFFFFF40]  }
0xbb: {  	[tilespmem:s22+$0xFFFFFFB0] =	vst v2;
	v2 =	vld [tilespmem:s22+$0xFFFFFFC0];
	v0 =	vadd.f32 v1, v0  }
0xbc: {  	v1 =	vadd.f32 v5, v7;
	v5 =	vld [tilespmem:s20+$0xFFFFFFC0]  }
0xbd: {  	[tilespmem:s22+$0x30] =	vst v0;
	v0 =	vld [tilespmem:s22+$0x40]  }
0xbe: {  	[tilespmem:s22+$0xFFFFFF30] =	vst v1;
	v1 =	vld [tilespmem:s20+$0x40];
	v3 =	vadd.f32 v4, v3  }
0xbf: {  	v4 =	vld [tilespmem:s20+$0xFFFFFF40]  }
0xc0: {  	[tilespmem:s22+$0xC0] =	vst v3;
	v3 =	vld [tilespmem:s22+$0xD0]  }
0xc1: {  	v2 =	vadd.f32 v5, v2;
	v5 =	vld [tilespmem:s20+$0xD0]  }
0xc2: {  	v7 =	vld [tilespmem:s22+$0xFFFFFF50]  }
0xc3: {  	[tilespmem:s22+$0xFFFFFFC0] =	vst v2;
	v2 =	vld [tilespmem:s22+$0xFFFFFFD0];
	v0 =	vadd.f32 v1, v0  }
0xc4: {  	v1 =	vadd.f32 v4, v6;
	v4 =	vld [tilespmem:s20+$0xFFFFFFD0]  }
0xc5: {  	[tilespmem:s22+$0x40] =	vst v0;
	v0 =	vld [tilespmem:s22+$0x50]  }
0xc6: {  	[tilespmem:s22+$0xFFFFFF40] =	vst v1;
	v1 =	vld [tilespmem:s20+$0x50];
	v3 =	vadd.f32 v5, v3  }
0xc7: {  	v5 =	vld [tilespmem:s20+$0xFFFFFF50]  }
0xc8: {  	[tilespmem:s22+$0xD0] =	vst v3;
	v3 =	vld [tilespmem:s22+$0xE0]  }
0xc9: {  	v2 =	vadd.f32 v4, v2;
	v4 =	vld [tilespmem:s20+$0xE0]  }
0xca: {  	v6 =	vld [tilespmem:s22+$0xFFFFFF60]  }
0xcb: {  	[tilespmem:s22+$0xFFFFFFD0] =	vst v2;
	v2 =	vld [tilespmem:s22+$0xFFFFFFE0];
	v0 =	vadd.f32 v1, v0  }
0xcc: {  	v1 =	vadd.f32 v5, v7;
	v5 =	vld [tilespmem:s20+$0xFFFFFFE0]  }
0xcd: {  	[tilespmem:s22+$0x50] =	vst v0;
	v7 =	vld [tilespmem:s22+$0x60]  }
0xce: {  	[tilespmem:s22+$0xFFFFFF50] =	vst v1;
	v8 =	vld [tilespmem:s20+$0x60];
	v0 =	vadd.f32 v4, v3  }
0xcf: {  	v3 =	vld [tilespmem:s20+$0xFFFFFF60]  }
0xd0: {  	[tilespmem:s22+$0xE0] =	vst v0;
	v9 =	vld [tilespmem:s22+$0xF0]  }
0xd1: {  	v1 =	vadd.f32 v5, v2;
	v5 =	vld [tilespmem:s20+$0xF0]  }
0xd2: {  	v0 =	vld [tilespmem:s22+$0xFFFFFF70]  }
.Ltmp5:
0xd3: {  	[tilespmem:s22+$0xFFFFFFE0] =	vst v1;
	v1 =	vld [tilespmem:s22+$0xFFFFFFF0];
	v2 =	vadd.f32 v8, v7;
	(pc) =	sbr.rel @p0 .LBB2_4-.Ltmp5, $4  }
0xd4: {  	v4 =	vadd.f32 v3, v6;
	v3 =	vld [tilespmem:s20+$0xFFFFFFF0]  }
0xd5: {  	[tilespmem:s22+$0x60] =	vst v2;
	v2 =	vld [tilespmem:s22+$0x70]  }
0xd6: {  	[tilespmem:s22+$0xFFFFFF60] =	vst v4;
	v4 =	vld [tilespmem:s20+$0x70];
	v6 =	vadd.f32 v5, v9  }
0xd7: {  	s22 =	sadd.s32 $0x200, s22;
	v5 =	vld [tilespmem:s20+$0xFFFFFF70]  }
0xd8: {  	_ =	sdelay $0x1  }
0xd9: {  	s20 =	smul.u32 $0x60, s12;
	v1 =	vadd.f32 v3, v1  }
0xda: {  	[tilespmem:s18+$0xF0] =	vst v6;
	v2 =	vadd.f32 v4, v2  }
0xdb: {  	s20 =	sor.u32 s7, s20;
	[tilespmem:s18+$0xFFFFFFF0] =	vst v1;
	v0 =	vadd.f32 v5, v0  }
0xdc: {  	s20 =	sshll.u32 s20, $0xB;
	[tilespmem:s18+$0x70] =	vst v2  }
0xdd: {  	s30 =	sadd.s32 s6, s20;
	[tilespmem:s18+$0xFFFFFF70] =	vst v0  }
0xde: {  	[hbm4b:s30+s2] =	stream.linear.scatter [tilespmem:s23], [sflag:$0x7], $0x4000, $0x38;
	[tilespmem:$0x18400] =	vst v63  }
.LBB2_6:
0xdf: {  	p0 =	sge.u32 s13, s9  }
.Ltmp6:
0xe0: {  	_ = 	snop;
	(pc) =	sbr.rel @p0 .LBB2_10-.Ltmp6, $1  }
0xe1: {  	_ =	sdelay $0x3  }
0xe2: {  	s18 =	sadd.s32 $0x3, s13  }
0xe3: {  	p0 =	sgt.u32 s18, s9  }
0xe4: {  	s18 =	sshll.u32 @!p0 s18, $0x9  }
0xe5: {  	s18 =	sor.u32 @!p0 s8, s18  }
0xe6: {  	s21 =	simm.s32 @!p0 $0x0;
	s20 =	sadd.s32 @!p0 s4, s18  }
0xe7: {  	[tilespmem:s21], [sflag:$0xA] =	stream.linear.gather @!p0 [hbm4b:s20+s21], $0x80, $0x38;
	[tilespmem:$0x18400] =	vst v63  }
0xe8: {  	s18 =	sadd.s32 @!p0 s5, s18;
	s20 =	simm.s32 @!p0 $0x200  }
0xe9: {  	[tilespmem:s20], [sflag:$0xD] =	stream.linear.gather @!p0 [hbm4b:s18+s21], $0x80, $0x38;
	[tilespmem:$0x18400] =	vst v63  }
0xea: {  	p0 =	sgt.u32 s13, s14  }
0xeb: {  	p1 =	seq.s32 @!p0 s12, $0x0  }
0xec: {  	p1 =	por p1, p0  }
0xed: {  	s18 =	simm.s32 @!p1 $0x9  }
0xee: {  	_ =	swait.ge @!p1 [sflag:s18], $0x4000  }
0xef: {  	[sflag:s18] =	ssyncset.done @!p1 $0x0  }
0xf0: {  	[sflag:s18] =	ssyncadd.s32 @!p1 $0xFFFFC000;
	s18 =	simm.s32 @!p0 $0xC  }
0xf1: {  	_ =	swait.ge @!p0 [sflag:s18], $0x80  }
0xf2: {  	[sflag:s18] =	ssyncset.done @!p0 $0x0  }
0xf3: {  	[sflag:s18] =	ssyncadd.s32 @!p0 $0xFFFFFF80;
	s18 =	simm.s32 @!p0 $0xF  }
0xf4: {  	_ =	swait.ge @!p0 [sflag:s18], $0x80  }
0xf5: {  	s20 =	simm.s32 @!p0 $0x100;
	[sflag:s18] =	ssyncset.done @!p0 $0x0  }
0xf6: {  	s21 =	simm.s32 @!p0 $0x8400;
	[sflag:s18] =	ssyncadd.s32 @!p0 $0xFFFFFF80;
	s18 =	simm.s32 @!p0 $0x80  }
0xf7: {  	[tilespmem:s21], [sflag:$0x3] =	stream.indirect.gather @!p0 [hbm4b:s1+s18], $0x80, s20, s18, $0xb8;
	[tilespmem:$0x18400] =	vst v63  }
0xf8: {  	s20 =	simm.s32 @!p0 $0x300;
	s21 =	simm.s32 @!p0 $0x14400  }
0xf9: {  	[tilespmem:s21], [sflag:$0x6] =	stream.indirect.gather @!p0 [hbm4b:s1+s18], $0x80, s20, s18, $0xb8;
	[tilespmem:$0x18400] =	vst v63  }
0xfa: {  	_ =	swait.ge [sflag:s26], $0x4000  }
0xfb: {  	[sflag:s26] =	ssyncset.done $0x0  }
0xfc: {  	[sflag:s26] =	ssyncadd.s32 $0xFFFFC000  }
0xfd: {  	_ =	swait.ge [sflag:s28], $0x4000  }
0xfe: {  	[sflag:s28] =	ssyncset.done $0x0  }
0xff: {  	s18 =	simm.s32 $0x0;
	[sflag:s28] =	ssyncadd.s32 $0xFFFFC000  }
0x100: {  	v0 =	vld [tilespmem:s18+$0x4400]  }
0x101: {  	v1 =	vld [tilespmem:s18+$0x10400]  }
0x102: {  	v2 =	vld [tilespmem:s18+$0x4410]  }
0x103: {  	v3 =	vld [tilespmem:s18+$0x10410]  }
0x104: {  	v4 =	vld [tilespmem:s18+$0x4420]  }
0x105: {  	v5 =	vld [tilespmem:s18+$0x10420]  }
0x106: {  	v6 =	vld [tilespmem:s18+$0x10430]  }
0x107: {  	v7 =	vld [tilespmem:s18+$0x45F0]  }
0x108: {  	v8 =	vld [tilespmem:s18+$0x105F0]  }
0x109: {  	v9 =	vld [tilespmem:s18+$0x10460]  }
0x10a: {  	v10 =	vld [tilespmem:s18+$0x4480]  }
0x10b: {  	v11 =	vld [tilespmem:s18+$0x10480]  }
0x10c: {  	v12 =	vld [tilespmem:s18+$0x4490]  }
0x10d: {  	v13 =	vld [tilespmem:s18+$0x10490]  }
0x10e: {  	v14 =	vld [tilespmem:s18+$0x44A0]  }
0x10f: {  	v45 =	vld [tilespmem:s18+$0x44B0]  }
0x110: {  	v15 =	vld [tilespmem:s18+$0x4470]  }
0x111: {  	v47 =	vld [tilespmem:s18+$0x44C0]  }
0x112: {  	v48 =	vld [tilespmem:s18+$0x104C0]  }
0x113: {  	v16 =	vld [tilespmem:s18+$0x10470]  }
0x114: {  	v49 =	vld [tilespmem:s18+$0x44D0]  }
0x115: {  	v17 =	vld [tilespmem:s18+$0x104D0]  }
0x116: {  	v18 =	vld [tilespmem:s18+$0x4500]  }
0x117: {  	v19 =	vld [tilespmem:s18+$0x10500]  }
0x118: {  	v20 =	vld [tilespmem:s18+$0x4510]  }
0x119: {  	v21 =	vld [tilespmem:s18+$0x10510]  }
0x11a: {  	v22 =	vld [tilespmem:s18+$0x4520]  }
0x11b: {  	v50 =	vld [tilespmem:s18+$0x10520]  }
0x11c: {  	v51 =	vld [tilespmem:s18+$0x4530]  }
0x11d: {  	v23 =	vld [tilespmem:s18+$0x44E0]  }
0x11e: {  	v53 =	vld [tilespmem:s18+$0x4540]  }
0x11f: {  	v54 =	vld [tilespmem:s18+$0x10540]  }
0x120: {  	v0 =	vadd.f32 v1, v0;
	v1 =	vld [tilespmem:s18+$0x4430]  }
0x121: {  	v60 =	vld [tilespmem:s18+$0x10590]  }
0x122: {  	v61 =	vld [tilespmem:s18+$0x45A0];
	v10 =	vadd.f32 v11, v10  }
0x123: {  	v46 =	vadd.f32 v13, v12;
	[tilespmem:s18+$0x4400] =	vst v0;
	v0 =	vadd.f32 v3, v2;
	v2 =	vld [tilespmem:s18+$0x4440]  }
0x124: {  	v7 =	vadd.f32 v8, v7;
	v3 =	vld [tilespmem:s18+$0x10440];
	[tilespmem:s18+$0x4480] =	vst v10  }
0x125: {  	[tilespmem:s18+$0x4490] =	vst v46;
	v1 =	vadd.f32 v6, v1;
	v6 =	vld [tilespmem:s18+$0x104A0]  }
0x126: {  	v18 =	vadd.f32 v19, v18;
	[tilespmem:s18+$0x45F0] =	vst v7;
	v7 =	vld [tilespmem:s18+$0x4590]  }
0x127: {  	v52 =	vadd.f32 v21, v20;
	[tilespmem:s18+$0x4410] =	vst v0;
	v0 =	vadd.f32 v5, v4;
	v4 =	vld [tilespmem:s18+$0x4450]  }
0x128: {  	[tilespmem:s18+$0x4500] =	vst v18;
	v5 =	vld [tilespmem:s18+$0x10450]  }
0x129: {  	v62 =	vld [tilespmem:s18+$0x105A0];
	[tilespmem:s18+$0x4510] =	vst v52  }
0x12a: {  	[tilespmem:s18+$0x4420] =	vst v0;
	v0 =	vld [tilespmem:s18+$0x4460];
	v6 =	vadd.f32 v6, v14  }
0x12b: {  	[tilespmem:s18+$0x4430] =	vst v1;
	v1 =	vld [tilespmem:s18+$0x104B0];
	v2 =	vadd.f32 v3, v2  }
0x12c: {  	v7 =	vadd.f32 v60, v7;
	[tilespmem:s18+$0x44A0] =	vst v6;
	v6 =	vld [tilespmem:s18+$0x10530]  }
0x12d: {  	v55 =	vld [tilespmem:s18+$0x104E0];
	v4 =	vadd.f32 v5, v4;
	[tilespmem:s18+$0x4440] =	vst v2  }
0x12e: {  	v56 =	vld [tilespmem:s18+$0x4550];
	[tilespmem:s18+$0x4590] =	vst v7;
	v7 =	vadd.f32 v62, v61  }
0x12f: {  	v5 =	vld [tilespmem:s18+$0x4580];
	v0 =	vadd.f32 v9, v0;
	[tilespmem:s18+$0x4450] =	vst v4  }
0x130: {  	v2 =	vld [tilespmem:s18+$0x10580];
	[tilespmem:s18+$0x45A0] =	vst v7;
	v1 =	vadd.f32 v1, v45  }
0x131: {  	v57 =	vld [tilespmem:s18+$0x44F0];
	[tilespmem:s18+$0x4460] =	vst v0;
	v6 =	vadd.f32 v6, v51  }
0x132: {  	v4 =	vadd.f32 v16, v15;
	[tilespmem:s18+$0x44B0] =	vst v1;
	v1 =	vld [tilespmem:s18+$0x10550]  }
0x133: {  	v0 =	vadd.f32 v48, v47;
	[tilespmem:s18+$0x4530] =	vst v6;
	v6 =	vld [tilespmem:s18+$0x104F0]  }
0x134: {  	v58 =	vld [tilespmem:s18+$0x4560];
	[tilespmem:s18+$0x4470] =	vst v4;
	v4 =	vadd.f32 v17, v49  }
0x135: {  	v59 =	vld [tilespmem:s18+$0x10560];
	v2 =	vadd.f32 v2, v5;
	[tilespmem:s18+$0x44C0] =	vst v0  }
0x136: {  	v63 =	vld [tilespmem:s18+$0x10570];
	v0 =	vadd.f32 v55, v23;
	[tilespmem:s18+$0x44D0] =	vst v4  }
0x137: {  	v3 =	vld [tilespmem:s18+$0x4570];
	[tilespmem:s18+$0x4580] =	vst v2;
	v1 =	vadd.f32 v1, v56  }
0x138: {  	v5 =	vld [tilespmem:s18+$0x105B0];
	[tilespmem:s18+$0x44E0] =	vst v0;
	v0 =	vadd.f32 v6, v57;
	v6 =	vadd.f32 v54, v53  }
0x139: {  	v4 =	vld [tilespmem:s18+$0x45B0];
	[tilespmem:s18+$0x4550] =	vst v1  }
0x13a: {  	v2 =	vld [tilespmem:s18+$0x105C0];
	[tilespmem:s18+$0x4540] =	vst v6;
	v6 =	vadd.f32 v59, v58  }
0x13b: {  	v14 =	vadd.f32 v50, v22;
	[tilespmem:s18+$0x44F0] =	vst v0;
	v0 =	vld [tilespmem:s18+$0x45C0]  }
0x13c: {  	v1 =	vld [tilespmem:s18+$0x45D0];
	[tilespmem:s18+$0x4560] =	vst v6;
	v6 =	vadd.f32 v63, v3  }
0x13d: {  	[tilespmem:s18+$0x4520] =	vst v14;
	v3 =	vld [tilespmem:s18+$0x105D0]  }
0x13e: {  	s20 =	simm.s32 $0x0;
	s21 =	simm.s32 $0x800;
	v5 =	vadd.f32 v5, v4;
	v4 =	vld [tilespmem:s18+$0x45E0];
	[tilespmem:s18+$0x4570] =	vst v6  }
.LBB2_8:
0x13f: {  	s22 =	sshra.s32 s21, $0x2;
	v6 =	vld [tilespmem:s18+$0x105E0]  }
0x140: {  	s20 =	sadd.s32 $0x4, s20;
	v7 =	vld [tilespmem:s22+$0x45F0];
	[tilespmem:s18+$0x45B0] =	vst v5;
	v0 =	vadd.f32 v2, v0  }
0x141: {  	p0 =	slt.u32 s20, $0x7C;
	v2 =	vld [tilespmem:s22+$0x105F0]  }
0x142: {  	v5 =	vld [tilespmem:s22+$0x4400];
	[tilespmem:s18+$0x45C0] =	vst v0;
	v0 =	vadd.f32 v3, v1  }
0x143: {  	v1 =	vld [tilespmem:s22+$0x10400]  }
0x144: {  	v3 =	vld [tilespmem:s22+$0x4410];
	[tilespmem:s18+$0x45D0] =	vst v0;
	v0 =	vadd.f32 v6, v4  }
0x145: {  	v4 =	vld [tilespmem:s22+$0x10410]  }
0x146: {  	v6 =	vld [tilespmem:s22+$0x4420];
	v2 =	vadd.f32 v2, v7;
	[tilespmem:s18+$0x45E0] =	vst v0;
	s18 =	smov.u32 s22  }
0x147: {  	v0 =	vld [tilespmem:s18+$0x10420]  }
0x148: {  	v1 =	vadd.f32 v1, v5;
	v5 =	vld [tilespmem:s18+$0x4430];
	[tilespmem:s18+$0x45F0] =	vst v2  }
0x149: {  	v2 =	vld [tilespmem:s18+$0x10430]  }
0x14a: {  	[tilespmem:s18+$0x4400] =	vst v1;
	v1 =	vadd.f32 v4, v3;
	v3 =	vld [tilespmem:s18+$0x4440]  }
0x14b: {  	v4 =	vld [tilespmem:s18+$0x10440]  }
0x14c: {  	[tilespmem:s18+$0x4410] =	vst v1;
	v0 =	vadd.f32 v0, v6;
	v1 =	vld [tilespmem:s18+$0x4450]  }
0x14d: {  	v6 =	vld [tilespmem:s18+$0x10450]  }
0x14e: {  	[tilespmem:s18+$0x4420] =	vst v0;
	v0 =	vadd.f32 v2, v5;
	v2 =	vld [tilespmem:s18+$0x4460]  }
0x14f: {  	v5 =	vld [tilespmem:s18+$0x10460]  }
0x150: {  	[tilespmem:s18+$0x4430] =	vst v0;
	v0 =	vadd.f32 v4, v3;
	v3 =	vld [tilespmem:s18+$0x4470]  }
0x151: {  	v4 =	vld [tilespmem:s18+$0x10470]  }
0x152: {  	[tilespmem:s18+$0x4440] =	vst v0;
	v0 =	vadd.f32 v6, v1;
	v1 =	vld [tilespmem:s18+$0x4480]  }
0x153: {  	v6 =	vld [tilespmem:s18+$0x10480]  }
0x154: {  	[tilespmem:s18+$0x4450] =	vst v0;
	v0 =	vadd.f32 v5, v2;
	v2 =	vld [tilespmem:s18+$0x4490]  }
0x155: {  	v5 =	vld [tilespmem:s18+$0x10490]  }
0x156: {  	[tilespmem:s18+$0x4460] =	vst v0;
	v0 =	vadd.f32 v4, v3;
	v3 =	vld [tilespmem:s18+$0x44A0]  }
0x157: {  	v4 =	vld [tilespmem:s18+$0x104A0]  }
0x158: {  	[tilespmem:s18+$0x4470] =	vst v0;
	v0 =	vadd.f32 v6, v1;
	v1 =	vld [tilespmem:s18+$0x44B0]  }
0x159: {  	v6 =	vld [tilespmem:s18+$0x104B0]  }
0x15a: {  	[tilespmem:s18+$0x4480] =	vst v0;
	v0 =	vadd.f32 v5, v2;
	v2 =	vld [tilespmem:s18+$0x44C0]  }
0x15b: {  	v5 =	vld [tilespmem:s18+$0x104C0]  }
0x15c: {  	[tilespmem:s18+$0x4490] =	vst v0;
	v0 =	vadd.f32 v4, v3;
	v3 =	vld [tilespmem:s18+$0x44D0]  }
0x15d: {  	v4 =	vld [tilespmem:s18+$0x104D0]  }
0x15e: {  	[tilespmem:s18+$0x44A0] =	vst v0;
	v0 =	vadd.f32 v6, v1;
	v1 =	vld [tilespmem:s18+$0x44E0]  }
0x15f: {  	v6 =	vld [tilespmem:s18+$0x104E0]  }
0x160: {  	[tilespmem:s18+$0x44B0] =	vst v0;
	v0 =	vadd.f32 v5, v2;
	v2 =	vld [tilespmem:s18+$0x44F0]  }
0x161: {  	v5 =	vld [tilespmem:s18+$0x104F0]  }
0x162: {  	[tilespmem:s18+$0x44C0] =	vst v0;
	v0 =	vadd.f32 v4, v3;
	v3 =	vld [tilespmem:s18+$0x4500]  }
0x163: {  	v4 =	vld [tilespmem:s18+$0x10500]  }
0x164: {  	[tilespmem:s18+$0x44D0] =	vst v0;
	v0 =	vadd.f32 v6, v1;
	v1 =	vld [tilespmem:s18+$0x4510]  }
0x165: {  	v6 =	vld [tilespmem:s18+$0x10510]  }
0x166: {  	[tilespmem:s18+$0x44E0] =	vst v0;
	v0 =	vadd.f32 v5, v2;
	v2 =	vld [tilespmem:s18+$0x4520]  }
0x167: {  	v5 =	vld [tilespmem:s18+$0x10520]  }
0x168: {  	[tilespmem:s18+$0x44F0] =	vst v0;
	v0 =	vadd.f32 v4, v3;
	v3 =	vld [tilespmem:s18+$0x4530]  }
0x169: {  	v4 =	vld [tilespmem:s18+$0x10530]  }
0x16a: {  	[tilespmem:s18+$0x4500] =	vst v0;
	v0 =	vadd.f32 v6, v1;
	v1 =	vld [tilespmem:s18+$0x4540]  }
0x16b: {  	v6 =	vld [tilespmem:s18+$0x10540]  }
0x16c: {  	[tilespmem:s18+$0x4510] =	vst v0;
	v0 =	vadd.f32 v5, v2;
	v2 =	vld [tilespmem:s18+$0x4550]  }
0x16d: {  	v5 =	vld [tilespmem:s18+$0x10550]  }
0x16e: {  	[tilespmem:s18+$0x4520] =	vst v0;
	v0 =	vadd.f32 v4, v3;
	v3 =	vld [tilespmem:s18+$0x4560]  }
0x16f: {  	v4 =	vld [tilespmem:s18+$0x10560]  }
0x170: {  	[tilespmem:s18+$0x4530] =	vst v0;
	v0 =	vadd.f32 v6, v1;
	v1 =	vld [tilespmem:s18+$0x4570]  }
0x171: {  	v6 =	vld [tilespmem:s18+$0x10570]  }
0x172: {  	[tilespmem:s18+$0x4540] =	vst v0;
	v0 =	vadd.f32 v5, v2;
	v2 =	vld [tilespmem:s18+$0x4580]  }
0x173: {  	v5 =	vld [tilespmem:s18+$0x10580]  }
0x174: {  	[tilespmem:s18+$0x4550] =	vst v0;
	v0 =	vadd.f32 v4, v3;
	v3 =	vld [tilespmem:s18+$0x4590]  }
0x175: {  	v4 =	vld [tilespmem:s18+$0x10590]  }
0x176: {  	[tilespmem:s18+$0x4560] =	vst v0;
	v0 =	vadd.f32 v6, v1;
	v1 =	vld [tilespmem:s18+$0x45A0]  }
0x177: {  	v6 =	vld [tilespmem:s18+$0x105A0]  }
0x178: {  	[tilespmem:s18+$0x4570] =	vst v0;
	v0 =	vadd.f32 v5, v2;
	v5 =	vld [tilespmem:s18+$0x45B0]  }
0x179: {  	v7 =	vld [tilespmem:s18+$0x105B0]  }
.Ltmp7:
0x17a: {  	[tilespmem:s18+$0x4580] =	vst v0;
	v3 =	vadd.f32 v4, v3;
	v0 =	vld [tilespmem:s18+$0x45C0];
	(pc) =	sbr.rel @p0 .LBB2_8-.Ltmp7, $4  }
0x17b: {  	v2 =	vld [tilespmem:s18+$0x105C0]  }
0x17c: {  	[tilespmem:s18+$0x4590] =	vst v3;
	v4 =	vadd.f32 v6, v1;
	v1 =	vld [tilespmem:s18+$0x45D0]  }
0x17d: {  	v3 =	vld [tilespmem:s18+$0x105D0]  }
0x17e: {  	s21 =	sadd.s32 $0x800, s21;
	[tilespmem:s18+$0x45A0] =	vst v4;
	v5 =	vadd.f32 v7, v5;
	v4 =	vld [tilespmem:s18+$0x45E0]  }
0x17f: {  	v6 =	vld [tilespmem:s18+$0x105E0];
	_ =	sdelay $0x2  }
0x180: {  	s20 =	smul.u32 $0x180000, s12;
	v0 =	vadd.f32 v2, v0  }
0x181: {  	[tilespmem:s18+$0x45B0] =	vst v5;
	v1 =	vadd.f32 v3, v1  }
0x182: {  	s20 =	sadd.s32 s16, s20;
	[tilespmem:s18+$0x45C0] =	vst v0;
	v63 =	vadd.f32 v6, v4  }
0x183: {  	s20 =	sshrl.u32 s20, $0x3;
	[tilespmem:s18+$0x45D0] =	vst v1  }
0x184: {  	s30 =	sadd.s32 s6, s20;
	[tilespmem:s18+$0x45E0] =	vst v63  }
0x185: {  	[hbm4b:s30+s2] =	stream.linear.scatter [tilespmem:s29], [sflag:$0x8], $0x4000, $0x38;
	[tilespmem:$0x18400] =	vst v63  }
.LBB2_10:
0x186: {  	s18 =	sadd.s32 $0x2, s13  }
0x187: {  	p0 =	sgt.u32 s18, s9  }
.Ltmp8:
0x188: {  	_ = 	snop;
	(pc) =	sbr.rel @p0 .LBB2_14-.Ltmp8, $1  }
0x189: {  	_ =	sdelay $0x3  }
0x18a: {  	s20 =	sadd.s32 $0x4, s13  }
0x18b: {  	p0 =	sgt.u32 s20, s9  }
0x18c: {  	s20 =	sshll.u32 @!p0 s20, $0x9  }
0x18d: {  	s20 =	sor.u32 @!p0 s8, s20  }
0x18e: {  	s22 =	simm.s32 @!p0 $0x0;
	s30 =	simm.s32 @!p0 $0x80;
	s21 =	sadd.s32 @!p0 s4, s20  }
0x18f: {  	[tilespmem:s30], [sflag:$0xB] =	stream.linear.gather @!p0 [hbm4b:s21+s22], $0x80, $0x38;
	[tilespmem:$0x18400] =	vst v63  }
0x190: {  	s20 =	sadd.s32 @!p0 s5, s20;
	s21 =	simm.s32 @!p0 $0x280  }
0x191: {  	[tilespmem:s21], [sflag:$0xE] =	stream.linear.gather @!p0 [hbm4b:s20+s22], $0x80, $0x38;
	[tilespmem:$0x18400] =	vst v63  }
0x192: {  	p0 =	sgt.u32 s13, s15  }
0x193: {  	s13 =	simm.s32 @!p0 $0x7  }
0x194: {  	_ =	swait.ge @!p0 [sflag:s13], $0x4000  }
0x195: {  	[sflag:s13] =	ssyncset.done @!p0 $0x0  }
0x196: {  	[sflag:s13] =	ssyncadd.s32 @!p0 $0xFFFFC000;
	s13 =	simm.s32 @!p0 $0xA  }
0x197: {  	_ =	swait.ge @!p0 [sflag:s13], $0x80  }
0x198: {  	[sflag:s13] =	ssyncset.done @!p0 $0x0  }
0x199: {  	[sflag:s13] =	ssyncadd.s32 @!p0 $0xFFFFFF80;
	s13 =	simm.s32 @!p0 $0xD  }
0x19a: {  	_ =	swait.ge @!p0 [sflag:s13], $0x80  }
0x19b: {  	s20 =	simm.s32 @!p0 $0x0;
	[sflag:s13] =	ssyncset.done @!p0 $0x0  }
0x19c: {  	s21 =	simm.s32 @!p0 $0x400;
	[sflag:s13] =	ssyncadd.s32 @!p0 $0xFFFFFF80;
	s13 =	simm.s32 @!p0 $0x80  }
0x19d: {  	[tilespmem:s21], [sflag:$0x1] =	stream.indirect.gather @!p0 [hbm4b:s1+s13], $0x80, s20, s13, $0xb8;
	[tilespmem:$0x18400] =	vst v63  }
0x19e: {  	s20 =	simm.s32 @!p0 $0x200;
	s21 =	simm.s32 @!p0 $0xC400  }
0x19f: {  	[tilespmem:s21], [sflag:$0x4] =	stream.indirect.gather @!p0 [hbm4b:s1+s13], $0x80, s20, s13, $0xb8;
	[tilespmem:$0x18400] =	vst v63  }
0x1a0: {  	_ =	swait.ge [sflag:s3], $0x4000  }
0x1a1: {  	[sflag:s3] =	ssyncset.done $0x0  }
0x1a2: {  	[sflag:s3] =	ssyncadd.s32 $0xFFFFC000  }
0x1a3: {  	_ =	swait.ge [sflag:s24], $0x4000  }
0x1a4: {  	[sflag:s24] =	ssyncset.done $0x0  }
0x1a5: {  	s13 =	simm.s32 $0x0;
	[sflag:s24] =	ssyncadd.s32 $0xFFFFC000  }
0x1a6: {  	v0 =	vld [tilespmem:s13+$0x8400]  }
0x1a7: {  	v1 =	vld [tilespmem:s13+$0x14400]  }
0x1a8: {  	v2 =	vld [tilespmem:s13+$0x8410]  }
0x1a9: {  	v3 =	vld [tilespmem:s13+$0x14410]  }
0x1aa: {  	v4 =	vld [tilespmem:s13+$0x8420]  }
0x1ab: {  	v5 =	vld [tilespmem:s13+$0x14420]  }
0x1ac: {  	v6 =	vld [tilespmem:s13+$0x14430]  }
0x1ad: {  	v7 =	vld [tilespmem:s13+$0x85F0]  }
0x1ae: {  	v8 =	vld [tilespmem:s13+$0x145F0]  }
0x1af: {  	v9 =	vld [tilespmem:s13+$0x14460]  }
0x1b0: {  	v10 =	vld [tilespmem:s13+$0x8480]  }
0x1b1: {  	v11 =	vld [tilespmem:s13+$0x14480]  }
0x1b2: {  	v12 =	vld [tilespmem:s13+$0x8490]  }
0x1b3: {  	v13 =	vld [tilespmem:s13+$0x14490]  }
0x1b4: {  	v14 =	vld [tilespmem:s13+$0x84A0]  }
0x1b5: {  	v45 =	vld [tilespmem:s13+$0x84B0]  }
0x1b6: {  	v15 =	vld [tilespmem:s13+$0x8470]  }
0x1b7: {  	v47 =	vld [tilespmem:s13+$0x84C0]  }
0x1b8: {  	v48 =	vld [tilespmem:s13+$0x144C0]  }
0x1b9: {  	v16 =	vld [tilespmem:s13+$0x14470]  }
0x1ba: {  	v49 =	vld [tilespmem:s13+$0x84D0]  }
0x1bb: {  	v17 =	vld [tilespmem:s13+$0x144D0]  }
0x1bc: {  	v18 =	vld [tilespmem:s13+$0x8500]  }
0x1bd: {  	v19 =	vld [tilespmem:s13+$0x14500]  }
0x1be: {  	v20 =	vld [tilespmem:s13+$0x8510]  }
0x1bf: {  	v21 =	vld [tilespmem:s13+$0x14510]  }
0x1c0: {  	v22 =	vld [tilespmem:s13+$0x8520]  }
0x1c1: {  	v50 =	vld [tilespmem:s13+$0x14520]  }
0x1c2: {  	v51 =	vld [tilespmem:s13+$0x8530]  }
0x1c3: {  	v23 =	vld [tilespmem:s13+$0x84E0]  }
0x1c4: {  	v53 =	vld [tilespmem:s13+$0x8540]  }
0x1c5: {  	v0 =	vadd.f32 v1, v0;
	v1 =	vld [tilespmem:s13+$0x8430]  }
0x1c6: {  	v54 =	vld [tilespmem:s13+$0x14540]  }
0x1c7: {  	v55 =	vld [tilespmem:s13+$0x144E0]  }
0x1c8: {  	v56 =	vld [tilespmem:s13+$0x8550];
	v10 =	vadd.f32 v11, v10  }
0x1c9: {  	v46 =	vadd.f32 v13, v12;
	[tilespmem:s13+$0x8400] =	vst v0;
	v0 =	vadd.f32 v3, v2;
	v2 =	vld [tilespmem:s13+$0x8440]  }
0x1ca: {  	[tilespmem:s13+$0x8480] =	vst v10;
	v1 =	vadd.f32 v6, v1;
	v6 =	vld [tilespmem:s13+$0x144A0]  }
0x1cb: {  	v18 =	vadd.f32 v19, v18;
	v3 =	vld [tilespmem:s13+$0x14440];
	[tilespmem:s13+$0x8490] =	vst v46  }
0x1cc: {  	v52 =	vadd.f32 v21, v20;
	[tilespmem:s13+$0x8410] =	vst v0;
	v0 =	vadd.f32 v5, v4;
	v4 =	vld [tilespmem:s13+$0x8450]  }
0x1cd: {  	[tilespmem:s13+$0x8500] =	vst v18;
	v5 =	vld [tilespmem:s13+$0x14450]  }
0x1ce: {  	v57 =	vld [tilespmem:s13+$0x84F0];
	v7 =	vadd.f32 v8, v7;
	[tilespmem:s13+$0x8510] =	vst v52  }
0x1cf: {  	[tilespmem:s13+$0x8420] =	vst v0;
	v0 =	vld [tilespmem:s13+$0x8460];
	v6 =	vadd.f32 v6, v14  }
0x1d0: {  	v58 =	vld [tilespmem:s13+$0x8560];
	[tilespmem:s13+$0x85F0] =	vst v7  }
0x1d1: {  	v2 =	vadd.f32 v3, v2;
	[tilespmem:s13+$0x84A0] =	vst v6;
	v6 =	vld [tilespmem:s13+$0x14530]  }
0x1d2: {  	[tilespmem:s13+$0x8430] =	vst v1;
	v1 =	vld [tilespmem:s13+$0x144B0];
	v4 =	vadd.f32 v5, v4  }
0x1d3: {  	v59 =	vld [tilespmem:s13+$0x14560];
	[tilespmem:s13+$0x8440] =	vst v2;
	v14 =	vadd.f32 v50, v22  }
0x1d4: {  	v5 =	vld [tilespmem:s13+$0x8580];
	v0 =	vadd.f32 v9, v0;
	[tilespmem:s13+$0x8450] =	vst v4  }
0x1d5: {  	v2 =	vld [tilespmem:s13+$0x14580];
	v4 =	vadd.f32 v16, v15;
	[tilespmem:s13+$0x8520] =	vst v14  }
0x1d6: {  	v60 =	vld [tilespmem:s13+$0x14590];
	[tilespmem:s13+$0x8460] =	vst v0;
	v6 =	vadd.f32 v6, v51  }
0x1d7: {  	v7 =	vld [tilespmem:s13+$0x8590];
	v1 =	vadd.f32 v1, v45;
	[tilespmem:s13+$0x8470] =	vst v4  }
0x1d8: {  	v0 =	vadd.f32 v48, v47;
	[tilespmem:s13+$0x8530] =	vst v6;
	v6 =	vld [tilespmem:s13+$0x144F0]  }
0x1d9: {  	v61 =	vld [tilespmem:s13+$0x85A0];
	v4 =	vadd.f32 v17, v49;
	[tilespmem:s13+$0x84B0] =	vst v1  }
0x1da: {  	v63 =	vld [tilespmem:s13+$0x14570];
	v2 =	vadd.f32 v2, v5;
	[tilespmem:s13+$0x84C0] =	vst v0  }
0x1db: {  	v1 =	vld [tilespmem:s13+$0x14550];
	v0 =	vadd.f32 v55, v23;
	[tilespmem:s13+$0x84D0] =	vst v4  }
0x1dc: {  	v3 =	vld [tilespmem:s13+$0x8570];
	[tilespmem:s13+$0x8580] =	vst v2;
	v2 =	vadd.f32 v60, v7  }
0x1dd: {  	v62 =	vld [tilespmem:s13+$0x145A0];
	[tilespmem:s13+$0x84E0] =	vst v0;
	v0 =	vadd.f32 v6, v57  }
0x1de: {  	v5 =	vld [tilespmem:s13+$0x145B0];
	[tilespmem:s13+$0x8590] =	vst v2;
	v6 =	vadd.f32 v54, v53  }
0x1df: {  	v4 =	vld [tilespmem:s13+$0x85B0];
	v7 =	vadd.f32 v59, v58;
	[tilespmem:s13+$0x84F0] =	vst v0  }
0x1e0: {  	v0 =	vld [tilespmem:s13+$0x85C0];
	[tilespmem:s13+$0x8540] =	vst v6;
	v6 =	vadd.f32 v1, v56  }
0x1e1: {  	[tilespmem:s13+$0x8560] =	vst v7;
	v7 =	vadd.f32 v63, v3;
	v1 =	vld [tilespmem:s13+$0x145C0]  }
0x1e2: {  	v2 =	vld [tilespmem:s13+$0x85D0];
	[tilespmem:s13+$0x8550] =	vst v6;
	v6 =	vadd.f32 v62, v61  }
0x1e3: {  	v3 =	vld [tilespmem:s13+$0x145D0];
	[tilespmem:s13+$0x8570] =	vst v7  }
0x1e4: {  	s20 =	simm.s32 $0x0;
	s21 =	simm.s32 $0x800;
	v5 =	vadd.f32 v5, v4;
	v4 =	vld [tilespmem:s13+$0x85E0];
	[tilespmem:s13+$0x85A0] =	vst v6  }
.LBB2_12:
0x1e5: {  	s22 =	sshra.s32 s21, $0x2;
	v6 =	vld [tilespmem:s13+$0x145E0]  }
0x1e6: {  	s20 =	sadd.s32 $0x4, s20;
	v7 =	vld [tilespmem:s22+$0x85F0];
	[tilespmem:s13+$0x85B0] =	vst v5;
	v0 =	vadd.f32 v1, v0  }
0x1e7: {  	p0 =	slt.u32 s20, $0x7C;
	v1 =	vld [tilespmem:s22+$0x145F0]  }
0x1e8: {  	v5 =	vld [tilespmem:s22+$0x8400];
	[tilespmem:s13+$0x85C0] =	vst v0;
	v0 =	vadd.f32 v3, v2  }
0x1e9: {  	v2 =	vld [tilespmem:s22+$0x14400]  }
0x1ea: {  	v3 =	vld [tilespmem:s22+$0x8410];
	[tilespmem:s13+$0x85D0] =	vst v0;
	v0 =	vadd.f32 v6, v4  }
0x1eb: {  	v4 =	vld [tilespmem:s22+$0x14410]  }
0x1ec: {  	v6 =	vld [tilespmem:s22+$0x8420];
	v1 =	vadd.f32 v1, v7;
	[tilespmem:s13+$0x85E0] =	vst v0;
	s13 =	smov.u32 s22  }
0x1ed: {  	v0 =	vld [tilespmem:s13+$0x14420]  }
0x1ee: {  	v2 =	vadd.f32 v2, v5;
	v5 =	vld [tilespmem:s13+$0x8430];
	[tilespmem:s13+$0x85F0] =	vst v1  }
0x1ef: {  	v1 =	vld [tilespmem:s13+$0x14430]  }
0x1f0: {  	[tilespmem:s13+$0x8400] =	vst v2;
	v2 =	vadd.f32 v4, v3;
	v3 =	vld [tilespmem:s13+$0x8440]  }
0x1f1: {  	v4 =	vld [tilespmem:s13+$0x14440]  }
0x1f2: {  	[tilespmem:s13+$0x8410] =	vst v2;
	v0 =	vadd.f32 v0, v6;
	v2 =	vld [tilespmem:s13+$0x8450]  }
0x1f3: {  	v6 =	vld [tilespmem:s13+$0x14450]  }
0x1f4: {  	[tilespmem:s13+$0x8420] =	vst v0;
	v0 =	vadd.f32 v1, v5;
	v1 =	vld [tilespmem:s13+$0x8460]  }
0x1f5: {  	v5 =	vld [tilespmem:s13+$0x14460]  }
0x1f6: {  	[tilespmem:s13+$0x8430] =	vst v0;
	v0 =	vadd.f32 v4, v3;
	v3 =	vld [tilespmem:s13+$0x8470]  }
0x1f7: {  	v4 =	vld [tilespmem:s13+$0x14470]  }
0x1f8: {  	[tilespmem:s13+$0x8440] =	vst v0;
	v0 =	vadd.f32 v6, v2;
	v2 =	vld [tilespmem:s13+$0x8480]  }
0x1f9: {  	v6 =	vld [tilespmem:s13+$0x14480]  }
0x1fa: {  	[tilespmem:s13+$0x8450] =	vst v0;
	v0 =	vadd.f32 v5, v1;
	v1 =	vld [tilespmem:s13+$0x8490]  }
0x1fb: {  	v5 =	vld [tilespmem:s13+$0x14490]  }
0x1fc: {  	[tilespmem:s13+$0x8460] =	vst v0;
	v0 =	vadd.f32 v4, v3;
	v3 =	vld [tilespmem:s13+$0x84A0]  }
0x1fd: {  	v4 =	vld [tilespmem:s13+$0x144A0]  }
0x1fe: {  	[tilespmem:s13+$0x8470] =	vst v0;
	v0 =	vadd.f32 v6, v2;
	v2 =	vld [tilespmem:s13+$0x84B0]  }
0x1ff: {  	v6 =	vld [tilespmem:s13+$0x144B0]  }
0x200: {  	[tilespmem:s13+$0x8480] =	vst v0;
	v0 =	vadd.f32 v5, v1;
	v1 =	vld [tilespmem:s13+$0x84C0]  }
0x201: {  	v5 =	vld [tilespmem:s13+$0x144C0]  }
0x202: {  	[tilespmem:s13+$0x8490] =	vst v0;
	v0 =	vadd.f32 v4, v3;
	v3 =	vld [tilespmem:s13+$0x84D0]  }
0x203: {  	v4 =	vld [tilespmem:s13+$0x144D0]  }
0x204: {  	[tilespmem:s13+$0x84A0] =	vst v0;
	v0 =	vadd.f32 v6, v2;
	v2 =	vld [tilespmem:s13+$0x84E0]  }
0x205: {  	v6 =	vld [tilespmem:s13+$0x144E0]  }
0x206: {  	[tilespmem:s13+$0x84B0] =	vst v0;
	v0 =	vadd.f32 v5, v1;
	v1 =	vld [tilespmem:s13+$0x84F0]  }
0x207: {  	v5 =	vld [tilespmem:s13+$0x144F0]  }
0x208: {  	[tilespmem:s13+$0x84C0] =	vst v0;
	v0 =	vadd.f32 v4, v3;
	v3 =	vld [tilespmem:s13+$0x8500]  }
0x209: {  	v4 =	vld [tilespmem:s13+$0x14500]  }
0x20a: {  	[tilespmem:s13+$0x84D0] =	vst v0;
	v0 =	vadd.f32 v6, v2;
	v2 =	vld [tilespmem:s13+$0x8510]  }
0x20b: {  	v6 =	vld [tilespmem:s13+$0x14510]  }
0x20c: {  	[tilespmem:s13+$0x84E0] =	vst v0;
	v0 =	vadd.f32 v5, v1;
	v1 =	vld [tilespmem:s13+$0x8520]  }
0x20d: {  	v5 =	vld [tilespmem:s13+$0x14520]  }
0x20e: {  	[tilespmem:s13+$0x84F0] =	vst v0;
	v0 =	vadd.f32 v4, v3;
	v3 =	vld [tilespmem:s13+$0x8530]  }
0x20f: {  	v4 =	vld [tilespmem:s13+$0x14530]  }
0x210: {  	[tilespmem:s13+$0x8500] =	vst v0;
	v0 =	vadd.f32 v6, v2;
	v2 =	vld [tilespmem:s13+$0x8540]  }
0x211: {  	v6 =	vld [tilespmem:s13+$0x14540]  }
0x212: {  	[tilespmem:s13+$0x8510] =	vst v0;
	v0 =	vadd.f32 v5, v1;
	v1 =	vld [tilespmem:s13+$0x8550]  }
0x213: {  	v5 =	vld [tilespmem:s13+$0x14550]  }
0x214: {  	[tilespmem:s13+$0x8520] =	vst v0;
	v0 =	vadd.f32 v4, v3;
	v3 =	vld [tilespmem:s13+$0x8560]  }
0x215: {  	v4 =	vld [tilespmem:s13+$0x14560]  }
0x216: {  	[tilespmem:s13+$0x8530] =	vst v0;
	v0 =	vadd.f32 v6, v2;
	v2 =	vld [tilespmem:s13+$0x8570]  }
0x217: {  	v6 =	vld [tilespmem:s13+$0x14570]  }
0x218: {  	[tilespmem:s13+$0x8540] =	vst v0;
	v0 =	vadd.f32 v5, v1;
	v1 =	vld [tilespmem:s13+$0x8580]  }
0x219: {  	v5 =	vld [tilespmem:s13+$0x14580]  }
0x21a: {  	[tilespmem:s13+$0x8550] =	vst v0;
	v0 =	vadd.f32 v4, v3;
	v3 =	vld [tilespmem:s13+$0x8590]  }
0x21b: {  	v4 =	vld [tilespmem:s13+$0x14590]  }
0x21c: {  	[tilespmem:s13+$0x8560] =	vst v0;
	v0 =	vadd.f32 v6, v2;
	v2 =	vld [tilespmem:s13+$0x85A0]  }
0x21d: {  	v6 =	vld [tilespmem:s13+$0x145A0]  }
0x21e: {  	[tilespmem:s13+$0x8570] =	vst v0;
	v0 =	vadd.f32 v5, v1;
	v5 =	vld [tilespmem:s13+$0x85B0]  }
0x21f: {  	v7 =	vld [tilespmem:s13+$0x145B0]  }
.Ltmp9:
0x220: {  	[tilespmem:s13+$0x8580] =	vst v0;
	v3 =	vadd.f32 v4, v3;
	v0 =	vld [tilespmem:s13+$0x85C0];
	(pc) =	sbr.rel @p0 .LBB2_12-.Ltmp9, $4  }
0x221: {  	v1 =	vld [tilespmem:s13+$0x145C0]  }
0x222: {  	[tilespmem:s13+$0x8590] =	vst v3;
	v4 =	vadd.f32 v6, v2;
	v2 =	vld [tilespmem:s13+$0x85D0]  }
0x223: {  	v3 =	vld [tilespmem:s13+$0x145D0]  }
0x224: {  	s21 =	sadd.s32 $0x800, s21;
	[tilespmem:s13+$0x85A0] =	vst v4;
	v5 =	vadd.f32 v7, v5;
	v4 =	vld [tilespmem:s13+$0x85E0]  }
0x225: {  	v6 =	vld [tilespmem:s13+$0x145E0];
	_ =	sdelay $0x2  }
0x226: {  	v0 =	vadd.f32 v1, v0  }
.Ltmp10:
0x227: {  	[tilespmem:s13+$0x85B0] =	vst v5;
	v62 =	vadd.f32 v3, v2;
	(pc) =	sbr.rel .LBB2_14-.Ltmp10, $4  }
0x228: {  	[tilespmem:s13+$0x85C0] =	vst v0;
	v63 =	vadd.f32 v6, v4  }
0x229: {  	s18 =	sshll.u32 s18, $0x10;
	[tilespmem:s13+$0x85D0] =	vst v62  }
0x22a: {  	s30 =	sadd.s32 s18, s17;
	[tilespmem:s13+$0x85E0] =	vst v63  }
0x22b: {  	[hbm4b:s30+s2] =	stream.linear.scatter [tilespmem:s25], [sflag:$0x9], $0x4000, $0x38;
	[tilespmem:$0x18400] =	vst v63  }
.LBB2_16:
0x22c: {  	_ =	sfence.sel $0x180000  }
0x22d: {  	[bflag:$0x0] =	sbarrier.arrive $0xFFFF  }
0x22e: {  	_ =	strace $0x9000004D  }
0x22f: {  	s0 =	stileid.u32;
	[bflag:$0x2] =	sbarrier.arrive $0xFFFF  }
0x230: {  	p0 =	sne.s32 s0, $0x0;
	s0 =	rddreg [dreg:$0x2]  }
0x231: {  	s0 =	sadd.s32 @!p0 $0x100000, s0  }
0x232: {  	[sflag:s0] =	ssyncadd.tile.s32 @!p0 $0x1;
	_ =	shalt  }
.Lfunc_end2:
_tile_overlayer_lowered:
.L_overlay_start_2:
0x233: {  	(tag) =	ssettag $0x2  }
0x234: {  	s0 =	rddreg [dreg:$0x0];
	s2 =	stileid.u32  }
0x235: {  	s1 =	rddreg [dreg:$0x1];
	p0 =	sne.s32 s2, $0x0  }
0x236: {  	s3 =	rddreg [dreg:$0x2];
	[bflag:$0x3] =	sbarrier.arrive $0xFFFF;
	s2 =	simm.s32 @!p0 $0x1C10  }
0x237: {  	[timem:s3], [sflag:s2] =	dma.local @!p0 [hbm:s0], s1  }
0x238: {  	s0 =	simm.s32 @!p0 $0x10  }
0x239: {  	_ =	swait.ge @!p0 [sflag:s0], s1  }
0x23a: {  	s1 =	ssub.s32 @!p0 $0x0, s1;
	[sflag:s0] =	ssyncset.done @!p0 $0x0  }
0x23b: {  	[sflag:s0] =	ssyncadd.s32 @!p0 s1  }
0x23c: {  	[bflag:$0x3] =	sbarrier.arrive $0xFFFF  }
0x23d: {  	_ =	shalt  }

// kernel: kernel.9.cloned.1.call-start
scs
__scs_entry_jumppad:
0x0: {  	(pc) =	sbr.rel $0x88, $3  }
0x1: {  	(tag) =	ssettag $0x0;
	lr =	simm.s32 $0x1  }
0x2: {  	[smem:$0x3F92] =	sst lr;
	_ =	strace $0xD0000000  }
0x3: {  	_ = 	snop  }
0x4: {  	_ = 	snop  }
0x5: {  	_ = 	snop  }
0x6: {  	_ = 	snop  }
0x7: {  	_ = 	snop  }
__scs_overlays_trampoline_lowered:
0x8: {  	[smem:$0x3FA1] =	sst s0  }
0x9: {  	[smem:$0x3FA2] =	sst s1  }
0xa: {  	[smem:$0x3FA3] =	sst s2  }
0xb: {  	[smem:$0x3FA4] =	sst s3  }
0xc: {  	[smem:$0x3FA5] =	sst s4  }
0xd: {  	[smem:$0x3FA6] =	sst s5  }
0xe: {  	[smem:$0x3FA7] =	sst s6  }
0xf: {  	[smem:$0x3FA8] =	sst s7  }
0x10: {  	[smem:$0x3FA9] =	sst s8  }
0x11: {  	[smem:$0x3FAA] =	sst s9;
	s0 =	simm.s32 @!p0 $0x0  }
0x12: {  	s1 =	sld [smem:$0x3F90];
	s0 =	simm.s32 @p0 $0x1  }
0x13: {  	[smem:$0x3FAB] =	sst s0;
	s0 =	simm.s32 @!p1 $0x0  }
0x14: {  	s2 =	sld [smem:$0x3F8F];
	s0 =	simm.s32 @p1 $0x1  }
0x15: {  	[smem:$0x3FAC] =	sst s0;
	s0 =	simm.s32 @!p2 $0x0  }
0x16: {  	s3 =	sld [smem:$0x3FDB];
	s0 =	simm.s32 @p2 $0x1  }
0x17: {  	s4 =	simm.s32 $0x1BF5;
	[smem:$0x3FAE] =	sst s0  }
0x18: {  	s0 =	sld [smem:$0x3F91];
	_ =	swait.ge [sflag:s4], $0x0  }
0x19: {  	s7 =	sld [smem:$0x3F92]  }
0x1a: {  	s8 =	sadd.s32 $0xFFFFE003, lr  }
0x1b: {  	s9 =	sadd.s32 $0xFFFFFEF7, lr;
	s5 =	simm.s32 $0xFFFFFFFF;
	p2 =	slt.u32 s8, $0xFFFFF086  }
0x1c: {  	p1 =	slt.u32 s9, $0xF7A;
	s5 =	simm.s32 @!p2 $0x0  }
0x1d: {  	s5 =	simm.s32 @p1 $0x1;
	p0 =	seq.s32 s7, s2  }
0x1e: {  	s7 =	smul.u32 @!p0 $0xF7A, s2;
	p2 =	seq.s32 @!p0 s5, $0x0  }
0x1f: {  	s9 =	smul.u32 $0xF7A, s1;
	s8 =	simm.s32 @!p0 $0x1BF5;
	p2 =	por !p2, p0  }
0x20: {  	[sflag:s8] =	ssyncset.s32 @!p0 $0xFFFFF086;
	s6 =	sadd.s32 @!p0 s3, s7;
	s7 =	simm.s32 @!p0 $0x108  }
0x21: {  	s3 =	sadd.s32 s3, s9;
	s6 =	sadd.s32 @!p0 $0x88, s6;
	s7 =	simm.s32 @p2 $0x1082  }
0x22: {  	[simem:s7], [sflag:s8] =	dma.local @!p0 [hbm:s6], $0xF7A  }
0x23: {  	s9 =	sor.u32 $0xD0000000, s2;
	s6 =	simm.s32 $0x108;
	_ =	swait.ge @!p0 [sflag:s8], $0x0  }
0x24: {  	s3 =	sadd.s32 $0x88, s3;
	s6 =	simm.s32 @!p1 $0x1082;
	[sflag:s4] =	ssyncset.s32 $0xFFFFF086  }
0x25: {  	[simem:s6], [sflag:s4] =	dma.local [hbm:s3], $0xF7A  }
0x26: {  	[smem:$0x3F92] =	sst s1;
	(tag) =	ssettag s2;
	_ =	strace s9  }
0x27: {  	s1 =	sld [smem:$0x3FA2]  }
0x28: {  	s2 =	sld [smem:$0x3FA3]  }
0x29: {  	s4 =	sld [smem:$0x3FA5]  }
0x2a: {  	p0 =	seq.s32 s5, $0x0;
	s5 =	sld [smem:$0x3FA6]  }
0x2b: {  	s6 =	sld [smem:$0x3FA7]  }
0x2c: {  	s7 =	sld [smem:$0x3FA8]  }
0x2d: {  	s3 =	simm.s32 $0x108;
	s8 =	sld [smem:$0x3FA9]  }
0x2e: {  	s3 =	simm.s32 @!p0 $0x1082;
	s9 =	sld [smem:$0x3FAA]  }
0x2f: {  	lr =	sadd.s32 s0, s3;
	s0 =	sld [smem:$0x3FA1]  }
0x30: {  	s3 =	sld [smem:$0x3FA4]  }
0x31: {  	[smem:$0x3FAD] =	sst s10  }
0x32: {  	s10 =	sld [smem:$0x3FAB];
	_ =	sdelay $0x3  }
0x33: {  	p0 =	seq.s32 s10, $0x1;
	s10 =	sld [smem:$0x3FAD];
	_ =	sdelay $0x3  }
0x34: {  	[smem:$0x3FAD] =	sst s10  }
0x35: {  	s10 =	sld [smem:$0x3FAC];
	_ =	sdelay $0x3  }
0x36: {  	p1 =	seq.s32 s10, $0x1;
	s10 =	sld [smem:$0x3FAD];
	_ =	sdelay $0x3  }
0x37: {  	[smem:$0x3FAD] =	sst s10  }
0x38: {  	s10 =	sld [smem:$0x3FAE]  }
0x39: {  	_ = 	snop;
	(pc) =	sbr.ind lr, $3  }
0x3a: {  	_ = 	snop  }
0x3b: {  	_ = 	snop  }
0x3c: {  	p2 =	seq.s32 s10, $0x1;
	s10 =	sld [smem:$0x3FAD]  }
0x3d: {  	_ =	shalt  }
0x3e: {  	_ =	shalt  }
0x3f: {  	_ =	shalt  }
0x40: {  	_ =	shalt  }
0x41: {  	_ =	shalt  }
0x42: {  	_ =	shalt  }
0x43: {  	_ =	shalt  }
0x44: {  	_ =	shalt  }
0x45: {  	_ =	shalt  }
0x46: {  	_ =	shalt  }
0x47: {  	_ =	shalt  }
0x48: {  	_ =	shalt  }
0x49: {  	_ =	shalt  }
0x4a: {  	_ =	shalt  }
0x4b: {  	_ =	shalt  }
0x4c: {  	_ =	shalt  }
0x4d: {  	_ =	shalt  }
0x4e: {  	_ =	shalt  }
0x4f: {  	_ =	shalt  }
0x50: {  	_ =	shalt  }
0x51: {  	_ =	shalt  }
0x52: {  	_ =	shalt  }
0x53: {  	_ =	shalt  }
0x54: {  	_ =	shalt  }
0x55: {  	_ =	shalt  }
0x56: {  	_ =	shalt  }
0x57: {  	_ =	shalt  }
0x58: {  	_ =	shalt  }
0x59: {  	_ =	shalt  }
0x5a: {  	_ =	shalt  }
0x5b: {  	_ =	shalt  }
0x5c: {  	_ =	shalt  }
0x5d: {  	_ =	shalt  }
0x5e: {  	_ =	shalt  }
0x5f: {  	_ =	shalt  }
0x60: {  	_ =	shalt  }
0x61: {  	_ =	shalt  }
0x62: {  	_ =	shalt  }
0x63: {  	_ =	shalt  }
0x64: {  	_ =	shalt  }
0x65: {  	_ =	shalt  }
0x66: {  	_ =	shalt  }
0x67: {  	_ =	shalt  }
0x68: {  	_ =	shalt  }
0x69: {  	_ =	shalt  }
0x6a: {  	_ =	shalt  }
0x6b: {  	_ =	shalt  }
0x6c: {  	_ =	shalt  }
0x6d: {  	_ =	shalt  }
0x6e: {  	_ =	shalt  }
0x6f: {  	_ =	shalt  }
0x70: {  	_ =	shalt  }
0x71: {  	_ =	shalt  }
0x72: {  	_ =	shalt  }
0x73: {  	_ =	shalt  }
0x74: {  	_ =	shalt  }
0x75: {  	_ =	shalt  }
0x76: {  	_ =	shalt  }
0x77: {  	_ =	shalt  }
0x78: {  	_ =	shalt  }
0x79: {  	_ =	shalt  }
0x7a: {  	_ =	shalt  }
0x7b: {  	_ =	shalt  }
0x7c: {  	_ =	shalt  }
0x7d: {  	_ =	shalt  }
0x7e: {  	_ =	shalt  }
0x7f: {  	_ =	shalt  }
0x80: {  	_ =	shalt  }
0x81: {  	_ =	shalt  }
0x82: {  	_ =	shalt  }
0x83: {  	_ =	shalt  }
0x84: {  	_ =	shalt  }
0x85: {  	_ =	shalt  }
0x86: {  	_ =	shalt  }
0x87: {  	_ =	shalt  }
.Lfunc_end0:
.L_simem_size_0:
called_computation_lowered:
.L_overlay_start_0:
0x88: {  	s2 =	sld [smem:$0x3FD9]  }
0x89: {  	s3 =	sld [smem:$0x3FFE];
	_ =	sdelay $0x1  }
0x8a: {  	s1 =	srdreg.scid  }
0x8b: {  	s0 =	sand.u32 $0x1, s1  }
0x8c: {  	s14 =	sshll.u32 s0, $0xA;
	s2 =	sadd.s32 s3, s2  }
0x8d: {  	s2 =	sadd.s32 s2, s14  }
0x8e: {  	[smem:$0x3FB9] =	sst s2  }
0x8f: {  	_ = 	snop  }
0x90: {  	s2 =	sld [smem:$0x3FD0];
	_ =	sdelay $0x2  }
0x91: {  	s15 =	simm.s32 $0xA;
	s4 =	simm.s32 $0x10  }
0x92: {  	[smem:s4], [sflag:s15] =	dma.local [hbm:s2], $0x1  }
0x93: {  	_ =	swait.eq [sflag:s15], $0x1  }
0x94: {  	[sflag:s15] =	ssyncset.done $0x0  }
0x95: {  	[sflag:s15] =	ssyncadd.s32 $0xFFFFFFFF  }
0x96: {  	s16 =	sld [smem:$0x10];
	(tm) =	ssettm $0x1  }
0x97: {  	s17 =	sld [smem:$0x3FFB];
	_ =	sdelay $0x3  }
0x98: {  	_ =	strace s17  }
0x99: {  	s3 =	sld [smem:$0x3FFC];
	_ =	sdelay $0x3  }
0x9a: {  	_ =	strace s3  }
0x9b: {  	s3 =	sld [smem:$0x3FFD];
	_ =	sdelay $0x3  }
0x9c: {  	_ =	strace s3  }
0x9d: {  	_ =	strace $0x8FFFFFFF  }
0x9e: {  	s18 =	sld [smem:$0x3FDB];
	_ =	sdelay $0x1  }
0x9f: {  	s19 =	simm.s32 $_scs_section_size  }
0xa0: {  	s5 =	simm.s32 $_size__tile_overlayer_lowered;
	s6 =	simm.s32 $_tile_overlayer_lowered  }
0xa1: {  	s22 =	simm.s32 $0x1BFF;
	s21 =	sshll.u32 s6, $0x1;
	s3 =	sadd.s32 s19, s18  }
0xa2: {  	s7 =	simm.s32 $0x0;
	s20 =	sshll.u32 s5, $0x1;
	s5 =	sadd.s32 s21, s3  }
0xa3: {  	[timem:s7], [sflag:s22] =	dma.local [hbm:s5], s20  }
0xa4: {  	_ =	swait.ge [sflag:s22], s20  }
0xa5: {  	s4 =	ssub.s32 $0x0, s20;
	[sflag:s22] =	ssyncset.done $0x0  }
0xa6: {  	[sflag:s22] =	ssyncadd.s32 s4;
	_ =	sdelay $0x1  }
0xa7: {  	s23 =	simm.s32 $0x1B8B  }
0xa8: {  	_ =	swait.ge [sflag:s23], $0x1  }
0xa9: {  	[sflag:s23] =	ssyncset.done $0x0  }
0xaa: {  	s25 =	simm.s32 $0x1B8E;
	s24 =	sld [smem:$0x3FFE];
	[sflag:s23] =	ssyncadd.s32 $0xFFFFFFFF  }
0xab: {  	s26 =	simm.s32 $execute0_lowered;
	[smem:$0x3FD2] =	sst s25  }
0xac: {  	s5 =	sshll.u32 s26, $0x1;
	_ =	strace $0x80000046;
	[dreg:$0x1] =	wrdreg $0xFFFFFFFF  }
0xad: {  	s28 =	simm.s32 $_size_execute0_lowered;
	s3 =	sadd.s32 s3, s5;
	[dreg:$0x0] =	wrdreg $0x0  }
0xae: {  	s5 =	sshll.u32 s28, $0x1;
	[dreg:$0x2] =	wrdreg s3  }
0xaf: {  	[dreg:$0x3] =	wrdreg s5  }
0xb0: {  	[dreg:$0x4] =	wrdreg $0xC0  }
0xb1: {  	_ =	task [dreg:s7], $0x5FFFF  }
0xb2: {  	[dreg:$0x1] =	wrdreg $0xFFFFFFFF  }
0xb3: {  	[dreg:$0x0] =	wrdreg $0x60  }
0xb4: {  	[dreg:$0x2] =	wrdreg s24  }
0xb5: {  	[dreg:$0x3] =	wrdreg s16  }
0xb6: {  	[dreg:$0x4] =	wrdreg $0x9  }
0xb7: {  	_ =	task.clear_ibuf [dreg:s7], $0x5FFFF;
	_ =	strace $0x90000046  }
0xb8: {  	s29 =	simm.s32 $0x9;
	_ =	strace $0x80000048  }
0xb9: {  	_ =	swait.ge [sflag:s29], $0x1  }
0xba: {  	[sflag:s29] =	ssyncadd.s32 $0xFFFFFFFF  }
0xbb: {  	_ =	strace $0x90000048  }
0xbc: {  	_ =	sfence  }
0xbd: {  	s30 =	sld [smem:$0x0];
	_ =	sdelay $0x2  }
0xbe: {  	s31 =	sshll.u32 s1, $0xD;
	s1 =	sshrl.u32 s1, $0x2  }
0xbf: {  	s3 =	sand.u32 $0x4000, s31;
	s1 =	sadd.s32 s1, s30  }
0xc0: {  	s0 =	sor.u32 s3, s0;
	s1 =	sshll.u32 s1, $0x11  }
0xc1: {  	s0 =	sor.u32 s1, s0  }
0xc2: {  	s0 =	sadd.s32 $0x8F2B, s0  }
0xc3: {  	[sflag:s0] =	ssyncadd.remote.s32 $0x1  }
0xc4: {  	_ =	sfence.sel $0xFFFF  }
0xc5: {  	[dreg:$0x0] =	wrdreg $0xFFFFFFFF;
	(pc) =	sbr.abs _section_cstart, $3  }
0xc6: {  	[dreg:$0x1] =	wrdreg $0xFFFFFFFF  }
0xc7: {  	_ =	task.clear_ibuf [dreg:s7], $0x2FFFF;
	_ =	strace $0x9FFFFFFF  }
0xc8: {  	(tm) =	ssettm $0x7FFFFFFF  }
0xc9: {  	_ =	shalt  }
tec
execute0_lowered:
.L_overlay_start_1:
0x0: {  	(tag) =	ssettag $0x1  }
0x1: {  	s9 =	rddreg [dreg:$0x0]  }
0x2: {  	s1 =	rddreg [dreg:$0x1]  }
0x3: {  	s0 =	rddreg [dreg:$0x2];
	s2 =	simm.s32 $0x0;
	s6 =	srdreg.scid  }
0x4: {  	s3 =	stileid.u32;
	s13 =	simm.s32 $0x2780;
	s14 =	simm.s32 $0x4F00  }
0x5: {  	s15 =	simm.s32 $0x7680;
	s16 =	simm.s32 $0x7900;
	s17 =	simm.s32 $0x7B80  }
0x6: {  	s18 =	simm.s32 $0x0;
	[smem:$0x7FF] =	sst s2;
	s4 =	sadd.s32 $0x2000, s9  }
0x7: {  	s5 =	sadd.s32 $0x1A00, s9;
	s8 =	sand.u32 $0x1, s6;
	s6 =	sadd.s32 $0x1400, s9  }
0x8: {  	s11 =	sshll.u32 s3, $0x1;
	s7 =	sadd.s32 $0x7600, s9;
	s10 =	ssub.s32 $0x2, s8  }
0x9: {  	s9 =	sadd.s32 $0x2600, s9;
	s8 =	sor.u32 s11, s8;
	s12 =	sshrl.u32 s10, $0x1  }
0xa: {  	_ =	strace $0x80000047;
	s31 =	ssub.s32 $0xF9, s8;
	s30 =	ssub.s32 s10, s12  }
0xb: {  	s10 =	sshrl.u32 s31, $0x5;
	s12 =	simm.s32 $0x1;
	s11 =	smax.u32 s30, $0x1  }
.LBB2_1:
0xc: {  	[tilespmem:s2], [sflag:$0x1] =	stream.linear.gather [hbm4b:s4+s2], $0x2780, $0x38;
	[tilespmem:$0x7E00] =	vst v63  }
0xd: {  	_ =	swait.ge [sflag:s12], $0x2780  }
0xe: {  	[sflag:s12] =	ssyncset.done $0x0  }
0xf: {  	[sflag:s12] =	ssyncadd.s32 $0xFFFFD880  }
0x10: {  	[tilespmem:s13], [sflag:$0x1] =	stream.linear.gather [hbm4b:s5+s2], $0x2780, $0x38;
	[tilespmem:$0x7E00] =	vst v63  }
0x11: {  	_ =	swait.ge [sflag:s12], $0x2780  }
0x12: {  	[sflag:s12] =	ssyncset.done $0x0  }
0x13: {  	[sflag:s12] =	ssyncadd.s32 $0xFFFFD880  }
0x14: {  	[tilespmem:s14], [sflag:$0x1] =	stream.linear.gather [hbm4b:s6+s2], $0x2780, $0x38;
	[tilespmem:$0x7E00] =	vst v63  }
0x15: {  	_ =	swait.ge [sflag:s12], $0x2780  }
0x16: {  	[sflag:s12] =	ssyncset.done $0x0  }
0x17: {  	s19 =	simm.s32 $0x0;
	[sflag:s12] =	ssyncadd.s32 $0xFFFFD880  }
.LBB2_2:
0x18: {  	s20 =	sshll.u32 s19, $0x5  }
0x19: {  	s20 =	sor.u32 s8, s20  }
0x1a: {  	s20 =	smul.u32 $0x280, s20;
	_ =	sdelay $0x1  }
0x1b: {  	s20 =	sshrl.u32 s20, $0x3  }
0x1c: {  	s21 =	sadd.s32 s7, s20  }
0x1d: {  	[tilespmem:s15], [sflag:$0x1] =	stream.linear.gather [hbm4b:s21+s2], $0x280, $0x38;
	[tilespmem:$0x7E00] =	vst v63  }
0x1e: {  	_ =	swait.ge [sflag:s12], $0x280  }
0x1f: {  	[sflag:s12] =	ssyncset.done $0x0  }
0x20: {  	s31 =	sadd.s32 s9, s20;
	[sflag:s12] =	ssyncadd.s32 $0xFFFFFD80  }
0x21: {  	[tilespmem:s16], [sflag:$0x1] =	stream.linear.gather [hbm4b:s31+s2], $0x280, $0x38;
	[tilespmem:$0x7E00] =	vst v63  }
0x22: {  	_ =	swait.ge [sflag:s12], $0x280  }
0x23: {  	[sflag:s12] =	ssyncset.done $0x0  }
0x24: {  	s22 =	simm.s32 $0x76A0;
	[sflag:s12] =	ssyncadd.s32 $0xFFFFFD80  }
0x25: {  	s21 =	simm.s32 $0x7920;
	v0 =	vld [tilespmem:s22+$0x10]  }
0x26: {  	v1 =	vld [tilespmem:s21+$0x10]  }
0x27: {  	v2 =	vld [tilespmem:s21+$0xFFFFFFE0]  }
0x28: {  	v4 =	vld [tilespmem:s22+$0xFFFFFFF0]  }
0x29: {  	v5 =	vld [tilespmem:s21+$0xFFFFFFF0]  }
0x2a: {  	v7 =	vld [tilespmem:s22+$0x0]  }
0x2b: {  	v8 =	vld [tilespmem:s21+$0x0]  }
0x2c: {  	v3 =	vld [tilespmem:s22+$0xFFFFFFE0]  }
0x2d: {  	v6 =	vld.idx.msk [tilespmem:v0+s2+$0x0], $0xffff  }
0x2e: {  	v9 =	vld.idx.msk [tilespmem:v1+s2+$0x0], $0xffff  }
0x2f: {  	v10 =	vld.idx.msk [tilespmem:v0+s13+$0x0], $0xffff  }
0x30: {  	v11 =	vld.idx.msk [tilespmem:v1+s13+$0x0], $0xffff  }
0x31: {  	v0 =	vld.idx.msk [tilespmem:v0+s14+$0x0], $0xffff  }
0x32: {  	v1 =	vld.idx.msk [tilespmem:v1+s14+$0x0], $0xffff  }
0x33: {  	v12 =	vld.idx.msk [tilespmem:v2+s2+$0x0], $0xffff  }
0x34: {  	v13 =	vld.idx.msk [tilespmem:v3+s2+$0x0], $0xffff  }
0x35: {  	v14 =	vld.idx.msk [tilespmem:v3+s13+$0x0], $0xffff  }
0x36: {  	v15 =	vld.idx.msk [tilespmem:v2+s13+$0x0], $0xffff  }
0x37: {  	v16 =	vld.idx.msk [tilespmem:v4+s2+$0x0], $0xffff  }
0x38: {  	v17 =	vld.idx.msk [tilespmem:v5+s2+$0x0], $0xffff  }
0x39: {  	v18 =	vld.idx.msk [tilespmem:v4+s13+$0x0], $0xffff  }
0x3a: {  	v19 =	vld.idx.msk [tilespmem:v5+s13+$0x0], $0xffff  }
0x3b: {  	v58 =	vld.idx.msk [tilespmem:v8+s13+$0x0], $0xffff  }
0x3c: {  	v4 =	vld.idx.msk [tilespmem:v4+s14+$0x0], $0xffff;
	v6 =	vsub.f32 v6, v9;
	v9 =	vsub.f32 v10, v11  }
0x3d: {  	v10 =	vld.idx.msk [tilespmem:v7+s2+$0x0], $0xffff  }
0x3e: {  	v11 =	vld.idx.msk [tilespmem:v8+s2+$0x0], $0xffff;
	v0 =	vsub.f32 v0, v1;
	v1 =	vmul.f32 v6, v6;
	v6 =	vmul.f32 v9, v9  }
0x3f: {  	v14 =	vsub.f32 v14, v15;
	v9 =	vld.idx.msk [tilespmem:v7+s13+$0x0], $0xffff  }
0x40: {  	v59 =	vsub.f32 v16, v17;
	v0 =	vmul.f32 v0, v0;
	v6 =	vadd.f32 v6, v1;
	v1 =	vld.idx.msk [tilespmem:v3+s14+$0x0], $0xffff  }
0x41: {  	v12 =	vsub.f32 v13, v12;
	v60 =	vsub.f32 v18, v19;
	v3 =	vld.idx.msk [tilespmem:v2+s14+$0x0], $0xffff  }
0x42: {  	v61 =	vmul.f32 v14, v14;
	v62 =	vmul.f32 v59, v59;
	v0 =	vadd.f32 v0, v6;
	v6 =	vld.idx.msk [tilespmem:v5+s14+$0x0], $0xffff  }
0x43: {  	v63 =	vmul.f32 v60, v60;
	v2 =	vmul.f32 v12, v12;
	v10 =	vsub.f32 v10, v11;
	v5 =	vld.idx.msk [tilespmem:v7+s14+$0x0], $0xffff  }
0x44: {  	s22 =	simm.s32 $0x7BA0;
	v7 =	vld.idx.msk [tilespmem:v8+s14+$0x0], $0xffff;
	v9 =	vsub.f32 v9, v58  }
0x45: {  	s23 =	simm.s32 $0x0;
	s24 =	simm.s32 $0x76E0;
	v8 =	vmul.f32 v10, v10;
	[tilespmem:s22+$0x10] =	vst v0;
	v0 =	vadd.f32 v61, v2;
	v2 =	vadd.f32 v63, v62  }
.LBB2_3:
0x46: {  	v10 =	vld [tilespmem:s24+$0x10];
	s21 =	sadd.s32 $0x40, s21  }
0x47: {  	v1 =	vsub.f32 v1, v3;
	v11 =	vld [tilespmem:s21+$0x10];
	v3 =	vmul.f32 v9, v9  }
0x48: {  	v9 =	vld [tilespmem:s21+$0xFFFFFFE0]  }
0x49: {  	s23 =	sadd.s32 $0x4, s23;
	v1 =	vmul.f32 v1, v1;
	v4 =	vsub.f32 v4, v6;
	v12 =	vld [tilespmem:s24+$0xFFFFFFF0];
	v3 =	vadd.f32 v3, v8  }
0x4a: {  	p0 =	slt.u32 s23, $0x24;
	v6 =	vld [tilespmem:s21+$0xFFFFFFF0]  }
0x4b: {  	v0 =	vadd.f32 v1, v0;
	v1 =	vmul.f32 v4, v4;
	v4 =	vsub.f32 v5, v7;
	v8 =	vld [tilespmem:s24+$0x0]  }
0x4c: {  	v7 =	vld [tilespmem:s21+$0x0]  }
0x4d: {  	v5 =	vld [tilespmem:s24+$0xFFFFFFE0];
	[tilespmem:s22+$0xFFFFFFE0] =	vst v0;
	v0 =	vadd.f32 v1, v2;
	v1 =	vmul.f32 v4, v4  }
0x4e: {  	v2 =	vld.idx.msk [tilespmem:v10+s2+$0x0], $0xffff  }
0x4f: {  	v4 =	vld.idx.msk [tilespmem:v11+s2+$0x0], $0xffff;
	[tilespmem:s22+$0xFFFFFFF0] =	vst v0;
	v0 =	vadd.f32 v1, v3  }
0x50: {  	v1 =	vld.idx.msk [tilespmem:v10+s13+$0x0], $0xffff  }
0x51: {  	v3 =	vld.idx.msk [tilespmem:v11+s13+$0x0], $0xffff;
	[tilespmem:s22+$0x0] =	vst v0  }
0x52: {  	v0 =	vld.idx.msk [tilespmem:v10+s14+$0x0], $0xffff  }
0x53: {  	v10 =	vld.idx.msk [tilespmem:v11+s14+$0x0], $0xffff  }
0x54: {  	v11 =	vld.idx.msk [tilespmem:v9+s2+$0x0], $0xffff  }
0x55: {  	v13 =	vld.idx.msk [tilespmem:v5+s2+$0x0], $0xffff  }
0x56: {  	v14 =	vld.idx.msk [tilespmem:v5+s13+$0x0], $0xffff  }
0x57: {  	v2 =	vsub.f32 v2, v4;
	v1 =	vsub.f32 v1, v3;
	v15 =	vld.idx.msk [tilespmem:v9+s13+$0x0], $0xffff  }
0x58: {  	v3 =	vld.idx.msk [tilespmem:v12+s2+$0x0], $0xffff  }
0x59: {  	v2 =	vmul.f32 v2, v2;
	v0 =	vsub.f32 v0, v10;
	v1 =	vmul.f32 v1, v1;
	v4 =	vld.idx.msk [tilespmem:v6+s2+$0x0], $0xffff  }
0x5a: {  	v10 =	vld.idx.msk [tilespmem:v12+s13+$0x0], $0xffff  }
0x5b: {  	v11 =	vsub.f32 v13, v11;
	v1 =	vadd.f32 v1, v2;
	v0 =	vmul.f32 v0, v0;
	v13 =	vld.idx.msk [tilespmem:v6+s13+$0x0], $0xffff  }
0x5c: {  	v2 =	vld.idx.msk [tilespmem:v8+s2+$0x0], $0xffff  }
0x5d: {  	v14 =	vsub.f32 v14, v15;
	v11 =	vmul.f32 v11, v11;
	v0 =	vadd.f32 v0, v1;
	v15 =	vld.idx.msk [tilespmem:v7+s2+$0x0], $0xffff  }
0x5e: {  	s22 =	sadd.s32 $0x40, s22;
	v16 =	vld.idx.msk [tilespmem:v8+s13+$0x0], $0xffff  }
0x5f: {  	v14 =	vmul.f32 v14, v14;
	v4 =	vsub.f32 v3, v4;
	v17 =	vld.idx.msk [tilespmem:v7+s13+$0x0], $0xffff;
	[tilespmem:s22+$0x10] =	vst v0  }
0x60: {  	v1 =	vld.idx.msk [tilespmem:v5+s14+$0x0], $0xffff  }
.Ltmp0:
0x61: {  	v0 =	vadd.f32 v14, v11;
	v5 =	vsub.f32 v10, v13;
	v3 =	vld.idx.msk [tilespmem:v9+s14+$0x0], $0xffff;
	v9 =	vmul.f32 v4, v4;
	(pc) =	sbr.rel @p0 .LBB2_3-.Ltmp0, $4  }
0x62: {  	v4 =	vld.idx.msk [tilespmem:v12+s14+$0x0], $0xffff  }
0x63: {  	v10 =	vmul.f32 v5, v5;
	v11 =	vsub.f32 v2, v15;
	v6 =	vld.idx.msk [tilespmem:v6+s14+$0x0], $0xffff  }
0x64: {  	v5 =	vld.idx.msk [tilespmem:v8+s14+$0x0], $0xffff  }
0x65: {  	s24 =	sadd.s32 $0x40, s24;
	v2 =	vadd.f32 v10, v9;
	v9 =	vsub.f32 v16, v17;
	v8 =	vmul.f32 v11, v11;
	v7 =	vld.idx.msk [tilespmem:v7+s14+$0x0], $0xffff  }
0x66: {  	_ =	sdelay $0x1  }
0x67: {  	v1 =	vsub.f32 v1, v3  }
0x68: {  	v60 =	vsub.f32 v4, v6  }
0x69: {  	v61 =	vmul.f32 v9, v9;
	v1 =	vmul.f32 v1, v1;
	v5 =	vsub.f32 v5, v7  }
0x6a: {  	v3 =	vmul.f32 v60, v60  }
0x6b: {  	v4 =	vadd.f32 v61, v8;
	v0 =	vadd.f32 v1, v0;
	v62 =	vmul.f32 v5, v5  }
0x6c: {  	v2 =	vadd.f32 v3, v2  }
0x6d: {  	[tilespmem:s22+$0xFFFFFFE0] =	vst v0;
	v63 =	vadd.f32 v62, v4  }
0x6e: {  	p0 =	sne.s32 s19, s10;
	[tilespmem:s22+$0xFFFFFFF0] =	vst v2  }
.Ltmp1:
0x6f: {  	s20 =	sadd.s32 s1, s20;
	[tilespmem:s22+$0x0] =	vst v63;
	(pc) =	sbr.rel @p0 .LBB2_2-.Ltmp1, $4  }
0x70: {  	[hbm4b:s20+s2] =	stream.linear.scatter [tilespmem:s17], [sflag:$0x1], $0x280, $0x38;
	[tilespmem:$0x7E00] =	vst v63  }
0x71: {  	_ =	swait.ge [sflag:s12], $0x280  }
0x72: {  	s31 =	sadd.s32 $0x1, s19;
	[sflag:s12] =	ssyncset.done $0x0  }
0x73: {  	s19 =	smov.u32 s31;
	[sflag:s12] =	ssyncadd.s32 $0xFFFFFD80  }
0x74: {  	s18 =	sadd.s32 $0x1, s18  }
0x75: {  	p0 =	sne.s32 s18, s11  }
.Ltmp2:
0x76: {  	_ = 	snop;
	(pc) =	sbr.rel @p0 .LBB2_1-.Ltmp2, $1  }
0x77: {  	_ =	sdelay $0x3  }
0x78: {  	_ =	sfence.sel $0x180000  }
0x79: {  	[bflag:$0x0] =	sbarrier.arrive $0xFFFF  }
0x7a: {  	p0 =	sne.s32 s3, $0x0;
	_ =	strace $0x90000047  }
0x7b: {  	s0 =	sadd.s32 @!p0 $0x100000, s0;
	[bflag:$0x2] =	sbarrier.arrive $0xFFFF  }
0x7c: {  	[sflag:s0] =	ssyncadd.tile.s32 @!p0 $0x1;
	_ =	shalt  }
.Lfunc_end2:
_tile_overlayer_lowered:
.L_overlay_start_2:
0x7d: {  	(tag) =	ssettag $0x2  }
0x7e: {  	s0 =	rddreg [dreg:$0x0];
	s2 =	stileid.u32  }
0x7f: {  	s1 =	rddreg [dreg:$0x1];
	p0 =	sne.s32 s2, $0x0  }
0x80: {  	s3 =	rddreg [dreg:$0x2];
	[bflag:$0x3] =	sbarrier.arrive $0xFFFF;
	s2 =	simm.s32 @!p0 $0x1C01  }
0x81: {  	[timem:s3], [sflag:s2] =	dma.local @!p0 [hbm:s0], s1  }
0x82: {  	s0 =	simm.s32 @!p0 $0x1  }
0x83: {  	_ =	swait.ge @!p0 [sflag:s0], s1  }
0x84: {  	s1 =	ssub.s32 @!p0 $0x0, s1;
	[sflag:s0] =	ssyncset.done @!p0 $0x0  }
0x85: {  	[sflag:s0] =	ssyncadd.s32 @!p0 s1  }
0x86: {  	[bflag:$0x3] =	sbarrier.arrive $0xFFFF  }
0x87: {  	_ =	shalt  }

</sc_bundles>
